<compile_context>
chip_gen: v7x
topology: tpu7x:2x2x1
jax: 0.10.2.dev20260603
libtpu: 0.0.44.dev20260713+nightly
codegen_flags: <defaults>
</compile_context>

<pallas_src>
import functools

import jax
import jax.numpy as jnp
from jax import lax
from jax.experimental import pallas as pl
from jax.experimental.pallas import tpu as pltpu
from jax.experimental.pallas import tpu_sc as plsc

_V = 1000000
_B = 4096
_D = 64
_H = 20
_L = 16
_GIDX = _H * _L

_info = plsc.get_sparse_core_info()
_NC = _info.num_cores
_NS = _info.num_subcores
_NW = _NC * _NS
_NGROUP = _B // _L
_GPW = _NGROUP // _NW


_R = 128
_RP = 2 * _R
_NFULL = 3904
_TAIL = _V - _NFULL * _RP
_K1_ITERS = _NFULL // _NW


@functools.partial(
    pl.kernel,
    mesh=plsc.VectorSubcoreMesh(core_axis_name="c", subcore_axis_name="s"),
    out_type=jax.ShapeDtypeStruct((_V * _D,), jnp.float32),
    compiler_params=pltpu.CompilerParams(
        needs_layout_passes=False, use_tc_tiling_on_sc=True),
    scratch_types=[
        pltpu.VMEM((2, _D, _R), jnp.float32),
        pltpu.VMEM((2, _D, _R), jnp.float32),
        pltpu.VMEM((_RP * _D,), jnp.float32),
        pltpu.VMEM((_RP * _D,), jnp.float32),
        pltpu.SemaphoreType.DMA,
        pltpu.SemaphoreType.DMA,
        pltpu.SemaphoreType.DMA,
        pltpu.SemaphoreType.DMA,
    ],
)
def _relayout_table(tt_hbm, tail_hbm, out_hbm, in0, in1, out0, out1,
                    si0, si1, so0, so1):
    wid = lax.axis_index("s") * _NC + lax.axis_index("c")
    lane = lax.iota(jnp.int32, _L)
    lane_d = lane * _D

    def in_copies(c, buf, sem):
        v0 = pl.multiple_of(c * _RP, 128)
        return [
            pltpu.make_async_copy(
                tt_hbm.at[:, pl.ds(v0 + h * _R, _R)], buf.at[h], sem)
            for h in range(2)
        ]

    def out_slice(c):
        return out_hbm.at[pl.ds(c * (_RP * _D), _RP * _D)]

    def start_in(c, buf, sem):
        for cp in in_copies(c, buf, sem):
            cp.start()

    def process(c, k, inb, outb, sem_in, sem_out):
        for cp in in_copies(c, inb, sem_in):
            cp.wait()
        cprev = c - 2 * _NW

        @pl.when(cprev >= 0)
        def _():
            pltpu.make_async_copy(outb, out_slice(cprev), sem_out).wait()

        zeros_i = jnp.zeros((_L,), jnp.int32)
        fconst = []
        for r in range(_L):
            dsel = (lane + r) & 15
            fconst.append((
                ((dsel >> 3) << 10) + ((dsel & 7) << 7) + lane,
                lane_d + dsel,
            ))

        @plsc.parallel_loop(0, (_RP // _L) * 4, unroll=2)
        def _(t):
            vb = t >> 2
            g = t & 3
            h = vb >> 3
            vbl = vb & 7
            lbase = g * 2048 + vbl * _L
            sbase = vb * (_L * _D) + 16 * g
            for r in range(_L):
                fidx, sidx = fconst[r]
                vals = plsc.load_gather(inb, [zeros_i + h, zeros_i,
                                              fidx + lbase])
                plsc.store_scatter(outb, [sidx + sbase], vals)
        pltpu.async_copy(outb, out_slice(c), sem_out)

    npipe = _K1_ITERS // 2
    start_in(wid, in0, si0)
    start_in(wid + _NW, in1, si1)

    def pipe_body(k, c):
        c0 = 2 * k * _NW + wid
        c1 = c0 + _NW
        process(c0, k, in0, out0, si0, so0)

        @pl.when(k + 1 < npipe)
        def _():
            start_in(c0 + 2 * _NW, in0, si0)
        process(c1, k, in1, out1, si1, so1)

        @pl.when(k + 1 < npipe)
        def _():
            start_in(c1 + 2 * _NW, in1, si1)
        return c

    lax.fori_loop(0, npipe, pipe_body, 0)

    clast = (_K1_ITERS - 2) * _NW + wid
    pltpu.make_async_copy(out0, out_slice(clast), so0).wait()
    pltpu.make_async_copy(out1, out_slice(clast + _NW), so1).wait()

    @pl.when(wid == 0)
    def _():
        pltpu.sync_copy(tail_hbm,
                        out_hbm.at[pl.ds(_NFULL * _RP * _D, _TAIL * _D)])




@functools.partial(
    pl.kernel,
    mesh=plsc.VectorSubcoreMesh(core_axis_name="c", subcore_axis_name="s"),
    out_type=jax.ShapeDtypeStruct((_B,), jnp.float32),
    compiler_params=pltpu.CompilerParams(
        needs_layout_passes=False, use_tc_tiling_on_sc=False),
    scratch_types=[
        pltpu.VMEM((2, _GIDX), jnp.int32),
        pltpu.VMEM((2, _GIDX), jnp.int32),
        pltpu.VMEM((2, _L), jnp.int32),
        pltpu.VMEM((2, _GIDX, _D), jnp.float32),
        pltpu.VMEM((2, _GIDX, _D), jnp.float32),
        pltpu.VMEM((2, _L, _D), jnp.float32),
        pltpu.VMEM((_L,), jnp.float32),
        pltpu.SemaphoreType.DMA,
        pltpu.SemaphoreType.DMA,
        pltpu.SemaphoreType.DMA,
        pltpu.SemaphoreType.DMA,
        pltpu.SemaphoreType.DMA,
        pltpu.SemaphoreType.DMA,
    ],
)
def _distmult_sc(s_hbm, o_hbm, p_hbm, table_hbm, out_hbm,
                 s_idx, o_idx, p_idx, s_rows, o_rows, p_rows,
                 out_buf, ss0, so0, sp0, ss1, so1, sp1):
    wid = lax.axis_index("s") * _NC + lax.axis_index("c")
    zero = jnp.zeros((_L,), jnp.float32)
    lane = lax.iota(jnp.int32, _L)
    sems = [(ss0, so0, sp0), (ss1, so1, sp1)]

    def gathers(j, b):
        sem_s, sem_o, sem_p = sems[b]
        return (
            pltpu.make_async_copy(table_hbm.at[s_idx.at[b]], s_rows.at[b],
                                  sem_s),
            pltpu.make_async_copy(table_hbm.at[o_idx.at[b]], o_rows.at[b],
                                  sem_o),
            pltpu.make_async_copy(table_hbm.at[p_idx.at[b]], p_rows.at[b],
                                  sem_p),
        )

    def prefetch(j, b):
        g = wid * _GPW + j
        pltpu.sync_copy(s_hbm.at[pl.ds(g * _GIDX, _GIDX)], s_idx.at[b])
        pltpu.sync_copy(o_hbm.at[pl.ds(g * _GIDX, _GIDX)], o_idx.at[b])
        pltpu.sync_copy(p_hbm.at[pl.ds(g * _L, _L)], p_idx.at[b])
        for cp in gathers(j, b):
            cp.start()

    def compute(j, b):
        g = wid * _GPW + j
        for cp in gathers(j, b):
            cp.wait()
        si = s_idx.at[b]
        oi = o_idx.at[b]
        sr = s_rows.at[b]
        orr = o_rows.at[b]
        pr = p_rows.at[b]

        def f_body(h, c):
            fs, fo = c
            fs = fs + jnp.where(si[pl.ds(h * _L, _L)] != 0, 1.0, 0.0)
            fo = fo + jnp.where(oi[pl.ds(h * _L, _L)] != 0, 1.0, 0.0)
            return fs, fo

        fs, fo = lax.fori_loop(0, _H, f_body, (zero, zero), unroll=4)
        scale = fs * fo

        def e_body(e, dots):
            def h_body(h, acc):
                a = list(acc)
                r = h * _L + e
                for gd in range(4):
                    sl = pl.ds(gd * _L, _L)
                    a[gd] = a[gd] + sr[r, sl]
                    a[4 + gd] = a[4 + gd] + orr[r, sl]
                return tuple(a)

            acc = lax.fori_loop(0, _H, h_body, (zero,) * 8, unroll=4)
            v = zero
            for gd in range(4):
                sl = pl.ds(gd * _L, _L)
                v = v + acc[gd] * pr[e, sl] * acc[4 + gd]
            return jnp.where(lane == e, jnp.sum(v), dots)

        dots = lax.fori_loop(0, _L, e_body, zero)

        x = scale * dots
        out_buf[...] = 1.0 / (1.0 + jnp.exp(-x))
        pltpu.sync_copy(out_buf, out_hbm.at[pl.ds(g * _L, _L)])

    prefetch(0, 0)

    def pipe(k, carry):
        j0 = 2 * k

        @pl.when(j0 + 1 < _GPW)
        def _():
            prefetch(j0 + 1, 1)
        compute(j0, 0)

        @pl.when(j0 + 2 < _GPW)
        def _():
            prefetch(j0 + 2, 0)
        compute(j0 + 1, 1)
        return carry

    lax.fori_loop(0, _GPW // 2, pipe, 0)


def kernel(s, o, p, table):
    s_flat = jnp.swapaxes(
        s.astype(jnp.int32).reshape(_NGROUP, _L, _H), 1, 2).reshape(-1)
    o_flat = jnp.swapaxes(
        o.astype(jnp.int32).reshape(_NGROUP, _L, _H), 1, 2).reshape(-1)
    p_flat = p.astype(jnp.int32).reshape(-1)
    tail = table[_NFULL * _RP:].reshape(-1)
    table_rm = _relayout_table(table.T, tail).reshape(_V, _D)
    return _distmult_sc(s_flat, o_flat, p_flat, table_rm)

# --- scband reference (transcript-rebuilt; emitter-appended) ---
"""Pipeline reference for scband-dist-mult-13950053777816 (READ-ONLY COPY).

The authoritative reference and input builder live on the scoring server;
editing this copy changes nothing except your own understanding.
"""

import jax, jax.numpy as jnp
import numpy as np

VOCAB = 1000000
DIM = 64
BATCH = 4096
HIST = 20


def setup_inputs(seed: int = 0) -> dict:
    key = jax.random.key(seed)
    k1, k2, k3, k4 = jax.random.split(key, 4)
    s = jax.random.randint(k1, (BATCH, HIST), 0, VOCAB)
    o = jax.random.randint(k2, (BATCH, HIST), 0, VOCAB)
    p = jax.random.randint(k3, (BATCH, 1), 0, VOCAB)
    # learned embedding table (init weights in the torch module; padding_idx=0)
    table = jax.random.normal(k4, (VOCAB, DIM), dtype=jnp.float32) * 0.1
    return {"s": s, "o": o, "p": p, "table": table}


def reference(s, o, p, table):
    # freq = number of nonzero (non-padding) indices per row
    freq_s = (s != 0).sum(axis=1).astype(jnp.float32)
    freq_o = (o != 0).sum(axis=1).astype(jnp.float32)
    # embedding gathers (SparseCore-friendly)
    s_emb = jnp.take(table, s, axis=0).sum(axis=1)  # [B, D]
    s_emb = s_emb * freq_s[:, None]
    o_emb = jnp.take(table, o, axis=0).sum(axis=1)  # [B, D]
    o_emb = o_emb * freq_o[:, None]
    p_emb = jnp.take(table, p, axis=0).squeeze(1)   # [B, D]
    # dropout is identity in eval mode
    pred = jax.nn.sigmoid(jnp.sum(s_emb * p_emb * o_emb, axis=1))  # [B]
    return pred

if __name__ == "__main__":
    import jax
    _d = setup_inputs()
    print(jax.jit(kernel)(*tuple(_d.values())))

</pallas_src>

<mosaic_0001>
#map = affine_map<(d0, d1) -> (0)>
#map1 = affine_map<(d0, d1) -> (0, 0)>
module attributes {stable_mosaic.version = 14 : i64} {
  func.func @_distmult_sc(%arg0: i32, %arg1: i32, %arg2: memref<81920xi32, #tpu.memory_space<hbm>>, %arg3: memref<81920xi32, #tpu.memory_space<hbm>>, %arg4: memref<4096xi32, #tpu.memory_space<hbm>>, %arg5: memref<1000000x64xf32, #tpu.memory_space<hbm>>, %arg6: memref<4096xf32, #tpu.memory_space<hbm>>, %arg7: memref<2x320xi32, #tpu.memory_space<vmem>>, %arg8: memref<2x320xi32, #tpu.memory_space<vmem>>, %arg9: memref<2x16xi32, #tpu.memory_space<vmem>>, %arg10: memref<2x320x64xf32, #tpu.memory_space<vmem>>, %arg11: memref<2x320x64xf32, #tpu.memory_space<vmem>>, %arg12: memref<2x16x64xf32, #tpu.memory_space<vmem>>, %arg13: memref<16xf32, #tpu.memory_space<vmem>>, %arg14: memref<!tpu.dma_semaphore, #tpu.memory_space<semaphore_mem>>, %arg15: memref<!tpu.dma_semaphore, #tpu.memory_space<semaphore_mem>>, %arg16: memref<!tpu.dma_semaphore, #tpu.memory_space<semaphore_mem>>, %arg17: memref<!tpu.dma_semaphore, #tpu.memory_space<semaphore_mem>>, %arg18: memref<!tpu.dma_semaphore, #tpu.memory_space<semaphore_mem>>, %arg19: memref<!tpu.dma_semaphore, #tpu.memory_space<semaphore_mem>>) attributes {dimension_semantics = [#tpu.dimension_semantics<core_parallel>, #tpu.dimension_semantics<subcore_parallel>], iteration_bounds = array<i64: 2, 16>, scalar_prefetch = 0 : i64, scratch_operands = 13 : i64, tpu.core_type = #tpu.core_type<sc_vector_subcore>, window_params = [{transform_indices = #map}, {transform_indices = #map}, {transform_indices = #map}, {transform_indices = #map1}, {transform_indices = #map}]} {
    %mul3A = arith.constant 2 : i32
    %mul3A_0 = arith.muli %arg1, %mul3A : i32
    %add3A = arith.addi %mul3A_0, %arg0 : i32
    %broadcast_in_dim3A = arith.constant 0.000000e+00 : f32
    %broadcast_in_dim3A_1 = vector.broadcast %broadcast_in_dim3A : f32 to vector<16xf32>
    %iota3A = tpu.iota {dimensions = array<i32: 0>} : vector<16xi32>
    %mul3A_2 = arith.constant 8 : i32
    %mul3A_3 = arith.muli %add3A, %mul3A_2 : i32
    %add3A_4 = arith.constant 0 : i32
    %add3A_5 = arith.addi %mul3A_3, %add3A_4 : i32
    %mul3A_6 = arith.constant 320 : i32
    %mul3A_7 = arith.muli %add3A_5, %mul3A_6 : i32
    %run_scoped3A = arith.constant 0 : i32
    "tpu.region"() ({
      %run_scoped3A_54 = tpu.sem_alloc : memref<!tpu.dma_semaphore, #tpu.memory_space<semaphore_mem>>
      %dma_start3A_55 = arith.constant 0 : i32
      %dma_start3A_56 = tpu.memref_slice %arg7[%run_scoped3A, %dma_start3A_55] : memref<2x320xi32, #tpu.memory_space<vmem>> -> memref<1x320xi32, #tpu.memory_space<vmem>>
      %dma_start3A_57 = tpu.memref_squeeze %dma_start3A_56 : memref<1x320xi32, #tpu.memory_space<vmem>> -> memref<320xi32, #tpu.memory_space<vmem>>
      %dma_start3A_58 = tpu.memref_slice %arg2[%mul3A_7] : memref<81920xi32, #tpu.memory_space<hbm>> -> memref<320xi32, #tpu.memory_space<hbm>>
      %dma_start3A_59 = arith.constant 0 : i32
      %dma_start3A_60 = tpu.memref_slice %arg7[%run_scoped3A, %dma_start3A_59] : memref<2x320xi32, #tpu.memory_space<vmem>> -> memref<1x320xi32, #tpu.memory_space<vmem>>
      %dma_start3A_61 = tpu.memref_squeeze %dma_start3A_60 : memref<1x320xi32, #tpu.memory_space<vmem>> -> memref<320xi32, #tpu.memory_space<vmem>>
      %dma_start3A_62 = tpu.memref_slice %arg2[%mul3A_7] : memref<81920xi32, #tpu.memory_space<hbm>> -> memref<320xi32, #tpu.memory_space<hbm>>
      tpu.enqueue_dma source(%dma_start3A_62 : memref<320xi32, #tpu.memory_space<hbm>>) target(%dma_start3A_61 : memref<320xi32, #tpu.memory_space<vmem>>) target_semaphore(%run_scoped3A_54 : memref<!tpu.dma_semaphore, #tpu.memory_space<semaphore_mem>>)
      %dma_wait3A = arith.constant 0 : i32
      %dma_wait3A_63 = tpu.memref_slice %arg7[%run_scoped3A, %dma_wait3A] : memref<2x320xi32, #tpu.memory_space<vmem>> -> memref<1x320xi32, #tpu.memory_space<vmem>>
      %dma_wait3A_64 = tpu.memref_squeeze %dma_wait3A_63 : memref<1x320xi32, #tpu.memory_space<vmem>> -> memref<320xi32, #tpu.memory_space<vmem>>
      %dma_wait3A_65 = tpu.memref_slice %arg2[%mul3A_7] : memref<81920xi32, #tpu.memory_space<hbm>> -> memref<320xi32, #tpu.memory_space<hbm>>
      %dma_wait3A_66 = arith.constant 0 : i32
      %dma_wait3A_67 = tpu.memref_slice %arg7[%run_scoped3A, %dma_wait3A_66] : memref<2x320xi32, #tpu.memory_space<vmem>> -> memref<1x320xi32, #tpu.memory_space<vmem>>
      %dma_wait3A_68 = tpu.memref_squeeze %dma_wait3A_67 : memref<1x320xi32, #tpu.memory_space<vmem>> -> memref<320xi32, #tpu.memory_space<vmem>>
      %dma_wait3A_69 = tpu.memref_slice %arg2[%mul3A_7] : memref<81920xi32, #tpu.memory_space<hbm>> -> memref<320xi32, #tpu.memory_space<hbm>>
      tpu.wait_dma2 semaphore(%run_scoped3A_54 : memref<!tpu.dma_semaphore, #tpu.memory_space<semaphore_mem>>) src(%dma_wait3A_69 : memref<320xi32, #tpu.memory_space<hbm>>) dst(%dma_wait3A_68 : memref<320xi32, #tpu.memory_space<vmem>>)
      tpu.yield
    }) : () -> ()
    %mul3A_8 = arith.constant 320 : i32
    %mul3A_9 = arith.muli %add3A_5, %mul3A_8 : i32
    %run_scoped3A_10 = arith.constant 0 : i32
    "tpu.region"() ({
      %run_scoped3A_54 = tpu.sem_alloc : memref<!tpu.dma_semaphore, #tpu.memory_space<semaphore_mem>>
      %dma_start3A_55 = arith.constant 0 : i32
      %dma_start3A_56 = tpu.memref_slice %arg8[%run_scoped3A_10, %dma_start3A_55] : memref<2x320xi32, #tpu.memory_space<vmem>> -> memref<1x320xi32, #tpu.memory_space<vmem>>
      %dma_start3A_57 = tpu.memref_squeeze %dma_start3A_56 : memref<1x320xi32, #tpu.memory_space<vmem>> -> memref<320xi32, #tpu.memory_space<vmem>>
      %dma_start3A_58 = tpu.memref_slice %arg3[%mul3A_9] : memref<81920xi32, #tpu.memory_space<hbm>> -> memref<320xi32, #tpu.memory_space<hbm>>
      %dma_start3A_59 = arith.constant 0 : i32
      %dma_start3A_60 = tpu.memref_slice %arg8[%run_scoped3A_10, %dma_start3A_59] : memref<2x320xi32, #tpu.memory_space<vmem>> -> memref<1x320xi32, #tpu.memory_space<vmem>>
      %dma_start3A_61 = tpu.memref_squeeze %dma_start3A_60 : memref<1x320xi32, #tpu.memory_space<vmem>> -> memref<320xi32, #tpu.memory_space<vmem>>
      %dma_start3A_62 = tpu.memref_slice %arg3[%mul3A_9] : memref<81920xi32, #tpu.memory_space<hbm>> -> memref<320xi32, #tpu.memory_space<hbm>>
      tpu.enqueue_dma source(%dma_start3A_62 : memref<320xi32, #tpu.memory_space<hbm>>) target(%dma_start3A_61 : memref<320xi32, #tpu.memory_space<vmem>>) target_semaphore(%run_scoped3A_54 : memref<!tpu.dma_semaphore, #tpu.memory_space<semaphore_mem>>)
      %dma_wait3A = arith.constant 0 : i32
      %dma_wait3A_63 = tpu.memref_slice %arg8[%run_scoped3A_10, %dma_wait3A] : memref<2x320xi32, #tpu.memory_space<vmem>> -> memref<1x320xi32, #tpu.memory_space<vmem>>
      %dma_wait3A_64 = tpu.memref_squeeze %dma_wait3A_63 : memref<1x320xi32, #tpu.memory_space<vmem>> -> memref<320xi32, #tpu.memory_space<vmem>>
      %dma_wait3A_65 = tpu.memref_slice %arg3[%mul3A_9] : memref<81920xi32, #tpu.memory_space<hbm>> -> memref<320xi32, #tpu.memory_space<hbm>>
      %dma_wait3A_66 = arith.constant 0 : i32
      %dma_wait3A_67 = tpu.memref_slice %arg8[%run_scoped3A_10, %dma_wait3A_66] : memref<2x320xi32, #tpu.memory_space<vmem>> -> memref<1x320xi32, #tpu.memory_space<vmem>>
      %dma_wait3A_68 = tpu.memref_squeeze %dma_wait3A_67 : memref<1x320xi32, #tpu.memory_space<vmem>> -> memref<320xi32, #tpu.memory_space<vmem>>
      %dma_wait3A_69 = tpu.memref_slice %arg3[%mul3A_9] : memref<81920xi32, #tpu.memory_space<hbm>> -> memref<320xi32, #tpu.memory_space<hbm>>
      tpu.wait_dma2 semaphore(%run_scoped3A_54 : memref<!tpu.dma_semaphore, #tpu.memory_space<semaphore_mem>>) src(%dma_wait3A_69 : memref<320xi32, #tpu.memory_space<hbm>>) dst(%dma_wait3A_68 : memref<320xi32, #tpu.memory_space<vmem>>)
      tpu.yield
    }) : () -> ()
    %mul3A_11 = arith.constant 16 : i32
    %mul3A_12 = arith.muli %add3A_5, %mul3A_11 : i32
    %run_scoped3A_13 = arith.constant 0 : i32
    "tpu.region"() ({
      %run_scoped3A_54 = tpu.sem_alloc : memref<!tpu.dma_semaphore, #tpu.memory_space<semaphore_mem>>
      %dma_start3A_55 = arith.constant 0 : i32
      %dma_start3A_56 = tpu.memref_slice %arg9[%run_scoped3A_13, %dma_start3A_55] : memref<2x16xi32, #tpu.memory_space<vmem>> -> memref<1x16xi32, #tpu.memory_space<vmem>>
      %dma_start3A_57 = tpu.memref_squeeze %dma_start3A_56 : memref<1x16xi32, #tpu.memory_space<vmem>> -> memref<16xi32, #tpu.memory_space<vmem>>
      %dma_start3A_58 = tpu.memref_slice %arg4[%mul3A_12] : memref<4096xi32, #tpu.memory_space<hbm>> -> memref<16xi32, #tpu.memory_space<hbm>>
      %dma_start3A_59 = arith.constant 0 : i32
      %dma_start3A_60 = tpu.memref_slice %arg9[%run_scoped3A_13, %dma_start3A_59] : memref<2x16xi32, #tpu.memory_space<vmem>> -> memref<1x16xi32, #tpu.memory_space<vmem>>
      %dma_start3A_61 = tpu.memref_squeeze %dma_start3A_60 : memref<1x16xi32, #tpu.memory_space<vmem>> -> memref<16xi32, #tpu.memory_space<vmem>>
      %dma_start3A_62 = tpu.memref_slice %arg4[%mul3A_12] : memref<4096xi32, #tpu.memory_space<hbm>> -> memref<16xi32, #tpu.memory_space<hbm>>
      tpu.enqueue_dma source(%dma_start3A_62 : memref<16xi32, #tpu.memory_space<hbm>>) target(%dma_start3A_61 : memref<16xi32, #tpu.memory_space<vmem>>) target_semaphore(%run_scoped3A_54 : memref<!tpu.dma_semaphore, #tpu.memory_space<semaphore_mem>>)
      %dma_wait3A = arith.constant 0 : i32
      %dma_wait3A_63 = tpu.memref_slice %arg9[%run_scoped3A_13, %dma_wait3A] : memref<2x16xi32, #tpu.memory_space<vmem>> -> memref<1x16xi32, #tpu.memory_space<vmem>>
      %dma_wait3A_64 = tpu.memref_squeeze %dma_wait3A_63 : memref<1x16xi32, #tpu.memory_space<vmem>> -> memref<16xi32, #tpu.memory_space<vmem>>
      %dma_wait3A_65 = tpu.memref_slice %arg4[%mul3A_12] : memref<4096xi32, #tpu.memory_space<hbm>> -> memref<16xi32, #tpu.memory_space<hbm>>
      %dma_wait3A_66 = arith.constant 0 : i32
      %dma_wait3A_67 = tpu.memref_slice %arg9[%run_scoped3A_13, %dma_wait3A_66] : memref<2x16xi32, #tpu.memory_space<vmem>> -> memref<1x16xi32, #tpu.memory_space<vmem>>
      %dma_wait3A_68 = tpu.memref_squeeze %dma_wait3A_67 : memref<1x16xi32, #tpu.memory_space<vmem>> -> memref<16xi32, #tpu.memory_space<vmem>>
      %dma_wait3A_69 = tpu.memref_slice %arg4[%mul3A_12] : memref<4096xi32, #tpu.memory_space<hbm>> -> memref<16xi32, #tpu.memory_space<hbm>>
      tpu.wait_dma2 semaphore(%run_scoped3A_54 : memref<!tpu.dma_semaphore, #tpu.memory_space<semaphore_mem>>) src(%dma_wait3A_69 : memref<16xi32, #tpu.memory_space<hbm>>) dst(%dma_wait3A_68 : memref<16xi32, #tpu.memory_space<vmem>>)
      tpu.yield
    }) : () -> ()
    %dma_start3A = arith.constant 0 : i32
    %dma_start3A_14 = arith.constant 0 : i32
    %dma_start3A_15 = arith.constant 0 : i32
    %dma_start3A_16 = arith.constant 0 : i32
    %dma_start3A_17 = tpu.memref_slice %arg10[%dma_start3A_14, %dma_start3A_15, %dma_start3A_16] : memref<2x320x64xf32, #tpu.memory_space<vmem>> -> memref<1x320x64xf32, #tpu.memory_space<vmem>>
    %dma_start3A_18 = tpu.memref_squeeze %dma_start3A_17 : memref<1x320x64xf32, #tpu.memory_space<vmem>> -> memref<320x64xf32, #tpu.memory_space<vmem>>
    %dma_start3A_19 = arith.constant 0 : i32
    %dma_start3A_20 = tpu.memref_slice %arg7[%dma_start3A, %dma_start3A_19] : memref<2x320xi32, #tpu.memory_space<vmem>> -> memref<1x320xi32, #tpu.memory_space<vmem>>
    %dma_start3A_21 = tpu.memref_squeeze %dma_start3A_20 : memref<1x320xi32, #tpu.memory_space<vmem>> -> memref<320xi32, #tpu.memory_space<vmem>>
    %dma_start3A_22 = arith.constant 0 : i32
    %dma_start3A_23 = arith.constant 0 : i32
    %dma_start3A_24 = tpu.memref_slice %arg5[%dma_start3A_22, %dma_start3A_23] : memref<1000000x64xf32, #tpu.memory_space<hbm>> -> memref<1000000x64xf32, #tpu.memory_space<hbm>>
    tpu.enqueue_indirect_dma source(%dma_start3A_24 : memref<1000000x64xf32, #tpu.memory_space<hbm>>) target(%dma_start3A_18 : memref<320x64xf32, #tpu.memory_space<vmem>>) offsets(%dma_start3A_21 : memref<320xi32, #tpu.memory_space<vmem>>) semaphore(%arg14 : memref<!tpu.dma_semaphore, #tpu.memory_space<semaphore_mem>>)
    %dma_start3A_25 = arith.constant 0 : i32
    %dma_start3A_26 = arith.constant 0 : i32
    %dma_start3A_27 = arith.constant 0 : i32
    %dma_start3A_28 = arith.constant 0 : i32
    %dma_start3A_29 = tpu.memref_slice %arg11[%dma_start3A_26, %dma_start3A_27, %dma_start3A_28] : memref<2x320x64xf32, #tpu.memory_space<vmem>> -> memref<1x320x64xf32, #tpu.memory_space<vmem>>
    %dma_start3A_30 = tpu.memref_squeeze %dma_start3A_29 : memref<1x320x64xf32, #tpu.memory_space<vmem>> -> memref<320x64xf32, #tpu.memory_space<vmem>>
    %dma_start3A_31 = arith.constant 0 : i32
    %dma_start3A_32 = tpu.memref_slice %arg8[%dma_start3A_25, %dma_start3A_31] : memref<2x320xi32, #tpu.memory_space<vmem>> -> memref<1x320xi32, #tpu.memory_space<vmem>>
    %dma_start3A_33 = tpu.memref_squeeze %dma_start3A_32 : memref<1x320xi32, #tpu.memory_space<vmem>> -> memref<320xi32, #tpu.memory_space<vmem>>
    %dma_start3A_34 = arith.constant 0 : i32
    %dma_start3A_35 = arith.constant 0 : i32
    %dma_start3A_36 = tpu.memref_slice %arg5[%dma_start3A_34, %dma_start3A_35] : memref<1000000x64xf32, #tpu.memory_space<hbm>> -> memref<1000000x64xf32, #tpu.memory_space<hbm>>
    tpu.enqueue_indirect_dma source(%dma_start3A_36 : memref<1000000x64xf32, #tpu.memory_space<hbm>>) target(%dma_start3A_30 : memref<320x64xf32, #tpu.memory_space<vmem>>) offsets(%dma_start3A_33 : memref<320xi32, #tpu.memory_space<vmem>>) semaphore(%arg15 : memref<!tpu.dma_semaphore, #tpu.memory_space<semaphore_mem>>)
    %dma_start3A_37 = arith.constant 0 : i32
    %dma_start3A_38 = arith.constant 0 : i32
    %dma_start3A_39 = arith.constant 0 : i32
    %dma_start3A_40 = arith.constant 0 : i32
    %dma_start3A_41 = tpu.memref_slice %arg12[%dma_start3A_38, %dma_start3A_39, %dma_start3A_40] : memref<2x16x64xf32, #tpu.memory_space<vmem>> -> memref<1x16x64xf32, #tpu.memory_space<vmem>>
    %dma_start3A_42 = tpu.memref_squeeze %dma_start3A_41 : memref<1x16x64xf32, #tpu.memory_space<vmem>> -> memref<16x64xf32, #tpu.memory_space<vmem>>
    %dma_start3A_43 = arith.constant 0 : i32
    %dma_start3A_44 = tpu.memref_slice %arg9[%dma_start3A_37, %dma_start3A_43] : memref<2x16xi32, #tpu.memory_space<vmem>> -> memref<1x16xi32, #tpu.memory_space<vmem>>
    %dma_start3A_45 = tpu.memref_squeeze %dma_start3A_44 : memref<1x16xi32, #tpu.memory_space<vmem>> -> memref<16xi32, #tpu.memory_space<vmem>>
    %dma_start3A_46 = arith.constant 0 : i32
    %dma_start3A_47 = arith.constant 0 : i32
    %dma_start3A_48 = tpu.memref_slice %arg5[%dma_start3A_46, %dma_start3A_47] : memref<1000000x64xf32, #tpu.memory_space<hbm>> -> memref<1000000x64xf32, #tpu.memory_space<hbm>>
    tpu.enqueue_indirect_dma source(%dma_start3A_48 : memref<1000000x64xf32, #tpu.memory_space<hbm>>) target(%dma_start3A_42 : memref<16x64xf32, #tpu.memory_space<vmem>>) offsets(%dma_start3A_45 : memref<16xi32, #tpu.memory_space<vmem>>) semaphore(%arg16 : memref<!tpu.dma_semaphore, #tpu.memory_space<semaphore_mem>>)
    %scan3A = arith.constant 0 : i32
    %scan3A_49 = arith.constant 0 : i32
    %scan3A_50 = arith.constant 4 : i32
    %scan3A_51 = arith.addi %scan3A_49, %scan3A_50 : i32
    %scan3A_52 = arith.constant 1 : i32
    scf.for %scan3A_54 = %scan3A_49 to %scan3A_51 step %scan3A_52  : i32 {
      %mul3A_55 = arith.constant 2 : i32
      %mul3A_56 = arith.muli %mul3A_55, %scan3A_54 : i32
      %add3A_57 = arith.constant 1 : i32
      %add3A_58 = arith.addi %mul3A_56, %add3A_57 : i32
      %lt3A = arith.constant 8 : i32
      %lt3A_59 = arith.cmpi slt, %add3A_58, %lt3A : i32
      %convert_element_type3A = arith.extui %lt3A_59 : i1 to i32
      %cond3A = arith.constant 0 : i32
      %cond3A_60 = arith.cmpi ne, %convert_element_type3A, %cond3A : i32
      scf.if %cond3A_60 {
        %add3A_209 = arith.constant 1 : i32
        %add3A_210 = arith.addi %mul3A_56, %add3A_209 : i32
        %mul3A_211 = arith.constant 8 : i32
        %mul3A_212 = arith.muli %add3A, %mul3A_211 : i32
        %add3A_213 = arith.addi %mul3A_212, %add3A_210 : i32
        %mul3A_214 = arith.constant 320 : i32
        %mul3A_215 = arith.muli %add3A_213, %mul3A_214 : i32
        %run_scoped3A_216 = arith.constant 1 : i32
        "tpu.region"() ({
          %run_scoped3A_259 = tpu.sem_alloc : memref<!tpu.dma_semaphore, #tpu.memory_space<semaphore_mem>>
          %dma_start3A_260 = arith.constant 0 : i32
          %dma_start3A_261 = tpu.memref_slice %arg7[%run_scoped3A_216, %dma_start3A_260] : memref<2x320xi32, #tpu.memory_space<vmem>> -> memref<1x320xi32, #tpu.memory_space<vmem>>
          %dma_start3A_262 = tpu.memref_squeeze %dma_start3A_261 : memref<1x320xi32, #tpu.memory_space<vmem>> -> memref<320xi32, #tpu.memory_space<vmem>>
          %dma_start3A_263 = tpu.memref_slice %arg2[%mul3A_215] : memref<81920xi32, #tpu.memory_space<hbm>> -> memref<320xi32, #tpu.memory_space<hbm>>
          %dma_start3A_264 = arith.constant 0 : i32
          %dma_start3A_265 = tpu.memref_slice %arg7[%run_scoped3A_216, %dma_start3A_264] : memref<2x320xi32, #tpu.memory_space<vmem>> -> memref<1x320xi32, #tpu.memory_space<vmem>>
          %dma_start3A_266 = tpu.memref_squeeze %dma_start3A_265 : memref<1x320xi32, #tpu.memory_space<vmem>> -> memref<320xi32, #tpu.memory_space<vmem>>
          %dma_start3A_267 = tpu.memref_slice %arg2[%mul3A_215] : memref<81920xi32, #tpu.memory_space<hbm>> -> memref<320xi32, #tpu.memory_space<hbm>>
          tpu.enqueue_dma source(%dma_start3A_267 : memref<320xi32, #tpu.memory_space<hbm>>) target(%dma_start3A_266 : memref<320xi32, #tpu.memory_space<vmem>>) target_semaphore(%run_scoped3A_259 : memref<!tpu.dma_semaphore, #tpu.memory_space<semaphore_mem>>)
          %dma_wait3A_268 = arith.constant 0 : i32
          %dma_wait3A_269 = tpu.memref_slice %arg7[%run_scoped3A_216, %dma_wait3A_268] : memref<2x320xi32, #tpu.memory_space<vmem>> -> memref<1x320xi32, #tpu.memory_space<vmem>>
          %dma_wait3A_270 = tpu.memref_squeeze %dma_wait3A_269 : memref<1x320xi32, #tpu.memory_space<vmem>> -> memref<320xi32, #tpu.memory_space<vmem>>
          %dma_wait3A_271 = tpu.memref_slice %arg2[%mul3A_215] : memref<81920xi32, #tpu.memory_space<hbm>> -> memref<320xi32, #tpu.memory_space<hbm>>
          %dma_wait3A_272 = arith.constant 0 : i32
          %dma_wait3A_273 = tpu.memref_slice %arg7[%run_scoped3A_216, %dma_wait3A_272] : memref<2x320xi32, #tpu.memory_space<vmem>> -> memref<1x320xi32, #tpu.memory_space<vmem>>
          %dma_wait3A_274 = tpu.memref_squeeze %dma_wait3A_273 : memref<1x320xi32, #tpu.memory_space<vmem>> -> memref<320xi32, #tpu.memory_space<vmem>>
          %dma_wait3A_275 = tpu.memref_slice %arg2[%mul3A_215] : memref<81920xi32, #tpu.memory_space<hbm>> -> memref<320xi32, #tpu.memory_space<hbm>>
          tpu.wait_dma2 semaphore(%run_scoped3A_259 : memref<!tpu.dma_semaphore, #tpu.memory_space<semaphore_mem>>) src(%dma_wait3A_275 : memref<320xi32, #tpu.memory_space<hbm>>) dst(%dma_wait3A_274 : memref<320xi32, #tpu.memory_space<vmem>>)
          tpu.yield
        }) : () -> ()
        %mul3A_217 = arith.constant 320 : i32
        %mul3A_218 = arith.muli %add3A_213, %mul3A_217 : i32
        %run_scoped3A_219 = arith.constant 1 : i32
        "tpu.region"() ({
          %run_scoped3A_259 = tpu.sem_alloc : memref<!tpu.dma_semaphore, #tpu.memory_space<semaphore_mem>>
          %dma_start3A_260 = arith.constant 0 : i32
          %dma_start3A_261 = tpu.memref_slice %arg8[%run_scoped3A_219, %dma_start3A_260] : memref<2x320xi32, #tpu.memory_space<vmem>> -> memref<1x320xi32, #tpu.memory_space<vmem>>
          %dma_start3A_262 = tpu.memref_squeeze %dma_start3A_261 : memref<1x320xi32, #tpu.memory_space<vmem>> -> memref<320xi32, #tpu.memory_space<vmem>>
          %dma_start3A_263 = tpu.memref_slice %arg3[%mul3A_218] : memref<81920xi32, #tpu.memory_space<hbm>> -> memref<320xi32, #tpu.memory_space<hbm>>
          %dma_start3A_264 = arith.constant 0 : i32
          %dma_start3A_265 = tpu.memref_slice %arg8[%run_scoped3A_219, %dma_start3A_264] : memref<2x320xi32, #tpu.memory_space<vmem>> -> memref<1x320xi32, #tpu.memory_space<vmem>>
          %dma_start3A_266 = tpu.memref_squeeze %dma_start3A_265 : memref<1x320xi32, #tpu.memory_space<vmem>> -> memref<320xi32, #tpu.memory_space<vmem>>
          %dma_start3A_267 = tpu.memref_slice %arg3[%mul3A_218] : memref<81920xi32, #tpu.memory_space<hbm>> -> memref<320xi32, #tpu.memory_space<hbm>>
          tpu.enqueue_dma source(%dma_start3A_267 : memref<320xi32, #tpu.memory_space<hbm>>) target(%dma_start3A_266 : memref<320xi32, #tpu.memory_space<vmem>>) target_semaphore(%run_scoped3A_259 : memref<!tpu.dma_semaphore, #tpu.memory_space<semaphore_mem>>)
          %dma_wait3A_268 = arith.constant 0 : i32
          %dma_wait3A_269 = tpu.memref_slice %arg8[%run_scoped3A_219, %dma_wait3A_268] : memref<2x320xi32, #tpu.memory_space<vmem>> -> memref<1x320xi32, #tpu.memory_space<vmem>>
          %dma_wait3A_270 = tpu.memref_squeeze %dma_wait3A_269 : memref<1x320xi32, #tpu.memory_space<vmem>> -> memref<320xi32, #tpu.memory_space<vmem>>
          %dma_wait3A_271 = tpu.memref_slice %arg3[%mul3A_218] : memref<81920xi32, #tpu.memory_space<hbm>> -> memref<320xi32, #tpu.memory_space<hbm>>
          %dma_wait3A_272 = arith.constant 0 : i32
          %dma_wait3A_273 = tpu.memref_slice %arg8[%run_scoped3A_219, %dma_wait3A_272] : memref<2x320xi32, #tpu.memory_space<vmem>> -> memref<1x320xi32, #tpu.memory_space<vmem>>
          %dma_wait3A_274 = tpu.memref_squeeze %dma_wait3A_273 : memref<1x320xi32, #tpu.memory_space<vmem>> -> memref<320xi32, #tpu.memory_space<vmem>>
          %dma_wait3A_275 = tpu.memref_slice %arg3[%mul3A_218] : memref<81920xi32, #tpu.memory_space<hbm>> -> memref<320xi32, #tpu.memory_space<hbm>>
          tpu.wait_dma2 semaphore(%run_scoped3A_259 : memref<!tpu.dma_semaphore, #tpu.memory_space<semaphore_mem>>) src(%dma_wait3A_275 : memref<320xi32, #tpu.memory_space<hbm>>) dst(%dma_wait3A_274 : memref<320xi32, #tpu.memory_space<vmem>>)
          tpu.yield
        }) : () -> ()
        %mul3A_220 = arith.constant 16 : i32
        %mul3A_221 = arith.muli %add3A_213, %mul3A_220 : i32
        %run_scoped3A_222 = arith.constant 1 : i32
        "tpu.region"() ({
          %run_scoped3A_259 = tpu.sem_alloc : memref<!tpu.dma_semaphore, #tpu.memory_space<semaphore_mem>>
          %dma_start3A_260 = arith.constant 0 : i32
          %dma_start3A_261 = tpu.memref_slice %arg9[%run_scoped3A_222, %dma_start3A_260] : memref<2x16xi32, #tpu.memory_space<vmem>> -> memref<1x16xi32, #tpu.memory_space<vmem>>
          %dma_start3A_262 = tpu.memref_squeeze %dma_start3A_261 : memref<1x16xi32, #tpu.memory_space<vmem>> -> memref<16xi32, #tpu.memory_space<vmem>>
          %dma_start3A_263 = tpu.memref_slice %arg4[%mul3A_221] : memref<4096xi32, #tpu.memory_space<hbm>> -> memref<16xi32, #tpu.memory_space<hbm>>
          %dma_start3A_264 = arith.constant 0 : i32
          %dma_start3A_265 = tpu.memref_slice %arg9[%run_scoped3A_222, %dma_start3A_264] : memref<2x16xi32, #tpu.memory_space<vmem>> -> memref<1x16xi32, #tpu.memory_space<vmem>>
          %dma_start3A_266 = tpu.memref_squeeze %dma_start3A_265 : memref<1x16xi32, #tpu.memory_space<vmem>> -> memref<16xi32, #tpu.memory_space<vmem>>
          %dma_start3A_267 = tpu.memref_slice %arg4[%mul3A_221] : memref<4096xi32, #tpu.memory_space<hbm>> -> memref<16xi32, #tpu.memory_space<hbm>>
          tpu.enqueue_dma source(%dma_start3A_267 : memref<16xi32, #tpu.memory_space<hbm>>) target(%dma_start3A_266 : memref<16xi32, #tpu.memory_space<vmem>>) target_semaphore(%run_scoped3A_259 : memref<!tpu.dma_semaphore, #tpu.memory_space<semaphore_mem>>)
          %dma_wait3A_268 = arith.constant 0 : i32
          %dma_wait3A_269 = tpu.memref_slice %arg9[%run_scoped3A_222, %dma_wait3A_268] : memref<2x16xi32, #tpu.memory_space<vmem>> -> memref<1x16xi32, #tpu.memory_space<vmem>>
          %dma_wait3A_270 = tpu.memref_squeeze %dma_wait3A_269 : memref<1x16xi32, #tpu.memory_space<vmem>> -> memref<16xi32, #tpu.memory_space<vmem>>
          %dma_wait3A_271 = tpu.memref_slice %arg4[%mul3A_221] : memref<4096xi32, #tpu.memory_space<hbm>> -> memref<16xi32, #tpu.memory_space<hbm>>
          %dma_wait3A_272 = arith.constant 0 : i32
          %dma_wait3A_273 = tpu.memref_slice %arg9[%run_scoped3A_222, %dma_wait3A_272] : memref<2x16xi32, #tpu.memory_space<vmem>> -> memref<1x16xi32, #tpu.memory_space<vmem>>
          %dma_wait3A_274 = tpu.memref_squeeze %dma_wait3A_273 : memref<1x16xi32, #tpu.memory_space<vmem>> -> memref<16xi32, #tpu.memory_space<vmem>>
          %dma_wait3A_275 = tpu.memref_slice %arg4[%mul3A_221] : memref<4096xi32, #tpu.memory_space<hbm>> -> memref<16xi32, #tpu.memory_space<hbm>>
          tpu.wait_dma2 semaphore(%run_scoped3A_259 : memref<!tpu.dma_semaphore, #tpu.memory_space<semaphore_mem>>) src(%dma_wait3A_275 : memref<16xi32, #tpu.memory_space<hbm>>) dst(%dma_wait3A_274 : memref<16xi32, #tpu.memory_space<vmem>>)
          tpu.yield
        }) : () -> ()
        %dma_start3A_223 = arith.constant 1 : i32
        %dma_start3A_224 = arith.constant 1 : i32
        %dma_start3A_225 = arith.constant 0 : i32
        %dma_start3A_226 = arith.constant 0 : i32
        %dma_start3A_227 = tpu.memref_slice %arg10[%dma_start3A_224, %dma_start3A_225, %dma_start3A_226] : memref<2x320x64xf32, #tpu.memory_space<vmem>> -> memref<1x320x64xf32, #tpu.memory_space<vmem>>
        %dma_start3A_228 = tpu.memref_squeeze %dma_start3A_227 : memref<1x320x64xf32, #tpu.memory_space<vmem>> -> memref<320x64xf32, #tpu.memory_space<vmem>>
        %dma_start3A_229 = arith.constant 0 : i32
        %dma_start3A_230 = tpu.memref_slice %arg7[%dma_start3A_223, %dma_start3A_229] : memref<2x320xi32, #tpu.memory_space<vmem>> -> memref<1x320xi32, #tpu.memory_space<vmem>>
        %dma_start3A_231 = tpu.memref_squeeze %dma_start3A_230 : memref<1x320xi32, #tpu.memory_space<vmem>> -> memref<320xi32, #tpu.memory_space<vmem>>
        %dma_start3A_232 = arith.constant 0 : i32
        %dma_start3A_233 = arith.constant 0 : i32
        %dma_start3A_234 = tpu.memref_slice %arg5[%dma_start3A_232, %dma_start3A_233] : memref<1000000x64xf32, #tpu.memory_space<hbm>> -> memref<1000000x64xf32, #tpu.memory_space<hbm>>
        tpu.enqueue_indirect_dma source(%dma_start3A_234 : memref<1000000x64xf32, #tpu.memory_space<hbm>>) target(%dma_start3A_228 : memref<320x64xf32, #tpu.memory_space<vmem>>) offsets(%dma_start3A_231 : memref<320xi32, #tpu.memory_space<vmem>>) semaphore(%arg17 : memref<!tpu.dma_semaphore, #tpu.memory_space<semaphore_mem>>)
        %dma_start3A_235 = arith.constant 1 : i32
        %dma_start3A_236 = arith.constant 1 : i32
        %dma_start3A_237 = arith.constant 0 : i32
        %dma_start3A_238 = arith.constant 0 : i32
        %dma_start3A_239 = tpu.memref_slice %arg11[%dma_start3A_236, %dma_start3A_237, %dma_start3A_238] : memref<2x320x64xf32, #tpu.memory_space<vmem>> -> memref<1x320x64xf32, #tpu.memory_space<vmem>>
        %dma_start3A_240 = tpu.memref_squeeze %dma_start3A_239 : memref<1x320x64xf32, #tpu.memory_space<vmem>> -> memref<320x64xf32, #tpu.memory_space<vmem>>
        %dma_start3A_241 = arith.constant 0 : i32
        %dma_start3A_242 = tpu.memref_slice %arg8[%dma_start3A_235, %dma_start3A_241] : memref<2x320xi32, #tpu.memory_space<vmem>> -> memref<1x320xi32, #tpu.memory_space<vmem>>
        %dma_start3A_243 = tpu.memref_squeeze %dma_start3A_242 : memref<1x320xi32, #tpu.memory_space<vmem>> -> memref<320xi32, #tpu.memory_space<vmem>>
        %dma_start3A_244 = arith.constant 0 : i32
        %dma_start3A_245 = arith.constant 0 : i32
        %dma_start3A_246 = tpu.memref_slice %arg5[%dma_start3A_244, %dma_start3A_245] : memref<1000000x64xf32, #tpu.memory_space<hbm>> -> memref<1000000x64xf32, #tpu.memory_space<hbm>>
        tpu.enqueue_indirect_dma source(%dma_start3A_246 : memref<1000000x64xf32, #tpu.memory_space<hbm>>) target(%dma_start3A_240 : memref<320x64xf32, #tpu.memory_space<vmem>>) offsets(%dma_start3A_243 : memref<320xi32, #tpu.memory_space<vmem>>) semaphore(%arg18 : memref<!tpu.dma_semaphore, #tpu.memory_space<semaphore_mem>>)
        %dma_start3A_247 = arith.constant 1 : i32
        %dma_start3A_248 = arith.constant 1 : i32
        %dma_start3A_249 = arith.constant 0 : i32
        %dma_start3A_250 = arith.constant 0 : i32
        %dma_start3A_251 = tpu.memref_slice %arg12[%dma_start3A_248, %dma_start3A_249, %dma_start3A_250] : memref<2x16x64xf32, #tpu.memory_space<vmem>> -> memref<1x16x64xf32, #tpu.memory_space<vmem>>
        %dma_start3A_252 = tpu.memref_squeeze %dma_start3A_251 : memref<1x16x64xf32, #tpu.memory_space<vmem>> -> memref<16x64xf32, #tpu.memory_space<vmem>>
        %dma_start3A_253 = arith.constant 0 : i32
        %dma_start3A_254 = tpu.memref_slice %arg9[%dma_start3A_247, %dma_start3A_253] : memref<2x16xi32, #tpu.memory_space<vmem>> -> memref<1x16xi32, #tpu.memory_space<vmem>>
        %dma_start3A_255 = tpu.memref_squeeze %dma_start3A_254 : memref<1x16xi32, #tpu.memory_space<vmem>> -> memref<16xi32, #tpu.memory_space<vmem>>
        %dma_start3A_256 = arith.constant 0 : i32
        %dma_start3A_257 = arith.constant 0 : i32
        %dma_start3A_258 = tpu.memref_slice %arg5[%dma_start3A_256, %dma_start3A_257] : memref<1000000x64xf32, #tpu.memory_space<hbm>> -> memref<1000000x64xf32, #tpu.memory_space<hbm>>
        tpu.enqueue_indirect_dma source(%dma_start3A_258 : memref<1000000x64xf32, #tpu.memory_space<hbm>>) target(%dma_start3A_252 : memref<16x64xf32, #tpu.memory_space<vmem>>) offsets(%dma_start3A_255 : memref<16xi32, #tpu.memory_space<vmem>>) semaphore(%arg19 : memref<!tpu.dma_semaphore, #tpu.memory_space<semaphore_mem>>)
      } else {
      }
      %mul3A_61 = arith.constant 8 : i32
      %mul3A_62 = arith.muli %add3A, %mul3A_61 : i32
      %add3A_63 = arith.addi %mul3A_62, %mul3A_56 : i32
      %dma_wait3A = arith.constant 0 : i32
      %dma_wait3A_64 = arith.constant 0 : i32
      %dma_wait3A_65 = arith.constant 0 : i32
      %dma_wait3A_66 = arith.constant 0 : i32
      %dma_wait3A_67 = tpu.memref_slice %arg10[%dma_wait3A_64, %dma_wait3A_65, %dma_wait3A_66] : memref<2x320x64xf32, #tpu.memory_space<vmem>> -> memref<1x320x64xf32, #tpu.memory_space<vmem>>
      %dma_wait3A_68 = tpu.memref_squeeze %dma_wait3A_67 : memref<1x320x64xf32, #tpu.memory_space<vmem>> -> memref<320x64xf32, #tpu.memory_space<vmem>>
      %dma_wait3A_69 = arith.constant 0 : i32
      %dma_wait3A_70 = tpu.memref_slice %arg7[%dma_wait3A, %dma_wait3A_69] : memref<2x320xi32, #tpu.memory_space<vmem>> -> memref<1x320xi32, #tpu.memory_space<vmem>>
      %dma_wait3A_71 = tpu.memref_squeeze %dma_wait3A_70 : memref<1x320xi32, #tpu.memory_space<vmem>> -> memref<320xi32, #tpu.memory_space<vmem>>
      %dma_wait3A_72 = arith.constant 0 : i32
      %dma_wait3A_73 = arith.constant 0 : i32
      %dma_wait3A_74 = tpu.memref_slice %arg5[%dma_wait3A_72, %dma_wait3A_73] : memref<1000000x64xf32, #tpu.memory_space<hbm>> -> memref<1000000x64xf32, #tpu.memory_space<hbm>>
      tpu.wait_indirect_dma semaphore(%arg14 : memref<!tpu.dma_semaphore, #tpu.memory_space<semaphore_mem>>) src(%dma_wait3A_74 : memref<1000000x64xf32, #tpu.memory_space<hbm>>) dst(%dma_wait3A_68 : memref<320x64xf32, #tpu.memory_space<vmem>>)
      %dma_wait3A_75 = arith.constant 0 : i32
      %dma_wait3A_76 = arith.constant 0 : i32
      %dma_wait3A_77 = arith.constant 0 : i32
      %dma_wait3A_78 = arith.constant 0 : i32
      %dma_wait3A_79 = tpu.memref_slice %arg11[%dma_wait3A_76, %dma_wait3A_77, %dma_wait3A_78] : memref<2x320x64xf32, #tpu.memory_space<vmem>> -> memref<1x320x64xf32, #tpu.memory_space<vmem>>
      %dma_wait3A_80 = tpu.memref_squeeze %dma_wait3A_79 : memref<1x320x64xf32, #tpu.memory_space<vmem>> -> memref<320x64xf32, #tpu.memory_space<vmem>>
      %dma_wait3A_81 = arith.constant 0 : i32
      %dma_wait3A_82 = tpu.memref_slice %arg8[%dma_wait3A_75, %dma_wait3A_81] : memref<2x320xi32, #tpu.memory_space<vmem>> -> memref<1x320xi32, #tpu.memory_space<vmem>>
      %dma_wait3A_83 = tpu.memref_squeeze %dma_wait3A_82 : memref<1x320xi32, #tpu.memory_space<vmem>> -> memref<320xi32, #tpu.memory_space<vmem>>
      %dma_wait3A_84 = arith.constant 0 : i32
      %dma_wait3A_85 = arith.constant 0 : i32
      %dma_wait3A_86 = tpu.memref_slice %arg5[%dma_wait3A_84, %dma_wait3A_85] : memref<1000000x64xf32, #tpu.memory_space<hbm>> -> memref<1000000x64xf32, #tpu.memory_space<hbm>>
      tpu.wait_indirect_dma semaphore(%arg15 : memref<!tpu.dma_semaphore, #tpu.memory_space<semaphore_mem>>) src(%dma_wait3A_86 : memref<1000000x64xf32, #tpu.memory_space<hbm>>) dst(%dma_wait3A_80 : memref<320x64xf32, #tpu.memory_space<vmem>>)
      %dma_wait3A_87 = arith.constant 0 : i32
      %dma_wait3A_88 = arith.constant 0 : i32
      %dma_wait3A_89 = arith.constant 0 : i32
      %dma_wait3A_90 = arith.constant 0 : i32
      %dma_wait3A_91 = tpu.memref_slice %arg12[%dma_wait3A_88, %dma_wait3A_89, %dma_wait3A_90] : memref<2x16x64xf32, #tpu.memory_space<vmem>> -> memref<1x16x64xf32, #tpu.memory_space<vmem>>
      %dma_wait3A_92 = tpu.memref_squeeze %dma_wait3A_91 : memref<1x16x64xf32, #tpu.memory_space<vmem>> -> memref<16x64xf32, #tpu.memory_space<vmem>>
      %dma_wait3A_93 = arith.constant 0 : i32
      %dma_wait3A_94 = tpu.memref_slice %arg9[%dma_wait3A_87, %dma_wait3A_93] : memref<2x16xi32, #tpu.memory_space<vmem>> -> memref<1x16xi32, #tpu.memory_space<vmem>>
      %dma_wait3A_95 = tpu.memref_squeeze %dma_wait3A_94 : memref<1x16xi32, #tpu.memory_space<vmem>> -> memref<16xi32, #tpu.memory_space<vmem>>
      %dma_wait3A_96 = arith.constant 0 : i32
      %dma_wait3A_97 = arith.constant 0 : i32
      %dma_wait3A_98 = tpu.memref_slice %arg5[%dma_wait3A_96, %dma_wait3A_97] : memref<1000000x64xf32, #tpu.memory_space<hbm>> -> memref<1000000x64xf32, #tpu.memory_space<hbm>>
      tpu.wait_indirect_dma semaphore(%arg16 : memref<!tpu.dma_semaphore, #tpu.memory_space<semaphore_mem>>) src(%dma_wait3A_98 : memref<1000000x64xf32, #tpu.memory_space<hbm>>) dst(%dma_wait3A_92 : memref<16x64xf32, #tpu.memory_space<vmem>>)
      %scan3A_99 = arith.constant 0 : i32
      %scan3A_100 = arith.constant 0 : i32
      %scan3A_101 = arith.constant 0 : i32
      %scan3A_102 = arith.constant 20 : i32
      %scan3A_103 = arith.addi %scan3A_101, %scan3A_102 : i32
      %scan3A_104 = arith.constant 4 : i32
      %scan3A_105:2 = scf.for %scan3A_209 = %scan3A_101 to %scan3A_103 step %scan3A_104 iter_args(%scan3A_210 = %broadcast_in_dim3A_1, %scan3A_211 = %broadcast_in_dim3A_1) -> (vector<16xf32>, vector<16xf32>)  : i32 {
        %mul3A_212 = arith.constant 16 : i32
        %mul3A_213 = arith.muli %scan3A_209, %mul3A_212 : i32
        %get3A = arith.constant 0 : i32
        %get3A_214 = tpu.memref_slice %arg7[%scan3A_99, %get3A] : memref<2x320xi32, #tpu.memory_space<vmem>> -> memref<1x320xi32, #tpu.memory_space<vmem>>
        %get3A_215 = tpu.memref_squeeze %get3A_214 : memref<1x320xi32, #tpu.memory_space<vmem>> -> memref<320xi32, #tpu.memory_space<vmem>>
        %get3A_216 = arith.index_cast %mul3A_213 : i32 to index
        %get3A_217 = tpu.vector_load %get3A_215[%get3A_216] {strides = array<i32>} : memref<320xi32, #tpu.memory_space<vmem>>, vector<16xi32>,
        %ne3A = arith.constant 0 : i32
        %ne3A_218 = vector.broadcast %ne3A : i32 to vector<16xi32>
        %ne3A_219 = arith.cmpi ne, %get3A_217, %ne3A_218 : vector<16xi32>
        %jit3A = arith.constant 1.000000e+00 : f32
        %jit3A_220 = arith.constant 0.000000e+00 : f32
        %broadcast_in_dim3A_221 = vector.broadcast %jit3A : f32 to vector<16xf32>
        %broadcast_in_dim3A_222 = vector.broadcast %jit3A_220 : f32 to vector<16xf32>
        %select_n3A = arith.select %ne3A_219, %broadcast_in_dim3A_221, %broadcast_in_dim3A_222 : vector<16xi1>, vector<16xf32>
        %add3A_223 = arith.addf %scan3A_210, %select_n3A : vector<16xf32>
        %mul3A_224 = arith.constant 16 : i32
        %mul3A_225 = arith.muli %scan3A_209, %mul3A_224 : i32
        %get3A_226 = arith.constant 0 : i32
        %get3A_227 = tpu.memref_slice %arg8[%scan3A_100, %get3A_226] : memref<2x320xi32, #tpu.memory_space<vmem>> -> memref<1x320xi32, #tpu.memory_space<vmem>>
        %get3A_228 = tpu.memref_squeeze %get3A_227 : memref<1x320xi32, #tpu.memory_space<vmem>> -> memref<320xi32, #tpu.memory_space<vmem>>
        %get3A_229 = arith.index_cast %mul3A_225 : i32 to index
        %get3A_230 = tpu.vector_load %get3A_228[%get3A_229] {strides = array<i32>} : memref<320xi32, #tpu.memory_space<vmem>>, vector<16xi32>,
        %ne3A_231 = arith.constant 0 : i32
        %ne3A_232 = vector.broadcast %ne3A_231 : i32 to vector<16xi32>
        %ne3A_233 = arith.cmpi ne, %get3A_230, %ne3A_232 : vector<16xi32>
        %jit3A_234 = arith.constant 1.000000e+00 : f32
        %jit3A_235 = arith.constant 0.000000e+00 : f32
        %broadcast_in_dim3A_236 = vector.broadcast %jit3A_234 : f32 to vector<16xf32>
        %broadcast_in_dim3A_237 = vector.broadcast %jit3A_235 : f32 to vector<16xf32>
        %select_n3A_238 = arith.select %ne3A_233, %broadcast_in_dim3A_236, %broadcast_in_dim3A_237 : vector<16xi1>, vector<16xf32>
        %add3A_239 = arith.addf %scan3A_211, %select_n3A_238 : vector<16xf32>
        %scan3A_240 = arith.constant 1 : i32
        %scan3A_241 = arith.addi %scan3A_209, %scan3A_240 : i32
        %mul3A_242 = arith.constant 16 : i32
        %mul3A_243 = arith.muli %scan3A_241, %mul3A_242 : i32
        %get3A_244 = arith.constant 0 : i32
        %get3A_245 = tpu.memref_slice %arg7[%scan3A_99, %get3A_244] : memref<2x320xi32, #tpu.memory_space<vmem>> -> memref<1x320xi32, #tpu.memory_space<vmem>>
        %get3A_246 = tpu.memref_squeeze %get3A_245 : memref<1x320xi32, #tpu.memory_space<vmem>> -> memref<320xi32, #tpu.memory_space<vmem>>
        %get3A_247 = arith.index_cast %mul3A_243 : i32 to index
        %get3A_248 = tpu.vector_load %get3A_246[%get3A_247] {strides = array<i32>} : memref<320xi32, #tpu.memory_space<vmem>>, vector<16xi32>,
        %ne3A_249 = arith.constant 0 : i32
        %ne3A_250 = vector.broadcast %ne3A_249 : i32 to vector<16xi32>
        %ne3A_251 = arith.cmpi ne, %get3A_248, %ne3A_250 : vector<16xi32>
        %jit3A_252 = arith.constant 1.000000e+00 : f32
        %jit3A_253 = arith.constant 0.000000e+00 : f32
        %broadcast_in_dim3A_254 = vector.broadcast %jit3A_252 : f32 to vector<16xf32>
        %broadcast_in_dim3A_255 = vector.broadcast %jit3A_253 : f32 to vector<16xf32>
        %select_n3A_256 = arith.select %ne3A_251, %broadcast_in_dim3A_254, %broadcast_in_dim3A_255 : vector<16xi1>, vector<16xf32>
        %add3A_257 = arith.addf %add3A_223, %select_n3A_256 : vector<16xf32>
        %mul3A_258 = arith.constant 16 : i32
        %mul3A_259 = arith.muli %scan3A_241, %mul3A_258 : i32
        %get3A_260 = arith.constant 0 : i32
        %get3A_261 = tpu.memref_slice %arg8[%scan3A_100, %get3A_260] : memref<2x320xi32, #tpu.memory_space<vmem>> -> memref<1x320xi32, #tpu.memory_space<vmem>>
        %get3A_262 = tpu.memref_squeeze %get3A_261 : memref<1x320xi32, #tpu.memory_space<vmem>> -> memref<320xi32, #tpu.memory_space<vmem>>
        %get3A_263 = arith.index_cast %mul3A_259 : i32 to index
        %get3A_264 = tpu.vector_load %get3A_262[%get3A_263] {strides = array<i32>} : memref<320xi32, #tpu.memory_space<vmem>>, vector<16xi32>,
        %ne3A_265 = arith.constant 0 : i32
        %ne3A_266 = vector.broadcast %ne3A_265 : i32 to vector<16xi32>
        %ne3A_267 = arith.cmpi ne, %get3A_264, %ne3A_266 : vector<16xi32>
        %jit3A_268 = arith.constant 1.000000e+00 : f32
        %jit3A_269 = arith.constant 0.000000e+00 : f32
        %broadcast_in_dim3A_270 = vector.broadcast %jit3A_268 : f32 to vector<16xf32>
        %broadcast_in_dim3A_271 = vector.broadcast %jit3A_269 : f32 to vector<16xf32>
        %select_n3A_272 = arith.select %ne3A_267, %broadcast_in_dim3A_270, %broadcast_in_dim3A_271 : vector<16xi1>, vector<16xf32>
        %add3A_273 = arith.addf %add3A_239, %select_n3A_272 : vector<16xf32>
        %scan3A_274 = arith.constant 2 : i32
        %scan3A_275 = arith.addi %scan3A_209, %scan3A_274 : i32
        %mul3A_276 = arith.constant 16 : i32
        %mul3A_277 = arith.muli %scan3A_275, %mul3A_276 : i32
        %get3A_278 = arith.constant 0 : i32
        %get3A_279 = tpu.memref_slice %arg7[%scan3A_99, %get3A_278] : memref<2x320xi32, #tpu.memory_space<vmem>> -> memref<1x320xi32, #tpu.memory_space<vmem>>
        %get3A_280 = tpu.memref_squeeze %get3A_279 : memref<1x320xi32, #tpu.memory_space<vmem>> -> memref<320xi32, #tpu.memory_space<vmem>>
        %get3A_281 = arith.index_cast %mul3A_277 : i32 to index
        %get3A_282 = tpu.vector_load %get3A_280[%get3A_281] {strides = array<i32>} : memref<320xi32, #tpu.memory_space<vmem>>, vector<16xi32>,
        %ne3A_283 = arith.constant 0 : i32
        %ne3A_284 = vector.broadcast %ne3A_283 : i32 to vector<16xi32>
        %ne3A_285 = arith.cmpi ne, %get3A_282, %ne3A_284 : vector<16xi32>
        %jit3A_286 = arith.constant 1.000000e+00 : f32
        %jit3A_287 = arith.constant 0.000000e+00 : f32
        %broadcast_in_dim3A_288 = vector.broadcast %jit3A_286 : f32 to vector<16xf32>
        %broadcast_in_dim3A_289 = vector.broadcast %jit3A_287 : f32 to vector<16xf32>
        %select_n3A_290 = arith.select %ne3A_285, %broadcast_in_dim3A_288, %broadcast_in_dim3A_289 : vector<16xi1>, vector<16xf32>
        %add3A_291 = arith.addf %add3A_257, %select_n3A_290 : vector<16xf32>
        %mul3A_292 = arith.constant 16 : i32
        %mul3A_293 = arith.muli %scan3A_275, %mul3A_292 : i32
        %get3A_294 = arith.constant 0 : i32
        %get3A_295 = tpu.memref_slice %arg8[%scan3A_100, %get3A_294] : memref<2x320xi32, #tpu.memory_space<vmem>> -> memref<1x320xi32, #tpu.memory_space<vmem>>
        %get3A_296 = tpu.memref_squeeze %get3A_295 : memref<1x320xi32, #tpu.memory_space<vmem>> -> memref<320xi32, #tpu.memory_space<vmem>>
        %get3A_297 = arith.index_cast %mul3A_293 : i32 to index
        %get3A_298 = tpu.vector_load %get3A_296[%get3A_297] {strides = array<i32>} : memref<320xi32, #tpu.memory_space<vmem>>, vector<16xi32>,
        %ne3A_299 = arith.constant 0 : i32
        %ne3A_300 = vector.broadcast %ne3A_299 : i32 to vector<16xi32>
        %ne3A_301 = arith.cmpi ne, %get3A_298, %ne3A_300 : vector<16xi32>
        %jit3A_302 = arith.constant 1.000000e+00 : f32
        %jit3A_303 = arith.constant 0.000000e+00 : f32
        %broadcast_in_dim3A_304 = vector.broadcast %jit3A_302 : f32 to vector<16xf32>
        %broadcast_in_dim3A_305 = vector.broadcast %jit3A_303 : f32 to vector<16xf32>
        %select_n3A_306 = arith.select %ne3A_301, %broadcast_in_dim3A_304, %broadcast_in_dim3A_305 : vector<16xi1>, vector<16xf32>
        %add3A_307 = arith.addf %add3A_273, %select_n3A_306 : vector<16xf32>
        %scan3A_308 = arith.constant 3 : i32
        %scan3A_309 = arith.addi %scan3A_209, %scan3A_308 : i32
        %mul3A_310 = arith.constant 16 : i32
        %mul3A_311 = arith.muli %scan3A_309, %mul3A_310 : i32
        %get3A_312 = arith.constant 0 : i32
        %get3A_313 = tpu.memref_slice %arg7[%scan3A_99, %get3A_312] : memref<2x320xi32, #tpu.memory_space<vmem>> -> memref<1x320xi32, #tpu.memory_space<vmem>>
        %get3A_314 = tpu.memref_squeeze %get3A_313 : memref<1x320xi32, #tpu.memory_space<vmem>> -> memref<320xi32, #tpu.memory_space<vmem>>
        %get3A_315 = arith.index_cast %mul3A_311 : i32 to index
        %get3A_316 = tpu.vector_load %get3A_314[%get3A_315] {strides = array<i32>} : memref<320xi32, #tpu.memory_space<vmem>>, vector<16xi32>,
        %ne3A_317 = arith.constant 0 : i32
        %ne3A_318 = vector.broadcast %ne3A_317 : i32 to vector<16xi32>
        %ne3A_319 = arith.cmpi ne, %get3A_316, %ne3A_318 : vector<16xi32>
        %jit3A_320 = arith.constant 1.000000e+00 : f32
        %jit3A_321 = arith.constant 0.000000e+00 : f32
        %broadcast_in_dim3A_322 = vector.broadcast %jit3A_320 : f32 to vector<16xf32>
        %broadcast_in_dim3A_323 = vector.broadcast %jit3A_321 : f32 to vector<16xf32>
        %select_n3A_324 = arith.select %ne3A_319, %broadcast_in_dim3A_322, %broadcast_in_dim3A_323 : vector<16xi1>, vector<16xf32>
        %add3A_325 = arith.addf %add3A_291, %select_n3A_324 : vector<16xf32>
        %mul3A_326 = arith.constant 16 : i32
        %mul3A_327 = arith.muli %scan3A_309, %mul3A_326 : i32
        %get3A_328 = arith.constant 0 : i32
        %get3A_329 = tpu.memref_slice %arg8[%scan3A_100, %get3A_328] : memref<2x320xi32, #tpu.memory_space<vmem>> -> memref<1x320xi32, #tpu.memory_space<vmem>>
        %get3A_330 = tpu.memref_squeeze %get3A_329 : memref<1x320xi32, #tpu.memory_space<vmem>> -> memref<320xi32, #tpu.memory_space<vmem>>
        %get3A_331 = arith.index_cast %mul3A_327 : i32 to index
        %get3A_332 = tpu.vector_load %get3A_330[%get3A_331] {strides = array<i32>} : memref<320xi32, #tpu.memory_space<vmem>>, vector<16xi32>,
        %ne3A_333 = arith.constant 0 : i32
        %ne3A_334 = vector.broadcast %ne3A_333 : i32 to vector<16xi32>
        %ne3A_335 = arith.cmpi ne, %get3A_332, %ne3A_334 : vector<16xi32>
        %jit3A_336 = arith.constant 1.000000e+00 : f32
        %jit3A_337 = arith.constant 0.000000e+00 : f32
        %broadcast_in_dim3A_338 = vector.broadcast %jit3A_336 : f32 to vector<16xf32>
        %broadcast_in_dim3A_339 = vector.broadcast %jit3A_337 : f32 to vector<16xf32>
        %select_n3A_340 = arith.select %ne3A_335, %broadcast_in_dim3A_338, %broadcast_in_dim3A_339 : vector<16xi1>, vector<16xf32>
        %add3A_341 = arith.addf %add3A_307, %select_n3A_340 : vector<16xf32>
        scf.yield %add3A_325, %add3A_341 : vector<16xf32>, vector<16xf32>
      }
      %scan3A_106 = arith.constant 20 : i32
      %mul3A_107 = arith.mulf %scan3A_105#0, %scan3A_105#1 : vector<16xf32>
      %scan3A_108 = arith.constant 0 : i32
      %scan3A_109 = arith.constant 0 : i32
      %scan3A_110 = arith.constant 0 : i32
      %scan3A_111 = arith.constant 0 : i32
      %scan3A_112 = arith.constant 16 : i32
      %scan3A_113 = arith.addi %scan3A_111, %scan3A_112 : i32
      %scan3A_114 = arith.constant 1 : i32
      %scan3A_115 = scf.for %scan3A_209 = %scan3A_111 to %scan3A_113 step %scan3A_114 iter_args(%scan3A_210 = %broadcast_in_dim3A_1) -> (vector<16xf32>)  : i32 {
        %scan3A_211 = arith.constant 0 : i32
        %scan3A_212 = arith.constant 20 : i32
        %scan3A_213 = arith.addi %scan3A_211, %scan3A_212 : i32
        %scan3A_214 = arith.constant 4 : i32
        %scan3A_215:8 = scf.for %scan3A_261 = %scan3A_211 to %scan3A_213 step %scan3A_214 iter_args(%scan3A_262 = %broadcast_in_dim3A_1, %scan3A_263 = %broadcast_in_dim3A_1, %scan3A_264 = %broadcast_in_dim3A_1, %scan3A_265 = %broadcast_in_dim3A_1, %scan3A_266 = %broadcast_in_dim3A_1, %scan3A_267 = %broadcast_in_dim3A_1, %scan3A_268 = %broadcast_in_dim3A_1, %scan3A_269 = %broadcast_in_dim3A_1) -> (vector<16xf32>, vector<16xf32>, vector<16xf32>, vector<16xf32>, vector<16xf32>, vector<16xf32>, vector<16xf32>, vector<16xf32>)  : i32 {
          %mul3A_270 = arith.constant 16 : i32
          %mul3A_271 = arith.muli %scan3A_261, %mul3A_270 : i32
          %add3A_272 = arith.addi %mul3A_271, %scan3A_209 : i32
          %get3A_273 = arith.constant 0 : i32
          %get3A_274 = arith.constant 0 : i32
          %get3A_275 = tpu.memref_slice %arg10[%scan3A_108, %get3A_273, %get3A_274] : memref<2x320x64xf32, #tpu.memory_space<vmem>> -> memref<1x320x64xf32, #tpu.memory_space<vmem>>
          %get3A_276 = tpu.memref_squeeze %get3A_275 : memref<1x320x64xf32, #tpu.memory_space<vmem>> -> memref<320x64xf32, #tpu.memory_space<vmem>>
          %get3A_277 = arith.index_cast %add3A_272 : i32 to index
          %get3A_278 = arith.constant 0 : index
          %get3A_279 = tpu.vector_load %get3A_276[%get3A_277, %get3A_278] {strides = array<i32>} : memref<320x64xf32, #tpu.memory_space<vmem>>, vector<16xf32>,
          %add3A_280 = arith.addf %scan3A_262, %get3A_279 : vector<16xf32>
          %get3A_281 = arith.constant 0 : i32
          %get3A_282 = arith.constant 0 : i32
          %get3A_283 = tpu.memref_slice %arg11[%scan3A_109, %get3A_281, %get3A_282] : memref<2x320x64xf32, #tpu.memory_space<vmem>> -> memref<1x320x64xf32, #tpu.memory_space<vmem>>
          %get3A_284 = tpu.memref_squeeze %get3A_283 : memref<1x320x64xf32, #tpu.memory_space<vmem>> -> memref<320x64xf32, #tpu.memory_space<vmem>>
          %get3A_285 = arith.index_cast %add3A_272 : i32 to index
          %get3A_286 = arith.constant 0 : index
          %get3A_287 = tpu.vector_load %get3A_284[%get3A_285, %get3A_286] {strides = array<i32>} : memref<320x64xf32, #tpu.memory_space<vmem>>, vector<16xf32>,
          %add3A_288 = arith.addf %scan3A_266, %get3A_287 : vector<16xf32>
          %get3A_289 = arith.constant 0 : i32
          %get3A_290 = arith.constant 0 : i32
          %get3A_291 = tpu.memref_slice %arg10[%scan3A_108, %get3A_289, %get3A_290] : memref<2x320x64xf32, #tpu.memory_space<vmem>> -> memref<1x320x64xf32, #tpu.memory_space<vmem>>
          %get3A_292 = tpu.memref_squeeze %get3A_291 : memref<1x320x64xf32, #tpu.memory_space<vmem>> -> memref<320x64xf32, #tpu.memory_space<vmem>>
          %get3A_293 = arith.index_cast %add3A_272 : i32 to index
          %get3A_294 = arith.constant 16 : index
          %get3A_295 = tpu.vector_load %get3A_292[%get3A_293, %get3A_294] {strides = array<i32>} : memref<320x64xf32, #tpu.memory_space<vmem>>, vector<16xf32>,
          %add3A_296 = arith.addf %scan3A_263, %get3A_295 : vector<16xf32>
          %get3A_297 = arith.constant 0 : i32
          %get3A_298 = arith.constant 0 : i32
          %get3A_299 = tpu.memref_slice %arg11[%scan3A_109, %get3A_297, %get3A_298] : memref<2x320x64xf32, #tpu.memory_space<vmem>> -> memref<1x320x64xf32, #tpu.memory_space<vmem>>
          %get3A_300 = tpu.memref_squeeze %get3A_299 : memref<1x320x64xf32, #tpu.memory_space<vmem>> -> memref<320x64xf32, #tpu.memory_space<vmem>>
          %get3A_301 = arith.index_cast %add3A_272 : i32 to index
          %get3A_302 = arith.constant 16 : index
          %get3A_303 = tpu.vector_load %get3A_300[%get3A_301, %get3A_302] {strides = array<i32>} : memref<320x64xf32, #tpu.memory_space<vmem>>, vector<16xf32>,
          %add3A_304 = arith.addf %scan3A_267, %get3A_303 : vector<16xf32>
          %get3A_305 = arith.constant 0 : i32
          %get3A_306 = arith.constant 0 : i32
          %get3A_307 = tpu.memref_slice %arg10[%scan3A_108, %get3A_305, %get3A_306] : memref<2x320x64xf32, #tpu.memory_space<vmem>> -> memref<1x320x64xf32, #tpu.memory_space<vmem>>
          %get3A_308 = tpu.memref_squeeze %get3A_307 : memref<1x320x64xf32, #tpu.memory_space<vmem>> -> memref<320x64xf32, #tpu.memory_space<vmem>>
          %get3A_309 = arith.index_cast %add3A_272 : i32 to index
          %get3A_310 = arith.constant 32 : index
          %get3A_311 = tpu.vector_load %get3A_308[%get3A_309, %get3A_310] {strides = array<i32>} : memref<320x64xf32, #tpu.memory_space<vmem>>, vector<16xf32>,
          %add3A_312 = arith.addf %scan3A_264, %get3A_311 : vector<16xf32>
          %get3A_313 = arith.constant 0 : i32
          %get3A_314 = arith.constant 0 : i32
          %get3A_315 = tpu.memref_slice %arg11[%scan3A_109, %get3A_313, %get3A_314] : memref<2x320x64xf32, #tpu.memory_space<vmem>> -> memref<1x320x64xf32, #tpu.memory_space<vmem>>
          %get3A_316 = tpu.memref_squeeze %get3A_315 : memref<1x320x64xf32, #tpu.memory_space<vmem>> -> memref<320x64xf32, #tpu.memory_space<vmem>>
          %get3A_317 = arith.index_cast %add3A_272 : i32 to index
          %get3A_318 = arith.constant 32 : index
          %get3A_319 = tpu.vector_load %get3A_316[%get3A_317, %get3A_318] {strides = array<i32>} : memref<320x64xf32, #tpu.memory_space<vmem>>, vector<16xf32>,
          %add3A_320 = arith.addf %scan3A_268, %get3A_319 : vector<16xf32>
          %get3A_321 = arith.constant 0 : i32
          %get3A_322 = arith.constant 0 : i32
          %get3A_323 = tpu.memref_slice %arg10[%scan3A_108, %get3A_321, %get3A_322] : memref<2x320x64xf32, #tpu.memory_space<vmem>> -> memref<1x320x64xf32, #tpu.memory_space<vmem>>
          %get3A_324 = tpu.memref_squeeze %get3A_323 : memref<1x320x64xf32, #tpu.memory_space<vmem>> -> memref<320x64xf32, #tpu.memory_space<vmem>>
          %get3A_325 = arith.index_cast %add3A_272 : i32 to index
          %get3A_326 = arith.constant 48 : index
          %get3A_327 = tpu.vector_load %get3A_324[%get3A_325, %get3A_326] {strides = array<i32>} : memref<320x64xf32, #tpu.memory_space<vmem>>, vector<16xf32>,
          %add3A_328 = arith.addf %scan3A_265, %get3A_327 : vector<16xf32>
          %get3A_329 = arith.constant 0 : i32
          %get3A_330 = arith.constant 0 : i32
          %get3A_331 = tpu.memref_slice %arg11[%scan3A_109, %get3A_329, %get3A_330] : memref<2x320x64xf32, #tpu.memory_space<vmem>> -> memref<1x320x64xf32, #tpu.memory_space<vmem>>
          %get3A_332 = tpu.memref_squeeze %get3A_331 : memref<1x320x64xf32, #tpu.memory_space<vmem>> -> memref<320x64xf32, #tpu.memory_space<vmem>>
          %get3A_333 = arith.index_cast %add3A_272 : i32 to index
          %get3A_334 = arith.constant 48 : index
          %get3A_335 = tpu.vector_load %get3A_332[%get3A_333, %get3A_334] {strides = array<i32>} : memref<320x64xf32, #tpu.memory_space<vmem>>, vector<16xf32>,
          %add3A_336 = arith.addf %scan3A_269, %get3A_335 : vector<16xf32>
          %scan3A_337 = arith.constant 1 : i32
          %scan3A_338 = arith.addi %scan3A_261, %scan3A_337 : i32
          %mul3A_339 = arith.constant 16 : i32
          %mul3A_340 = arith.muli %scan3A_338, %mul3A_339 : i32
          %add3A_341 = arith.addi %mul3A_340, %scan3A_209 : i32
          %get3A_342 = arith.constant 0 : i32
          %get3A_343 = arith.constant 0 : i32
          %get3A_344 = tpu.memref_slice %arg10[%scan3A_108, %get3A_342, %get3A_343] : memref<2x320x64xf32, #tpu.memory_space<vmem>> -> memref<1x320x64xf32, #tpu.memory_space<vmem>>
          %get3A_345 = tpu.memref_squeeze %get3A_344 : memref<1x320x64xf32, #tpu.memory_space<vmem>> -> memref<320x64xf32, #tpu.memory_space<vmem>>
          %get3A_346 = arith.index_cast %add3A_341 : i32 to index
          %get3A_347 = arith.constant 0 : index
          %get3A_348 = tpu.vector_load %get3A_345[%get3A_346, %get3A_347] {strides = array<i32>} : memref<320x64xf32, #tpu.memory_space<vmem>>, vector<16xf32>,
          %add3A_349 = arith.addf %add3A_280, %get3A_348 : vector<16xf32>
          %get3A_350 = arith.constant 0 : i32
          %get3A_351 = arith.constant 0 : i32
          %get3A_352 = tpu.memref_slice %arg11[%scan3A_109, %get3A_350, %get3A_351] : memref<2x320x64xf32, #tpu.memory_space<vmem>> -> memref<1x320x64xf32, #tpu.memory_space<vmem>>
          %get3A_353 = tpu.memref_squeeze %get3A_352 : memref<1x320x64xf32, #tpu.memory_space<vmem>> -> memref<320x64xf32, #tpu.memory_space<vmem>>
          %get3A_354 = arith.index_cast %add3A_341 : i32 to index
          %get3A_355 = arith.constant 0 : index
          %get3A_356 = tpu.vector_load %get3A_353[%get3A_354, %get3A_355] {strides = array<i32>} : memref<320x64xf32, #tpu.memory_space<vmem>>, vector<16xf32>,
          %add3A_357 = arith.addf %add3A_288, %get3A_356 : vector<16xf32>
          %get3A_358 = arith.constant 0 : i32
          %get3A_359 = arith.constant 0 : i32
          %get3A_360 = tpu.memref_slice %arg10[%scan3A_108, %get3A_358, %get3A_359] : memref<2x320x64xf32, #tpu.memory_space<vmem>> -> memref<1x320x64xf32, #tpu.memory_space<vmem>>
          %get3A_361 = tpu.memref_squeeze %get3A_360 : memref<1x320x64xf32, #tpu.memory_space<vmem>> -> memref<320x64xf32, #tpu.memory_space<vmem>>
          %get3A_362 = arith.index_cast %add3A_341 : i32 to index
          %get3A_363 = arith.constant 16 : index
          %get3A_364 = tpu.vector_load %get3A_361[%get3A_362, %get3A_363] {strides = array<i32>} : memref<320x64xf32, #tpu.memory_space<vmem>>, vector<16xf32>,
          %add3A_365 = arith.addf %add3A_296, %get3A_364 : vector<16xf32>
          %get3A_366 = arith.constant 0 : i32
          %get3A_367 = arith.constant 0 : i32
          %get3A_368 = tpu.memref_slice %arg11[%scan3A_109, %get3A_366, %get3A_367] : memref<2x320x64xf32, #tpu.memory_space<vmem>> -> memref<1x320x64xf32, #tpu.memory_space<vmem>>
          %get3A_369 = tpu.memref_squeeze %get3A_368 : memref<1x320x64xf32, #tpu.memory_space<vmem>> -> memref<320x64xf32, #tpu.memory_space<vmem>>
          %get3A_370 = arith.index_cast %add3A_341 : i32 to index
          %get3A_371 = arith.constant 16 : index
          %get3A_372 = tpu.vector_load %get3A_369[%get3A_370, %get3A_371] {strides = array<i32>} : memref<320x64xf32, #tpu.memory_space<vmem>>, vector<16xf32>,
          %add3A_373 = arith.addf %add3A_304, %get3A_372 : vector<16xf32>
          %get3A_374 = arith.constant 0 : i32
          %get3A_375 = arith.constant 0 : i32
          %get3A_376 = tpu.memref_slice %arg10[%scan3A_108, %get3A_374, %get3A_375] : memref<2x320x64xf32, #tpu.memory_space<vmem>> -> memref<1x320x64xf32, #tpu.memory_space<vmem>>
          %get3A_377 = tpu.memref_squeeze %get3A_376 : memref<1x320x64xf32, #tpu.memory_space<vmem>> -> memref<320x64xf32, #tpu.memory_space<vmem>>
          %get3A_378 = arith.index_cast %add3A_341 : i32 to index
          %get3A_379 = arith.constant 32 : index
          %get3A_380 = tpu.vector_load %get3A_377[%get3A_378, %get3A_379] {strides = array<i32>} : memref<320x64xf32, #tpu.memory_space<vmem>>, vector<16xf32>,
          %add3A_381 = arith.addf %add3A_312, %get3A_380 : vector<16xf32>
          %get3A_382 = arith.constant 0 : i32
          %get3A_383 = arith.constant 0 : i32
          %get3A_384 = tpu.memref_slice %arg11[%scan3A_109, %get3A_382, %get3A_383] : memref<2x320x64xf32, #tpu.memory_space<vmem>> -> memref<1x320x64xf32, #tpu.memory_space<vmem>>
          %get3A_385 = tpu.memref_squeeze %get3A_384 : memref<1x320x64xf32, #tpu.memory_space<vmem>> -> memref<320x64xf32, #tpu.memory_space<vmem>>
          %get3A_386 = arith.index_cast %add3A_341 : i32 to index
          %get3A_387 = arith.constant 32 : index
          %get3A_388 = tpu.vector_load %get3A_385[%get3A_386, %get3A_387] {strides = array<i32>} : memref<320x64xf32, #tpu.memory_space<vmem>>, vector<16xf32>,
          %add3A_389 = arith.addf %add3A_320, %get3A_388 : vector<16xf32>
          %get3A_390 = arith.constant 0 : i32
          %get3A_391 = arith.constant 0 : i32
          %get3A_392 = tpu.memref_slice %arg10[%scan3A_108, %get3A_390, %get3A_391] : memref<2x320x64xf32, #tpu.memory_space<vmem>> -> memref<1x320x64xf32, #tpu.memory_space<vmem>>
          %get3A_393 = tpu.memref_squeeze %get3A_392 : memref<1x320x64xf32, #tpu.memory_space<vmem>> -> memref<320x64xf32, #tpu.memory_space<vmem>>
          %get3A_394 = arith.index_cast %add3A_341 : i32 to index
          %get3A_395 = arith.constant 48 : index
          %get3A_396 = tpu.vector_load %get3A_393[%get3A_394, %get3A_395] {strides = array<i32>} : memref<320x64xf32, #tpu.memory_space<vmem>>, vector<16xf32>,
          %add3A_397 = arith.addf %add3A_328, %get3A_396 : vector<16xf32>
          %get3A_398 = arith.constant 0 : i32
          %get3A_399 = arith.constant 0 : i32
          %get3A_400 = tpu.memref_slice %arg11[%scan3A_109, %get3A_398, %get3A_399] : memref<2x320x64xf32, #tpu.memory_space<vmem>> -> memref<1x320x64xf32, #tpu.memory_space<vmem>>
          %get3A_401 = tpu.memref_squeeze %get3A_400 : memref<1x320x64xf32, #tpu.memory_space<vmem>> -> memref<320x64xf32, #tpu.memory_space<vmem>>
          %get3A_402 = arith.index_cast %add3A_341 : i32 to index
          %get3A_403 = arith.constant 48 : index
          %get3A_404 = tpu.vector_load %get3A_401[%get3A_402, %get3A_403] {strides = array<i32>} : memref<320x64xf32, #tpu.memory_space<vmem>>, vector<16xf32>,
          %add3A_405 = arith.addf %add3A_336, %get3A_404 : vector<16xf32>
          %scan3A_406 = arith.constant 2 : i32
          %scan3A_407 = arith.addi %scan3A_261, %scan3A_406 : i32
          %mul3A_408 = arith.constant 16 : i32
          %mul3A_409 = arith.muli %scan3A_407, %mul3A_408 : i32
          %add3A_410 = arith.addi %mul3A_409, %scan3A_209 : i32
          %get3A_411 = arith.constant 0 : i32
          %get3A_412 = arith.constant 0 : i32
          %get3A_413 = tpu.memref_slice %arg10[%scan3A_108, %get3A_411, %get3A_412] : memref<2x320x64xf32, #tpu.memory_space<vmem>> -> memref<1x320x64xf32, #tpu.memory_space<vmem>>
          %get3A_414 = tpu.memref_squeeze %get3A_413 : memref<1x320x64xf32, #tpu.memory_space<vmem>> -> memref<320x64xf32, #tpu.memory_space<vmem>>
          %get3A_415 = arith.index_cast %add3A_410 : i32 to index
          %get3A_416 = arith.constant 0 : index
          %get3A_417 = tpu.vector_load %get3A_414[%get3A_415, %get3A_416] {strides = array<i32>} : memref<320x64xf32, #tpu.memory_space<vmem>>, vector<16xf32>,
          %add3A_418 = arith.addf %add3A_349, %get3A_417 : vector<16xf32>
          %get3A_419 = arith.constant 0 : i32
          %get3A_420 = arith.constant 0 : i32
          %get3A_421 = tpu.memref_slice %arg11[%scan3A_109, %get3A_419, %get3A_420] : memref<2x320x64xf32, #tpu.memory_space<vmem>> -> memref<1x320x64xf32, #tpu.memory_space<vmem>>
          %get3A_422 = tpu.memref_squeeze %get3A_421 : memref<1x320x64xf32, #tpu.memory_space<vmem>> -> memref<320x64xf32, #tpu.memory_space<vmem>>
          %get3A_423 = arith.index_cast %add3A_410 : i32 to index
          %get3A_424 = arith.constant 0 : index
          %get3A_425 = tpu.vector_load %get3A_422[%get3A_423, %get3A_424] {strides = array<i32>} : memref<320x64xf32, #tpu.memory_space<vmem>>, vector<16xf32>,
          %add3A_426 = arith.addf %add3A_357, %get3A_425 : vector<16xf32>
          %get3A_427 = arith.constant 0 : i32
          %get3A_428 = arith.constant 0 : i32
          %get3A_429 = tpu.memref_slice %arg10[%scan3A_108, %get3A_427, %get3A_428] : memref<2x320x64xf32, #tpu.memory_space<vmem>> -> memref<1x320x64xf32, #tpu.memory_space<vmem>>
          %get3A_430 = tpu.memref_squeeze %get3A_429 : memref<1x320x64xf32, #tpu.memory_space<vmem>> -> memref<320x64xf32, #tpu.memory_space<vmem>>
          %get3A_431 = arith.index_cast %add3A_410 : i32 to index
          %get3A_432 = arith.constant 16 : index
          %get3A_433 = tpu.vector_load %get3A_430[%get3A_431, %get3A_432] {strides = array<i32>} : memref<320x64xf32, #tpu.memory_space<vmem>>, vector<16xf32>,
          %add3A_434 = arith.addf %add3A_365, %get3A_433 : vector<16xf32>
          %get3A_435 = arith.constant 0 : i32
          %get3A_436 = arith.constant 0 : i32
          %get3A_437 = tpu.memref_slice %arg11[%scan3A_109, %get3A_435, %get3A_436] : memref<2x320x64xf32, #tpu.memory_space<vmem>> -> memref<1x320x64xf32, #tpu.memory_space<vmem>>
          %get3A_438 = tpu.memref_squeeze %get3A_437 : memref<1x320x64xf32, #tpu.memory_space<vmem>> -> memref<320x64xf32, #tpu.memory_space<vmem>>
          %get3A_439 = arith.index_cast %add3A_410 : i32 to index
          %get3A_440 = arith.constant 16 : index
          %get3A_441 = tpu.vector_load %get3A_438[%get3A_439, %get3A_440] {strides = array<i32>} : memref<320x64xf32, #tpu.memory_space<vmem>>, vector<16xf32>,
          %add3A_442 = arith.addf %add3A_373, %get3A_441 : vector<16xf32>
          %get3A_443 = arith.constant 0 : i32
          %get3A_444 = arith.constant 0 : i32
          %get3A_445 = tpu.memref_slice %arg10[%scan3A_108, %get3A_443, %get3A_444] : memref<2x320x64xf32, #tpu.memory_space<vmem>> -> memref<1x320x64xf32, #tpu.memory_space<vmem>>
          %get3A_446 = tpu.memref_squeeze %get3A_445 : memref<1x320x64xf32, #tpu.memory_space<vmem>> -> memref<320x64xf32, #tpu.memory_space<vmem>>
          %get3A_447 = arith.index_cast %add3A_410 : i32 to index
          %get3A_448 = arith.constant 32 : index
          %get3A_449 = tpu.vector_load %get3A_446[%get3A_447, %get3A_448] {strides = array<i32>} : memref<320x64xf32, #tpu.memory_space<vmem>>, vector<16xf32>,
          %add3A_450 = arith.addf %add3A_381, %get3A_449 : vector<16xf32>
          %get3A_451 = arith.constant 0 : i32
          %get3A_452 = arith.constant 0 : i32
          %get3A_453 = tpu.memref_slice %arg11[%scan3A_109, %get3A_451, %get3A_452] : memref<2x320x64xf32, #tpu.memory_space<vmem>> -> memref<1x320x64xf32, #tpu.memory_space<vmem>>
          %get3A_454 = tpu.memref_squeeze %get3A_453 : memref<1x320x64xf32, #tpu.memory_space<vmem>> -> memref<320x64xf32, #tpu.memory_space<vmem>>
          %get3A_455 = arith.index_cast %add3A_410 : i32 to index
          %get3A_456 = arith.constant 32 : index
          %get3A_457 = tpu.vector_load %get3A_454[%get3A_455, %get3A_456] {strides = array<i32>} : memref<320x64xf32, #tpu.memory_space<vmem>>, vector<16xf32>,
          %add3A_458 = arith.addf %add3A_389, %get3A_457 : vector<16xf32>
          %get3A_459 = arith.constant 0 : i32
          %get3A_460 = arith.constant 0 : i32
          %get3A_461 = tpu.memref_slice %arg10[%scan3A_108, %get3A_459, %get3A_460] : memref<2x320x64xf32, #tpu.memory_space<vmem>> -> memref<1x320x64xf32, #tpu.memory_space<vmem>>
          %get3A_462 = tpu.memref_squeeze %get3A_461 : memref<1x320x64xf32, #tpu.memory_space<vmem>> -> memref<320x64xf32, #tpu.memory_space<vmem>>
          %get3A_463 = arith.index_cast %add3A_410 : i32 to index
          %get3A_464 = arith.constant 48 : index
          %get3A_465 = tpu.vector_load %get3A_462[%get3A_463, %get3A_464] {strides = array<i32>} : memref<320x64xf32, #tpu.memory_space<vmem>>, vector<16xf32>,
          %add3A_466 = arith.addf %add3A_397, %get3A_465 : vector<16xf32>
          %get3A_467 = arith.constant 0 : i32
          %get3A_468 = arith.constant 0 : i32
          %get3A_469 = tpu.memref_slice %arg11[%scan3A_109, %get3A_467, %get3A_468] : memref<2x320x64xf32, #tpu.memory_space<vmem>> -> memref<1x320x64xf32, #tpu.memory_space<vmem>>
          %get3A_470 = tpu.memref_squeeze %get3A_469 : memref<1x320x64xf32, #tpu.memory_space<vmem>> -> memref<320x64xf32, #tpu.memory_space<vmem>>
          %get3A_471 = arith.index_cast %add3A_410 : i32 to index
          %get3A_472 = arith.constant 48 : index
          %get3A_473 = tpu.vector_load %get3A_470[%get3A_471, %get3A_472] {strides = array<i32>} : memref<320x64xf32, #tpu.memory_space<vmem>>, vector<16xf32>,
          %add3A_474 = arith.addf %add3A_405, %get3A_473 : vector<16xf32>
          %scan3A_475 = arith.constant 3 : i32
          %scan3A_476 = arith.addi %scan3A_261, %scan3A_475 : i32
          %mul3A_477 = arith.constant 16 : i32
          %mul3A_478 = arith.muli %scan3A_476, %mul3A_477 : i32
          %add3A_479 = arith.addi %mul3A_478, %scan3A_209 : i32
          %get3A_480 = arith.constant 0 : i32
          %get3A_481 = arith.constant 0 : i32
          %get3A_482 = tpu.memref_slice %arg10[%scan3A_108, %get3A_480, %get3A_481] : memref<2x320x64xf32, #tpu.memory_space<vmem>> -> memref<1x320x64xf32, #tpu.memory_space<vmem>>
          %get3A_483 = tpu.memref_squeeze %get3A_482 : memref<1x320x64xf32, #tpu.memory_space<vmem>> -> memref<320x64xf32, #tpu.memory_space<vmem>>
          %get3A_484 = arith.index_cast %add3A_479 : i32 to index
          %get3A_485 = arith.constant 0 : index
          %get3A_486 = tpu.vector_load %get3A_483[%get3A_484, %get3A_485] {strides = array<i32>} : memref<320x64xf32, #tpu.memory_space<vmem>>, vector<16xf32>,
          %add3A_487 = arith.addf %add3A_418, %get3A_486 : vector<16xf32>
          %get3A_488 = arith.constant 0 : i32
          %get3A_489 = arith.constant 0 : i32
          %get3A_490 = tpu.memref_slice %arg11[%scan3A_109, %get3A_488, %get3A_489] : memref<2x320x64xf32, #tpu.memory_space<vmem>> -> memref<1x320x64xf32, #tpu.memory_space<vmem>>
          %get3A_491 = tpu.memref_squeeze %get3A_490 : memref<1x320x64xf32, #tpu.memory_space<vmem>> -> memref<320x64xf32, #tpu.memory_space<vmem>>
          %get3A_492 = arith.index_cast %add3A_479 : i32 to index
          %get3A_493 = arith.constant 0 : index
          %get3A_494 = tpu.vector_load %get3A_491[%get3A_492, %get3A_493] {strides = array<i32>} : memref<320x64xf32, #tpu.memory_space<vmem>>, vector<16xf32>,
          %add3A_495 = arith.addf %add3A_426, %get3A_494 : vector<16xf32>
          %get3A_496 = arith.constant 0 : i32
          %get3A_497 = arith.constant 0 : i32
          %get3A_498 = tpu.memref_slice %arg10[%scan3A_108, %get3A_496, %get3A_497] : memref<2x320x64xf32, #tpu.memory_space<vmem>> -> memref<1x320x64xf32, #tpu.memory_space<vmem>>
          %get3A_499 = tpu.memref_squeeze %get3A_498 : memref<1x320x64xf32, #tpu.memory_space<vmem>> -> memref<320x64xf32, #tpu.memory_space<vmem>>
          %get3A_500 = arith.index_cast %add3A_479 : i32 to index
          %get3A_501 = arith.constant 16 : index
          %get3A_502 = tpu.vector_load %get3A_499[%get3A_500, %get3A_501] {strides = array<i32>} : memref<320x64xf32, #tpu.memory_space<vmem>>, vector<16xf32>,
          %add3A_503 = arith.addf %add3A_434, %get3A_502 : vector<16xf32>
          %get3A_504 = arith.constant 0 : i32
          %get3A_505 = arith.constant 0 : i32
          %get3A_506 = tpu.memref_slice %arg11[%scan3A_109, %get3A_504, %get3A_505] : memref<2x320x64xf32, #tpu.memory_space<vmem>> -> memref<1x320x64xf32, #tpu.memory_space<vmem>>
          %get3A_507 = tpu.memref_squeeze %get3A_506 : memref<1x320x64xf32, #tpu.memory_space<vmem>> -> memref<320x64xf32, #tpu.memory_space<vmem>>
          %get3A_508 = arith.index_cast %add3A_479 : i32 to index
          %get3A_509 = arith.constant 16 : index
          %get3A_510 = tpu.vector_load %get3A_507[%get3A_508, %get3A_509] {strides = array<i32>} : memref<320x64xf32, #tpu.memory_space<vmem>>, vector<16xf32>,
          %add3A_511 = arith.addf %add3A_442, %get3A_510 : vector<16xf32>
          %get3A_512 = arith.constant 0 : i32
          %get3A_513 = arith.constant 0 : i32
          %get3A_514 = tpu.memref_slice %arg10[%scan3A_108, %get3A_512, %get3A_513] : memref<2x320x64xf32, #tpu.memory_space<vmem>> -> memref<1x320x64xf32, #tpu.memory_space<vmem>>
          %get3A_515 = tpu.memref_squeeze %get3A_514 : memref<1x320x64xf32, #tpu.memory_space<vmem>> -> memref<320x64xf32, #tpu.memory_space<vmem>>
          %get3A_516 = arith.index_cast %add3A_479 : i32 to index
          %get3A_517 = arith.constant 32 : index
          %get3A_518 = tpu.vector_load %get3A_515[%get3A_516, %get3A_517] {strides = array<i32>} : memref<320x64xf32, #tpu.memory_space<vmem>>, vector<16xf32>,
          %add3A_519 = arith.addf %add3A_450, %get3A_518 : vector<16xf32>
          %get3A_520 = arith.constant 0 : i32
          %get3A_521 = arith.constant 0 : i32
          %get3A_522 = tpu.memref_slice %arg11[%scan3A_109, %get3A_520, %get3A_521] : memref<2x320x64xf32, #tpu.memory_space<vmem>> -> memref<1x320x64xf32, #tpu.memory_space<vmem>>
          %get3A_523 = tpu.memref_squeeze %get3A_522 : memref<1x320x64xf32, #tpu.memory_space<vmem>> -> memref<320x64xf32, #tpu.memory_space<vmem>>
          %get3A_524 = arith.index_cast %add3A_479 : i32 to index
          %get3A_525 = arith.constant 32 : index
          %get3A_526 = tpu.vector_load %get3A_523[%get3A_524, %get3A_525] {strides = array<i32>} : memref<320x64xf32, #tpu.memory_space<vmem>>, vector<16xf32>,
          %add3A_527 = arith.addf %add3A_458, %get3A_526 : vector<16xf32>
          %get3A_528 = arith.constant 0 : i32
          %get3A_529 = arith.constant 0 : i32
          %get3A_530 = tpu.memref_slice %arg10[%scan3A_108, %get3A_528, %get3A_529] : memref<2x320x64xf32, #tpu.memory_space<vmem>> -> memref<1x320x64xf32, #tpu.memory_space<vmem>>
          %get3A_531 = tpu.memref_squeeze %get3A_530 : memref<1x320x64xf32, #tpu.memory_space<vmem>> -> memref<320x64xf32, #tpu.memory_space<vmem>>
          %get3A_532 = arith.index_cast %add3A_479 : i32 to index
          %get3A_533 = arith.constant 48 : index
          %get3A_534 = tpu.vector_load %get3A_531[%get3A_532, %get3A_533] {strides = array<i32>} : memref<320x64xf32, #tpu.memory_space<vmem>>, vector<16xf32>,
          %add3A_535 = arith.addf %add3A_466, %get3A_534 : vector<16xf32>
          %get3A_536 = arith.constant 0 : i32
          %get3A_537 = arith.constant 0 : i32
          %get3A_538 = tpu.memref_slice %arg11[%scan3A_109, %get3A_536, %get3A_537] : memref<2x320x64xf32, #tpu.memory_space<vmem>> -> memref<1x320x64xf32, #tpu.memory_space<vmem>>
          %get3A_539 = tpu.memref_squeeze %get3A_538 : memref<1x320x64xf32, #tpu.memory_space<vmem>> -> memref<320x64xf32, #tpu.memory_space<vmem>>
          %get3A_540 = arith.index_cast %add3A_479 : i32 to index
          %get3A_541 = arith.constant 48 : index
          %get3A_542 = tpu.vector_load %get3A_539[%get3A_540, %get3A_541] {strides = array<i32>} : memref<320x64xf32, #tpu.memory_space<vmem>>, vector<16xf32>,
          %add3A_543 = arith.addf %add3A_474, %get3A_542 : vector<16xf32>
          scf.yield %add3A_487, %add3A_503, %add3A_519, %add3A_535, %add3A_495, %add3A_511, %add3A_527, %add3A_543 : vector<16xf32>, vector<16xf32>, vector<16xf32>, vector<16xf32>, vector<16xf32>, vector<16xf32>, vector<16xf32>, vector<16xf32>
        }
        %scan3A_216 = arith.constant 20 : i32
        %get3A = arith.constant 0 : i32
        %get3A_217 = arith.constant 0 : i32
        %get3A_218 = tpu.memref_slice %arg12[%scan3A_110, %get3A, %get3A_217] : memref<2x16x64xf32, #tpu.memory_space<vmem>> -> memref<1x16x64xf32, #tpu.memory_space<vmem>>
        %get3A_219 = tpu.memref_squeeze %get3A_218 : memref<1x16x64xf32, #tpu.memory_space<vmem>> -> memref<16x64xf32, #tpu.memory_space<vmem>>
        %get3A_220 = arith.index_cast %scan3A_209 : i32 to index
        %get3A_221 = arith.constant 0 : index
        %get3A_222 = tpu.vector_load %get3A_219[%get3A_220, %get3A_221] {strides = array<i32>} : memref<16x64xf32, #tpu.memory_space<vmem>>, vector<16xf32>,
        %mul3A_223 = arith.mulf %scan3A_215#0, %get3A_222 : vector<16xf32>
        %mul3A_224 = arith.mulf %mul3A_223, %scan3A_215#4 : vector<16xf32>
        %add3A_225 = arith.addf %broadcast_in_dim3A_1, %mul3A_224 : vector<16xf32>
        %get3A_226 = arith.constant 0 : i32
        %get3A_227 = arith.constant 0 : i32
        %get3A_228 = tpu.memref_slice %arg12[%scan3A_110, %get3A_226, %get3A_227] : memref<2x16x64xf32, #tpu.memory_space<vmem>> -> memref<1x16x64xf32, #tpu.memory_space<vmem>>
        %get3A_229 = tpu.memref_squeeze %get3A_228 : memref<1x16x64xf32, #tpu.memory_space<vmem>> -> memref<16x64xf32, #tpu.memory_space<vmem>>
        %get3A_230 = arith.index_cast %scan3A_209 : i32 to index
        %get3A_231 = arith.constant 16 : index
        %get3A_232 = tpu.vector_load %get3A_229[%get3A_230, %get3A_231] {strides = array<i32>} : memref<16x64xf32, #tpu.memory_space<vmem>>, vector<16xf32>,
        %mul3A_233 = arith.mulf %scan3A_215#1, %get3A_232 : vector<16xf32>
        %mul3A_234 = arith.mulf %mul3A_233, %scan3A_215#5 : vector<16xf32>
        %add3A_235 = arith.addf %add3A_225, %mul3A_234 : vector<16xf32>
        %get3A_236 = arith.constant 0 : i32
        %get3A_237 = arith.constant 0 : i32
        %get3A_238 = tpu.memref_slice %arg12[%scan3A_110, %get3A_236, %get3A_237] : memref<2x16x64xf32, #tpu.memory_space<vmem>> -> memref<1x16x64xf32, #tpu.memory_space<vmem>>
        %get3A_239 = tpu.memref_squeeze %get3A_238 : memref<1x16x64xf32, #tpu.memory_space<vmem>> -> memref<16x64xf32, #tpu.memory_space<vmem>>
        %get3A_240 = arith.index_cast %scan3A_209 : i32 to index
        %get3A_241 = arith.constant 32 : index
        %get3A_242 = tpu.vector_load %get3A_239[%get3A_240, %get3A_241] {strides = array<i32>} : memref<16x64xf32, #tpu.memory_space<vmem>>, vector<16xf32>,
        %mul3A_243 = arith.mulf %scan3A_215#2, %get3A_242 : vector<16xf32>
        %mul3A_244 = arith.mulf %mul3A_243, %scan3A_215#6 : vector<16xf32>
        %add3A_245 = arith.addf %add3A_235, %mul3A_244 : vector<16xf32>
        %get3A_246 = arith.constant 0 : i32
        %get3A_247 = arith.constant 0 : i32
        %get3A_248 = tpu.memref_slice %arg12[%scan3A_110, %get3A_246, %get3A_247] : memref<2x16x64xf32, #tpu.memory_space<vmem>> -> memref<1x16x64xf32, #tpu.memory_space<vmem>>
        %get3A_249 = tpu.memref_squeeze %get3A_248 : memref<1x16x64xf32, #tpu.memory_space<vmem>> -> memref<16x64xf32, #tpu.memory_space<vmem>>
        %get3A_250 = arith.index_cast %scan3A_209 : i32 to index
        %get3A_251 = arith.constant 48 : index
        %get3A_252 = tpu.vector_load %get3A_249[%get3A_250, %get3A_251] {strides = array<i32>} : memref<16x64xf32, #tpu.memory_space<vmem>>, vector<16xf32>,
        %mul3A_253 = arith.mulf %scan3A_215#3, %get3A_252 : vector<16xf32>
        %mul3A_254 = arith.mulf %mul3A_253, %scan3A_215#7 : vector<16xf32>
        %add3A_255 = arith.addf %add3A_245, %mul3A_254 : vector<16xf32>
        %eq3A = vector.broadcast %scan3A_209 : i32 to vector<16xi32>
        %eq3A_256 = arith.cmpi eq, %iota3A, %eq3A : vector<16xi32>
        %reduce_sum3A = arith.constant true
        %reduce_sum3A_257 = vector.broadcast %reduce_sum3A : i1 to vector<16xi1>
        %reduce_sum3A_258 = tpu.scan <sum>, %add3A_255 masked %reduce_sum3A_257 : vector<16xf32>, vector<16xi1> -> vector<16xf32>
        %reduce_sum3A_259 = vector.extract %reduce_sum3A_258[15] : f32 from vector<16xf32>
        %broadcast_in_dim3A_260 = vector.broadcast %reduce_sum3A_259 : f32 to vector<16xf32>
        %select_n3A = arith.select %eq3A_256, %broadcast_in_dim3A_260, %scan3A_210 : vector<16xi1>, vector<16xf32>
        scf.yield %select_n3A : vector<16xf32>
      }
      %scan3A_116 = arith.constant 16 : i32
      %mul3A_117 = arith.mulf %mul3A_107, %scan3A_115 : vector<16xf32>
      %neg3A = arith.constant 0.000000e+00 : f32
      %neg3A_118 = vector.broadcast %neg3A : f32 to vector<16xf32>
      %neg3A_119 = arith.subf %neg3A_118, %mul3A_117 : vector<16xf32>
      %exp3A = math.exp %neg3A_119 : vector<16xf32>
      %add3A_120 = arith.constant 1.000000e+00 : f32
      %add3A_121 = vector.broadcast %add3A_120 : f32 to vector<16xf32>
      %add3A_122 = arith.addf %add3A_121, %exp3A : vector<16xf32>
      %div3A = arith.constant 1.000000e+00 : f32
      %div3A_123 = vector.broadcast %div3A : f32 to vector<16xf32>
      %div3A_124 = arith.divf %div3A_123, %add3A_122 : vector<16xf32>
      %swap3A = arith.constant 0 : index
      %swap3A_125 = tpu.vector_load %arg13[%swap3A] {strides = array<i32>} : memref<16xf32, #tpu.memory_space<vmem>>, vector<16xf32>,
      tpu.vector_store %arg13[%swap3A], %div3A_124 {strides = array<i32>} : memref<16xf32, #tpu.memory_space<vmem>>, vector<16xf32>,
      %mul3A_126 = arith.constant 16 : i32
      %mul3A_127 = arith.muli %add3A_63, %mul3A_126 : i32
      "tpu.region"() ({
        %run_scoped3A_209 = tpu.sem_alloc : memref<!tpu.dma_semaphore, #tpu.memory_space<semaphore_mem>>
        %dma_start3A_210 = tpu.memref_slice %arg6[%mul3A_127] : memref<4096xf32, #tpu.memory_space<hbm>> -> memref<16xf32, #tpu.memory_space<hbm>>
        %dma_start3A_211 = tpu.memref_slice %arg6[%mul3A_127] : memref<4096xf32, #tpu.memory_space<hbm>> -> memref<16xf32, #tpu.memory_space<hbm>>
        tpu.enqueue_dma source(%arg13 : memref<16xf32, #tpu.memory_space<vmem>>) target(%dma_start3A_211 : memref<16xf32, #tpu.memory_space<hbm>>) target_semaphore(%run_scoped3A_209 : memref<!tpu.dma_semaphore, #tpu.memory_space<semaphore_mem>>)
        %dma_wait3A_212 = tpu.memref_slice %arg6[%mul3A_127] : memref<4096xf32, #tpu.memory_space<hbm>> -> memref<16xf32, #tpu.memory_space<hbm>>
        %dma_wait3A_213 = tpu.memref_slice %arg6[%mul3A_127] : memref<4096xf32, #tpu.memory_space<hbm>> -> memref<16xf32, #tpu.memory_space<hbm>>
        tpu.wait_dma2 semaphore(%run_scoped3A_209 : memref<!tpu.dma_semaphore, #tpu.memory_space<semaphore_mem>>) src(%arg13 : memref<16xf32, #tpu.memory_space<vmem>>) dst(%dma_wait3A_213 : memref<16xf32, #tpu.memory_space<hbm>>)
        tpu.yield
      }) : () -> ()
      %add3A_128 = arith.constant 2 : i32
      %add3A_129 = arith.addi %mul3A_56, %add3A_128 : i32
      %lt3A_130 = arith.constant 8 : i32
      %lt3A_131 = arith.cmpi slt, %add3A_129, %lt3A_130 : i32
      %convert_element_type3A_132 = arith.extui %lt3A_131 : i1 to i32
      %cond3A_133 = arith.constant 0 : i32
      %cond3A_134 = arith.cmpi ne, %convert_element_type3A_132, %cond3A_133 : i32
      scf.if %cond3A_134 {
        %add3A_209 = arith.constant 2 : i32
        %add3A_210 = arith.addi %mul3A_56, %add3A_209 : i32
        %mul3A_211 = arith.constant 8 : i32
        %mul3A_212 = arith.muli %add3A, %mul3A_211 : i32
        %add3A_213 = arith.addi %mul3A_212, %add3A_210 : i32
        %mul3A_214 = arith.constant 320 : i32
        %mul3A_215 = arith.muli %add3A_213, %mul3A_214 : i32
        %run_scoped3A_216 = arith.constant 0 : i32
        "tpu.region"() ({
          %run_scoped3A_259 = tpu.sem_alloc : memref<!tpu.dma_semaphore, #tpu.memory_space<semaphore_mem>>
          %dma_start3A_260 = arith.constant 0 : i32
          %dma_start3A_261 = tpu.memref_slice %arg7[%run_scoped3A_216, %dma_start3A_260] : memref<2x320xi32, #tpu.memory_space<vmem>> -> memref<1x320xi32, #tpu.memory_space<vmem>>
          %dma_start3A_262 = tpu.memref_squeeze %dma_start3A_261 : memref<1x320xi32, #tpu.memory_space<vmem>> -> memref<320xi32, #tpu.memory_space<vmem>>
          %dma_start3A_263 = tpu.memref_slice %arg2[%mul3A_215] : memref<81920xi32, #tpu.memory_space<hbm>> -> memref<320xi32, #tpu.memory_space<hbm>>
          %dma_start3A_264 = arith.constant 0 : i32
          %dma_start3A_265 = tpu.memref_slice %arg7[%run_scoped3A_216, %dma_start3A_264] : memref<2x320xi32, #tpu.memory_space<vmem>> -> memref<1x320xi32, #tpu.memory_space<vmem>>
          %dma_start3A_266 = tpu.memref_squeeze %dma_start3A_265 : memref<1x320xi32, #tpu.memory_space<vmem>> -> memref<320xi32, #tpu.memory_space<vmem>>
          %dma_start3A_267 = tpu.memref_slice %arg2[%mul3A_215] : memref<81920xi32, #tpu.memory_space<hbm>> -> memref<320xi32, #tpu.memory_space<hbm>>
          tpu.enqueue_dma source(%dma_start3A_267 : memref<320xi32, #tpu.memory_space<hbm>>) target(%dma_start3A_266 : memref<320xi32, #tpu.memory_space<vmem>>) target_semaphore(%run_scoped3A_259 : memref<!tpu.dma_semaphore, #tpu.memory_space<semaphore_mem>>)
          %dma_wait3A_268 = arith.constant 0 : i32
          %dma_wait3A_269 = tpu.memref_slice %arg7[%run_scoped3A_216, %dma_wait3A_268] : memref<2x320xi32, #tpu.memory_space<vmem>> -> memref<1x320xi32, #tpu.memory_space<vmem>>
          %dma_wait3A_270 = tpu.memref_squeeze %dma_wait3A_269 : memref<1x320xi32, #tpu.memory_space<vmem>> -> memref<320xi32, #tpu.memory_space<vmem>>
          %dma_wait3A_271 = tpu.memref_slice %arg2[%mul3A_215] : memref<81920xi32, #tpu.memory_space<hbm>> -> memref<320xi32, #tpu.memory_space<hbm>>
          %dma_wait3A_272 = arith.constant 0 : i32
          %dma_wait3A_273 = tpu.memref_slice %arg7[%run_scoped3A_216, %dma_wait3A_272] : memref<2x320xi32, #tpu.memory_space<vmem>> -> memref<1x320xi32, #tpu.memory_space<vmem>>
          %dma_wait3A_274 = tpu.memref_squeeze %dma_wait3A_273 : memref<1x320xi32, #tpu.memory_space<vmem>> -> memref<320xi32, #tpu.memory_space<vmem>>
          %dma_wait3A_275 = tpu.memref_slice %arg2[%mul3A_215] : memref<81920xi32, #tpu.memory_space<hbm>> -> memref<320xi32, #tpu.memory_space<hbm>>
          tpu.wait_dma2 semaphore(%run_scoped3A_259 : memref<!tpu.dma_semaphore, #tpu.memory_space<semaphore_mem>>) src(%dma_wait3A_275 : memref<320xi32, #tpu.memory_space<hbm>>) dst(%dma_wait3A_274 : memref<320xi32, #tpu.memory_space<vmem>>)
          tpu.yield
        }) : () -> ()
        %mul3A_217 = arith.constant 320 : i32
        %mul3A_218 = arith.muli %add3A_213, %mul3A_217 : i32
        %run_scoped3A_219 = arith.constant 0 : i32
        "tpu.region"() ({
          %run_scoped3A_259 = tpu.sem_alloc : memref<!tpu.dma_semaphore, #tpu.memory_space<semaphore_mem>>
          %dma_start3A_260 = arith.constant 0 : i32
          %dma_start3A_261 = tpu.memref_slice %arg8[%run_scoped3A_219, %dma_start3A_260] : memref<2x320xi32, #tpu.memory_space<vmem>> -> memref<1x320xi32, #tpu.memory_space<vmem>>
          %dma_start3A_262 = tpu.memref_squeeze %dma_start3A_261 : memref<1x320xi32, #tpu.memory_space<vmem>> -> memref<320xi32, #tpu.memory_space<vmem>>
          %dma_start3A_263 = tpu.memref_slice %arg3[%mul3A_218] : memref<81920xi32, #tpu.memory_space<hbm>> -> memref<320xi32, #tpu.memory_space<hbm>>
          %dma_start3A_264 = arith.constant 0 : i32
          %dma_start3A_265 = tpu.memref_slice %arg8[%run_scoped3A_219, %dma_start3A_264] : memref<2x320xi32, #tpu.memory_space<vmem>> -> memref<1x320xi32, #tpu.memory_space<vmem>>
          %dma_start3A_266 = tpu.memref_squeeze %dma_start3A_265 : memref<1x320xi32, #tpu.memory_space<vmem>> -> memref<320xi32, #tpu.memory_space<vmem>>
          %dma_start3A_267 = tpu.memref_slice %arg3[%mul3A_218] : memref<81920xi32, #tpu.memory_space<hbm>> -> memref<320xi32, #tpu.memory_space<hbm>>
          tpu.enqueue_dma source(%dma_start3A_267 : memref<320xi32, #tpu.memory_space<hbm>>) target(%dma_start3A_266 : memref<320xi32, #tpu.memory_space<vmem>>) target_semaphore(%run_scoped3A_259 : memref<!tpu.dma_semaphore, #tpu.memory_space<semaphore_mem>>)
          %dma_wait3A_268 = arith.constant 0 : i32
          %dma_wait3A_269 = tpu.memref_slice %arg8[%run_scoped3A_219, %dma_wait3A_268] : memref<2x320xi32, #tpu.memory_space<vmem>> -> memref<1x320xi32, #tpu.memory_space<vmem>>
          %dma_wait3A_270 = tpu.memref_squeeze %dma_wait3A_269 : memref<1x320xi32, #tpu.memory_space<vmem>> -> memref<320xi32, #tpu.memory_space<vmem>>
          %dma_wait3A_271 = tpu.memref_slice %arg3[%mul3A_218] : memref<81920xi32, #tpu.memory_space<hbm>> -> memref<320xi32, #tpu.memory_space<hbm>>
          %dma_wait3A_272 = arith.constant 0 : i32
          %dma_wait3A_273 = tpu.memref_slice %arg8[%run_scoped3A_219, %dma_wait3A_272] : memref<2x320xi32, #tpu.memory_space<vmem>> -> memref<1x320xi32, #tpu.memory_space<vmem>>
          %dma_wait3A_274 = tpu.memref_squeeze %dma_wait3A_273 : memref<1x320xi32, #tpu.memory_space<vmem>> -> memref<320xi32, #tpu.memory_space<vmem>>
          %dma_wait3A_275 = tpu.memref_slice %arg3[%mul3A_218] : memref<81920xi32, #tpu.memory_space<hbm>> -> memref<320xi32, #tpu.memory_space<hbm>>
          tpu.wait_dma2 semaphore(%run_scoped3A_259 : memref<!tpu.dma_semaphore, #tpu.memory_space<semaphore_mem>>) src(%dma_wait3A_275 : memref<320xi32, #tpu.memory_space<hbm>>) dst(%dma_wait3A_274 : memref<320xi32, #tpu.memory_space<vmem>>)
          tpu.yield
        }) : () -> ()
        %mul3A_220 = arith.constant 16 : i32
        %mul3A_221 = arith.muli %add3A_213, %mul3A_220 : i32
        %run_scoped3A_222 = arith.constant 0 : i32
        "tpu.region"() ({
          %run_scoped3A_259 = tpu.sem_alloc : memref<!tpu.dma_semaphore, #tpu.memory_space<semaphore_mem>>
          %dma_start3A_260 = arith.constant 0 : i32
          %dma_start3A_261 = tpu.memref_slice %arg9[%run_scoped3A_222, %dma_start3A_260] : memref<2x16xi32, #tpu.memory_space<vmem>> -> memref<1x16xi32, #tpu.memory_space<vmem>>
          %dma_start3A_262 = tpu.memref_squeeze %dma_start3A_261 : memref<1x16xi32, #tpu.memory_space<vmem>> -> memref<16xi32, #tpu.memory_space<vmem>>
          %dma_start3A_263 = tpu.memref_slice %arg4[%mul3A_221] : memref<4096xi32, #tpu.memory_space<hbm>> -> memref<16xi32, #tpu.memory_space<hbm>>
          %dma_start3A_264 = arith.constant 0 : i32
          %dma_start3A_265 = tpu.memref_slice %arg9[%run_scoped3A_222, %dma_start3A_264] : memref<2x16xi32, #tpu.memory_space<vmem>> -> memref<1x16xi32, #tpu.memory_space<vmem>>
          %dma_start3A_266 = tpu.memref_squeeze %dma_start3A_265 : memref<1x16xi32, #tpu.memory_space<vmem>> -> memref<16xi32, #tpu.memory_space<vmem>>
          %dma_start3A_267 = tpu.memref_slice %arg4[%mul3A_221] : memref<4096xi32, #tpu.memory_space<hbm>> -> memref<16xi32, #tpu.memory_space<hbm>>
          tpu.enqueue_dma source(%dma_start3A_267 : memref<16xi32, #tpu.memory_space<hbm>>) target(%dma_start3A_266 : memref<16xi32, #tpu.memory_space<vmem>>) target_semaphore(%run_scoped3A_259 : memref<!tpu.dma_semaphore, #tpu.memory_space<semaphore_mem>>)
          %dma_wait3A_268 = arith.constant 0 : i32
          %dma_wait3A_269 = tpu.memref_slice %arg9[%run_scoped3A_222, %dma_wait3A_268] : memref<2x16xi32, #tpu.memory_space<vmem>> -> memref<1x16xi32, #tpu.memory_space<vmem>>
          %dma_wait3A_270 = tpu.memref_squeeze %dma_wait3A_269 : memref<1x16xi32, #tpu.memory_space<vmem>> -> memref<16xi32, #tpu.memory_space<vmem>>
          %dma_wait3A_271 = tpu.memref_slice %arg4[%mul3A_221] : memref<4096xi32, #tpu.memory_space<hbm>> -> memref<16xi32, #tpu.memory_space<hbm>>
          %dma_wait3A_272 = arith.constant 0 : i32
          %dma_wait3A_273 = tpu.memref_slice %arg9[%run_scoped3A_222, %dma_wait3A_272] : memref<2x16xi32, #tpu.memory_space<vmem>> -> memref<1x16xi32, #tpu.memory_space<vmem>>
          %dma_wait3A_274 = tpu.memref_squeeze %dma_wait3A_273 : memref<1x16xi32, #tpu.memory_space<vmem>> -> memref<16xi32, #tpu.memory_space<vmem>>
          %dma_wait3A_275 = tpu.memref_slice %arg4[%mul3A_221] : memref<4096xi32, #tpu.memory_space<hbm>> -> memref<16xi32, #tpu.memory_space<hbm>>
          tpu.wait_dma2 semaphore(%run_scoped3A_259 : memref<!tpu.dma_semaphore, #tpu.memory_space<semaphore_mem>>) src(%dma_wait3A_275 : memref<16xi32, #tpu.memory_space<hbm>>) dst(%dma_wait3A_274 : memref<16xi32, #tpu.memory_space<vmem>>)
          tpu.yield
        }) : () -> ()
        %dma_start3A_223 = arith.constant 0 : i32
        %dma_start3A_224 = arith.constant 0 : i32
        %dma_start3A_225 = arith.constant 0 : i32
        %dma_start3A_226 = arith.constant 0 : i32
        %dma_start3A_227 = tpu.memref_slice %arg10[%dma_start3A_224, %dma_start3A_225, %dma_start3A_226] : memref<2x320x64xf32, #tpu.memory_space<vmem>> -> memref<1x320x64xf32, #tpu.memory_space<vmem>>
        %dma_start3A_228 = tpu.memref_squeeze %dma_start3A_227 : memref<1x320x64xf32, #tpu.memory_space<vmem>> -> memref<320x64xf32, #tpu.memory_space<vmem>>
        %dma_start3A_229 = arith.constant 0 : i32
        %dma_start3A_230 = tpu.memref_slice %arg7[%dma_start3A_223, %dma_start3A_229] : memref<2x320xi32, #tpu.memory_space<vmem>> -> memref<1x320xi32, #tpu.memory_space<vmem>>
        %dma_start3A_231 = tpu.memref_squeeze %dma_start3A_230 : memref<1x320xi32, #tpu.memory_space<vmem>> -> memref<320xi32, #tpu.memory_space<vmem>>
        %dma_start3A_232 = arith.constant 0 : i32
        %dma_start3A_233 = arith.constant 0 : i32
        %dma_start3A_234 = tpu.memref_slice %arg5[%dma_start3A_232, %dma_start3A_233] : memref<1000000x64xf32, #tpu.memory_space<hbm>> -> memref<1000000x64xf32, #tpu.memory_space<hbm>>
        tpu.enqueue_indirect_dma source(%dma_start3A_234 : memref<1000000x64xf32, #tpu.memory_space<hbm>>) target(%dma_start3A_228 : memref<320x64xf32, #tpu.memory_space<vmem>>) offsets(%dma_start3A_231 : memref<320xi32, #tpu.memory_space<vmem>>) semaphore(%arg14 : memref<!tpu.dma_semaphore, #tpu.memory_space<semaphore_mem>>)
        %dma_start3A_235 = arith.constant 0 : i32
        %dma_start3A_236 = arith.constant 0 : i32
        %dma_start3A_237 = arith.constant 0 : i32
        %dma_start3A_238 = arith.constant 0 : i32
        %dma_start3A_239 = tpu.memref_slice %arg11[%dma_start3A_236, %dma_start3A_237, %dma_start3A_238] : memref<2x320x64xf32, #tpu.memory_space<vmem>> -> memref<1x320x64xf32, #tpu.memory_space<vmem>>
        %dma_start3A_240 = tpu.memref_squeeze %dma_start3A_239 : memref<1x320x64xf32, #tpu.memory_space<vmem>> -> memref<320x64xf32, #tpu.memory_space<vmem>>
        %dma_start3A_241 = arith.constant 0 : i32
        %dma_start3A_242 = tpu.memref_slice %arg8[%dma_start3A_235, %dma_start3A_241] : memref<2x320xi32, #tpu.memory_space<vmem>> -> memref<1x320xi32, #tpu.memory_space<vmem>>
        %dma_start3A_243 = tpu.memref_squeeze %dma_start3A_242 : memref<1x320xi32, #tpu.memory_space<vmem>> -> memref<320xi32, #tpu.memory_space<vmem>>
        %dma_start3A_244 = arith.constant 0 : i32
        %dma_start3A_245 = arith.constant 0 : i32
        %dma_start3A_246 = tpu.memref_slice %arg5[%dma_start3A_244, %dma_start3A_245] : memref<1000000x64xf32, #tpu.memory_space<hbm>> -> memref<1000000x64xf32, #tpu.memory_space<hbm>>
        tpu.enqueue_indirect_dma source(%dma_start3A_246 : memref<1000000x64xf32, #tpu.memory_space<hbm>>) target(%dma_start3A_240 : memref<320x64xf32, #tpu.memory_space<vmem>>) offsets(%dma_start3A_243 : memref<320xi32, #tpu.memory_space<vmem>>) semaphore(%arg15 : memref<!tpu.dma_semaphore, #tpu.memory_space<semaphore_mem>>)
        %dma_start3A_247 = arith.constant 0 : i32
        %dma_start3A_248 = arith.constant 0 : i32
        %dma_start3A_249 = arith.constant 0 : i32
        %dma_start3A_250 = arith.constant 0 : i32
        %dma_start3A_251 = tpu.memref_slice %arg12[%dma_start3A_248, %dma_start3A_249, %dma_start3A_250] : memref<2x16x64xf32, #tpu.memory_space<vmem>> -> memref<1x16x64xf32, #tpu.memory_space<vmem>>
        %dma_start3A_252 = tpu.memref_squeeze %dma_start3A_251 : memref<1x16x64xf32, #tpu.memory_space<vmem>> -> memref<16x64xf32, #tpu.memory_space<vmem>>
        %dma_start3A_253 = arith.constant 0 : i32
        %dma_start3A_254 = tpu.memref_slice %arg9[%dma_start3A_247, %dma_start3A_253] : memref<2x16xi32, #tpu.memory_space<vmem>> -> memref<1x16xi32, #tpu.memory_space<vmem>>
        %dma_start3A_255 = tpu.memref_squeeze %dma_start3A_254 : memref<1x16xi32, #tpu.memory_space<vmem>> -> memref<16xi32, #tpu.memory_space<vmem>>
        %dma_start3A_256 = arith.constant 0 : i32
        %dma_start3A_257 = arith.constant 0 : i32
        %dma_start3A_258 = tpu.memref_slice %arg5[%dma_start3A_256, %dma_start3A_257] : memref<1000000x64xf32, #tpu.memory_space<hbm>> -> memref<1000000x64xf32, #tpu.memory_space<hbm>>
        tpu.enqueue_indirect_dma source(%dma_start3A_258 : memref<1000000x64xf32, #tpu.memory_space<hbm>>) target(%dma_start3A_252 : memref<16x64xf32, #tpu.memory_space<vmem>>) offsets(%dma_start3A_255 : memref<16xi32, #tpu.memory_space<vmem>>) semaphore(%arg16 : memref<!tpu.dma_semaphore, #tpu.memory_space<semaphore_mem>>)
      } else {
      }
      %add3A_135 = arith.constant 1 : i32
      %add3A_136 = arith.addi %mul3A_56, %add3A_135 : i32
      %mul3A_137 = arith.constant 8 : i32
      %mul3A_138 = arith.muli %add3A, %mul3A_137 : i32
      %add3A_139 = arith.addi %mul3A_138, %add3A_136 : i32
      %dma_wait3A_140 = arith.constant 1 : i32
      %dma_wait3A_141 = arith.constant 1 : i32
      %dma_wait3A_142 = arith.constant 0 : i32
      %dma_wait3A_143 = arith.constant 0 : i32
      %dma_wait3A_144 = tpu.memref_slice %arg10[%dma_wait3A_141, %dma_wait3A_142, %dma_wait3A_143] : memref<2x320x64xf32, #tpu.memory_space<vmem>> -> memref<1x320x64xf32, #tpu.memory_space<vmem>>
      %dma_wait3A_145 = tpu.memref_squeeze %dma_wait3A_144 : memref<1x320x64xf32, #tpu.memory_space<vmem>> -> memref<320x64xf32, #tpu.memory_space<vmem>>
      %dma_wait3A_146 = arith.constant 0 : i32
      %dma_wait3A_147 = tpu.memref_slice %arg7[%dma_wait3A_140, %dma_wait3A_146] : memref<2x320xi32, #tpu.memory_space<vmem>> -> memref<1x320xi32, #tpu.memory_space<vmem>>
      %dma_wait3A_148 = tpu.memref_squeeze %dma_wait3A_147 : memref<1x320xi32, #tpu.memory_space<vmem>> -> memref<320xi32, #tpu.memory_space<vmem>>
      %dma_wait3A_149 = arith.constant 0 : i32
      %dma_wait3A_150 = arith.constant 0 : i32
      %dma_wait3A_151 = tpu.memref_slice %arg5[%dma_wait3A_149, %dma_wait3A_150] : memref<1000000x64xf32, #tpu.memory_space<hbm>> -> memref<1000000x64xf32, #tpu.memory_space<hbm>>
      tpu.wait_indirect_dma semaphore(%arg17 : memref<!tpu.dma_semaphore, #tpu.memory_space<semaphore_mem>>) src(%dma_wait3A_151 : memref<1000000x64xf32, #tpu.memory_space<hbm>>) dst(%dma_wait3A_145 : memref<320x64xf32, #tpu.memory_space<vmem>>)
      %dma_wait3A_152 = arith.constant 1 : i32
      %dma_wait3A_153 = arith.constant 1 : i32
      %dma_wait3A_154 = arith.constant 0 : i32
      %dma_wait3A_155 = arith.constant 0 : i32
      %dma_wait3A_156 = tpu.memref_slice %arg11[%dma_wait3A_153, %dma_wait3A_154, %dma_wait3A_155] : memref<2x320x64xf32, #tpu.memory_space<vmem>> -> memref<1x320x64xf32, #tpu.memory_space<vmem>>
      %dma_wait3A_157 = tpu.memref_squeeze %dma_wait3A_156 : memref<1x320x64xf32, #tpu.memory_space<vmem>> -> memref<320x64xf32, #tpu.memory_space<vmem>>
      %dma_wait3A_158 = arith.constant 0 : i32
      %dma_wait3A_159 = tpu.memref_slice %arg8[%dma_wait3A_152, %dma_wait3A_158] : memref<2x320xi32, #tpu.memory_space<vmem>> -> memref<1x320xi32, #tpu.memory_space<vmem>>
      %dma_wait3A_160 = tpu.memref_squeeze %dma_wait3A_159 : memref<1x320xi32, #tpu.memory_space<vmem>> -> memref<320xi32, #tpu.memory_space<vmem>>
      %dma_wait3A_161 = arith.constant 0 : i32
      %dma_wait3A_162 = arith.constant 0 : i32
      %dma_wait3A_163 = tpu.memref_slice %arg5[%dma_wait3A_161, %dma_wait3A_162] : memref<1000000x64xf32, #tpu.memory_space<hbm>> -> memref<1000000x64xf32, #tpu.memory_space<hbm>>
      tpu.wait_indirect_dma semaphore(%arg18 : memref<!tpu.dma_semaphore, #tpu.memory_space<semaphore_mem>>) src(%dma_wait3A_163 : memref<1000000x64xf32, #tpu.memory_space<hbm>>) dst(%dma_wait3A_157 : memref<320x64xf32, #tpu.memory_space<vmem>>)
      %dma_wait3A_164 = arith.constant 1 : i32
      %dma_wait3A_165 = arith.constant 1 : i32
      %dma_wait3A_166 = arith.constant 0 : i32
      %dma_wait3A_167 = arith.constant 0 : i32
      %dma_wait3A_168 = tpu.memref_slice %arg12[%dma_wait3A_165, %dma_wait3A_166, %dma_wait3A_167] : memref<2x16x64xf32, #tpu.memory_space<vmem>> -> memref<1x16x64xf32, #tpu.memory_space<vmem>>
      %dma_wait3A_169 = tpu.memref_squeeze %dma_wait3A_168 : memref<1x16x64xf32, #tpu.memory_space<vmem>> -> memref<16x64xf32, #tpu.memory_space<vmem>>
      %dma_wait3A_170 = arith.constant 0 : i32
      %dma_wait3A_171 = tpu.memref_slice %arg9[%dma_wait3A_164, %dma_wait3A_170] : memref<2x16xi32, #tpu.memory_space<vmem>> -> memref<1x16xi32, #tpu.memory_space<vmem>>
      %dma_wait3A_172 = tpu.memref_squeeze %dma_wait3A_171 : memref<1x16xi32, #tpu.memory_space<vmem>> -> memref<16xi32, #tpu.memory_space<vmem>>
      %dma_wait3A_173 = arith.constant 0 : i32
      %dma_wait3A_174 = arith.constant 0 : i32
      %dma_wait3A_175 = tpu.memref_slice %arg5[%dma_wait3A_173, %dma_wait3A_174] : memref<1000000x64xf32, #tpu.memory_space<hbm>> -> memref<1000000x64xf32, #tpu.memory_space<hbm>>
      tpu.wait_indirect_dma semaphore(%arg19 : memref<!tpu.dma_semaphore, #tpu.memory_space<semaphore_mem>>) src(%dma_wait3A_175 : memref<1000000x64xf32, #tpu.memory_space<hbm>>) dst(%dma_wait3A_169 : memref<16x64xf32, #tpu.memory_space<vmem>>)
      %scan3A_176 = arith.constant 1 : i32
      %scan3A_177 = arith.constant 1 : i32
      %scan3A_178 = arith.constant 0 : i32
      %scan3A_179 = arith.constant 20 : i32
      %scan3A_180 = arith.addi %scan3A_178, %scan3A_179 : i32
      %scan3A_181 = arith.constant 4 : i32
      %scan3A_182:2 = scf.for %scan3A_209 = %scan3A_178 to %scan3A_180 step %scan3A_181 iter_args(%scan3A_210 = %broadcast_in_dim3A_1, %scan3A_211 = %broadcast_in_dim3A_1) -> (vector<16xf32>, vector<16xf32>)  : i32 {
        %mul3A_212 = arith.constant 16 : i32
        %mul3A_213 = arith.muli %scan3A_209, %mul3A_212 : i32
        %get3A = arith.constant 0 : i32
        %get3A_214 = tpu.memref_slice %arg7[%scan3A_176, %get3A] : memref<2x320xi32, #tpu.memory_space<vmem>> -> memref<1x320xi32, #tpu.memory_space<vmem>>
        %get3A_215 = tpu.memref_squeeze %get3A_214 : memref<1x320xi32, #tpu.memory_space<vmem>> -> memref<320xi32, #tpu.memory_space<vmem>>
        %get3A_216 = arith.index_cast %mul3A_213 : i32 to index
        %get3A_217 = tpu.vector_load %get3A_215[%get3A_216] {strides = array<i32>} : memref<320xi32, #tpu.memory_space<vmem>>, vector<16xi32>,
        %ne3A = arith.constant 0 : i32
        %ne3A_218 = vector.broadcast %ne3A : i32 to vector<16xi32>
        %ne3A_219 = arith.cmpi ne, %get3A_217, %ne3A_218 : vector<16xi32>
        %jit3A = arith.constant 1.000000e+00 : f32
        %jit3A_220 = arith.constant 0.000000e+00 : f32
        %broadcast_in_dim3A_221 = vector.broadcast %jit3A : f32 to vector<16xf32>
        %broadcast_in_dim3A_222 = vector.broadcast %jit3A_220 : f32 to vector<16xf32>
        %select_n3A = arith.select %ne3A_219, %broadcast_in_dim3A_221, %broadcast_in_dim3A_222 : vector<16xi1>, vector<16xf32>
        %add3A_223 = arith.addf %scan3A_210, %select_n3A : vector<16xf32>
        %mul3A_224 = arith.constant 16 : i32
        %mul3A_225 = arith.muli %scan3A_209, %mul3A_224 : i32
        %get3A_226 = arith.constant 0 : i32
        %get3A_227 = tpu.memref_slice %arg8[%scan3A_177, %get3A_226] : memref<2x320xi32, #tpu.memory_space<vmem>> -> memref<1x320xi32, #tpu.memory_space<vmem>>
        %get3A_228 = tpu.memref_squeeze %get3A_227 : memref<1x320xi32, #tpu.memory_space<vmem>> -> memref<320xi32, #tpu.memory_space<vmem>>
        %get3A_229 = arith.index_cast %mul3A_225 : i32 to index
        %get3A_230 = tpu.vector_load %get3A_228[%get3A_229] {strides = array<i32>} : memref<320xi32, #tpu.memory_space<vmem>>, vector<16xi32>,
        %ne3A_231 = arith.constant 0 : i32
        %ne3A_232 = vector.broadcast %ne3A_231 : i32 to vector<16xi32>
        %ne3A_233 = arith.cmpi ne, %get3A_230, %ne3A_232 : vector<16xi32>
        %jit3A_234 = arith.constant 1.000000e+00 : f32
        %jit3A_235 = arith.constant 0.000000e+00 : f32
        %broadcast_in_dim3A_236 = vector.broadcast %jit3A_234 : f32 to vector<16xf32>
        %broadcast_in_dim3A_237 = vector.broadcast %jit3A_235 : f32 to vector<16xf32>
        %select_n3A_238 = arith.select %ne3A_233, %broadcast_in_dim3A_236, %broadcast_in_dim3A_237 : vector<16xi1>, vector<16xf32>
        %add3A_239 = arith.addf %scan3A_211, %select_n3A_238 : vector<16xf32>
        %scan3A_240 = arith.constant 1 : i32
        %scan3A_241 = arith.addi %scan3A_209, %scan3A_240 : i32
        %mul3A_242 = arith.constant 16 : i32
        %mul3A_243 = arith.muli %scan3A_241, %mul3A_242 : i32
        %get3A_244 = arith.constant 0 : i32
        %get3A_245 = tpu.memref_slice %arg7[%scan3A_176, %get3A_244] : memref<2x320xi32, #tpu.memory_space<vmem>> -> memref<1x320xi32, #tpu.memory_space<vmem>>
        %get3A_246 = tpu.memref_squeeze %get3A_245 : memref<1x320xi32, #tpu.memory_space<vmem>> -> memref<320xi32, #tpu.memory_space<vmem>>
        %get3A_247 = arith.index_cast %mul3A_243 : i32 to index
        %get3A_248 = tpu.vector_load %get3A_246[%get3A_247] {strides = array<i32>} : memref<320xi32, #tpu.memory_space<vmem>>, vector<16xi32>,
        %ne3A_249 = arith.constant 0 : i32
        %ne3A_250 = vector.broadcast %ne3A_249 : i32 to vector<16xi32>
        %ne3A_251 = arith.cmpi ne, %get3A_248, %ne3A_250 : vector<16xi32>
        %jit3A_252 = arith.constant 1.000000e+00 : f32
        %jit3A_253 = arith.constant 0.000000e+00 : f32
        %broadcast_in_dim3A_254 = vector.broadcast %jit3A_252 : f32 to vector<16xf32>
        %broadcast_in_dim3A_255 = vector.broadcast %jit3A_253 : f32 to vector<16xf32>
        %select_n3A_256 = arith.select %ne3A_251, %broadcast_in_dim3A_254, %broadcast_in_dim3A_255 : vector<16xi1>, vector<16xf32>
        %add3A_257 = arith.addf %add3A_223, %select_n3A_256 : vector<16xf32>
        %mul3A_258 = arith.constant 16 : i32
        %mul3A_259 = arith.muli %scan3A_241, %mul3A_258 : i32
        %get3A_260 = arith.constant 0 : i32
        %get3A_261 = tpu.memref_slice %arg8[%scan3A_177, %get3A_260] : memref<2x320xi32, #tpu.memory_space<vmem>> -> memref<1x320xi32, #tpu.memory_space<vmem>>
        %get3A_262 = tpu.memref_squeeze %get3A_261 : memref<1x320xi32, #tpu.memory_space<vmem>> -> memref<320xi32, #tpu.memory_space<vmem>>
        %get3A_263 = arith.index_cast %mul3A_259 : i32 to index
        %get3A_264 = tpu.vector_load %get3A_262[%get3A_263] {strides = array<i32>} : memref<320xi32, #tpu.memory_space<vmem>>, vector<16xi32>,
        %ne3A_265 = arith.constant 0 : i32
        %ne3A_266 = vector.broadcast %ne3A_265 : i32 to vector<16xi32>
        %ne3A_267 = arith.cmpi ne, %get3A_264, %ne3A_266 : vector<16xi32>
        %jit3A_268 = arith.constant 1.000000e+00 : f32
        %jit3A_269 = arith.constant 0.000000e+00 : f32
        %broadcast_in_dim3A_270 = vector.broadcast %jit3A_268 : f32 to vector<16xf32>
        %broadcast_in_dim3A_271 = vector.broadcast %jit3A_269 : f32 to vector<16xf32>
        %select_n3A_272 = arith.select %ne3A_267, %broadcast_in_dim3A_270, %broadcast_in_dim3A_271 : vector<16xi1>, vector<16xf32>
        %add3A_273 = arith.addf %add3A_239, %select_n3A_272 : vector<16xf32>
        %scan3A_274 = arith.constant 2 : i32
        %scan3A_275 = arith.addi %scan3A_209, %scan3A_274 : i32
        %mul3A_276 = arith.constant 16 : i32
        %mul3A_277 = arith.muli %scan3A_275, %mul3A_276 : i32
        %get3A_278 = arith.constant 0 : i32
        %get3A_279 = tpu.memref_slice %arg7[%scan3A_176, %get3A_278] : memref<2x320xi32, #tpu.memory_space<vmem>> -> memref<1x320xi32, #tpu.memory_space<vmem>>
        %get3A_280 = tpu.memref_squeeze %get3A_279 : memref<1x320xi32, #tpu.memory_space<vmem>> -> memref<320xi32, #tpu.memory_space<vmem>>
        %get3A_281 = arith.index_cast %mul3A_277 : i32 to index
        %get3A_282 = tpu.vector_load %get3A_280[%get3A_281] {strides = array<i32>} : memref<320xi32, #tpu.memory_space<vmem>>, vector<16xi32>,
        %ne3A_283 = arith.constant 0 : i32
        %ne3A_284 = vector.broadcast %ne3A_283 : i32 to vector<16xi32>
        %ne3A_285 = arith.cmpi ne, %get3A_282, %ne3A_284 : vector<16xi32>
        %jit3A_286 = arith.constant 1.000000e+00 : f32
        %jit3A_287 = arith.constant 0.000000e+00 : f32
        %broadcast_in_dim3A_288 = vector.broadcast %jit3A_286 : f32 to vector<16xf32>
        %broadcast_in_dim3A_289 = vector.broadcast %jit3A_287 : f32 to vector<16xf32>
        %select_n3A_290 = arith.select %ne3A_285, %broadcast_in_dim3A_288, %broadcast_in_dim3A_289 : vector<16xi1>, vector<16xf32>
        %add3A_291 = arith.addf %add3A_257, %select_n3A_290 : vector<16xf32>
        %mul3A_292 = arith.constant 16 : i32
        %mul3A_293 = arith.muli %scan3A_275, %mul3A_292 : i32
        %get3A_294 = arith.constant 0 : i32
        %get3A_295 = tpu.memref_slice %arg8[%scan3A_177, %get3A_294] : memref<2x320xi32, #tpu.memory_space<vmem>> -> memref<1x320xi32, #tpu.memory_space<vmem>>
        %get3A_296 = tpu.memref_squeeze %get3A_295 : memref<1x320xi32, #tpu.memory_space<vmem>> -> memref<320xi32, #tpu.memory_space<vmem>>
        %get3A_297 = arith.index_cast %mul3A_293 : i32 to index
        %get3A_298 = tpu.vector_load %get3A_296[%get3A_297] {strides = array<i32>} : memref<320xi32, #tpu.memory_space<vmem>>, vector<16xi32>,
        %ne3A_299 = arith.constant 0 : i32
        %ne3A_300 = vector.broadcast %ne3A_299 : i32 to vector<16xi32>
        %ne3A_301 = arith.cmpi ne, %get3A_298, %ne3A_300 : vector<16xi32>
        %jit3A_302 = arith.constant 1.000000e+00 : f32
        %jit3A_303 = arith.constant 0.000000e+00 : f32
        %broadcast_in_dim3A_304 = vector.broadcast %jit3A_302 : f32 to vector<16xf32>
        %broadcast_in_dim3A_305 = vector.broadcast %jit3A_303 : f32 to vector<16xf32>
        %select_n3A_306 = arith.select %ne3A_301, %broadcast_in_dim3A_304, %broadcast_in_dim3A_305 : vector<16xi1>, vector<16xf32>
        %add3A_307 = arith.addf %add3A_273, %select_n3A_306 : vector<16xf32>
        %scan3A_308 = arith.constant 3 : i32
        %scan3A_309 = arith.addi %scan3A_209, %scan3A_308 : i32
        %mul3A_310 = arith.constant 16 : i32
        %mul3A_311 = arith.muli %scan3A_309, %mul3A_310 : i32
        %get3A_312 = arith.constant 0 : i32
        %get3A_313 = tpu.memref_slice %arg7[%scan3A_176, %get3A_312] : memref<2x320xi32, #tpu.memory_space<vmem>> -> memref<1x320xi32, #tpu.memory_space<vmem>>
        %get3A_314 = tpu.memref_squeeze %get3A_313 : memref<1x320xi32, #tpu.memory_space<vmem>> -> memref<320xi32, #tpu.memory_space<vmem>>
        %get3A_315 = arith.index_cast %mul3A_311 : i32 to index
        %get3A_316 = tpu.vector_load %get3A_314[%get3A_315] {strides = array<i32>} : memref<320xi32, #tpu.memory_space<vmem>>, vector<16xi32>,
        %ne3A_317 = arith.constant 0 : i32
        %ne3A_318 = vector.broadcast %ne3A_317 : i32 to vector<16xi32>
        %ne3A_319 = arith.cmpi ne, %get3A_316, %ne3A_318 : vector<16xi32>
        %jit3A_320 = arith.constant 1.000000e+00 : f32
        %jit3A_321 = arith.constant 0.000000e+00 : f32
        %broadcast_in_dim3A_322 = vector.broadcast %jit3A_320 : f32 to vector<16xf32>
        %broadcast_in_dim3A_323 = vector.broadcast %jit3A_321 : f32 to vector<16xf32>
        %select_n3A_324 = arith.select %ne3A_319, %broadcast_in_dim3A_322, %broadcast_in_dim3A_323 : vector<16xi1>, vector<16xf32>
        %add3A_325 = arith.addf %add3A_291, %select_n3A_324 : vector<16xf32>
        %mul3A_326 = arith.constant 16 : i32
        %mul3A_327 = arith.muli %scan3A_309, %mul3A_326 : i32
        %get3A_328 = arith.constant 0 : i32
        %get3A_329 = tpu.memref_slice %arg8[%scan3A_177, %get3A_328] : memref<2x320xi32, #tpu.memory_space<vmem>> -> memref<1x320xi32, #tpu.memory_space<vmem>>
        %get3A_330 = tpu.memref_squeeze %get3A_329 : memref<1x320xi32, #tpu.memory_space<vmem>> -> memref<320xi32, #tpu.memory_space<vmem>>
        %get3A_331 = arith.index_cast %mul3A_327 : i32 to index
        %get3A_332 = tpu.vector_load %get3A_330[%get3A_331] {strides = array<i32>} : memref<320xi32, #tpu.memory_space<vmem>>, vector<16xi32>,
        %ne3A_333 = arith.constant 0 : i32
        %ne3A_334 = vector.broadcast %ne3A_333 : i32 to vector<16xi32>
        %ne3A_335 = arith.cmpi ne, %get3A_332, %ne3A_334 : vector<16xi32>
        %jit3A_336 = arith.constant 1.000000e+00 : f32
        %jit3A_337 = arith.constant 0.000000e+00 : f32
        %broadcast_in_dim3A_338 = vector.broadcast %jit3A_336 : f32 to vector<16xf32>
        %broadcast_in_dim3A_339 = vector.broadcast %jit3A_337 : f32 to vector<16xf32>
        %select_n3A_340 = arith.select %ne3A_335, %broadcast_in_dim3A_338, %broadcast_in_dim3A_339 : vector<16xi1>, vector<16xf32>
        %add3A_341 = arith.addf %add3A_307, %select_n3A_340 : vector<16xf32>
        scf.yield %add3A_325, %add3A_341 : vector<16xf32>, vector<16xf32>
      }
      %scan3A_183 = arith.constant 20 : i32
      %mul3A_184 = arith.mulf %scan3A_182#0, %scan3A_182#1 : vector<16xf32>
      %scan3A_185 = arith.constant 1 : i32
      %scan3A_186 = arith.constant 1 : i32
      %scan3A_187 = arith.constant 1 : i32
      %scan3A_188 = arith.constant 0 : i32
      %scan3A_189 = arith.constant 16 : i32
      %scan3A_190 = arith.addi %scan3A_188, %scan3A_189 : i32
      %scan3A_191 = arith.constant 1 : i32
      %scan3A_192 = scf.for %scan3A_209 = %scan3A_188 to %scan3A_190 step %scan3A_191 iter_args(%scan3A_210 = %broadcast_in_dim3A_1) -> (vector<16xf32>)  : i32 {
        %scan3A_211 = arith.constant 0 : i32
        %scan3A_212 = arith.constant 20 : i32
        %scan3A_213 = arith.addi %scan3A_211, %scan3A_212 : i32
        %scan3A_214 = arith.constant 4 : i32
        %scan3A_215:8 = scf.for %scan3A_261 = %scan3A_211 to %scan3A_213 step %scan3A_214 iter_args(%scan3A_262 = %broadcast_in_dim3A_1, %scan3A_263 = %broadcast_in_dim3A_1, %scan3A_264 = %broadcast_in_dim3A_1, %scan3A_265 = %broadcast_in_dim3A_1, %scan3A_266 = %broadcast_in_dim3A_1, %scan3A_267 = %broadcast_in_dim3A_1, %scan3A_268 = %broadcast_in_dim3A_1, %scan3A_269 = %broadcast_in_dim3A_1) -> (vector<16xf32>, vector<16xf32>, vector<16xf32>, vector<16xf32>, vector<16xf32>, vector<16xf32>, vector<16xf32>, vector<16xf32>)  : i32 {
          %mul3A_270 = arith.constant 16 : i32
          %mul3A_271 = arith.muli %scan3A_261, %mul3A_270 : i32
          %add3A_272 = arith.addi %mul3A_271, %scan3A_209 : i32
          %get3A_273 = arith.constant 0 : i32
          %get3A_274 = arith.constant 0 : i32
          %get3A_275 = tpu.memref_slice %arg10[%scan3A_185, %get3A_273, %get3A_274] : memref<2x320x64xf32, #tpu.memory_space<vmem>> -> memref<1x320x64xf32, #tpu.memory_space<vmem>>
          %get3A_276 = tpu.memref_squeeze %get3A_275 : memref<1x320x64xf32, #tpu.memory_space<vmem>> -> memref<320x64xf32, #tpu.memory_space<vmem>>
          %get3A_277 = arith.index_cast %add3A_272 : i32 to index
          %get3A_278 = arith.constant 0 : index
          %get3A_279 = tpu.vector_load %get3A_276[%get3A_277, %get3A_278] {strides = array<i32>} : memref<320x64xf32, #tpu.memory_space<vmem>>, vector<16xf32>,
          %add3A_280 = arith.addf %scan3A_262, %get3A_279 : vector<16xf32>
          %get3A_281 = arith.constant 0 : i32
          %get3A_282 = arith.constant 0 : i32
          %get3A_283 = tpu.memref_slice %arg11[%scan3A_186, %get3A_281, %get3A_282] : memref<2x320x64xf32, #tpu.memory_space<vmem>> -> memref<1x320x64xf32, #tpu.memory_space<vmem>>
          %get3A_284 = tpu.memref_squeeze %get3A_283 : memref<1x320x64xf32, #tpu.memory_space<vmem>> -> memref<320x64xf32, #tpu.memory_space<vmem>>
          %get3A_285 = arith.index_cast %add3A_272 : i32 to index
          %get3A_286 = arith.constant 0 : index
          %get3A_287 = tpu.vector_load %get3A_284[%get3A_285, %get3A_286] {strides = array<i32>} : memref<320x64xf32, #tpu.memory_space<vmem>>, vector<16xf32>,
          %add3A_288 = arith.addf %scan3A_266, %get3A_287 : vector<16xf32>
          %get3A_289 = arith.constant 0 : i32
          %get3A_290 = arith.constant 0 : i32
          %get3A_291 = tpu.memref_slice %arg10[%scan3A_185, %get3A_289, %get3A_290] : memref<2x320x64xf32, #tpu.memory_space<vmem>> -> memref<1x320x64xf32, #tpu.memory_space<vmem>>
          %get3A_292 = tpu.memref_squeeze %get3A_291 : memref<1x320x64xf32, #tpu.memory_space<vmem>> -> memref<320x64xf32, #tpu.memory_space<vmem>>
          %get3A_293 = arith.index_cast %add3A_272 : i32 to index
          %get3A_294 = arith.constant 16 : index
          %get3A_295 = tpu.vector_load %get3A_292[%get3A_293, %get3A_294] {strides = array<i32>} : memref<320x64xf32, #tpu.memory_space<vmem>>, vector<16xf32>,
          %add3A_296 = arith.addf %scan3A_263, %get3A_295 : vector<16xf32>
          %get3A_297 = arith.constant 0 : i32
          %get3A_298 = arith.constant 0 : i32
          %get3A_299 = tpu.memref_slice %arg11[%scan3A_186, %get3A_297, %get3A_298] : memref<2x320x64xf32, #tpu.memory_space<vmem>> -> memref<1x320x64xf32, #tpu.memory_space<vmem>>
          %get3A_300 = tpu.memref_squeeze %get3A_299 : memref<1x320x64xf32, #tpu.memory_space<vmem>> -> memref<320x64xf32, #tpu.memory_space<vmem>>
          %get3A_301 = arith.index_cast %add3A_272 : i32 to index
          %get3A_302 = arith.constant 16 : index
          %get3A_303 = tpu.vector_load %get3A_300[%get3A_301, %get3A_302] {strides = array<i32>} : memref<320x64xf32, #tpu.memory_space<vmem>>, vector<16xf32>,
          %add3A_304 = arith.addf %scan3A_267, %get3A_303 : vector<16xf32>
          %get3A_305 = arith.constant 0 : i32
          %get3A_306 = arith.constant 0 : i32
          %get3A_307 = tpu.memref_slice %arg10[%scan3A_185, %get3A_305, %get3A_306] : memref<2x320x64xf32, #tpu.memory_space<vmem>> -> memref<1x320x64xf32, #tpu.memory_space<vmem>>
          %get3A_308 = tpu.memref_squeeze %get3A_307 : memref<1x320x64xf32, #tpu.memory_space<vmem>> -> memref<320x64xf32, #tpu.memory_space<vmem>>
          %get3A_309 = arith.index_cast %add3A_272 : i32 to index
          %get3A_310 = arith.constant 32 : index
          %get3A_311 = tpu.vector_load %get3A_308[%get3A_309, %get3A_310] {strides = array<i32>} : memref<320x64xf32, #tpu.memory_space<vmem>>, vector<16xf32>,
          %add3A_312 = arith.addf %scan3A_264, %get3A_311 : vector<16xf32>
          %get3A_313 = arith.constant 0 : i32
          %get3A_314 = arith.constant 0 : i32
          %get3A_315 = tpu.memref_slice %arg11[%scan3A_186, %get3A_313, %get3A_314] : memref<2x320x64xf32, #tpu.memory_space<vmem>> -> memref<1x320x64xf32, #tpu.memory_space<vmem>>
          %get3A_316 = tpu.memref_squeeze %get3A_315 : memref<1x320x64xf32, #tpu.memory_space<vmem>> -> memref<320x64xf32, #tpu.memory_space<vmem>>
          %get3A_317 = arith.index_cast %add3A_272 : i32 to index
          %get3A_318 = arith.constant 32 : index
          %get3A_319 = tpu.vector_load %get3A_316[%get3A_317, %get3A_318] {strides = array<i32>} : memref<320x64xf32, #tpu.memory_space<vmem>>, vector<16xf32>,
          %add3A_320 = arith.addf %scan3A_268, %get3A_319 : vector<16xf32>
          %get3A_321 = arith.constant 0 : i32
          %get3A_322 = arith.constant 0 : i32
          %get3A_323 = tpu.memref_slice %arg10[%scan3A_185, %get3A_321, %get3A_322] : memref<2x320x64xf32, #tpu.memory_space<vmem>> -> memref<1x320x64xf32, #tpu.memory_space<vmem>>
          %get3A_324 = tpu.memref_squeeze %get3A_323 : memref<1x320x64xf32, #tpu.memory_space<vmem>> -> memref<320x64xf32, #tpu.memory_space<vmem>>
          %get3A_325 = arith.index_cast %add3A_272 : i32 to index
          %get3A_326 = arith.constant 48 : index
          %get3A_327 = tpu.vector_load %get3A_324[%get3A_325, %get3A_326] {strides = array<i32>} : memref<320x64xf32, #tpu.memory_space<vmem>>, vector<16xf32>,
          %add3A_328 = arith.addf %scan3A_265, %get3A_327 : vector<16xf32>
          %get3A_329 = arith.constant 0 : i32
          %get3A_330 = arith.constant 0 : i32
          %get3A_331 = tpu.memref_slice %arg11[%scan3A_186, %get3A_329, %get3A_330] : memref<2x320x64xf32, #tpu.memory_space<vmem>> -> memref<1x320x64xf32, #tpu.memory_space<vmem>>
          %get3A_332 = tpu.memref_squeeze %get3A_331 : memref<1x320x64xf32, #tpu.memory_space<vmem>> -> memref<320x64xf32, #tpu.memory_space<vmem>>
          %get3A_333 = arith.index_cast %add3A_272 : i32 to index
          %get3A_334 = arith.constant 48 : index
          %get3A_335 = tpu.vector_load %get3A_332[%get3A_333, %get3A_334] {strides = array<i32>} : memref<320x64xf32, #tpu.memory_space<vmem>>, vector<16xf32>,
          %add3A_336 = arith.addf %scan3A_269, %get3A_335 : vector<16xf32>
          %scan3A_337 = arith.constant 1 : i32
          %scan3A_338 = arith.addi %scan3A_261, %scan3A_337 : i32
          %mul3A_339 = arith.constant 16 : i32
          %mul3A_340 = arith.muli %scan3A_338, %mul3A_339 : i32
          %add3A_341 = arith.addi %mul3A_340, %scan3A_209 : i32
          %get3A_342 = arith.constant 0 : i32
          %get3A_343 = arith.constant 0 : i32
          %get3A_344 = tpu.memref_slice %arg10[%scan3A_185, %get3A_342, %get3A_343] : memref<2x320x64xf32, #tpu.memory_space<vmem>> -> memref<1x320x64xf32, #tpu.memory_space<vmem>>
          %get3A_345 = tpu.memref_squeeze %get3A_344 : memref<1x320x64xf32, #tpu.memory_space<vmem>> -> memref<320x64xf32, #tpu.memory_space<vmem>>
          %get3A_346 = arith.index_cast %add3A_341 : i32 to index
          %get3A_347 = arith.constant 0 : index
          %get3A_348 = tpu.vector_load %get3A_345[%get3A_346, %get3A_347] {strides = array<i32>} : memref<320x64xf32, #tpu.memory_space<vmem>>, vector<16xf32>,
          %add3A_349 = arith.addf %add3A_280, %get3A_348 : vector<16xf32>
          %get3A_350 = arith.constant 0 : i32
          %get3A_351 = arith.constant 0 : i32
          %get3A_352 = tpu.memref_slice %arg11[%scan3A_186, %get3A_350, %get3A_351] : memref<2x320x64xf32, #tpu.memory_space<vmem>> -> memref<1x320x64xf32, #tpu.memory_space<vmem>>
          %get3A_353 = tpu.memref_squeeze %get3A_352 : memref<1x320x64xf32, #tpu.memory_space<vmem>> -> memref<320x64xf32, #tpu.memory_space<vmem>>
          %get3A_354 = arith.index_cast %add3A_341 : i32 to index
          %get3A_355 = arith.constant 0 : index
          %get3A_356 = tpu.vector_load %get3A_353[%get3A_354, %get3A_355] {strides = array<i32>} : memref<320x64xf32, #tpu.memory_space<vmem>>, vector<16xf32>,
          %add3A_357 = arith.addf %add3A_288, %get3A_356 : vector<16xf32>
          %get3A_358 = arith.constant 0 : i32
          %get3A_359 = arith.constant 0 : i32
          %get3A_360 = tpu.memref_slice %arg10[%scan3A_185, %get3A_358, %get3A_359] : memref<2x320x64xf32, #tpu.memory_space<vmem>> -> memref<1x320x64xf32, #tpu.memory_space<vmem>>
          %get3A_361 = tpu.memref_squeeze %get3A_360 : memref<1x320x64xf32, #tpu.memory_space<vmem>> -> memref<320x64xf32, #tpu.memory_space<vmem>>
          %get3A_362 = arith.index_cast %add3A_341 : i32 to index
          %get3A_363 = arith.constant 16 : index
          %get3A_364 = tpu.vector_load %get3A_361[%get3A_362, %get3A_363] {strides = array<i32>} : memref<320x64xf32, #tpu.memory_space<vmem>>, vector<16xf32>,
          %add3A_365 = arith.addf %add3A_296, %get3A_364 : vector<16xf32>
          %get3A_366 = arith.constant 0 : i32
          %get3A_367 = arith.constant 0 : i32
          %get3A_368 = tpu.memref_slice %arg11[%scan3A_186, %get3A_366, %get3A_367] : memref<2x320x64xf32, #tpu.memory_space<vmem>> -> memref<1x320x64xf32, #tpu.memory_space<vmem>>
          %get3A_369 = tpu.memref_squeeze %get3A_368 : memref<1x320x64xf32, #tpu.memory_space<vmem>> -> memref<320x64xf32, #tpu.memory_space<vmem>>
          %get3A_370 = arith.index_cast %add3A_341 : i32 to index
          %get3A_371 = arith.constant 16 : index
          %get3A_372 = tpu.vector_load %get3A_369[%get3A_370, %get3A_371] {strides = array<i32>} : memref<320x64xf32, #tpu.memory_space<vmem>>, vector<16xf32>,
          %add3A_373 = arith.addf %add3A_304, %get3A_372 : vector<16xf32>
          %get3A_374 = arith.constant 0 : i32
          %get3A_375 = arith.constant 0 : i32
          %get3A_376 = tpu.memref_slice %arg10[%scan3A_185, %get3A_374, %get3A_375] : memref<2x320x64xf32, #tpu.memory_space<vmem>> -> memref<1x320x64xf32, #tpu.memory_space<vmem>>
          %get3A_377 = tpu.memref_squeeze %get3A_376 : memref<1x320x64xf32, #tpu.memory_space<vmem>> -> memref<320x64xf32, #tpu.memory_space<vmem>>
          %get3A_378 = arith.index_cast %add3A_341 : i32 to index
          %get3A_379 = arith.constant 32 : index
          %get3A_380 = tpu.vector_load %get3A_377[%get3A_378, %get3A_379] {strides = array<i32>} : memref<320x64xf32, #tpu.memory_space<vmem>>, vector<16xf32>,
          %add3A_381 = arith.addf %add3A_312, %get3A_380 : vector<16xf32>
          %get3A_382 = arith.constant 0 : i32
          %get3A_383 = arith.constant 0 : i32
          %get3A_384 = tpu.memref_slice %arg11[%scan3A_186, %get3A_382, %get3A_383] : memref<2x320x64xf32, #tpu.memory_space<vmem>> -> memref<1x320x64xf32, #tpu.memory_space<vmem>>
          %get3A_385 = tpu.memref_squeeze %get3A_384 : memref<1x320x64xf32, #tpu.memory_space<vmem>> -> memref<320x64xf32, #tpu.memory_space<vmem>>
          %get3A_386 = arith.index_cast %add3A_341 : i32 to index
          %get3A_387 = arith.constant 32 : index
          %get3A_388 = tpu.vector_load %get3A_385[%get3A_386, %get3A_387] {strides = array<i32>} : memref<320x64xf32, #tpu.memory_space<vmem>>, vector<16xf32>,
          %add3A_389 = arith.addf %add3A_320, %get3A_388 : vector<16xf32>
          %get3A_390 = arith.constant 0 : i32
          %get3A_391 = arith.constant 0 : i32
          %get3A_392 = tpu.memref_slice %arg10[%scan3A_185, %get3A_390, %get3A_391] : memref<2x320x64xf32, #tpu.memory_space<vmem>> -> memref<1x320x64xf32, #tpu.memory_space<vmem>>
          %get3A_393 = tpu.memref_squeeze %get3A_392 : memref<1x320x64xf32, #tpu.memory_space<vmem>> -> memref<320x64xf32, #tpu.memory_space<vmem>>
          %get3A_394 = arith.index_cast %add3A_341 : i32 to index
          %get3A_395 = arith.constant 48 : index
          %get3A_396 = tpu.vector_load %get3A_393[%get3A_394, %get3A_395] {strides = array<i32>} : memref<320x64xf32, #tpu.memory_space<vmem>>, vector<16xf32>,
          %add3A_397 = arith.addf %add3A_328, %get3A_396 : vector<16xf32>
          %get3A_398 = arith.constant 0 : i32
          %get3A_399 = arith.constant 0 : i32
          %get3A_400 = tpu.memref_slice %arg11[%scan3A_186, %get3A_398, %get3A_399] : memref<2x320x64xf32, #tpu.memory_space<vmem>> -> memref<1x320x64xf32, #tpu.memory_space<vmem>>
          %get3A_401 = tpu.memref_squeeze %get3A_400 : memref<1x320x64xf32, #tpu.memory_space<vmem>> -> memref<320x64xf32, #tpu.memory_space<vmem>>
          %get3A_402 = arith.index_cast %add3A_341 : i32 to index
          %get3A_403 = arith.constant 48 : index
          %get3A_404 = tpu.vector_load %get3A_401[%get3A_402, %get3A_403] {strides = array<i32>} : memref<320x64xf32, #tpu.memory_space<vmem>>, vector<16xf32>,
          %add3A_405 = arith.addf %add3A_336, %get3A_404 : vector<16xf32>
          %scan3A_406 = arith.constant 2 : i32
          %scan3A_407 = arith.addi %scan3A_261, %scan3A_406 : i32
          %mul3A_408 = arith.constant 16 : i32
          %mul3A_409 = arith.muli %scan3A_407, %mul3A_408 : i32
          %add3A_410 = arith.addi %mul3A_409, %scan3A_209 : i32
          %get3A_411 = arith.constant 0 : i32
          %get3A_412 = arith.constant 0 : i32
          %get3A_413 = tpu.memref_slice %arg10[%scan3A_185, %get3A_411, %get3A_412] : memref<2x320x64xf32, #tpu.memory_space<vmem>> -> memref<1x320x64xf32, #tpu.memory_space<vmem>>
          %get3A_414 = tpu.memref_squeeze %get3A_413 : memref<1x320x64xf32, #tpu.memory_space<vmem>> -> memref<320x64xf32, #tpu.memory_space<vmem>>
          %get3A_415 = arith.index_cast %add3A_410 : i32 to index
          %get3A_416 = arith.constant 0 : index
          %get3A_417 = tpu.vector_load %get3A_414[%get3A_415, %get3A_416] {strides = array<i32>} : memref<320x64xf32, #tpu.memory_space<vmem>>, vector<16xf32>,
          %add3A_418 = arith.addf %add3A_349, %get3A_417 : vector<16xf32>
          %get3A_419 = arith.constant 0 : i32
          %get3A_420 = arith.constant 0 : i32
          %get3A_421 = tpu.memref_slice %arg11[%scan3A_186, %get3A_419, %get3A_420] : memref<2x320x64xf32, #tpu.memory_space<vmem>> -> memref<1x320x64xf32, #tpu.memory_space<vmem>>
          %get3A_422 = tpu.memref_squeeze %get3A_421 : memref<1x320x64xf32, #tpu.memory_space<vmem>> -> memref<320x64xf32, #tpu.memory_space<vmem>>
          %get3A_423 = arith.index_cast %add3A_410 : i32 to index
          %get3A_424 = arith.constant 0 : index
          %get3A_425 = tpu.vector_load %get3A_422[%get3A_423, %get3A_424] {strides = array<i32>} : memref<320x64xf32, #tpu.memory_space<vmem>>, vector<16xf32>,
          %add3A_426 = arith.addf %add3A_357, %get3A_425 : vector<16xf32>
          %get3A_427 = arith.constant 0 : i32
          %get3A_428 = arith.constant 0 : i32
          %get3A_429 = tpu.memref_slice %arg10[%scan3A_185, %get3A_427, %get3A_428] : memref<2x320x64xf32, #tpu.memory_space<vmem>> -> memref<1x320x64xf32, #tpu.memory_space<vmem>>
          %get3A_430 = tpu.memref_squeeze %get3A_429 : memref<1x320x64xf32, #tpu.memory_space<vmem>> -> memref<320x64xf32, #tpu.memory_space<vmem>>
          %get3A_431 = arith.index_cast %add3A_410 : i32 to index
          %get3A_432 = arith.constant 16 : index
          %get3A_433 = tpu.vector_load %get3A_430[%get3A_431, %get3A_432] {strides = array<i32>} : memref<320x64xf32, #tpu.memory_space<vmem>>, vector<16xf32>,
          %add3A_434 = arith.addf %add3A_365, %get3A_433 : vector<16xf32>
          %get3A_435 = arith.constant 0 : i32
          %get3A_436 = arith.constant 0 : i32
          %get3A_437 = tpu.memref_slice %arg11[%scan3A_186, %get3A_435, %get3A_436] : memref<2x320x64xf32, #tpu.memory_space<vmem>> -> memref<1x320x64xf32, #tpu.memory_space<vmem>>
          %get3A_438 = tpu.memref_squeeze %get3A_437 : memref<1x320x64xf32, #tpu.memory_space<vmem>> -> memref<320x64xf32, #tpu.memory_space<vmem>>
          %get3A_439 = arith.index_cast %add3A_410 : i32 to index
          %get3A_440 = arith.constant 16 : index
          %get3A_441 = tpu.vector_load %get3A_438[%get3A_439, %get3A_440] {strides = array<i32>} : memref<320x64xf32, #tpu.memory_space<vmem>>, vector<16xf32>,
          %add3A_442 = arith.addf %add3A_373, %get3A_441 : vector<16xf32>
          %get3A_443 = arith.constant 0 : i32
          %get3A_444 = arith.constant 0 : i32
          %get3A_445 = tpu.memref_slice %arg10[%scan3A_185, %get3A_443, %get3A_444] : memref<2x320x64xf32, #tpu.memory_space<vmem>> -> memref<1x320x64xf32, #tpu.memory_space<vmem>>
          %get3A_446 = tpu.memref_squeeze %get3A_445 : memref<1x320x64xf32, #tpu.memory_space<vmem>> -> memref<320x64xf32, #tpu.memory_space<vmem>>
          %get3A_447 = arith.index_cast %add3A_410 : i32 to index
          %get3A_448 = arith.constant 32 : index
          %get3A_449 = tpu.vector_load %get3A_446[%get3A_447, %get3A_448] {strides = array<i32>} : memref<320x64xf32, #tpu.memory_space<vmem>>, vector<16xf32>,
          %add3A_450 = arith.addf %add3A_381, %get3A_449 : vector<16xf32>
          %get3A_451 = arith.constant 0 : i32
          %get3A_452 = arith.constant 0 : i32
          %get3A_453 = tpu.memref_slice %arg11[%scan3A_186, %get3A_451, %get3A_452] : memref<2x320x64xf32, #tpu.memory_space<vmem>> -> memref<1x320x64xf32, #tpu.memory_space<vmem>>
          %get3A_454 = tpu.memref_squeeze %get3A_453 : memref<1x320x64xf32, #tpu.memory_space<vmem>> -> memref<320x64xf32, #tpu.memory_space<vmem>>
          %get3A_455 = arith.index_cast %add3A_410 : i32 to index
          %get3A_456 = arith.constant 32 : index
          %get3A_457 = tpu.vector_load %get3A_454[%get3A_455, %get3A_456] {strides = array<i32>} : memref<320x64xf32, #tpu.memory_space<vmem>>, vector<16xf32>,
          %add3A_458 = arith.addf %add3A_389, %get3A_457 : vector<16xf32>
          %get3A_459 = arith.constant 0 : i32
          %get3A_460 = arith.constant 0 : i32
          %get3A_461 = tpu.memref_slice %arg10[%scan3A_185, %get3A_459, %get3A_460] : memref<2x320x64xf32, #tpu.memory_space<vmem>> -> memref<1x320x64xf32, #tpu.memory_space<vmem>>
          %get3A_462 = tpu.memref_squeeze %get3A_461 : memref<1x320x64xf32, #tpu.memory_space<vmem>> -> memref<320x64xf32, #tpu.memory_space<vmem>>
          %get3A_463 = arith.index_cast %add3A_410 : i32 to index
          %get3A_464 = arith.constant 48 : index
          %get3A_465 = tpu.vector_load %get3A_462[%get3A_463, %get3A_464] {strides = array<i32>} : memref<320x64xf32, #tpu.memory_space<vmem>>, vector<16xf32>,
          %add3A_466 = arith.addf %add3A_397, %get3A_465 : vector<16xf32>
          %get3A_467 = arith.constant 0 : i32
          %get3A_468 = arith.constant 0 : i32
          %get3A_469 = tpu.memref_slice %arg11[%scan3A_186, %get3A_467, %get3A_468] : memref<2x320x64xf32, #tpu.memory_space<vmem>> -> memref<1x320x64xf32, #tpu.memory_space<vmem>>
          %get3A_470 = tpu.memref_squeeze %get3A_469 : memref<1x320x64xf32, #tpu.memory_space<vmem>> -> memref<320x64xf32, #tpu.memory_space<vmem>>
          %get3A_471 = arith.index_cast %add3A_410 : i32 to index
          %get3A_472 = arith.constant 48 : index
          %get3A_473 = tpu.vector_load %get3A_470[%get3A_471, %get3A_472] {strides = array<i32>} : memref<320x64xf32, #tpu.memory_space<vmem>>, vector<16xf32>,
          %add3A_474 = arith.addf %add3A_405, %get3A_473 : vector<16xf32>
          %scan3A_475 = arith.constant 3 : i32
          %scan3A_476 = arith.addi %scan3A_261, %scan3A_475 : i32
          %mul3A_477 = arith.constant 16 : i32
          %mul3A_478 = arith.muli %scan3A_476, %mul3A_477 : i32
          %add3A_479 = arith.addi %mul3A_478, %scan3A_209 : i32
          %get3A_480 = arith.constant 0 : i32
          %get3A_481 = arith.constant 0 : i32
          %get3A_482 = tpu.memref_slice %arg10[%scan3A_185, %get3A_480, %get3A_481] : memref<2x320x64xf32, #tpu.memory_space<vmem>> -> memref<1x320x64xf32, #tpu.memory_space<vmem>>
          %get3A_483 = tpu.memref_squeeze %get3A_482 : memref<1x320x64xf32, #tpu.memory_space<vmem>> -> memref<320x64xf32, #tpu.memory_space<vmem>>
          %get3A_484 = arith.index_cast %add3A_479 : i32 to index
          %get3A_485 = arith.constant 0 : index
          %get3A_486 = tpu.vector_load %get3A_483[%get3A_484, %get3A_485] {strides = array<i32>} : memref<320x64xf32, #tpu.memory_space<vmem>>, vector<16xf32>,
          %add3A_487 = arith.addf %add3A_418, %get3A_486 : vector<16xf32>
          %get3A_488 = arith.constant 0 : i32
          %get3A_489 = arith.constant 0 : i32
          %get3A_490 = tpu.memref_slice %arg11[%scan3A_186, %get3A_488, %get3A_489] : memref<2x320x64xf32, #tpu.memory_space<vmem>> -> memref<1x320x64xf32, #tpu.memory_space<vmem>>
          %get3A_491 = tpu.memref_squeeze %get3A_490 : memref<1x320x64xf32, #tpu.memory_space<vmem>> -> memref<320x64xf32, #tpu.memory_space<vmem>>
          %get3A_492 = arith.index_cast %add3A_479 : i32 to index
          %get3A_493 = arith.constant 0 : index
          %get3A_494 = tpu.vector_load %get3A_491[%get3A_492, %get3A_493] {strides = array<i32>} : memref<320x64xf32, #tpu.memory_space<vmem>>, vector<16xf32>,
          %add3A_495 = arith.addf %add3A_426, %get3A_494 : vector<16xf32>
          %get3A_496 = arith.constant 0 : i32
          %get3A_497 = arith.constant 0 : i32
          %get3A_498 = tpu.memref_slice %arg10[%scan3A_185, %get3A_496, %get3A_497] : memref<2x320x64xf32, #tpu.memory_space<vmem>> -> memref<1x320x64xf32, #tpu.memory_space<vmem>>
          %get3A_499 = tpu.memref_squeeze %get3A_498 : memref<1x320x64xf32, #tpu.memory_space<vmem>> -> memref<320x64xf32, #tpu.memory_space<vmem>>
          %get3A_500 = arith.index_cast %add3A_479 : i32 to index
          %get3A_501 = arith.constant 16 : index
          %get3A_502 = tpu.vector_load %get3A_499[%get3A_500, %get3A_501] {strides = array<i32>} : memref<320x64xf32, #tpu.memory_space<vmem>>, vector<16xf32>,
          %add3A_503 = arith.addf %add3A_434, %get3A_502 : vector<16xf32>
          %get3A_504 = arith.constant 0 : i32
          %get3A_505 = arith.constant 0 : i32
          %get3A_506 = tpu.memref_slice %arg11[%scan3A_186, %get3A_504, %get3A_505] : memref<2x320x64xf32, #tpu.memory_space<vmem>> -> memref<1x320x64xf32, #tpu.memory_space<vmem>>
          %get3A_507 = tpu.memref_squeeze %get3A_506 : memref<1x320x64xf32, #tpu.memory_space<vmem>> -> memref<320x64xf32, #tpu.memory_space<vmem>>
          %get3A_508 = arith.index_cast %add3A_479 : i32 to index
          %get3A_509 = arith.constant 16 : index
          %get3A_510 = tpu.vector_load %get3A_507[%get3A_508, %get3A_509] {strides = array<i32>} : memref<320x64xf32, #tpu.memory_space<vmem>>, vector<16xf32>,
          %add3A_511 = arith.addf %add3A_442, %get3A_510 : vector<16xf32>
          %get3A_512 = arith.constant 0 : i32
          %get3A_513 = arith.constant 0 : i32
          %get3A_514 = tpu.memref_slice %arg10[%scan3A_185, %get3A_512, %get3A_513] : memref<2x320x64xf32, #tpu.memory_space<vmem>> -> memref<1x320x64xf32, #tpu.memory_space<vmem>>
          %get3A_515 = tpu.memref_squeeze %get3A_514 : memref<1x320x64xf32, #tpu.memory_space<vmem>> -> memref<320x64xf32, #tpu.memory_space<vmem>>
          %get3A_516 = arith.index_cast %add3A_479 : i32 to index
          %get3A_517 = arith.constant 32 : index
          %get3A_518 = tpu.vector_load %get3A_515[%get3A_516, %get3A_517] {strides = array<i32>} : memref<320x64xf32, #tpu.memory_space<vmem>>, vector<16xf32>,
          %add3A_519 = arith.addf %add3A_450, %get3A_518 : vector<16xf32>
          %get3A_520 = arith.constant 0 : i32
          %get3A_521 = arith.constant 0 : i32
          %get3A_522 = tpu.memref_slice %arg11[%scan3A_186, %get3A_520, %get3A_521] : memref<2x320x64xf32, #tpu.memory_space<vmem>> -> memref<1x320x64xf32, #tpu.memory_space<vmem>>
          %get3A_523 = tpu.memref_squeeze %get3A_522 : memref<1x320x64xf32, #tpu.memory_space<vmem>> -> memref<320x64xf32, #tpu.memory_space<vmem>>
          %get3A_524 = arith.index_cast %add3A_479 : i32 to index
          %get3A_525 = arith.constant 32 : index
          %get3A_526 = tpu.vector_load %get3A_523[%get3A_524, %get3A_525] {strides = array<i32>} : memref<320x64xf32, #tpu.memory_space<vmem>>, vector<16xf32>,
          %add3A_527 = arith.addf %add3A_458, %get3A_526 : vector<16xf32>
          %get3A_528 = arith.constant 0 : i32
          %get3A_529 = arith.constant 0 : i32
          %get3A_530 = tpu.memref_slice %arg10[%scan3A_185, %get3A_528, %get3A_529] : memref<2x320x64xf32, #tpu.memory_space<vmem>> -> memref<1x320x64xf32, #tpu.memory_space<vmem>>
          %get3A_531 = tpu.memref_squeeze %get3A_530 : memref<1x320x64xf32, #tpu.memory_space<vmem>> -> memref<320x64xf32, #tpu.memory_space<vmem>>
          %get3A_532 = arith.index_cast %add3A_479 : i32 to index
          %get3A_533 = arith.constant 48 : index
          %get3A_534 = tpu.vector_load %get3A_531[%get3A_532, %get3A_533] {strides = array<i32>} : memref<320x64xf32, #tpu.memory_space<vmem>>, vector<16xf32>,
          %add3A_535 = arith.addf %add3A_466, %get3A_534 : vector<16xf32>
          %get3A_536 = arith.constant 0 : i32
          %get3A_537 = arith.constant 0 : i32
          %get3A_538 = tpu.memref_slice %arg11[%scan3A_186, %get3A_536, %get3A_537] : memref<2x320x64xf32, #tpu.memory_space<vmem>> -> memref<1x320x64xf32, #tpu.memory_space<vmem>>
          %get3A_539 = tpu.memref_squeeze %get3A_538 : memref<1x320x64xf32, #tpu.memory_space<vmem>> -> memref<320x64xf32, #tpu.memory_space<vmem>>
          %get3A_540 = arith.index_cast %add3A_479 : i32 to index
          %get3A_541 = arith.constant 48 : index
          %get3A_542 = tpu.vector_load %get3A_539[%get3A_540, %get3A_541] {strides = array<i32>} : memref<320x64xf32, #tpu.memory_space<vmem>>, vector<16xf32>,
          %add3A_543 = arith.addf %add3A_474, %get3A_542 : vector<16xf32>
          scf.yield %add3A_487, %add3A_503, %add3A_519, %add3A_535, %add3A_495, %add3A_511, %add3A_527, %add3A_543 : vector<16xf32>, vector<16xf32>, vector<16xf32>, vector<16xf32>, vector<16xf32>, vector<16xf32>, vector<16xf32>, vector<16xf32>
        }
        %scan3A_216 = arith.constant 20 : i32
        %get3A = arith.constant 0 : i32
        %get3A_217 = arith.constant 0 : i32
        %get3A_218 = tpu.memref_slice %arg12[%scan3A_187, %get3A, %get3A_217] : memref<2x16x64xf32, #tpu.memory_space<vmem>> -> memref<1x16x64xf32, #tpu.memory_space<vmem>>
        %get3A_219 = tpu.memref_squeeze %get3A_218 : memref<1x16x64xf32, #tpu.memory_space<vmem>> -> memref<16x64xf32, #tpu.memory_space<vmem>>
        %get3A_220 = arith.index_cast %scan3A_209 : i32 to index
        %get3A_221 = arith.constant 0 : index
        %get3A_222 = tpu.vector_load %get3A_219[%get3A_220, %get3A_221] {strides = array<i32>} : memref<16x64xf32, #tpu.memory_space<vmem>>, vector<16xf32>,
        %mul3A_223 = arith.mulf %scan3A_215#0, %get3A_222 : vector<16xf32>
        %mul3A_224 = arith.mulf %mul3A_223, %scan3A_215#4 : vector<16xf32>
        %add3A_225 = arith.addf %broadcast_in_dim3A_1, %mul3A_224 : vector<16xf32>
        %get3A_226 = arith.constant 0 : i32
        %get3A_227 = arith.constant 0 : i32
        %get3A_228 = tpu.memref_slice %arg12[%scan3A_187, %get3A_226, %get3A_227] : memref<2x16x64xf32, #tpu.memory_space<vmem>> -> memref<1x16x64xf32, #tpu.memory_space<vmem>>
        %get3A_229 = tpu.memref_squeeze %get3A_228 : memref<1x16x64xf32, #tpu.memory_space<vmem>> -> memref<16x64xf32, #tpu.memory_space<vmem>>
        %get3A_230 = arith.index_cast %scan3A_209 : i32 to index
        %get3A_231 = arith.constant 16 : index
        %get3A_232 = tpu.vector_load %get3A_229[%get3A_230, %get3A_231] {strides = array<i32>} : memref<16x64xf32, #tpu.memory_space<vmem>>, vector<16xf32>,
        %mul3A_233 = arith.mulf %scan3A_215#1, %get3A_232 : vector<16xf32>
        %mul3A_234 = arith.mulf %mul3A_233, %scan3A_215#5 : vector<16xf32>
        %add3A_235 = arith.addf %add3A_225, %mul3A_234 : vector<16xf32>
        %get3A_236 = arith.constant 0 : i32
        %get3A_237 = arith.constant 0 : i32
        %get3A_238 = tpu.memref_slice %arg12[%scan3A_187, %get3A_236, %get3A_237] : memref<2x16x64xf32, #tpu.memory_space<vmem>> -> memref<1x16x64xf32, #tpu.memory_space<vmem>>
        %get3A_239 = tpu.memref_squeeze %get3A_238 : memref<1x16x64xf32, #tpu.memory_space<vmem>> -> memref<16x64xf32, #tpu.memory_space<vmem>>
        %get3A_240 = arith.index_cast %scan3A_209 : i32 to index
        %get3A_241 = arith.constant 32 : index
        %get3A_242 = tpu.vector_load %get3A_239[%get3A_240, %get3A_241] {strides = array<i32>} : memref<16x64xf32, #tpu.memory_space<vmem>>, vector<16xf32>,
        %mul3A_243 = arith.mulf %scan3A_215#2, %get3A_242 : vector<16xf32>
        %mul3A_244 = arith.mulf %mul3A_243, %scan3A_215#6 : vector<16xf32>
        %add3A_245 = arith.addf %add3A_235, %mul3A_244 : vector<16xf32>
        %get3A_246 = arith.constant 0 : i32
        %get3A_247 = arith.constant 0 : i32
        %get3A_248 = tpu.memref_slice %arg12[%scan3A_187, %get3A_246, %get3A_247] : memref<2x16x64xf32, #tpu.memory_space<vmem>> -> memref<1x16x64xf32, #tpu.memory_space<vmem>>
        %get3A_249 = tpu.memref_squeeze %get3A_248 : memref<1x16x64xf32, #tpu.memory_space<vmem>> -> memref<16x64xf32, #tpu.memory_space<vmem>>
        %get3A_250 = arith.index_cast %scan3A_209 : i32 to index
        %get3A_251 = arith.constant 48 : index
        %get3A_252 = tpu.vector_load %get3A_249[%get3A_250, %get3A_251] {strides = array<i32>} : memref<16x64xf32, #tpu.memory_space<vmem>>, vector<16xf32>,
        %mul3A_253 = arith.mulf %scan3A_215#3, %get3A_252 : vector<16xf32>
        %mul3A_254 = arith.mulf %mul3A_253, %scan3A_215#7 : vector<16xf32>
        %add3A_255 = arith.addf %add3A_245, %mul3A_254 : vector<16xf32>
        %eq3A = vector.broadcast %scan3A_209 : i32 to vector<16xi32>
        %eq3A_256 = arith.cmpi eq, %iota3A, %eq3A : vector<16xi32>
        %reduce_sum3A = arith.constant true
        %reduce_sum3A_257 = vector.broadcast %reduce_sum3A : i1 to vector<16xi1>
        %reduce_sum3A_258 = tpu.scan <sum>, %add3A_255 masked %reduce_sum3A_257 : vector<16xf32>, vector<16xi1> -> vector<16xf32>
        %reduce_sum3A_259 = vector.extract %reduce_sum3A_258[15] : f32 from vector<16xf32>
        %broadcast_in_dim3A_260 = vector.broadcast %reduce_sum3A_259 : f32 to vector<16xf32>
        %select_n3A = arith.select %eq3A_256, %broadcast_in_dim3A_260, %scan3A_210 : vector<16xi1>, vector<16xf32>
        scf.yield %select_n3A : vector<16xf32>
      }
      %scan3A_193 = arith.constant 16 : i32
      %mul3A_194 = arith.mulf %mul3A_184, %scan3A_192 : vector<16xf32>
      %neg3A_195 = arith.constant 0.000000e+00 : f32
      %neg3A_196 = vector.broadcast %neg3A_195 : f32 to vector<16xf32>
      %neg3A_197 = arith.subf %neg3A_196, %mul3A_194 : vector<16xf32>
      %exp3A_198 = math.exp %neg3A_197 : vector<16xf32>
      %add3A_199 = arith.constant 1.000000e+00 : f32
      %add3A_200 = vector.broadcast %add3A_199 : f32 to vector<16xf32>
      %add3A_201 = arith.addf %add3A_200, %exp3A_198 : vector<16xf32>
      %div3A_202 = arith.constant 1.000000e+00 : f32
      %div3A_203 = vector.broadcast %div3A_202 : f32 to vector<16xf32>
      %div3A_204 = arith.divf %div3A_203, %add3A_201 : vector<16xf32>
      %swap3A_205 = arith.constant 0 : index
      %swap3A_206 = tpu.vector_load %arg13[%swap3A_205] {strides = array<i32>} : memref<16xf32, #tpu.memory_space<vmem>>, vector<16xf32>,
      tpu.vector_store %arg13[%swap3A_205], %div3A_204 {strides = array<i32>} : memref<16xf32, #tpu.memory_space<vmem>>, vector<16xf32>,
      %mul3A_207 = arith.constant 16 : i32
      %mul3A_208 = arith.muli %add3A_139, %mul3A_207 : i32
      "tpu.region"() ({
        %run_scoped3A_209 = tpu.sem_alloc : memref<!tpu.dma_semaphore, #tpu.memory_space<semaphore_mem>>
        %dma_start3A_210 = tpu.memref_slice %arg6[%mul3A_208] : memref<4096xf32, #tpu.memory_space<hbm>> -> memref<16xf32, #tpu.memory_space<hbm>>
        %dma_start3A_211 = tpu.memref_slice %arg6[%mul3A_208] : memref<4096xf32, #tpu.memory_space<hbm>> -> memref<16xf32, #tpu.memory_space<hbm>>
        tpu.enqueue_dma source(%arg13 : memref<16xf32, #tpu.memory_space<vmem>>) target(%dma_start3A_211 : memref<16xf32, #tpu.memory_space<hbm>>) target_semaphore(%run_scoped3A_209 : memref<!tpu.dma_semaphore, #tpu.memory_space<semaphore_mem>>)
        %dma_wait3A_212 = tpu.memref_slice %arg6[%mul3A_208] : memref<4096xf32, #tpu.memory_space<hbm>> -> memref<16xf32, #tpu.memory_space<hbm>>
        %dma_wait3A_213 = tpu.memref_slice %arg6[%mul3A_208] : memref<4096xf32, #tpu.memory_space<hbm>> -> memref<16xf32, #tpu.memory_space<hbm>>
        tpu.wait_dma2 semaphore(%run_scoped3A_209 : memref<!tpu.dma_semaphore, #tpu.memory_space<semaphore_mem>>) src(%arg13 : memref<16xf32, #tpu.memory_space<vmem>>) dst(%dma_wait3A_213 : memref<16xf32, #tpu.memory_space<hbm>>)
        tpu.yield
      }) : () -> ()
    }
    %scan3A_53 = arith.constant 4 : i32
    return
  }
}

#map = affine_map<(d0, d1) -> (0, 0)>
#map1 = affine_map<(d0, d1) -> (0)>
module attributes {stable_mosaic.version = 14 : i64} {
  func.func @_relayout_table(%arg0: i32, %arg1: i32, %arg2: memref<64x1000000xf32, #tpu.memory_space<hbm>>, %arg3: memref<36864xf32, #tpu.memory_space<hbm>>, %arg4: memref<64000000xf32, #tpu.memory_space<hbm>>, %arg5: memref<2x64x128xf32, #tpu.memory_space<vmem>>, %arg6: memref<2x64x128xf32, #tpu.memory_space<vmem>>, %arg7: memref<16384xf32, #tpu.memory_space<vmem>>, %arg8: memref<16384xf32, #tpu.memory_space<vmem>>, %arg9: memref<!tpu.dma_semaphore, #tpu.memory_space<semaphore_mem>>, %arg10: memref<!tpu.dma_semaphore, #tpu.memory_space<semaphore_mem>>, %arg11: memref<!tpu.dma_semaphore, #tpu.memory_space<semaphore_mem>>, %arg12: memref<!tpu.dma_semaphore, #tpu.memory_space<semaphore_mem>>) attributes {dimension_semantics = [#tpu.dimension_semantics<core_parallel>, #tpu.dimension_semantics<subcore_parallel>], iteration_bounds = array<i64: 2, 16>, scalar_prefetch = 0 : i64, scratch_operands = 8 : i64, tpu.core_type = #tpu.core_type<sc_vector_subcore>, window_params = [{transform_indices = #map}, {transform_indices = #map1}, {transform_indices = #map1}]} {
    %mul3A = arith.constant 2 : i32
    %mul3A_0 = arith.muli %arg1, %mul3A : i32
    %add3A = arith.addi %mul3A_0, %arg0 : i32
    %iota3A = tpu.iota {dimensions = array<i32: 0>} : vector<16xi32>
    %mul3A_1 = arith.constant 64 : i32
    %mul3A_2 = vector.broadcast %mul3A_1 : i32 to vector<16xi32>
    %mul3A_3 = arith.muli %iota3A, %mul3A_2 : vector<16xi32>
    %mul3A_4 = arith.constant 256 : i32
    %mul3A_5 = arith.muli %add3A, %mul3A_4 : i32
    %multiple_of3A = tpu.assume_multiple %mul3A_5, 128 : i32
    %add3A_6 = arith.constant 0 : i32
    %add3A_7 = arith.addi %multiple_of3A, %add3A_6 : i32
    %add3A_8 = arith.constant 128 : i32
    %add3A_9 = arith.addi %multiple_of3A, %add3A_8 : i32
    %dma_start3A = arith.constant 0 : i32
    %dma_start3A_10 = arith.constant 0 : i32
    %dma_start3A_11 = arith.constant 0 : i32
    %dma_start3A_12 = tpu.memref_slice %arg5[%dma_start3A, %dma_start3A_10, %dma_start3A_11] : memref<2x64x128xf32, #tpu.memory_space<vmem>> -> memref<1x64x128xf32, #tpu.memory_space<vmem>>
    %dma_start3A_13 = tpu.memref_squeeze %dma_start3A_12 : memref<1x64x128xf32, #tpu.memory_space<vmem>> -> memref<64x128xf32, #tpu.memory_space<vmem>>
    %dma_start3A_14 = arith.constant 0 : i32
    %dma_start3A_15 = tpu.memref_slice %arg2[%dma_start3A_14, %add3A_7] : memref<64x1000000xf32, #tpu.memory_space<hbm>> -> memref<64x128xf32, #tpu.memory_space<hbm>>
    %dma_start3A_16 = arith.constant 0 : i32
    %dma_start3A_17 = arith.constant 0 : i32
    %dma_start3A_18 = tpu.memref_slice %arg5[%dma_start3A, %dma_start3A_16, %dma_start3A_17] : memref<2x64x128xf32, #tpu.memory_space<vmem>> -> memref<1x64x128xf32, #tpu.memory_space<vmem>>
    %dma_start3A_19 = tpu.memref_squeeze %dma_start3A_18 : memref<1x64x128xf32, #tpu.memory_space<vmem>> -> memref<64x128xf32, #tpu.memory_space<vmem>>
    %dma_start3A_20 = arith.constant 0 : i32
    %dma_start3A_21 = tpu.memref_slice %arg2[%dma_start3A_20, %add3A_7] : memref<64x1000000xf32, #tpu.memory_space<hbm>> -> memref<64x128xf32, #tpu.memory_space<hbm>>
    tpu.enqueue_dma source(%dma_start3A_21 : memref<64x128xf32, #tpu.memory_space<hbm>>) target(%dma_start3A_19 : memref<64x128xf32, #tpu.memory_space<vmem>>) target_semaphore(%arg9 : memref<!tpu.dma_semaphore, #tpu.memory_space<semaphore_mem>>)
    %dma_start3A_22 = arith.constant 1 : i32
    %dma_start3A_23 = arith.constant 0 : i32
    %dma_start3A_24 = arith.constant 0 : i32
    %dma_start3A_25 = tpu.memref_slice %arg5[%dma_start3A_22, %dma_start3A_23, %dma_start3A_24] : memref<2x64x128xf32, #tpu.memory_space<vmem>> -> memref<1x64x128xf32, #tpu.memory_space<vmem>>
    %dma_start3A_26 = tpu.memref_squeeze %dma_start3A_25 : memref<1x64x128xf32, #tpu.memory_space<vmem>> -> memref<64x128xf32, #tpu.memory_space<vmem>>
    %dma_start3A_27 = arith.constant 0 : i32
    %dma_start3A_28 = tpu.memref_slice %arg2[%dma_start3A_27, %add3A_9] : memref<64x1000000xf32, #tpu.memory_space<hbm>> -> memref<64x128xf32, #tpu.memory_space<hbm>>
    %dma_start3A_29 = arith.constant 0 : i32
    %dma_start3A_30 = arith.constant 0 : i32
    %dma_start3A_31 = tpu.memref_slice %arg5[%dma_start3A_22, %dma_start3A_29, %dma_start3A_30] : memref<2x64x128xf32, #tpu.memory_space<vmem>> -> memref<1x64x128xf32, #tpu.memory_space<vmem>>
    %dma_start3A_32 = tpu.memref_squeeze %dma_start3A_31 : memref<1x64x128xf32, #tpu.memory_space<vmem>> -> memref<64x128xf32, #tpu.memory_space<vmem>>
    %dma_start3A_33 = arith.constant 0 : i32
    %dma_start3A_34 = tpu.memref_slice %arg2[%dma_start3A_33, %add3A_9] : memref<64x1000000xf32, #tpu.memory_space<hbm>> -> memref<64x128xf32, #tpu.memory_space<hbm>>
    tpu.enqueue_dma source(%dma_start3A_34 : memref<64x128xf32, #tpu.memory_space<hbm>>) target(%dma_start3A_32 : memref<64x128xf32, #tpu.memory_space<vmem>>) target_semaphore(%arg9 : memref<!tpu.dma_semaphore, #tpu.memory_space<semaphore_mem>>)
    %add3A_35 = arith.constant 32 : i32
    %add3A_36 = arith.addi %add3A, %add3A_35 : i32
    %mul3A_37 = arith.constant 256 : i32
    %mul3A_38 = arith.muli %add3A_36, %mul3A_37 : i32
    %multiple_of3A_39 = tpu.assume_multiple %mul3A_38, 128 : i32
    %add3A_40 = arith.constant 0 : i32
    %add3A_41 = arith.addi %multiple_of3A_39, %add3A_40 : i32
    %add3A_42 = arith.constant 128 : i32
    %add3A_43 = arith.addi %multiple_of3A_39, %add3A_42 : i32
    %dma_start3A_44 = arith.constant 0 : i32
    %dma_start3A_45 = arith.constant 0 : i32
    %dma_start3A_46 = arith.constant 0 : i32
    %dma_start3A_47 = tpu.memref_slice %arg6[%dma_start3A_44, %dma_start3A_45, %dma_start3A_46] : memref<2x64x128xf32, #tpu.memory_space<vmem>> -> memref<1x64x128xf32, #tpu.memory_space<vmem>>
    %dma_start3A_48 = tpu.memref_squeeze %dma_start3A_47 : memref<1x64x128xf32, #tpu.memory_space<vmem>> -> memref<64x128xf32, #tpu.memory_space<vmem>>
    %dma_start3A_49 = arith.constant 0 : i32
    %dma_start3A_50 = tpu.memref_slice %arg2[%dma_start3A_49, %add3A_41] : memref<64x1000000xf32, #tpu.memory_space<hbm>> -> memref<64x128xf32, #tpu.memory_space<hbm>>
    %dma_start3A_51 = arith.constant 0 : i32
    %dma_start3A_52 = arith.constant 0 : i32
    %dma_start3A_53 = tpu.memref_slice %arg6[%dma_start3A_44, %dma_start3A_51, %dma_start3A_52] : memref<2x64x128xf32, #tpu.memory_space<vmem>> -> memref<1x64x128xf32, #tpu.memory_space<vmem>>
    %dma_start3A_54 = tpu.memref_squeeze %dma_start3A_53 : memref<1x64x128xf32, #tpu.memory_space<vmem>> -> memref<64x128xf32, #tpu.memory_space<vmem>>
    %dma_start3A_55 = arith.constant 0 : i32
    %dma_start3A_56 = tpu.memref_slice %arg2[%dma_start3A_55, %add3A_41] : memref<64x1000000xf32, #tpu.memory_space<hbm>> -> memref<64x128xf32, #tpu.memory_space<hbm>>
    tpu.enqueue_dma source(%dma_start3A_56 : memref<64x128xf32, #tpu.memory_space<hbm>>) target(%dma_start3A_54 : memref<64x128xf32, #tpu.memory_space<vmem>>) target_semaphore(%arg10 : memref<!tpu.dma_semaphore, #tpu.memory_space<semaphore_mem>>)
    %dma_start3A_57 = arith.constant 1 : i32
    %dma_start3A_58 = arith.constant 0 : i32
    %dma_start3A_59 = arith.constant 0 : i32
    %dma_start3A_60 = tpu.memref_slice %arg6[%dma_start3A_57, %dma_start3A_58, %dma_start3A_59] : memref<2x64x128xf32, #tpu.memory_space<vmem>> -> memref<1x64x128xf32, #tpu.memory_space<vmem>>
    %dma_start3A_61 = tpu.memref_squeeze %dma_start3A_60 : memref<1x64x128xf32, #tpu.memory_space<vmem>> -> memref<64x128xf32, #tpu.memory_space<vmem>>
    %dma_start3A_62 = arith.constant 0 : i32
    %dma_start3A_63 = tpu.memref_slice %arg2[%dma_start3A_62, %add3A_43] : memref<64x1000000xf32, #tpu.memory_space<hbm>> -> memref<64x128xf32, #tpu.memory_space<hbm>>
    %dma_start3A_64 = arith.constant 0 : i32
    %dma_start3A_65 = arith.constant 0 : i32
    %dma_start3A_66 = tpu.memref_slice %arg6[%dma_start3A_57, %dma_start3A_64, %dma_start3A_65] : memref<2x64x128xf32, #tpu.memory_space<vmem>> -> memref<1x64x128xf32, #tpu.memory_space<vmem>>
    %dma_start3A_67 = tpu.memref_squeeze %dma_start3A_66 : memref<1x64x128xf32, #tpu.memory_space<vmem>> -> memref<64x128xf32, #tpu.memory_space<vmem>>
    %dma_start3A_68 = arith.constant 0 : i32
    %dma_start3A_69 = tpu.memref_slice %arg2[%dma_start3A_68, %add3A_43] : memref<64x1000000xf32, #tpu.memory_space<hbm>> -> memref<64x128xf32, #tpu.memory_space<hbm>>
    tpu.enqueue_dma source(%dma_start3A_69 : memref<64x128xf32, #tpu.memory_space<hbm>>) target(%dma_start3A_67 : memref<64x128xf32, #tpu.memory_space<vmem>>) target_semaphore(%arg10 : memref<!tpu.dma_semaphore, #tpu.memory_space<semaphore_mem>>)
    %scan3A = arith.constant 0 : i32
    %scan3A_70 = arith.constant 0 : i32
    %scan3A_71 = arith.constant 61 : i32
    %scan3A_72 = arith.addi %scan3A_70, %scan3A_71 : i32
    %scan3A_73 = arith.constant 1 : i32
    scf.for %scan3A_88 = %scan3A_70 to %scan3A_72 step %scan3A_73  : i32 {
      %mul3A_89 = arith.constant 2 : i32
      %mul3A_90 = arith.muli %mul3A_89, %scan3A_88 : i32
      %mul3A_91 = arith.constant 32 : i32
      %mul3A_92 = arith.muli %mul3A_90, %mul3A_91 : i32
      %add3A_93 = arith.addi %mul3A_92, %add3A : i32
      %add3A_94 = arith.constant 32 : i32
      %add3A_95 = arith.addi %add3A_93, %add3A_94 : i32
      %mul3A_96 = arith.constant 256 : i32
      %mul3A_97 = arith.muli %add3A_93, %mul3A_96 : i32
      %multiple_of3A_98 = tpu.assume_multiple %mul3A_97, 128 : i32
      %add3A_99 = arith.constant 0 : i32
      %add3A_100 = arith.addi %multiple_of3A_98, %add3A_99 : i32
      %add3A_101 = arith.constant 128 : i32
      %add3A_102 = arith.addi %multiple_of3A_98, %add3A_101 : i32
      %dma_wait3A_103 = arith.constant 0 : i32
      %dma_wait3A_104 = arith.constant 0 : i32
      %dma_wait3A_105 = arith.constant 0 : i32
      %dma_wait3A_106 = tpu.memref_slice %arg5[%dma_wait3A_103, %dma_wait3A_104, %dma_wait3A_105] : memref<2x64x128xf32, #tpu.memory_space<vmem>> -> memref<1x64x128xf32, #tpu.memory_space<vmem>>
      %dma_wait3A_107 = tpu.memref_squeeze %dma_wait3A_106 : memref<1x64x128xf32, #tpu.memory_space<vmem>> -> memref<64x128xf32, #tpu.memory_space<vmem>>
      %dma_wait3A_108 = arith.constant 0 : i32
      %dma_wait3A_109 = tpu.memref_slice %arg2[%dma_wait3A_108, %add3A_100] : memref<64x1000000xf32, #tpu.memory_space<hbm>> -> memref<64x128xf32, #tpu.memory_space<hbm>>
      %dma_wait3A_110 = arith.constant 0 : i32
      %dma_wait3A_111 = arith.constant 0 : i32
      %dma_wait3A_112 = tpu.memref_slice %arg5[%dma_wait3A_103, %dma_wait3A_110, %dma_wait3A_111] : memref<2x64x128xf32, #tpu.memory_space<vmem>> -> memref<1x64x128xf32, #tpu.memory_space<vmem>>
      %dma_wait3A_113 = tpu.memref_squeeze %dma_wait3A_112 : memref<1x64x128xf32, #tpu.memory_space<vmem>> -> memref<64x128xf32, #tpu.memory_space<vmem>>
      %dma_wait3A_114 = arith.constant 0 : i32
      %dma_wait3A_115 = tpu.memref_slice %arg2[%dma_wait3A_114, %add3A_100] : memref<64x1000000xf32, #tpu.memory_space<hbm>> -> memref<64x128xf32, #tpu.memory_space<hbm>>
      tpu.wait_dma2 semaphore(%arg9 : memref<!tpu.dma_semaphore, #tpu.memory_space<semaphore_mem>>) src(%dma_wait3A_115 : memref<64x128xf32, #tpu.memory_space<hbm>>) dst(%dma_wait3A_113 : memref<64x128xf32, #tpu.memory_space<vmem>>)
      %dma_wait3A_116 = arith.constant 1 : i32
      %dma_wait3A_117 = arith.constant 0 : i32
      %dma_wait3A_118 = arith.constant 0 : i32
      %dma_wait3A_119 = tpu.memref_slice %arg5[%dma_wait3A_116, %dma_wait3A_117, %dma_wait3A_118] : memref<2x64x128xf32, #tpu.memory_space<vmem>> -> memref<1x64x128xf32, #tpu.memory_space<vmem>>
      %dma_wait3A_120 = tpu.memref_squeeze %dma_wait3A_119 : memref<1x64x128xf32, #tpu.memory_space<vmem>> -> memref<64x128xf32, #tpu.memory_space<vmem>>
      %dma_wait3A_121 = arith.constant 0 : i32
      %dma_wait3A_122 = tpu.memref_slice %arg2[%dma_wait3A_121, %add3A_102] : memref<64x1000000xf32, #tpu.memory_space<hbm>> -> memref<64x128xf32, #tpu.memory_space<hbm>>
      %dma_wait3A_123 = arith.constant 0 : i32
      %dma_wait3A_124 = arith.constant 0 : i32
      %dma_wait3A_125 = tpu.memref_slice %arg5[%dma_wait3A_116, %dma_wait3A_123, %dma_wait3A_124] : memref<2x64x128xf32, #tpu.memory_space<vmem>> -> memref<1x64x128xf32, #tpu.memory_space<vmem>>
      %dma_wait3A_126 = tpu.memref_squeeze %dma_wait3A_125 : memref<1x64x128xf32, #tpu.memory_space<vmem>> -> memref<64x128xf32, #tpu.memory_space<vmem>>
      %dma_wait3A_127 = arith.constant 0 : i32
      %dma_wait3A_128 = tpu.memref_slice %arg2[%dma_wait3A_127, %add3A_102] : memref<64x1000000xf32, #tpu.memory_space<hbm>> -> memref<64x128xf32, #tpu.memory_space<hbm>>
      tpu.wait_dma2 semaphore(%arg9 : memref<!tpu.dma_semaphore, #tpu.memory_space<semaphore_mem>>) src(%dma_wait3A_128 : memref<64x128xf32, #tpu.memory_space<hbm>>) dst(%dma_wait3A_126 : memref<64x128xf32, #tpu.memory_space<vmem>>)
      %sub3A = arith.constant 64 : i32
      %sub3A_129 = arith.subi %add3A_93, %sub3A : i32
      %ge3A = arith.constant 0 : i32
      %ge3A_130 = arith.cmpi sge, %sub3A_129, %ge3A : i32
      %convert_element_type3A_131 = arith.extui %ge3A_130 : i1 to i32
      %cond3A_132 = arith.constant 0 : i32
      %cond3A_133 = arith.cmpi ne, %convert_element_type3A_131, %cond3A_132 : i32
      scf.if %cond3A_133 {
        %mul3A_872 = arith.constant 16384 : i32
        %mul3A_873 = arith.muli %sub3A_129, %mul3A_872 : i32
        %dma_wait3A_874 = tpu.memref_slice %arg4[%mul3A_873] : memref<64000000xf32, #tpu.memory_space<hbm>> -> memref<16384xf32, #tpu.memory_space<hbm>>
        %dma_wait3A_875 = tpu.memref_slice %arg4[%mul3A_873] : memref<64000000xf32, #tpu.memory_space<hbm>> -> memref<16384xf32, #tpu.memory_space<hbm>>
        tpu.wait_dma2 semaphore(%arg11 : memref<!tpu.dma_semaphore, #tpu.memory_space<semaphore_mem>>) src(%arg7 : memref<16384xf32, #tpu.memory_space<vmem>>) dst(%dma_wait3A_875 : memref<16384xf32, #tpu.memory_space<hbm>>)
      } else {
      }
      %broadcast_in_dim3A = arith.constant 0 : i32
      %broadcast_in_dim3A_134 = vector.broadcast %broadcast_in_dim3A : i32 to vector<16xi32>
      %add3A_135 = arith.constant 0 : i32
      %add3A_136 = vector.broadcast %add3A_135 : i32 to vector<16xi32>
      %add3A_137 = arith.addi %iota3A, %add3A_136 : vector<16xi32>
      %and3A = arith.constant 15 : i32
      %and3A_138 = vector.broadcast %and3A : i32 to vector<16xi32>
      %and3A_139 = arith.andi %add3A_137, %and3A_138 : vector<16xi32>
      %shift_right_arithmetic3A = arith.constant 3 : i32
      %shift_right_arithmetic3A_140 = vector.broadcast %shift_right_arithmetic3A : i32 to vector<16xi32>
      %shift_right_arithmetic3A_141 = arith.shrsi %and3A_139, %shift_right_arithmetic3A_140 : vector<16xi32>
      %shift_left3A = arith.constant 10 : i32
      %shift_left3A_142 = vector.broadcast %shift_left3A : i32 to vector<16xi32>
      %shift_left3A_143 = arith.shli %shift_right_arithmetic3A_141, %shift_left3A_142 : vector<16xi32>
      %and3A_144 = arith.constant 7 : i32
      %and3A_145 = vector.broadcast %and3A_144 : i32 to vector<16xi32>
      %and3A_146 = arith.andi %and3A_139, %and3A_145 : vector<16xi32>
      %shift_left3A_147 = arith.constant 7 : i32
      %shift_left3A_148 = vector.broadcast %shift_left3A_147 : i32 to vector<16xi32>
      %shift_left3A_149 = arith.shli %and3A_146, %shift_left3A_148 : vector<16xi32>
      %add3A_150 = arith.addi %shift_left3A_143, %shift_left3A_149 : vector<16xi32>
      %add3A_151 = arith.addi %add3A_150, %iota3A : vector<16xi32>
      %add3A_152 = arith.addi %mul3A_3, %and3A_139 : vector<16xi32>
      %add3A_153 = arith.constant 1 : i32
      %add3A_154 = vector.broadcast %add3A_153 : i32 to vector<16xi32>
      %add3A_155 = arith.addi %iota3A, %add3A_154 : vector<16xi32>
      %and3A_156 = arith.constant 15 : i32
      %and3A_157 = vector.broadcast %and3A_156 : i32 to vector<16xi32>
      %and3A_158 = arith.andi %add3A_155, %and3A_157 : vector<16xi32>
      %shift_right_arithmetic3A_159 = arith.constant 3 : i32
      %shift_right_arithmetic3A_160 = vector.broadcast %shift_right_arithmetic3A_159 : i32 to vector<16xi32>
      %shift_right_arithmetic3A_161 = arith.shrsi %and3A_158, %shift_right_arithmetic3A_160 : vector<16xi32>
      %shift_left3A_162 = arith.constant 10 : i32
      %shift_left3A_163 = vector.broadcast %shift_left3A_162 : i32 to vector<16xi32>
      %shift_left3A_164 = arith.shli %shift_right_arithmetic3A_161, %shift_left3A_163 : vector<16xi32>
      %and3A_165 = arith.constant 7 : i32
      %and3A_166 = vector.broadcast %and3A_165 : i32 to vector<16xi32>
      %and3A_167 = arith.andi %and3A_158, %and3A_166 : vector<16xi32>
      %shift_left3A_168 = arith.constant 7 : i32
      %shift_left3A_169 = vector.broadcast %shift_left3A_168 : i32 to vector<16xi32>
      %shift_left3A_170 = arith.shli %and3A_167, %shift_left3A_169 : vector<16xi32>
      %add3A_171 = arith.addi %shift_left3A_164, %shift_left3A_170 : vector<16xi32>
      %add3A_172 = arith.addi %add3A_171, %iota3A : vector<16xi32>
      %add3A_173 = arith.addi %mul3A_3, %and3A_158 : vector<16xi32>
      %add3A_174 = arith.constant 2 : i32
      %add3A_175 = vector.broadcast %add3A_174 : i32 to vector<16xi32>
      %add3A_176 = arith.addi %iota3A, %add3A_175 : vector<16xi32>
      %and3A_177 = arith.constant 15 : i32
      %and3A_178 = vector.broadcast %and3A_177 : i32 to vector<16xi32>
      %and3A_179 = arith.andi %add3A_176, %and3A_178 : vector<16xi32>
      %shift_right_arithmetic3A_180 = arith.constant 3 : i32
      %shift_right_arithmetic3A_181 = vector.broadcast %shift_right_arithmetic3A_180 : i32 to vector<16xi32>
      %shift_right_arithmetic3A_182 = arith.shrsi %and3A_179, %shift_right_arithmetic3A_181 : vector<16xi32>
      %shift_left3A_183 = arith.constant 10 : i32
      %shift_left3A_184 = vector.broadcast %shift_left3A_183 : i32 to vector<16xi32>
      %shift_left3A_185 = arith.shli %shift_right_arithmetic3A_182, %shift_left3A_184 : vector<16xi32>
      %and3A_186 = arith.constant 7 : i32
      %and3A_187 = vector.broadcast %and3A_186 : i32 to vector<16xi32>
      %and3A_188 = arith.andi %and3A_179, %and3A_187 : vector<16xi32>
      %shift_left3A_189 = arith.constant 7 : i32
      %shift_left3A_190 = vector.broadcast %shift_left3A_189 : i32 to vector<16xi32>
      %shift_left3A_191 = arith.shli %and3A_188, %shift_left3A_190 : vector<16xi32>
      %add3A_192 = arith.addi %shift_left3A_185, %shift_left3A_191 : vector<16xi32>
      %add3A_193 = arith.addi %add3A_192, %iota3A : vector<16xi32>
      %add3A_194 = arith.addi %mul3A_3, %and3A_179 : vector<16xi32>
      %add3A_195 = arith.constant 3 : i32
      %add3A_196 = vector.broadcast %add3A_195 : i32 to vector<16xi32>
      %add3A_197 = arith.addi %iota3A, %add3A_196 : vector<16xi32>
      %and3A_198 = arith.constant 15 : i32
      %and3A_199 = vector.broadcast %and3A_198 : i32 to vector<16xi32>
      %and3A_200 = arith.andi %add3A_197, %and3A_199 : vector<16xi32>
      %shift_right_arithmetic3A_201 = arith.constant 3 : i32
      %shift_right_arithmetic3A_202 = vector.broadcast %shift_right_arithmetic3A_201 : i32 to vector<16xi32>
      %shift_right_arithmetic3A_203 = arith.shrsi %and3A_200, %shift_right_arithmetic3A_202 : vector<16xi32>
      %shift_left3A_204 = arith.constant 10 : i32
      %shift_left3A_205 = vector.broadcast %shift_left3A_204 : i32 to vector<16xi32>
      %shift_left3A_206 = arith.shli %shift_right_arithmetic3A_203, %shift_left3A_205 : vector<16xi32>
      %and3A_207 = arith.constant 7 : i32
      %and3A_208 = vector.broadcast %and3A_207 : i32 to vector<16xi32>
      %and3A_209 = arith.andi %and3A_200, %and3A_208 : vector<16xi32>
      %shift_left3A_210 = arith.constant 7 : i32
      %shift_left3A_211 = vector.broadcast %shift_left3A_210 : i32 to vector<16xi32>
      %shift_left3A_212 = arith.shli %and3A_209, %shift_left3A_211 : vector<16xi32>
      %add3A_213 = arith.addi %shift_left3A_206, %shift_left3A_212 : vector<16xi32>
      %add3A_214 = arith.addi %add3A_213, %iota3A : vector<16xi32>
      %add3A_215 = arith.addi %mul3A_3, %and3A_200 : vector<16xi32>
      %add3A_216 = arith.constant 4 : i32
      %add3A_217 = vector.broadcast %add3A_216 : i32 to vector<16xi32>
      %add3A_218 = arith.addi %iota3A, %add3A_217 : vector<16xi32>
      %and3A_219 = arith.constant 15 : i32
      %and3A_220 = vector.broadcast %and3A_219 : i32 to vector<16xi32>
      %and3A_221 = arith.andi %add3A_218, %and3A_220 : vector<16xi32>
      %shift_right_arithmetic3A_222 = arith.constant 3 : i32
      %shift_right_arithmetic3A_223 = vector.broadcast %shift_right_arithmetic3A_222 : i32 to vector<16xi32>
      %shift_right_arithmetic3A_224 = arith.shrsi %and3A_221, %shift_right_arithmetic3A_223 : vector<16xi32>
      %shift_left3A_225 = arith.constant 10 : i32
      %shift_left3A_226 = vector.broadcast %shift_left3A_225 : i32 to vector<16xi32>
      %shift_left3A_227 = arith.shli %shift_right_arithmetic3A_224, %shift_left3A_226 : vector<16xi32>
      %and3A_228 = arith.constant 7 : i32
      %and3A_229 = vector.broadcast %and3A_228 : i32 to vector<16xi32>
      %and3A_230 = arith.andi %and3A_221, %and3A_229 : vector<16xi32>
      %shift_left3A_231 = arith.constant 7 : i32
      %shift_left3A_232 = vector.broadcast %shift_left3A_231 : i32 to vector<16xi32>
      %shift_left3A_233 = arith.shli %and3A_230, %shift_left3A_232 : vector<16xi32>
      %add3A_234 = arith.addi %shift_left3A_227, %shift_left3A_233 : vector<16xi32>
      %add3A_235 = arith.addi %add3A_234, %iota3A : vector<16xi32>
      %add3A_236 = arith.addi %mul3A_3, %and3A_221 : vector<16xi32>
      %add3A_237 = arith.constant 5 : i32
      %add3A_238 = vector.broadcast %add3A_237 : i32 to vector<16xi32>
      %add3A_239 = arith.addi %iota3A, %add3A_238 : vector<16xi32>
      %and3A_240 = arith.constant 15 : i32
      %and3A_241 = vector.broadcast %and3A_240 : i32 to vector<16xi32>
      %and3A_242 = arith.andi %add3A_239, %and3A_241 : vector<16xi32>
      %shift_right_arithmetic3A_243 = arith.constant 3 : i32
      %shift_right_arithmetic3A_244 = vector.broadcast %shift_right_arithmetic3A_243 : i32 to vector<16xi32>
      %shift_right_arithmetic3A_245 = arith.shrsi %and3A_242, %shift_right_arithmetic3A_244 : vector<16xi32>
      %shift_left3A_246 = arith.constant 10 : i32
      %shift_left3A_247 = vector.broadcast %shift_left3A_246 : i32 to vector<16xi32>
      %shift_left3A_248 = arith.shli %shift_right_arithmetic3A_245, %shift_left3A_247 : vector<16xi32>
      %and3A_249 = arith.constant 7 : i32
      %and3A_250 = vector.broadcast %and3A_249 : i32 to vector<16xi32>
      %and3A_251 = arith.andi %and3A_242, %and3A_250 : vector<16xi32>
      %shift_left3A_252 = arith.constant 7 : i32
      %shift_left3A_253 = vector.broadcast %shift_left3A_252 : i32 to vector<16xi32>
      %shift_left3A_254 = arith.shli %and3A_251, %shift_left3A_253 : vector<16xi32>
      %add3A_255 = arith.addi %shift_left3A_248, %shift_left3A_254 : vector<16xi32>
      %add3A_256 = arith.addi %add3A_255, %iota3A : vector<16xi32>
      %add3A_257 = arith.addi %mul3A_3, %and3A_242 : vector<16xi32>
      %add3A_258 = arith.constant 6 : i32
      %add3A_259 = vector.broadcast %add3A_258 : i32 to vector<16xi32>
      %add3A_260 = arith.addi %iota3A, %add3A_259 : vector<16xi32>
      %and3A_261 = arith.constant 15 : i32
      %and3A_262 = vector.broadcast %and3A_261 : i32 to vector<16xi32>
      %and3A_263 = arith.andi %add3A_260, %and3A_262 : vector<16xi32>
      %shift_right_arithmetic3A_264 = arith.constant 3 : i32
      %shift_right_arithmetic3A_265 = vector.broadcast %shift_right_arithmetic3A_264 : i32 to vector<16xi32>
      %shift_right_arithmetic3A_266 = arith.shrsi %and3A_263, %shift_right_arithmetic3A_265 : vector<16xi32>
      %shift_left3A_267 = arith.constant 10 : i32
      %shift_left3A_268 = vector.broadcast %shift_left3A_267 : i32 to vector<16xi32>
      %shift_left3A_269 = arith.shli %shift_right_arithmetic3A_266, %shift_left3A_268 : vector<16xi32>
      %and3A_270 = arith.constant 7 : i32
      %and3A_271 = vector.broadcast %and3A_270 : i32 to vector<16xi32>
      %and3A_272 = arith.andi %and3A_263, %and3A_271 : vector<16xi32>
      %shift_left3A_273 = arith.constant 7 : i32
      %shift_left3A_274 = vector.broadcast %shift_left3A_273 : i32 to vector<16xi32>
      %shift_left3A_275 = arith.shli %and3A_272, %shift_left3A_274 : vector<16xi32>
      %add3A_276 = arith.addi %shift_left3A_269, %shift_left3A_275 : vector<16xi32>
      %add3A_277 = arith.addi %add3A_276, %iota3A : vector<16xi32>
      %add3A_278 = arith.addi %mul3A_3, %and3A_263 : vector<16xi32>
      %add3A_279 = arith.constant 7 : i32
      %add3A_280 = vector.broadcast %add3A_279 : i32 to vector<16xi32>
      %add3A_281 = arith.addi %iota3A, %add3A_280 : vector<16xi32>
      %and3A_282 = arith.constant 15 : i32
      %and3A_283 = vector.broadcast %and3A_282 : i32 to vector<16xi32>
      %and3A_284 = arith.andi %add3A_281, %and3A_283 : vector<16xi32>
      %shift_right_arithmetic3A_285 = arith.constant 3 : i32
      %shift_right_arithmetic3A_286 = vector.broadcast %shift_right_arithmetic3A_285 : i32 to vector<16xi32>
      %shift_right_arithmetic3A_287 = arith.shrsi %and3A_284, %shift_right_arithmetic3A_286 : vector<16xi32>
      %shift_left3A_288 = arith.constant 10 : i32
      %shift_left3A_289 = vector.broadcast %shift_left3A_288 : i32 to vector<16xi32>
      %shift_left3A_290 = arith.shli %shift_right_arithmetic3A_287, %shift_left3A_289 : vector<16xi32>
      %and3A_291 = arith.constant 7 : i32
      %and3A_292 = vector.broadcast %and3A_291 : i32 to vector<16xi32>
      %and3A_293 = arith.andi %and3A_284, %and3A_292 : vector<16xi32>
      %shift_left3A_294 = arith.constant 7 : i32
      %shift_left3A_295 = vector.broadcast %shift_left3A_294 : i32 to vector<16xi32>
      %shift_left3A_296 = arith.shli %and3A_293, %shift_left3A_295 : vector<16xi32>
      %add3A_297 = arith.addi %shift_left3A_290, %shift_left3A_296 : vector<16xi32>
      %add3A_298 = arith.addi %add3A_297, %iota3A : vector<16xi32>
      %add3A_299 = arith.addi %mul3A_3, %and3A_284 : vector<16xi32>
      %add3A_300 = arith.constant 8 : i32
      %add3A_301 = vector.broadcast %add3A_300 : i32 to vector<16xi32>
      %add3A_302 = arith.addi %iota3A, %add3A_301 : vector<16xi32>
      %and3A_303 = arith.constant 15 : i32
      %and3A_304 = vector.broadcast %and3A_303 : i32 to vector<16xi32>
      %and3A_305 = arith.andi %add3A_302, %and3A_304 : vector<16xi32>
      %shift_right_arithmetic3A_306 = arith.constant 3 : i32
      %shift_right_arithmetic3A_307 = vector.broadcast %shift_right_arithmetic3A_306 : i32 to vector<16xi32>
      %shift_right_arithmetic3A_308 = arith.shrsi %and3A_305, %shift_right_arithmetic3A_307 : vector<16xi32>
      %shift_left3A_309 = arith.constant 10 : i32
      %shift_left3A_310 = vector.broadcast %shift_left3A_309 : i32 to vector<16xi32>
      %shift_left3A_311 = arith.shli %shift_right_arithmetic3A_308, %shift_left3A_310 : vector<16xi32>
      %and3A_312 = arith.constant 7 : i32
      %and3A_313 = vector.broadcast %and3A_312 : i32 to vector<16xi32>
      %and3A_314 = arith.andi %and3A_305, %and3A_313 : vector<16xi32>
      %shift_left3A_315 = arith.constant 7 : i32
      %shift_left3A_316 = vector.broadcast %shift_left3A_315 : i32 to vector<16xi32>
      %shift_left3A_317 = arith.shli %and3A_314, %shift_left3A_316 : vector<16xi32>
      %add3A_318 = arith.addi %shift_left3A_311, %shift_left3A_317 : vector<16xi32>
      %add3A_319 = arith.addi %add3A_318, %iota3A : vector<16xi32>
      %add3A_320 = arith.addi %mul3A_3, %and3A_305 : vector<16xi32>
      %add3A_321 = arith.constant 9 : i32
      %add3A_322 = vector.broadcast %add3A_321 : i32 to vector<16xi32>
      %add3A_323 = arith.addi %iota3A, %add3A_322 : vector<16xi32>
      %and3A_324 = arith.constant 15 : i32
      %and3A_325 = vector.broadcast %and3A_324 : i32 to vector<16xi32>
      %and3A_326 = arith.andi %add3A_323, %and3A_325 : vector<16xi32>
      %shift_right_arithmetic3A_327 = arith.constant 3 : i32
      %shift_right_arithmetic3A_328 = vector.broadcast %shift_right_arithmetic3A_327 : i32 to vector<16xi32>
      %shift_right_arithmetic3A_329 = arith.shrsi %and3A_326, %shift_right_arithmetic3A_328 : vector<16xi32>
      %shift_left3A_330 = arith.constant 10 : i32
      %shift_left3A_331 = vector.broadcast %shift_left3A_330 : i32 to vector<16xi32>
      %shift_left3A_332 = arith.shli %shift_right_arithmetic3A_329, %shift_left3A_331 : vector<16xi32>
      %and3A_333 = arith.constant 7 : i32
      %and3A_334 = vector.broadcast %and3A_333 : i32 to vector<16xi32>
      %and3A_335 = arith.andi %and3A_326, %and3A_334 : vector<16xi32>
      %shift_left3A_336 = arith.constant 7 : i32
      %shift_left3A_337 = vector.broadcast %shift_left3A_336 : i32 to vector<16xi32>
      %shift_left3A_338 = arith.shli %and3A_335, %shift_left3A_337 : vector<16xi32>
      %add3A_339 = arith.addi %shift_left3A_332, %shift_left3A_338 : vector<16xi32>
      %add3A_340 = arith.addi %add3A_339, %iota3A : vector<16xi32>
      %add3A_341 = arith.addi %mul3A_3, %and3A_326 : vector<16xi32>
      %add3A_342 = arith.constant 10 : i32
      %add3A_343 = vector.broadcast %add3A_342 : i32 to vector<16xi32>
      %add3A_344 = arith.addi %iota3A, %add3A_343 : vector<16xi32>
      %and3A_345 = arith.constant 15 : i32
      %and3A_346 = vector.broadcast %and3A_345 : i32 to vector<16xi32>
      %and3A_347 = arith.andi %add3A_344, %and3A_346 : vector<16xi32>
      %shift_right_arithmetic3A_348 = arith.constant 3 : i32
      %shift_right_arithmetic3A_349 = vector.broadcast %shift_right_arithmetic3A_348 : i32 to vector<16xi32>
      %shift_right_arithmetic3A_350 = arith.shrsi %and3A_347, %shift_right_arithmetic3A_349 : vector<16xi32>
      %shift_left3A_351 = arith.constant 10 : i32
      %shift_left3A_352 = vector.broadcast %shift_left3A_351 : i32 to vector<16xi32>
      %shift_left3A_353 = arith.shli %shift_right_arithmetic3A_350, %shift_left3A_352 : vector<16xi32>
      %and3A_354 = arith.constant 7 : i32
      %and3A_355 = vector.broadcast %and3A_354 : i32 to vector<16xi32>
      %and3A_356 = arith.andi %and3A_347, %and3A_355 : vector<16xi32>
      %shift_left3A_357 = arith.constant 7 : i32
      %shift_left3A_358 = vector.broadcast %shift_left3A_357 : i32 to vector<16xi32>
      %shift_left3A_359 = arith.shli %and3A_356, %shift_left3A_358 : vector<16xi32>
      %add3A_360 = arith.addi %shift_left3A_353, %shift_left3A_359 : vector<16xi32>
      %add3A_361 = arith.addi %add3A_360, %iota3A : vector<16xi32>
      %add3A_362 = arith.addi %mul3A_3, %and3A_347 : vector<16xi32>
      %add3A_363 = arith.constant 11 : i32
      %add3A_364 = vector.broadcast %add3A_363 : i32 to vector<16xi32>
      %add3A_365 = arith.addi %iota3A, %add3A_364 : vector<16xi32>
      %and3A_366 = arith.constant 15 : i32
      %and3A_367 = vector.broadcast %and3A_366 : i32 to vector<16xi32>
      %and3A_368 = arith.andi %add3A_365, %and3A_367 : vector<16xi32>
      %shift_right_arithmetic3A_369 = arith.constant 3 : i32
      %shift_right_arithmetic3A_370 = vector.broadcast %shift_right_arithmetic3A_369 : i32 to vector<16xi32>
      %shift_right_arithmetic3A_371 = arith.shrsi %and3A_368, %shift_right_arithmetic3A_370 : vector<16xi32>
      %shift_left3A_372 = arith.constant 10 : i32
      %shift_left3A_373 = vector.broadcast %shift_left3A_372 : i32 to vector<16xi32>
      %shift_left3A_374 = arith.shli %shift_right_arithmetic3A_371, %shift_left3A_373 : vector<16xi32>
      %and3A_375 = arith.constant 7 : i32
      %and3A_376 = vector.broadcast %and3A_375 : i32 to vector<16xi32>
      %and3A_377 = arith.andi %and3A_368, %and3A_376 : vector<16xi32>
      %shift_left3A_378 = arith.constant 7 : i32
      %shift_left3A_379 = vector.broadcast %shift_left3A_378 : i32 to vector<16xi32>
      %shift_left3A_380 = arith.shli %and3A_377, %shift_left3A_379 : vector<16xi32>
      %add3A_381 = arith.addi %shift_left3A_374, %shift_left3A_380 : vector<16xi32>
      %add3A_382 = arith.addi %add3A_381, %iota3A : vector<16xi32>
      %add3A_383 = arith.addi %mul3A_3, %and3A_368 : vector<16xi32>
      %add3A_384 = arith.constant 12 : i32
      %add3A_385 = vector.broadcast %add3A_384 : i32 to vector<16xi32>
      %add3A_386 = arith.addi %iota3A, %add3A_385 : vector<16xi32>
      %and3A_387 = arith.constant 15 : i32
      %and3A_388 = vector.broadcast %and3A_387 : i32 to vector<16xi32>
      %and3A_389 = arith.andi %add3A_386, %and3A_388 : vector<16xi32>
      %shift_right_arithmetic3A_390 = arith.constant 3 : i32
      %shift_right_arithmetic3A_391 = vector.broadcast %shift_right_arithmetic3A_390 : i32 to vector<16xi32>
      %shift_right_arithmetic3A_392 = arith.shrsi %and3A_389, %shift_right_arithmetic3A_391 : vector<16xi32>
      %shift_left3A_393 = arith.constant 10 : i32
      %shift_left3A_394 = vector.broadcast %shift_left3A_393 : i32 to vector<16xi32>
      %shift_left3A_395 = arith.shli %shift_right_arithmetic3A_392, %shift_left3A_394 : vector<16xi32>
      %and3A_396 = arith.constant 7 : i32
      %and3A_397 = vector.broadcast %and3A_396 : i32 to vector<16xi32>
      %and3A_398 = arith.andi %and3A_389, %and3A_397 : vector<16xi32>
      %shift_left3A_399 = arith.constant 7 : i32
      %shift_left3A_400 = vector.broadcast %shift_left3A_399 : i32 to vector<16xi32>
      %shift_left3A_401 = arith.shli %and3A_398, %shift_left3A_400 : vector<16xi32>
      %add3A_402 = arith.addi %shift_left3A_395, %shift_left3A_401 : vector<16xi32>
      %add3A_403 = arith.addi %add3A_402, %iota3A : vector<16xi32>
      %add3A_404 = arith.addi %mul3A_3, %and3A_389 : vector<16xi32>
      %add3A_405 = arith.constant 13 : i32
      %add3A_406 = vector.broadcast %add3A_405 : i32 to vector<16xi32>
      %add3A_407 = arith.addi %iota3A, %add3A_406 : vector<16xi32>
      %and3A_408 = arith.constant 15 : i32
      %and3A_409 = vector.broadcast %and3A_408 : i32 to vector<16xi32>
      %and3A_410 = arith.andi %add3A_407, %and3A_409 : vector<16xi32>
      %shift_right_arithmetic3A_411 = arith.constant 3 : i32
      %shift_right_arithmetic3A_412 = vector.broadcast %shift_right_arithmetic3A_411 : i32 to vector<16xi32>
      %shift_right_arithmetic3A_413 = arith.shrsi %and3A_410, %shift_right_arithmetic3A_412 : vector<16xi32>
      %shift_left3A_414 = arith.constant 10 : i32
      %shift_left3A_415 = vector.broadcast %shift_left3A_414 : i32 to vector<16xi32>
      %shift_left3A_416 = arith.shli %shift_right_arithmetic3A_413, %shift_left3A_415 : vector<16xi32>
      %and3A_417 = arith.constant 7 : i32
      %and3A_418 = vector.broadcast %and3A_417 : i32 to vector<16xi32>
      %and3A_419 = arith.andi %and3A_410, %and3A_418 : vector<16xi32>
      %shift_left3A_420 = arith.constant 7 : i32
      %shift_left3A_421 = vector.broadcast %shift_left3A_420 : i32 to vector<16xi32>
      %shift_left3A_422 = arith.shli %and3A_419, %shift_left3A_421 : vector<16xi32>
      %add3A_423 = arith.addi %shift_left3A_416, %shift_left3A_422 : vector<16xi32>
      %add3A_424 = arith.addi %add3A_423, %iota3A : vector<16xi32>
      %add3A_425 = arith.addi %mul3A_3, %and3A_410 : vector<16xi32>
      %add3A_426 = arith.constant 14 : i32
      %add3A_427 = vector.broadcast %add3A_426 : i32 to vector<16xi32>
      %add3A_428 = arith.addi %iota3A, %add3A_427 : vector<16xi32>
      %and3A_429 = arith.constant 15 : i32
      %and3A_430 = vector.broadcast %and3A_429 : i32 to vector<16xi32>
      %and3A_431 = arith.andi %add3A_428, %and3A_430 : vector<16xi32>
      %shift_right_arithmetic3A_432 = arith.constant 3 : i32
      %shift_right_arithmetic3A_433 = vector.broadcast %shift_right_arithmetic3A_432 : i32 to vector<16xi32>
      %shift_right_arithmetic3A_434 = arith.shrsi %and3A_431, %shift_right_arithmetic3A_433 : vector<16xi32>
      %shift_left3A_435 = arith.constant 10 : i32
      %shift_left3A_436 = vector.broadcast %shift_left3A_435 : i32 to vector<16xi32>
      %shift_left3A_437 = arith.shli %shift_right_arithmetic3A_434, %shift_left3A_436 : vector<16xi32>
      %and3A_438 = arith.constant 7 : i32
      %and3A_439 = vector.broadcast %and3A_438 : i32 to vector<16xi32>
      %and3A_440 = arith.andi %and3A_431, %and3A_439 : vector<16xi32>
      %shift_left3A_441 = arith.constant 7 : i32
      %shift_left3A_442 = vector.broadcast %shift_left3A_441 : i32 to vector<16xi32>
      %shift_left3A_443 = arith.shli %and3A_440, %shift_left3A_442 : vector<16xi32>
      %add3A_444 = arith.addi %shift_left3A_437, %shift_left3A_443 : vector<16xi32>
      %add3A_445 = arith.addi %add3A_444, %iota3A : vector<16xi32>
      %add3A_446 = arith.addi %mul3A_3, %and3A_431 : vector<16xi32>
      %add3A_447 = arith.constant 15 : i32
      %add3A_448 = vector.broadcast %add3A_447 : i32 to vector<16xi32>
      %add3A_449 = arith.addi %iota3A, %add3A_448 : vector<16xi32>
      %and3A_450 = arith.constant 15 : i32
      %and3A_451 = vector.broadcast %and3A_450 : i32 to vector<16xi32>
      %and3A_452 = arith.andi %add3A_449, %and3A_451 : vector<16xi32>
      %shift_right_arithmetic3A_453 = arith.constant 3 : i32
      %shift_right_arithmetic3A_454 = vector.broadcast %shift_right_arithmetic3A_453 : i32 to vector<16xi32>
      %shift_right_arithmetic3A_455 = arith.shrsi %and3A_452, %shift_right_arithmetic3A_454 : vector<16xi32>
      %shift_left3A_456 = arith.constant 10 : i32
      %shift_left3A_457 = vector.broadcast %shift_left3A_456 : i32 to vector<16xi32>
      %shift_left3A_458 = arith.shli %shift_right_arithmetic3A_455, %shift_left3A_457 : vector<16xi32>
      %and3A_459 = arith.constant 7 : i32
      %and3A_460 = vector.broadcast %and3A_459 : i32 to vector<16xi32>
      %and3A_461 = arith.andi %and3A_452, %and3A_460 : vector<16xi32>
      %shift_left3A_462 = arith.constant 7 : i32
      %shift_left3A_463 = vector.broadcast %shift_left3A_462 : i32 to vector<16xi32>
      %shift_left3A_464 = arith.shli %and3A_461, %shift_left3A_463 : vector<16xi32>
      %add3A_465 = arith.addi %shift_left3A_458, %shift_left3A_464 : vector<16xi32>
      %add3A_466 = arith.addi %add3A_465, %iota3A : vector<16xi32>
      %add3A_467 = arith.addi %mul3A_3, %and3A_452 : vector<16xi32>
      %parallel_loop3A = arith.constant 0 : i32
      %parallel_loop3A_468 = arith.constant 64 : i32
      %parallel_loop3A_469 = arith.constant 1 : i32
      scf.for %parallel_loop3A_872 = %parallel_loop3A to %parallel_loop3A_468 step %parallel_loop3A_469  : i32 {
        %parallel_loop3A_873 = arith.constant 2 : i32
        %parallel_loop3A_874 = arith.shrsi %parallel_loop3A_872, %parallel_loop3A_873 : i32
        %parallel_loop3A_875 = arith.constant 3 : i32
        %parallel_loop3A_876 = arith.andi %parallel_loop3A_872, %parallel_loop3A_875 : i32
        %parallel_loop3A_877 = arith.constant 3 : i32
        %parallel_loop3A_878 = arith.shrsi %parallel_loop3A_874, %parallel_loop3A_877 : i32
        %parallel_loop3A_879 = arith.constant 7 : i32
        %parallel_loop3A_880 = arith.andi %parallel_loop3A_874, %parallel_loop3A_879 : i32
        %parallel_loop3A_881 = arith.constant 2048 : i32
        %parallel_loop3A_882 = arith.muli %parallel_loop3A_876, %parallel_loop3A_881 : i32
        %parallel_loop3A_883 = arith.constant 16 : i32
        %parallel_loop3A_884 = arith.muli %parallel_loop3A_880, %parallel_loop3A_883 : i32
        %parallel_loop3A_885 = arith.addi %parallel_loop3A_882, %parallel_loop3A_884 : i32
        %parallel_loop3A_886 = arith.constant 1024 : i32
        %parallel_loop3A_887 = arith.muli %parallel_loop3A_874, %parallel_loop3A_886 : i32
        %parallel_loop3A_888 = arith.constant 16 : i32
        %parallel_loop3A_889 = arith.muli %parallel_loop3A_888, %parallel_loop3A_876 : i32
        %parallel_loop3A_890 = arith.addi %parallel_loop3A_887, %parallel_loop3A_889 : i32
        %parallel_loop3A_891 = vector.broadcast %parallel_loop3A_878 : i32 to vector<16xi32>
        %parallel_loop3A_892 = arith.addi %broadcast_in_dim3A_134, %parallel_loop3A_891 : vector<16xi32>
        %parallel_loop3A_893 = vector.broadcast %parallel_loop3A_885 : i32 to vector<16xi32>
        %parallel_loop3A_894 = arith.addi %add3A_151, %parallel_loop3A_893 : vector<16xi32>
        %parallel_loop3A_895 = tpu.vector_load_idx %arg5[%parallel_loop3A_892, %broadcast_in_dim3A_134, %parallel_loop3A_894] : memref<2x64x128xf32, #tpu.memory_space<vmem>>[vector<16xi32>, vector<16xi32>, vector<16xi32>], vector<16xf32>,
        %parallel_loop3A_896 = vector.broadcast %parallel_loop3A_890 : i32 to vector<16xi32>
        %parallel_loop3A_897 = arith.addi %add3A_152, %parallel_loop3A_896 : vector<16xi32>
        tpu.vector_store_idx %arg7[%parallel_loop3A_897], %parallel_loop3A_895 : memref<16384xf32, #tpu.memory_space<vmem>>[vector<16xi32>], vector<16xf32>,
        %parallel_loop3A_898 = vector.broadcast %parallel_loop3A_878 : i32 to vector<16xi32>
        %parallel_loop3A_899 = arith.addi %broadcast_in_dim3A_134, %parallel_loop3A_898 : vector<16xi32>
        %parallel_loop3A_900 = vector.broadcast %parallel_loop3A_885 : i32 to vector<16xi32>
        %parallel_loop3A_901 = arith.addi %add3A_172, %parallel_loop3A_900 : vector<16xi32>
        %parallel_loop3A_902 = tpu.vector_load_idx %arg5[%parallel_loop3A_899, %broadcast_in_dim3A_134, %parallel_loop3A_901] : memref<2x64x128xf32, #tpu.memory_space<vmem>>[vector<16xi32>, vector<16xi32>, vector<16xi32>], vector<16xf32>,
        %parallel_loop3A_903 = vector.broadcast %parallel_loop3A_890 : i32 to vector<16xi32>
        %parallel_loop3A_904 = arith.addi %add3A_173, %parallel_loop3A_903 : vector<16xi32>
        tpu.vector_store_idx %arg7[%parallel_loop3A_904], %parallel_loop3A_902 : memref<16384xf32, #tpu.memory_space<vmem>>[vector<16xi32>], vector<16xf32>,
        %parallel_loop3A_905 = vector.broadcast %parallel_loop3A_878 : i32 to vector<16xi32>
        %parallel_loop3A_906 = arith.addi %broadcast_in_dim3A_134, %parallel_loop3A_905 : vector<16xi32>
        %parallel_loop3A_907 = vector.broadcast %parallel_loop3A_885 : i32 to vector<16xi32>
        %parallel_loop3A_908 = arith.addi %add3A_193, %parallel_loop3A_907 : vector<16xi32>
        %parallel_loop3A_909 = tpu.vector_load_idx %arg5[%parallel_loop3A_906, %broadcast_in_dim3A_134, %parallel_loop3A_908] : memref<2x64x128xf32, #tpu.memory_space<vmem>>[vector<16xi32>, vector<16xi32>, vector<16xi32>], vector<16xf32>,
        %parallel_loop3A_910 = vector.broadcast %parallel_loop3A_890 : i32 to vector<16xi32>
        %parallel_loop3A_911 = arith.addi %add3A_194, %parallel_loop3A_910 : vector<16xi32>
        tpu.vector_store_idx %arg7[%parallel_loop3A_911], %parallel_loop3A_909 : memref<16384xf32, #tpu.memory_space<vmem>>[vector<16xi32>], vector<16xf32>,
        %parallel_loop3A_912 = vector.broadcast %parallel_loop3A_878 : i32 to vector<16xi32>
        %parallel_loop3A_913 = arith.addi %broadcast_in_dim3A_134, %parallel_loop3A_912 : vector<16xi32>
        %parallel_loop3A_914 = vector.broadcast %parallel_loop3A_885 : i32 to vector<16xi32>
        %parallel_loop3A_915 = arith.addi %add3A_214, %parallel_loop3A_914 : vector<16xi32>
        %parallel_loop3A_916 = tpu.vector_load_idx %arg5[%parallel_loop3A_913, %broadcast_in_dim3A_134, %parallel_loop3A_915] : memref<2x64x128xf32, #tpu.memory_space<vmem>>[vector<16xi32>, vector<16xi32>, vector<16xi32>], vector<16xf32>,
        %parallel_loop3A_917 = vector.broadcast %parallel_loop3A_890 : i32 to vector<16xi32>
        %parallel_loop3A_918 = arith.addi %add3A_215, %parallel_loop3A_917 : vector<16xi32>
        tpu.vector_store_idx %arg7[%parallel_loop3A_918], %parallel_loop3A_916 : memref<16384xf32, #tpu.memory_space<vmem>>[vector<16xi32>], vector<16xf32>,
        %parallel_loop3A_919 = vector.broadcast %parallel_loop3A_878 : i32 to vector<16xi32>
        %parallel_loop3A_920 = arith.addi %broadcast_in_dim3A_134, %parallel_loop3A_919 : vector<16xi32>
        %parallel_loop3A_921 = vector.broadcast %parallel_loop3A_885 : i32 to vector<16xi32>
        %parallel_loop3A_922 = arith.addi %add3A_235, %parallel_loop3A_921 : vector<16xi32>
        %parallel_loop3A_923 = tpu.vector_load_idx %arg5[%parallel_loop3A_920, %broadcast_in_dim3A_134, %parallel_loop3A_922] : memref<2x64x128xf32, #tpu.memory_space<vmem>>[vector<16xi32>, vector<16xi32>, vector<16xi32>], vector<16xf32>,
        %parallel_loop3A_924 = vector.broadcast %parallel_loop3A_890 : i32 to vector<16xi32>
        %parallel_loop3A_925 = arith.addi %add3A_236, %parallel_loop3A_924 : vector<16xi32>
        tpu.vector_store_idx %arg7[%parallel_loop3A_925], %parallel_loop3A_923 : memref<16384xf32, #tpu.memory_space<vmem>>[vector<16xi32>], vector<16xf32>,
        %parallel_loop3A_926 = vector.broadcast %parallel_loop3A_878 : i32 to vector<16xi32>
        %parallel_loop3A_927 = arith.addi %broadcast_in_dim3A_134, %parallel_loop3A_926 : vector<16xi32>
        %parallel_loop3A_928 = vector.broadcast %parallel_loop3A_885 : i32 to vector<16xi32>
        %parallel_loop3A_929 = arith.addi %add3A_256, %parallel_loop3A_928 : vector<16xi32>
        %parallel_loop3A_930 = tpu.vector_load_idx %arg5[%parallel_loop3A_927, %broadcast_in_dim3A_134, %parallel_loop3A_929] : memref<2x64x128xf32, #tpu.memory_space<vmem>>[vector<16xi32>, vector<16xi32>, vector<16xi32>], vector<16xf32>,
        %parallel_loop3A_931 = vector.broadcast %parallel_loop3A_890 : i32 to vector<16xi32>
        %parallel_loop3A_932 = arith.addi %add3A_257, %parallel_loop3A_931 : vector<16xi32>
        tpu.vector_store_idx %arg7[%parallel_loop3A_932], %parallel_loop3A_930 : memref<16384xf32, #tpu.memory_space<vmem>>[vector<16xi32>], vector<16xf32>,
        %parallel_loop3A_933 = vector.broadcast %parallel_loop3A_878 : i32 to vector<16xi32>
        %parallel_loop3A_934 = arith.addi %broadcast_in_dim3A_134, %parallel_loop3A_933 : vector<16xi32>
        %parallel_loop3A_935 = vector.broadcast %parallel_loop3A_885 : i32 to vector<16xi32>
        %parallel_loop3A_936 = arith.addi %add3A_277, %parallel_loop3A_935 : vector<16xi32>
        %parallel_loop3A_937 = tpu.vector_load_idx %arg5[%parallel_loop3A_934, %broadcast_in_dim3A_134, %parallel_loop3A_936] : memref<2x64x128xf32, #tpu.memory_space<vmem>>[vector<16xi32>, vector<16xi32>, vector<16xi32>], vector<16xf32>,
        %parallel_loop3A_938 = vector.broadcast %parallel_loop3A_890 : i32 to vector<16xi32>
        %parallel_loop3A_939 = arith.addi %add3A_278, %parallel_loop3A_938 : vector<16xi32>
        tpu.vector_store_idx %arg7[%parallel_loop3A_939], %parallel_loop3A_937 : memref<16384xf32, #tpu.memory_space<vmem>>[vector<16xi32>], vector<16xf32>,
        %parallel_loop3A_940 = vector.broadcast %parallel_loop3A_878 : i32 to vector<16xi32>
        %parallel_loop3A_941 = arith.addi %broadcast_in_dim3A_134, %parallel_loop3A_940 : vector<16xi32>
        %parallel_loop3A_942 = vector.broadcast %parallel_loop3A_885 : i32 to vector<16xi32>
        %parallel_loop3A_943 = arith.addi %add3A_298, %parallel_loop3A_942 : vector<16xi32>
        %parallel_loop3A_944 = tpu.vector_load_idx %arg5[%parallel_loop3A_941, %broadcast_in_dim3A_134, %parallel_loop3A_943] : memref<2x64x128xf32, #tpu.memory_space<vmem>>[vector<16xi32>, vector<16xi32>, vector<16xi32>], vector<16xf32>,
        %parallel_loop3A_945 = vector.broadcast %parallel_loop3A_890 : i32 to vector<16xi32>
        %parallel_loop3A_946 = arith.addi %add3A_299, %parallel_loop3A_945 : vector<16xi32>
        tpu.vector_store_idx %arg7[%parallel_loop3A_946], %parallel_loop3A_944 : memref<16384xf32, #tpu.memory_space<vmem>>[vector<16xi32>], vector<16xf32>,
        %parallel_loop3A_947 = vector.broadcast %parallel_loop3A_878 : i32 to vector<16xi32>
        %parallel_loop3A_948 = arith.addi %broadcast_in_dim3A_134, %parallel_loop3A_947 : vector<16xi32>
        %parallel_loop3A_949 = vector.broadcast %parallel_loop3A_885 : i32 to vector<16xi32>
        %parallel_loop3A_950 = arith.addi %add3A_319, %parallel_loop3A_949 : vector<16xi32>
        %parallel_loop3A_951 = tpu.vector_load_idx %arg5[%parallel_loop3A_948, %broadcast_in_dim3A_134, %parallel_loop3A_950] : memref<2x64x128xf32, #tpu.memory_space<vmem>>[vector<16xi32>, vector<16xi32>, vector<16xi32>], vector<16xf32>,
        %parallel_loop3A_952 = vector.broadcast %parallel_loop3A_890 : i32 to vector<16xi32>
        %parallel_loop3A_953 = arith.addi %add3A_320, %parallel_loop3A_952 : vector<16xi32>
        tpu.vector_store_idx %arg7[%parallel_loop3A_953], %parallel_loop3A_951 : memref<16384xf32, #tpu.memory_space<vmem>>[vector<16xi32>], vector<16xf32>,
        %parallel_loop3A_954 = vector.broadcast %parallel_loop3A_878 : i32 to vector<16xi32>
        %parallel_loop3A_955 = arith.addi %broadcast_in_dim3A_134, %parallel_loop3A_954 : vector<16xi32>
        %parallel_loop3A_956 = vector.broadcast %parallel_loop3A_885 : i32 to vector<16xi32>
        %parallel_loop3A_957 = arith.addi %add3A_340, %parallel_loop3A_956 : vector<16xi32>
        %parallel_loop3A_958 = tpu.vector_load_idx %arg5[%parallel_loop3A_955, %broadcast_in_dim3A_134, %parallel_loop3A_957] : memref<2x64x128xf32, #tpu.memory_space<vmem>>[vector<16xi32>, vector<16xi32>, vector<16xi32>], vector<16xf32>,
        %parallel_loop3A_959 = vector.broadcast %parallel_loop3A_890 : i32 to vector<16xi32>
        %parallel_loop3A_960 = arith.addi %add3A_341, %parallel_loop3A_959 : vector<16xi32>
        tpu.vector_store_idx %arg7[%parallel_loop3A_960], %parallel_loop3A_958 : memref<16384xf32, #tpu.memory_space<vmem>>[vector<16xi32>], vector<16xf32>,
        %parallel_loop3A_961 = vector.broadcast %parallel_loop3A_878 : i32 to vector<16xi32>
        %parallel_loop3A_962 = arith.addi %broadcast_in_dim3A_134, %parallel_loop3A_961 : vector<16xi32>
        %parallel_loop3A_963 = vector.broadcast %parallel_loop3A_885 : i32 to vector<16xi32>
        %parallel_loop3A_964 = arith.addi %add3A_361, %parallel_loop3A_963 : vector<16xi32>
        %parallel_loop3A_965 = tpu.vector_load_idx %arg5[%parallel_loop3A_962, %broadcast_in_dim3A_134, %parallel_loop3A_964] : memref<2x64x128xf32, #tpu.memory_space<vmem>>[vector<16xi32>, vector<16xi32>, vector<16xi32>], vector<16xf32>,
        %parallel_loop3A_966 = vector.broadcast %parallel_loop3A_890 : i32 to vector<16xi32>
        %parallel_loop3A_967 = arith.addi %add3A_362, %parallel_loop3A_966 : vector<16xi32>
        tpu.vector_store_idx %arg7[%parallel_loop3A_967], %parallel_loop3A_965 : memref<16384xf32, #tpu.memory_space<vmem>>[vector<16xi32>], vector<16xf32>,
        %parallel_loop3A_968 = vector.broadcast %parallel_loop3A_878 : i32 to vector<16xi32>
        %parallel_loop3A_969 = arith.addi %broadcast_in_dim3A_134, %parallel_loop3A_968 : vector<16xi32>
        %parallel_loop3A_970 = vector.broadcast %parallel_loop3A_885 : i32 to vector<16xi32>
        %parallel_loop3A_971 = arith.addi %add3A_382, %parallel_loop3A_970 : vector<16xi32>
        %parallel_loop3A_972 = tpu.vector_load_idx %arg5[%parallel_loop3A_969, %broadcast_in_dim3A_134, %parallel_loop3A_971] : memref<2x64x128xf32, #tpu.memory_space<vmem>>[vector<16xi32>, vector<16xi32>, vector<16xi32>], vector<16xf32>,
        %parallel_loop3A_973 = vector.broadcast %parallel_loop3A_890 : i32 to vector<16xi32>
        %parallel_loop3A_974 = arith.addi %add3A_383, %parallel_loop3A_973 : vector<16xi32>
        tpu.vector_store_idx %arg7[%parallel_loop3A_974], %parallel_loop3A_972 : memref<16384xf32, #tpu.memory_space<vmem>>[vector<16xi32>], vector<16xf32>,
        %parallel_loop3A_975 = vector.broadcast %parallel_loop3A_878 : i32 to vector<16xi32>
        %parallel_loop3A_976 = arith.addi %broadcast_in_dim3A_134, %parallel_loop3A_975 : vector<16xi32>
        %parallel_loop3A_977 = vector.broadcast %parallel_loop3A_885 : i32 to vector<16xi32>
        %parallel_loop3A_978 = arith.addi %add3A_403, %parallel_loop3A_977 : vector<16xi32>
        %parallel_loop3A_979 = tpu.vector_load_idx %arg5[%parallel_loop3A_976, %broadcast_in_dim3A_134, %parallel_loop3A_978] : memref<2x64x128xf32, #tpu.memory_space<vmem>>[vector<16xi32>, vector<16xi32>, vector<16xi32>], vector<16xf32>,
        %parallel_loop3A_980 = vector.broadcast %parallel_loop3A_890 : i32 to vector<16xi32>
        %parallel_loop3A_981 = arith.addi %add3A_404, %parallel_loop3A_980 : vector<16xi32>
        tpu.vector_store_idx %arg7[%parallel_loop3A_981], %parallel_loop3A_979 : memref<16384xf32, #tpu.memory_space<vmem>>[vector<16xi32>], vector<16xf32>,
        %parallel_loop3A_982 = vector.broadcast %parallel_loop3A_878 : i32 to vector<16xi32>
        %parallel_loop3A_983 = arith.addi %broadcast_in_dim3A_134, %parallel_loop3A_982 : vector<16xi32>
        %parallel_loop3A_984 = vector.broadcast %parallel_loop3A_885 : i32 to vector<16xi32>
        %parallel_loop3A_985 = arith.addi %add3A_424, %parallel_loop3A_984 : vector<16xi32>
        %parallel_loop3A_986 = tpu.vector_load_idx %arg5[%parallel_loop3A_983, %broadcast_in_dim3A_134, %parallel_loop3A_985] : memref<2x64x128xf32, #tpu.memory_space<vmem>>[vector<16xi32>, vector<16xi32>, vector<16xi32>], vector<16xf32>,
        %parallel_loop3A_987 = vector.broadcast %parallel_loop3A_890 : i32 to vector<16xi32>
        %parallel_loop3A_988 = arith.addi %add3A_425, %parallel_loop3A_987 : vector<16xi32>
        tpu.vector_store_idx %arg7[%parallel_loop3A_988], %parallel_loop3A_986 : memref<16384xf32, #tpu.memory_space<vmem>>[vector<16xi32>], vector<16xf32>,
        %parallel_loop3A_989 = vector.broadcast %parallel_loop3A_878 : i32 to vector<16xi32>
        %parallel_loop3A_990 = arith.addi %broadcast_in_dim3A_134, %parallel_loop3A_989 : vector<16xi32>
        %parallel_loop3A_991 = vector.broadcast %parallel_loop3A_885 : i32 to vector<16xi32>
        %parallel_loop3A_992 = arith.addi %add3A_445, %parallel_loop3A_991 : vector<16xi32>
        %parallel_loop3A_993 = tpu.vector_load_idx %arg5[%parallel_loop3A_990, %broadcast_in_dim3A_134, %parallel_loop3A_992] : memref<2x64x128xf32, #tpu.memory_space<vmem>>[vector<16xi32>, vector<16xi32>, vector<16xi32>], vector<16xf32>,
        %parallel_loop3A_994 = vector.broadcast %parallel_loop3A_890 : i32 to vector<16xi32>
        %parallel_loop3A_995 = arith.addi %add3A_446, %parallel_loop3A_994 : vector<16xi32>
        tpu.vector_store_idx %arg7[%parallel_loop3A_995], %parallel_loop3A_993 : memref<16384xf32, #tpu.memory_space<vmem>>[vector<16xi32>], vector<16xf32>,
        %parallel_loop3A_996 = vector.broadcast %parallel_loop3A_878 : i32 to vector<16xi32>
        %parallel_loop3A_997 = arith.addi %broadcast_in_dim3A_134, %parallel_loop3A_996 : vector<16xi32>
        %parallel_loop3A_998 = vector.broadcast %parallel_loop3A_885 : i32 to vector<16xi32>
        %parallel_loop3A_999 = arith.addi %add3A_466, %parallel_loop3A_998 : vector<16xi32>
        %parallel_loop3A_1000 = tpu.vector_load_idx %arg5[%parallel_loop3A_997, %broadcast_in_dim3A_134, %parallel_loop3A_999] : memref<2x64x128xf32, #tpu.memory_space<vmem>>[vector<16xi32>, vector<16xi32>, vector<16xi32>], vector<16xf32>,
        %parallel_loop3A_1001 = vector.broadcast %parallel_loop3A_890 : i32 to vector<16xi32>
        %parallel_loop3A_1002 = arith.addi %add3A_467, %parallel_loop3A_1001 : vector<16xi32>
        tpu.vector_store_idx %arg7[%parallel_loop3A_1002], %parallel_loop3A_1000 : memref<16384xf32, #tpu.memory_space<vmem>>[vector<16xi32>], vector<16xf32>,
      } {sc.loop_unroll_factor = 2 : i64, sc.parallel_access}
      %mul3A_470 = arith.constant 16384 : i32
      %mul3A_471 = arith.muli %add3A_93, %mul3A_470 : i32
      %dma_start3A_472 = tpu.memref_slice %arg4[%mul3A_471] : memref<64000000xf32, #tpu.memory_space<hbm>> -> memref<16384xf32, #tpu.memory_space<hbm>>
      %dma_start3A_473 = tpu.memref_slice %arg4[%mul3A_471] : memref<64000000xf32, #tpu.memory_space<hbm>> -> memref<16384xf32, #tpu.memory_space<hbm>>
      tpu.enqueue_dma source(%arg7 : memref<16384xf32, #tpu.memory_space<vmem>>) target(%dma_start3A_473 : memref<16384xf32, #tpu.memory_space<hbm>>) target_semaphore(%arg11 : memref<!tpu.dma_semaphore, #tpu.memory_space<semaphore_mem>>)
      %add3A_474 = arith.constant 1 : i32
      %add3A_475 = arith.addi %scan3A_88, %add3A_474 : i32
      %lt3A = arith.constant 61 : i32
      %lt3A_476 = arith.cmpi slt, %add3A_475, %lt3A : i32
      %convert_element_type3A_477 = arith.extui %lt3A_476 : i1 to i32
      %cond3A_478 = arith.constant 0 : i32
      %cond3A_479 = arith.cmpi ne, %convert_element_type3A_477, %cond3A_478 : i32
      scf.if %cond3A_479 {
        %add3A_872 = arith.constant 64 : i32
        %add3A_873 = arith.addi %add3A_93, %add3A_872 : i32
        %mul3A_874 = arith.constant 256 : i32
        %mul3A_875 = arith.muli %add3A_873, %mul3A_874 : i32
        %multiple_of3A_876 = tpu.assume_multiple %mul3A_875, 128 : i32
        %add3A_877 = arith.constant 0 : i32
        %add3A_878 = arith.addi %multiple_of3A_876, %add3A_877 : i32
        %add3A_879 = arith.constant 128 : i32
        %add3A_880 = arith.addi %multiple_of3A_876, %add3A_879 : i32
        %dma_start3A_881 = arith.constant 0 : i32
        %dma_start3A_882 = arith.constant 0 : i32
        %dma_start3A_883 = arith.constant 0 : i32
        %dma_start3A_884 = tpu.memref_slice %arg5[%dma_start3A_881, %dma_start3A_882, %dma_start3A_883] : memref<2x64x128xf32, #tpu.memory_space<vmem>> -> memref<1x64x128xf32, #tpu.memory_space<vmem>>
        %dma_start3A_885 = tpu.memref_squeeze %dma_start3A_884 : memref<1x64x128xf32, #tpu.memory_space<vmem>> -> memref<64x128xf32, #tpu.memory_space<vmem>>
        %dma_start3A_886 = arith.constant 0 : i32
        %dma_start3A_887 = tpu.memref_slice %arg2[%dma_start3A_886, %add3A_878] : memref<64x1000000xf32, #tpu.memory_space<hbm>> -> memref<64x128xf32, #tpu.memory_space<hbm>>
        %dma_start3A_888 = arith.constant 0 : i32
        %dma_start3A_889 = arith.constant 0 : i32
        %dma_start3A_890 = tpu.memref_slice %arg5[%dma_start3A_881, %dma_start3A_888, %dma_start3A_889] : memref<2x64x128xf32, #tpu.memory_space<vmem>> -> memref<1x64x128xf32, #tpu.memory_space<vmem>>
        %dma_start3A_891 = tpu.memref_squeeze %dma_start3A_890 : memref<1x64x128xf32, #tpu.memory_space<vmem>> -> memref<64x128xf32, #tpu.memory_space<vmem>>
        %dma_start3A_892 = arith.constant 0 : i32
        %dma_start3A_893 = tpu.memref_slice %arg2[%dma_start3A_892, %add3A_878] : memref<64x1000000xf32, #tpu.memory_space<hbm>> -> memref<64x128xf32, #tpu.memory_space<hbm>>
        tpu.enqueue_dma source(%dma_start3A_893 : memref<64x128xf32, #tpu.memory_space<hbm>>) target(%dma_start3A_891 : memref<64x128xf32, #tpu.memory_space<vmem>>) target_semaphore(%arg9 : memref<!tpu.dma_semaphore, #tpu.memory_space<semaphore_mem>>)
        %dma_start3A_894 = arith.constant 1 : i32
        %dma_start3A_895 = arith.constant 0 : i32
        %dma_start3A_896 = arith.constant 0 : i32
        %dma_start3A_897 = tpu.memref_slice %arg5[%dma_start3A_894, %dma_start3A_895, %dma_start3A_896] : memref<2x64x128xf32, #tpu.memory_space<vmem>> -> memref<1x64x128xf32, #tpu.memory_space<vmem>>
        %dma_start3A_898 = tpu.memref_squeeze %dma_start3A_897 : memref<1x64x128xf32, #tpu.memory_space<vmem>> -> memref<64x128xf32, #tpu.memory_space<vmem>>
        %dma_start3A_899 = arith.constant 0 : i32
        %dma_start3A_900 = tpu.memref_slice %arg2[%dma_start3A_899, %add3A_880] : memref<64x1000000xf32, #tpu.memory_space<hbm>> -> memref<64x128xf32, #tpu.memory_space<hbm>>
        %dma_start3A_901 = arith.constant 0 : i32
        %dma_start3A_902 = arith.constant 0 : i32
        %dma_start3A_903 = tpu.memref_slice %arg5[%dma_start3A_894, %dma_start3A_901, %dma_start3A_902] : memref<2x64x128xf32, #tpu.memory_space<vmem>> -> memref<1x64x128xf32, #tpu.memory_space<vmem>>
        %dma_start3A_904 = tpu.memref_squeeze %dma_start3A_903 : memref<1x64x128xf32, #tpu.memory_space<vmem>> -> memref<64x128xf32, #tpu.memory_space<vmem>>
        %dma_start3A_905 = arith.constant 0 : i32
        %dma_start3A_906 = tpu.memref_slice %arg2[%dma_start3A_905, %add3A_880] : memref<64x1000000xf32, #tpu.memory_space<hbm>> -> memref<64x128xf32, #tpu.memory_space<hbm>>
        tpu.enqueue_dma source(%dma_start3A_906 : memref<64x128xf32, #tpu.memory_space<hbm>>) target(%dma_start3A_904 : memref<64x128xf32, #tpu.memory_space<vmem>>) target_semaphore(%arg9 : memref<!tpu.dma_semaphore, #tpu.memory_space<semaphore_mem>>)
      } else {
      }
      %mul3A_480 = arith.constant 256 : i32
      %mul3A_481 = arith.muli %add3A_95, %mul3A_480 : i32
      %multiple_of3A_482 = tpu.assume_multiple %mul3A_481, 128 : i32
      %add3A_483 = arith.constant 0 : i32
      %add3A_484 = arith.addi %multiple_of3A_482, %add3A_483 : i32
      %add3A_485 = arith.constant 128 : i32
      %add3A_486 = arith.addi %multiple_of3A_482, %add3A_485 : i32
      %dma_wait3A_487 = arith.constant 0 : i32
      %dma_wait3A_488 = arith.constant 0 : i32
      %dma_wait3A_489 = arith.constant 0 : i32
      %dma_wait3A_490 = tpu.memref_slice %arg6[%dma_wait3A_487, %dma_wait3A_488, %dma_wait3A_489] : memref<2x64x128xf32, #tpu.memory_space<vmem>> -> memref<1x64x128xf32, #tpu.memory_space<vmem>>
      %dma_wait3A_491 = tpu.memref_squeeze %dma_wait3A_490 : memref<1x64x128xf32, #tpu.memory_space<vmem>> -> memref<64x128xf32, #tpu.memory_space<vmem>>
      %dma_wait3A_492 = arith.constant 0 : i32
      %dma_wait3A_493 = tpu.memref_slice %arg2[%dma_wait3A_492, %add3A_484] : memref<64x1000000xf32, #tpu.memory_space<hbm>> -> memref<64x128xf32, #tpu.memory_space<hbm>>
      %dma_wait3A_494 = arith.constant 0 : i32
      %dma_wait3A_495 = arith.constant 0 : i32
      %dma_wait3A_496 = tpu.memref_slice %arg6[%dma_wait3A_487, %dma_wait3A_494, %dma_wait3A_495] : memref<2x64x128xf32, #tpu.memory_space<vmem>> -> memref<1x64x128xf32, #tpu.memory_space<vmem>>
      %dma_wait3A_497 = tpu.memref_squeeze %dma_wait3A_496 : memref<1x64x128xf32, #tpu.memory_space<vmem>> -> memref<64x128xf32, #tpu.memory_space<vmem>>
      %dma_wait3A_498 = arith.constant 0 : i32
      %dma_wait3A_499 = tpu.memref_slice %arg2[%dma_wait3A_498, %add3A_484] : memref<64x1000000xf32, #tpu.memory_space<hbm>> -> memref<64x128xf32, #tpu.memory_space<hbm>>
      tpu.wait_dma2 semaphore(%arg10 : memref<!tpu.dma_semaphore, #tpu.memory_space<semaphore_mem>>) src(%dma_wait3A_499 : memref<64x128xf32, #tpu.memory_space<hbm>>) dst(%dma_wait3A_497 : memref<64x128xf32, #tpu.memory_space<vmem>>)
      %dma_wait3A_500 = arith.constant 1 : i32
      %dma_wait3A_501 = arith.constant 0 : i32
      %dma_wait3A_502 = arith.constant 0 : i32
      %dma_wait3A_503 = tpu.memref_slice %arg6[%dma_wait3A_500, %dma_wait3A_501, %dma_wait3A_502] : memref<2x64x128xf32, #tpu.memory_space<vmem>> -> memref<1x64x128xf32, #tpu.memory_space<vmem>>
      %dma_wait3A_504 = tpu.memref_squeeze %dma_wait3A_503 : memref<1x64x128xf32, #tpu.memory_space<vmem>> -> memref<64x128xf32, #tpu.memory_space<vmem>>
      %dma_wait3A_505 = arith.constant 0 : i32
      %dma_wait3A_506 = tpu.memref_slice %arg2[%dma_wait3A_505, %add3A_486] : memref<64x1000000xf32, #tpu.memory_space<hbm>> -> memref<64x128xf32, #tpu.memory_space<hbm>>
      %dma_wait3A_507 = arith.constant 0 : i32
      %dma_wait3A_508 = arith.constant 0 : i32
      %dma_wait3A_509 = tpu.memref_slice %arg6[%dma_wait3A_500, %dma_wait3A_507, %dma_wait3A_508] : memref<2x64x128xf32, #tpu.memory_space<vmem>> -> memref<1x64x128xf32, #tpu.memory_space<vmem>>
      %dma_wait3A_510 = tpu.memref_squeeze %dma_wait3A_509 : memref<1x64x128xf32, #tpu.memory_space<vmem>> -> memref<64x128xf32, #tpu.memory_space<vmem>>
      %dma_wait3A_511 = arith.constant 0 : i32
      %dma_wait3A_512 = tpu.memref_slice %arg2[%dma_wait3A_511, %add3A_486] : memref<64x1000000xf32, #tpu.memory_space<hbm>> -> memref<64x128xf32, #tpu.memory_space<hbm>>
      tpu.wait_dma2 semaphore(%arg10 : memref<!tpu.dma_semaphore, #tpu.memory_space<semaphore_mem>>) src(%dma_wait3A_512 : memref<64x128xf32, #tpu.memory_space<hbm>>) dst(%dma_wait3A_510 : memref<64x128xf32, #tpu.memory_space<vmem>>)
      %sub3A_513 = arith.constant 64 : i32
      %sub3A_514 = arith.subi %add3A_95, %sub3A_513 : i32
      %ge3A_515 = arith.constant 0 : i32
      %ge3A_516 = arith.cmpi sge, %sub3A_514, %ge3A_515 : i32
      %convert_element_type3A_517 = arith.extui %ge3A_516 : i1 to i32
      %cond3A_518 = arith.constant 0 : i32
      %cond3A_519 = arith.cmpi ne, %convert_element_type3A_517, %cond3A_518 : i32
      scf.if %cond3A_519 {
        %mul3A_872 = arith.constant 16384 : i32
        %mul3A_873 = arith.muli %sub3A_514, %mul3A_872 : i32
        %dma_wait3A_874 = tpu.memref_slice %arg4[%mul3A_873] : memref<64000000xf32, #tpu.memory_space<hbm>> -> memref<16384xf32, #tpu.memory_space<hbm>>
        %dma_wait3A_875 = tpu.memref_slice %arg4[%mul3A_873] : memref<64000000xf32, #tpu.memory_space<hbm>> -> memref<16384xf32, #tpu.memory_space<hbm>>
        tpu.wait_dma2 semaphore(%arg12 : memref<!tpu.dma_semaphore, #tpu.memory_space<semaphore_mem>>) src(%arg8 : memref<16384xf32, #tpu.memory_space<vmem>>) dst(%dma_wait3A_875 : memref<16384xf32, #tpu.memory_space<hbm>>)
      } else {
      }
      %broadcast_in_dim3A_520 = arith.constant 0 : i32
      %broadcast_in_dim3A_521 = vector.broadcast %broadcast_in_dim3A_520 : i32 to vector<16xi32>
      %add3A_522 = arith.constant 0 : i32
      %add3A_523 = vector.broadcast %add3A_522 : i32 to vector<16xi32>
      %add3A_524 = arith.addi %iota3A, %add3A_523 : vector<16xi32>
      %and3A_525 = arith.constant 15 : i32
      %and3A_526 = vector.broadcast %and3A_525 : i32 to vector<16xi32>
      %and3A_527 = arith.andi %add3A_524, %and3A_526 : vector<16xi32>
      %shift_right_arithmetic3A_528 = arith.constant 3 : i32
      %shift_right_arithmetic3A_529 = vector.broadcast %shift_right_arithmetic3A_528 : i32 to vector<16xi32>
      %shift_right_arithmetic3A_530 = arith.shrsi %and3A_527, %shift_right_arithmetic3A_529 : vector<16xi32>
      %shift_left3A_531 = arith.constant 10 : i32
      %shift_left3A_532 = vector.broadcast %shift_left3A_531 : i32 to vector<16xi32>
      %shift_left3A_533 = arith.shli %shift_right_arithmetic3A_530, %shift_left3A_532 : vector<16xi32>
      %and3A_534 = arith.constant 7 : i32
      %and3A_535 = vector.broadcast %and3A_534 : i32 to vector<16xi32>
      %and3A_536 = arith.andi %and3A_527, %and3A_535 : vector<16xi32>
      %shift_left3A_537 = arith.constant 7 : i32
      %shift_left3A_538 = vector.broadcast %shift_left3A_537 : i32 to vector<16xi32>
      %shift_left3A_539 = arith.shli %and3A_536, %shift_left3A_538 : vector<16xi32>
      %add3A_540 = arith.addi %shift_left3A_533, %shift_left3A_539 : vector<16xi32>
      %add3A_541 = arith.addi %add3A_540, %iota3A : vector<16xi32>
      %add3A_542 = arith.addi %mul3A_3, %and3A_527 : vector<16xi32>
      %add3A_543 = arith.constant 1 : i32
      %add3A_544 = vector.broadcast %add3A_543 : i32 to vector<16xi32>
      %add3A_545 = arith.addi %iota3A, %add3A_544 : vector<16xi32>
      %and3A_546 = arith.constant 15 : i32
      %and3A_547 = vector.broadcast %and3A_546 : i32 to vector<16xi32>
      %and3A_548 = arith.andi %add3A_545, %and3A_547 : vector<16xi32>
      %shift_right_arithmetic3A_549 = arith.constant 3 : i32
      %shift_right_arithmetic3A_550 = vector.broadcast %shift_right_arithmetic3A_549 : i32 to vector<16xi32>
      %shift_right_arithmetic3A_551 = arith.shrsi %and3A_548, %shift_right_arithmetic3A_550 : vector<16xi32>
      %shift_left3A_552 = arith.constant 10 : i32
      %shift_left3A_553 = vector.broadcast %shift_left3A_552 : i32 to vector<16xi32>
      %shift_left3A_554 = arith.shli %shift_right_arithmetic3A_551, %shift_left3A_553 : vector<16xi32>
      %and3A_555 = arith.constant 7 : i32
      %and3A_556 = vector.broadcast %and3A_555 : i32 to vector<16xi32>
      %and3A_557 = arith.andi %and3A_548, %and3A_556 : vector<16xi32>
      %shift_left3A_558 = arith.constant 7 : i32
      %shift_left3A_559 = vector.broadcast %shift_left3A_558 : i32 to vector<16xi32>
      %shift_left3A_560 = arith.shli %and3A_557, %shift_left3A_559 : vector<16xi32>
      %add3A_561 = arith.addi %shift_left3A_554, %shift_left3A_560 : vector<16xi32>
      %add3A_562 = arith.addi %add3A_561, %iota3A : vector<16xi32>
      %add3A_563 = arith.addi %mul3A_3, %and3A_548 : vector<16xi32>
      %add3A_564 = arith.constant 2 : i32
      %add3A_565 = vector.broadcast %add3A_564 : i32 to vector<16xi32>
      %add3A_566 = arith.addi %iota3A, %add3A_565 : vector<16xi32>
      %and3A_567 = arith.constant 15 : i32
      %and3A_568 = vector.broadcast %and3A_567 : i32 to vector<16xi32>
      %and3A_569 = arith.andi %add3A_566, %and3A_568 : vector<16xi32>
      %shift_right_arithmetic3A_570 = arith.constant 3 : i32
      %shift_right_arithmetic3A_571 = vector.broadcast %shift_right_arithmetic3A_570 : i32 to vector<16xi32>
      %shift_right_arithmetic3A_572 = arith.shrsi %and3A_569, %shift_right_arithmetic3A_571 : vector<16xi32>
      %shift_left3A_573 = arith.constant 10 : i32
      %shift_left3A_574 = vector.broadcast %shift_left3A_573 : i32 to vector<16xi32>
      %shift_left3A_575 = arith.shli %shift_right_arithmetic3A_572, %shift_left3A_574 : vector<16xi32>
      %and3A_576 = arith.constant 7 : i32
      %and3A_577 = vector.broadcast %and3A_576 : i32 to vector<16xi32>
      %and3A_578 = arith.andi %and3A_569, %and3A_577 : vector<16xi32>
      %shift_left3A_579 = arith.constant 7 : i32
      %shift_left3A_580 = vector.broadcast %shift_left3A_579 : i32 to vector<16xi32>
      %shift_left3A_581 = arith.shli %and3A_578, %shift_left3A_580 : vector<16xi32>
      %add3A_582 = arith.addi %shift_left3A_575, %shift_left3A_581 : vector<16xi32>
      %add3A_583 = arith.addi %add3A_582, %iota3A : vector<16xi32>
      %add3A_584 = arith.addi %mul3A_3, %and3A_569 : vector<16xi32>
      %add3A_585 = arith.constant 3 : i32
      %add3A_586 = vector.broadcast %add3A_585 : i32 to vector<16xi32>
      %add3A_587 = arith.addi %iota3A, %add3A_586 : vector<16xi32>
      %and3A_588 = arith.constant 15 : i32
      %and3A_589 = vector.broadcast %and3A_588 : i32 to vector<16xi32>
      %and3A_590 = arith.andi %add3A_587, %and3A_589 : vector<16xi32>
      %shift_right_arithmetic3A_591 = arith.constant 3 : i32
      %shift_right_arithmetic3A_592 = vector.broadcast %shift_right_arithmetic3A_591 : i32 to vector<16xi32>
      %shift_right_arithmetic3A_593 = arith.shrsi %and3A_590, %shift_right_arithmetic3A_592 : vector<16xi32>
      %shift_left3A_594 = arith.constant 10 : i32
      %shift_left3A_595 = vector.broadcast %shift_left3A_594 : i32 to vector<16xi32>
      %shift_left3A_596 = arith.shli %shift_right_arithmetic3A_593, %shift_left3A_595 : vector<16xi32>
      %and3A_597 = arith.constant 7 : i32
      %and3A_598 = vector.broadcast %and3A_597 : i32 to vector<16xi32>
      %and3A_599 = arith.andi %and3A_590, %and3A_598 : vector<16xi32>
      %shift_left3A_600 = arith.constant 7 : i32
      %shift_left3A_601 = vector.broadcast %shift_left3A_600 : i32 to vector<16xi32>
      %shift_left3A_602 = arith.shli %and3A_599, %shift_left3A_601 : vector<16xi32>
      %add3A_603 = arith.addi %shift_left3A_596, %shift_left3A_602 : vector<16xi32>
      %add3A_604 = arith.addi %add3A_603, %iota3A : vector<16xi32>
      %add3A_605 = arith.addi %mul3A_3, %and3A_590 : vector<16xi32>
      %add3A_606 = arith.constant 4 : i32
      %add3A_607 = vector.broadcast %add3A_606 : i32 to vector<16xi32>
      %add3A_608 = arith.addi %iota3A, %add3A_607 : vector<16xi32>
      %and3A_609 = arith.constant 15 : i32
      %and3A_610 = vector.broadcast %and3A_609 : i32 to vector<16xi32>
      %and3A_611 = arith.andi %add3A_608, %and3A_610 : vector<16xi32>
      %shift_right_arithmetic3A_612 = arith.constant 3 : i32
      %shift_right_arithmetic3A_613 = vector.broadcast %shift_right_arithmetic3A_612 : i32 to vector<16xi32>
      %shift_right_arithmetic3A_614 = arith.shrsi %and3A_611, %shift_right_arithmetic3A_613 : vector<16xi32>
      %shift_left3A_615 = arith.constant 10 : i32
      %shift_left3A_616 = vector.broadcast %shift_left3A_615 : i32 to vector<16xi32>
      %shift_left3A_617 = arith.shli %shift_right_arithmetic3A_614, %shift_left3A_616 : vector<16xi32>
      %and3A_618 = arith.constant 7 : i32
      %and3A_619 = vector.broadcast %and3A_618 : i32 to vector<16xi32>
      %and3A_620 = arith.andi %and3A_611, %and3A_619 : vector<16xi32>
      %shift_left3A_621 = arith.constant 7 : i32
      %shift_left3A_622 = vector.broadcast %shift_left3A_621 : i32 to vector<16xi32>
      %shift_left3A_623 = arith.shli %and3A_620, %shift_left3A_622 : vector<16xi32>
      %add3A_624 = arith.addi %shift_left3A_617, %shift_left3A_623 : vector<16xi32>
      %add3A_625 = arith.addi %add3A_624, %iota3A : vector<16xi32>
      %add3A_626 = arith.addi %mul3A_3, %and3A_611 : vector<16xi32>
      %add3A_627 = arith.constant 5 : i32
      %add3A_628 = vector.broadcast %add3A_627 : i32 to vector<16xi32>
      %add3A_629 = arith.addi %iota3A, %add3A_628 : vector<16xi32>
      %and3A_630 = arith.constant 15 : i32
      %and3A_631 = vector.broadcast %and3A_630 : i32 to vector<16xi32>
      %and3A_632 = arith.andi %add3A_629, %and3A_631 : vector<16xi32>
      %shift_right_arithmetic3A_633 = arith.constant 3 : i32
      %shift_right_arithmetic3A_634 = vector.broadcast %shift_right_arithmetic3A_633 : i32 to vector<16xi32>
      %shift_right_arithmetic3A_635 = arith.shrsi %and3A_632, %shift_right_arithmetic3A_634 : vector<16xi32>
      %shift_left3A_636 = arith.constant 10 : i32
      %shift_left3A_637 = vector.broadcast %shift_left3A_636 : i32 to vector<16xi32>
      %shift_left3A_638 = arith.shli %shift_right_arithmetic3A_635, %shift_left3A_637 : vector<16xi32>
      %and3A_639 = arith.constant 7 : i32
      %and3A_640 = vector.broadcast %and3A_639 : i32 to vector<16xi32>
      %and3A_641 = arith.andi %and3A_632, %and3A_640 : vector<16xi32>
      %shift_left3A_642 = arith.constant 7 : i32
      %shift_left3A_643 = vector.broadcast %shift_left3A_642 : i32 to vector<16xi32>
      %shift_left3A_644 = arith.shli %and3A_641, %shift_left3A_643 : vector<16xi32>
      %add3A_645 = arith.addi %shift_left3A_638, %shift_left3A_644 : vector<16xi32>
      %add3A_646 = arith.addi %add3A_645, %iota3A : vector<16xi32>
      %add3A_647 = arith.addi %mul3A_3, %and3A_632 : vector<16xi32>
      %add3A_648 = arith.constant 6 : i32
      %add3A_649 = vector.broadcast %add3A_648 : i32 to vector<16xi32>
      %add3A_650 = arith.addi %iota3A, %add3A_649 : vector<16xi32>
      %and3A_651 = arith.constant 15 : i32
      %and3A_652 = vector.broadcast %and3A_651 : i32 to vector<16xi32>
      %and3A_653 = arith.andi %add3A_650, %and3A_652 : vector<16xi32>
      %shift_right_arithmetic3A_654 = arith.constant 3 : i32
      %shift_right_arithmetic3A_655 = vector.broadcast %shift_right_arithmetic3A_654 : i32 to vector<16xi32>
      %shift_right_arithmetic3A_656 = arith.shrsi %and3A_653, %shift_right_arithmetic3A_655 : vector<16xi32>
      %shift_left3A_657 = arith.constant 10 : i32
      %shift_left3A_658 = vector.broadcast %shift_left3A_657 : i32 to vector<16xi32>
      %shift_left3A_659 = arith.shli %shift_right_arithmetic3A_656, %shift_left3A_658 : vector<16xi32>
      %and3A_660 = arith.constant 7 : i32
      %and3A_661 = vector.broadcast %and3A_660 : i32 to vector<16xi32>
      %and3A_662 = arith.andi %and3A_653, %and3A_661 : vector<16xi32>
      %shift_left3A_663 = arith.constant 7 : i32
      %shift_left3A_664 = vector.broadcast %shift_left3A_663 : i32 to vector<16xi32>
      %shift_left3A_665 = arith.shli %and3A_662, %shift_left3A_664 : vector<16xi32>
      %add3A_666 = arith.addi %shift_left3A_659, %shift_left3A_665 : vector<16xi32>
      %add3A_667 = arith.addi %add3A_666, %iota3A : vector<16xi32>
      %add3A_668 = arith.addi %mul3A_3, %and3A_653 : vector<16xi32>
      %add3A_669 = arith.constant 7 : i32
      %add3A_670 = vector.broadcast %add3A_669 : i32 to vector<16xi32>
      %add3A_671 = arith.addi %iota3A, %add3A_670 : vector<16xi32>
      %and3A_672 = arith.constant 15 : i32
      %and3A_673 = vector.broadcast %and3A_672 : i32 to vector<16xi32>
      %and3A_674 = arith.andi %add3A_671, %and3A_673 : vector<16xi32>
      %shift_right_arithmetic3A_675 = arith.constant 3 : i32
      %shift_right_arithmetic3A_676 = vector.broadcast %shift_right_arithmetic3A_675 : i32 to vector<16xi32>
      %shift_right_arithmetic3A_677 = arith.shrsi %and3A_674, %shift_right_arithmetic3A_676 : vector<16xi32>
      %shift_left3A_678 = arith.constant 10 : i32
      %shift_left3A_679 = vector.broadcast %shift_left3A_678 : i32 to vector<16xi32>
      %shift_left3A_680 = arith.shli %shift_right_arithmetic3A_677, %shift_left3A_679 : vector<16xi32>
      %and3A_681 = arith.constant 7 : i32
      %and3A_682 = vector.broadcast %and3A_681 : i32 to vector<16xi32>
      %and3A_683 = arith.andi %and3A_674, %and3A_682 : vector<16xi32>
      %shift_left3A_684 = arith.constant 7 : i32
      %shift_left3A_685 = vector.broadcast %shift_left3A_684 : i32 to vector<16xi32>
      %shift_left3A_686 = arith.shli %and3A_683, %shift_left3A_685 : vector<16xi32>
      %add3A_687 = arith.addi %shift_left3A_680, %shift_left3A_686 : vector<16xi32>
      %add3A_688 = arith.addi %add3A_687, %iota3A : vector<16xi32>
      %add3A_689 = arith.addi %mul3A_3, %and3A_674 : vector<16xi32>
      %add3A_690 = arith.constant 8 : i32
      %add3A_691 = vector.broadcast %add3A_690 : i32 to vector<16xi32>
      %add3A_692 = arith.addi %iota3A, %add3A_691 : vector<16xi32>
      %and3A_693 = arith.constant 15 : i32
      %and3A_694 = vector.broadcast %and3A_693 : i32 to vector<16xi32>
      %and3A_695 = arith.andi %add3A_692, %and3A_694 : vector<16xi32>
      %shift_right_arithmetic3A_696 = arith.constant 3 : i32
      %shift_right_arithmetic3A_697 = vector.broadcast %shift_right_arithmetic3A_696 : i32 to vector<16xi32>
      %shift_right_arithmetic3A_698 = arith.shrsi %and3A_695, %shift_right_arithmetic3A_697 : vector<16xi32>
      %shift_left3A_699 = arith.constant 10 : i32
      %shift_left3A_700 = vector.broadcast %shift_left3A_699 : i32 to vector<16xi32>
      %shift_left3A_701 = arith.shli %shift_right_arithmetic3A_698, %shift_left3A_700 : vector<16xi32>
      %and3A_702 = arith.constant 7 : i32
      %and3A_703 = vector.broadcast %and3A_702 : i32 to vector<16xi32>
      %and3A_704 = arith.andi %and3A_695, %and3A_703 : vector<16xi32>
      %shift_left3A_705 = arith.constant 7 : i32
      %shift_left3A_706 = vector.broadcast %shift_left3A_705 : i32 to vector<16xi32>
      %shift_left3A_707 = arith.shli %and3A_704, %shift_left3A_706 : vector<16xi32>
      %add3A_708 = arith.addi %shift_left3A_701, %shift_left3A_707 : vector<16xi32>
      %add3A_709 = arith.addi %add3A_708, %iota3A : vector<16xi32>
      %add3A_710 = arith.addi %mul3A_3, %and3A_695 : vector<16xi32>
      %add3A_711 = arith.constant 9 : i32
      %add3A_712 = vector.broadcast %add3A_711 : i32 to vector<16xi32>
      %add3A_713 = arith.addi %iota3A, %add3A_712 : vector<16xi32>
      %and3A_714 = arith.constant 15 : i32
      %and3A_715 = vector.broadcast %and3A_714 : i32 to vector<16xi32>
      %and3A_716 = arith.andi %add3A_713, %and3A_715 : vector<16xi32>
      %shift_right_arithmetic3A_717 = arith.constant 3 : i32
      %shift_right_arithmetic3A_718 = vector.broadcast %shift_right_arithmetic3A_717 : i32 to vector<16xi32>
      %shift_right_arithmetic3A_719 = arith.shrsi %and3A_716, %shift_right_arithmetic3A_718 : vector<16xi32>
      %shift_left3A_720 = arith.constant 10 : i32
      %shift_left3A_721 = vector.broadcast %shift_left3A_720 : i32 to vector<16xi32>
      %shift_left3A_722 = arith.shli %shift_right_arithmetic3A_719, %shift_left3A_721 : vector<16xi32>
      %and3A_723 = arith.constant 7 : i32
      %and3A_724 = vector.broadcast %and3A_723 : i32 to vector<16xi32>
      %and3A_725 = arith.andi %and3A_716, %and3A_724 : vector<16xi32>
      %shift_left3A_726 = arith.constant 7 : i32
      %shift_left3A_727 = vector.broadcast %shift_left3A_726 : i32 to vector<16xi32>
      %shift_left3A_728 = arith.shli %and3A_725, %shift_left3A_727 : vector<16xi32>
      %add3A_729 = arith.addi %shift_left3A_722, %shift_left3A_728 : vector<16xi32>
      %add3A_730 = arith.addi %add3A_729, %iota3A : vector<16xi32>
      %add3A_731 = arith.addi %mul3A_3, %and3A_716 : vector<16xi32>
      %add3A_732 = arith.constant 10 : i32
      %add3A_733 = vector.broadcast %add3A_732 : i32 to vector<16xi32>
      %add3A_734 = arith.addi %iota3A, %add3A_733 : vector<16xi32>
      %and3A_735 = arith.constant 15 : i32
      %and3A_736 = vector.broadcast %and3A_735 : i32 to vector<16xi32>
      %and3A_737 = arith.andi %add3A_734, %and3A_736 : vector<16xi32>
      %shift_right_arithmetic3A_738 = arith.constant 3 : i32
      %shift_right_arithmetic3A_739 = vector.broadcast %shift_right_arithmetic3A_738 : i32 to vector<16xi32>
      %shift_right_arithmetic3A_740 = arith.shrsi %and3A_737, %shift_right_arithmetic3A_739 : vector<16xi32>
      %shift_left3A_741 = arith.constant 10 : i32
      %shift_left3A_742 = vector.broadcast %shift_left3A_741 : i32 to vector<16xi32>
      %shift_left3A_743 = arith.shli %shift_right_arithmetic3A_740, %shift_left3A_742 : vector<16xi32>
      %and3A_744 = arith.constant 7 : i32
      %and3A_745 = vector.broadcast %and3A_744 : i32 to vector<16xi32>
      %and3A_746 = arith.andi %and3A_737, %and3A_745 : vector<16xi32>
      %shift_left3A_747 = arith.constant 7 : i32
      %shift_left3A_748 = vector.broadcast %shift_left3A_747 : i32 to vector<16xi32>
      %shift_left3A_749 = arith.shli %and3A_746, %shift_left3A_748 : vector<16xi32>
      %add3A_750 = arith.addi %shift_left3A_743, %shift_left3A_749 : vector<16xi32>
      %add3A_751 = arith.addi %add3A_750, %iota3A : vector<16xi32>
      %add3A_752 = arith.addi %mul3A_3, %and3A_737 : vector<16xi32>
      %add3A_753 = arith.constant 11 : i32
      %add3A_754 = vector.broadcast %add3A_753 : i32 to vector<16xi32>
      %add3A_755 = arith.addi %iota3A, %add3A_754 : vector<16xi32>
      %and3A_756 = arith.constant 15 : i32
      %and3A_757 = vector.broadcast %and3A_756 : i32 to vector<16xi32>
      %and3A_758 = arith.andi %add3A_755, %and3A_757 : vector<16xi32>
      %shift_right_arithmetic3A_759 = arith.constant 3 : i32
      %shift_right_arithmetic3A_760 = vector.broadcast %shift_right_arithmetic3A_759 : i32 to vector<16xi32>
      %shift_right_arithmetic3A_761 = arith.shrsi %and3A_758, %shift_right_arithmetic3A_760 : vector<16xi32>
      %shift_left3A_762 = arith.constant 10 : i32
      %shift_left3A_763 = vector.broadcast %shift_left3A_762 : i32 to vector<16xi32>
      %shift_left3A_764 = arith.shli %shift_right_arithmetic3A_761, %shift_left3A_763 : vector<16xi32>
      %and3A_765 = arith.constant 7 : i32
      %and3A_766 = vector.broadcast %and3A_765 : i32 to vector<16xi32>
      %and3A_767 = arith.andi %and3A_758, %and3A_766 : vector<16xi32>
      %shift_left3A_768 = arith.constant 7 : i32
      %shift_left3A_769 = vector.broadcast %shift_left3A_768 : i32 to vector<16xi32>
      %shift_left3A_770 = arith.shli %and3A_767, %shift_left3A_769 : vector<16xi32>
      %add3A_771 = arith.addi %shift_left3A_764, %shift_left3A_770 : vector<16xi32>
      %add3A_772 = arith.addi %add3A_771, %iota3A : vector<16xi32>
      %add3A_773 = arith.addi %mul3A_3, %and3A_758 : vector<16xi32>
      %add3A_774 = arith.constant 12 : i32
      %add3A_775 = vector.broadcast %add3A_774 : i32 to vector<16xi32>
      %add3A_776 = arith.addi %iota3A, %add3A_775 : vector<16xi32>
      %and3A_777 = arith.constant 15 : i32
      %and3A_778 = vector.broadcast %and3A_777 : i32 to vector<16xi32>
      %and3A_779 = arith.andi %add3A_776, %and3A_778 : vector<16xi32>
      %shift_right_arithmetic3A_780 = arith.constant 3 : i32
      %shift_right_arithmetic3A_781 = vector.broadcast %shift_right_arithmetic3A_780 : i32 to vector<16xi32>
      %shift_right_arithmetic3A_782 = arith.shrsi %and3A_779, %shift_right_arithmetic3A_781 : vector<16xi32>
      %shift_left3A_783 = arith.constant 10 : i32
      %shift_left3A_784 = vector.broadcast %shift_left3A_783 : i32 to vector<16xi32>
      %shift_left3A_785 = arith.shli %shift_right_arithmetic3A_782, %shift_left3A_784 : vector<16xi32>
      %and3A_786 = arith.constant 7 : i32
      %and3A_787 = vector.broadcast %and3A_786 : i32 to vector<16xi32>
      %and3A_788 = arith.andi %and3A_779, %and3A_787 : vector<16xi32>
      %shift_left3A_789 = arith.constant 7 : i32
      %shift_left3A_790 = vector.broadcast %shift_left3A_789 : i32 to vector<16xi32>
      %shift_left3A_791 = arith.shli %and3A_788, %shift_left3A_790 : vector<16xi32>
      %add3A_792 = arith.addi %shift_left3A_785, %shift_left3A_791 : vector<16xi32>
      %add3A_793 = arith.addi %add3A_792, %iota3A : vector<16xi32>
      %add3A_794 = arith.addi %mul3A_3, %and3A_779 : vector<16xi32>
      %add3A_795 = arith.constant 13 : i32
      %add3A_796 = vector.broadcast %add3A_795 : i32 to vector<16xi32>
      %add3A_797 = arith.addi %iota3A, %add3A_796 : vector<16xi32>
      %and3A_798 = arith.constant 15 : i32
      %and3A_799 = vector.broadcast %and3A_798 : i32 to vector<16xi32>
      %and3A_800 = arith.andi %add3A_797, %and3A_799 : vector<16xi32>
      %shift_right_arithmetic3A_801 = arith.constant 3 : i32
      %shift_right_arithmetic3A_802 = vector.broadcast %shift_right_arithmetic3A_801 : i32 to vector<16xi32>
      %shift_right_arithmetic3A_803 = arith.shrsi %and3A_800, %shift_right_arithmetic3A_802 : vector<16xi32>
      %shift_left3A_804 = arith.constant 10 : i32
      %shift_left3A_805 = vector.broadcast %shift_left3A_804 : i32 to vector<16xi32>
      %shift_left3A_806 = arith.shli %shift_right_arithmetic3A_803, %shift_left3A_805 : vector<16xi32>
      %and3A_807 = arith.constant 7 : i32
      %and3A_808 = vector.broadcast %and3A_807 : i32 to vector<16xi32>
      %and3A_809 = arith.andi %and3A_800, %and3A_808 : vector<16xi32>
      %shift_left3A_810 = arith.constant 7 : i32
      %shift_left3A_811 = vector.broadcast %shift_left3A_810 : i32 to vector<16xi32>
      %shift_left3A_812 = arith.shli %and3A_809, %shift_left3A_811 : vector<16xi32>
      %add3A_813 = arith.addi %shift_left3A_806, %shift_left3A_812 : vector<16xi32>
      %add3A_814 = arith.addi %add3A_813, %iota3A : vector<16xi32>
      %add3A_815 = arith.addi %mul3A_3, %and3A_800 : vector<16xi32>
      %add3A_816 = arith.constant 14 : i32
      %add3A_817 = vector.broadcast %add3A_816 : i32 to vector<16xi32>
      %add3A_818 = arith.addi %iota3A, %add3A_817 : vector<16xi32>
      %and3A_819 = arith.constant 15 : i32
      %and3A_820 = vector.broadcast %and3A_819 : i32 to vector<16xi32>
      %and3A_821 = arith.andi %add3A_818, %and3A_820 : vector<16xi32>
      %shift_right_arithmetic3A_822 = arith.constant 3 : i32
      %shift_right_arithmetic3A_823 = vector.broadcast %shift_right_arithmetic3A_822 : i32 to vector<16xi32>
      %shift_right_arithmetic3A_824 = arith.shrsi %and3A_821, %shift_right_arithmetic3A_823 : vector<16xi32>
      %shift_left3A_825 = arith.constant 10 : i32
      %shift_left3A_826 = vector.broadcast %shift_left3A_825 : i32 to vector<16xi32>
      %shift_left3A_827 = arith.shli %shift_right_arithmetic3A_824, %shift_left3A_826 : vector<16xi32>
      %and3A_828 = arith.constant 7 : i32
      %and3A_829 = vector.broadcast %and3A_828 : i32 to vector<16xi32>
      %and3A_830 = arith.andi %and3A_821, %and3A_829 : vector<16xi32>
      %shift_left3A_831 = arith.constant 7 : i32
      %shift_left3A_832 = vector.broadcast %shift_left3A_831 : i32 to vector<16xi32>
      %shift_left3A_833 = arith.shli %and3A_830, %shift_left3A_832 : vector<16xi32>
      %add3A_834 = arith.addi %shift_left3A_827, %shift_left3A_833 : vector<16xi32>
      %add3A_835 = arith.addi %add3A_834, %iota3A : vector<16xi32>
      %add3A_836 = arith.addi %mul3A_3, %and3A_821 : vector<16xi32>
      %add3A_837 = arith.constant 15 : i32
      %add3A_838 = vector.broadcast %add3A_837 : i32 to vector<16xi32>
      %add3A_839 = arith.addi %iota3A, %add3A_838 : vector<16xi32>
      %and3A_840 = arith.constant 15 : i32
      %and3A_841 = vector.broadcast %and3A_840 : i32 to vector<16xi32>
      %and3A_842 = arith.andi %add3A_839, %and3A_841 : vector<16xi32>
      %shift_right_arithmetic3A_843 = arith.constant 3 : i32
      %shift_right_arithmetic3A_844 = vector.broadcast %shift_right_arithmetic3A_843 : i32 to vector<16xi32>
      %shift_right_arithmetic3A_845 = arith.shrsi %and3A_842, %shift_right_arithmetic3A_844 : vector<16xi32>
      %shift_left3A_846 = arith.constant 10 : i32
      %shift_left3A_847 = vector.broadcast %shift_left3A_846 : i32 to vector<16xi32>
      %shift_left3A_848 = arith.shli %shift_right_arithmetic3A_845, %shift_left3A_847 : vector<16xi32>
      %and3A_849 = arith.constant 7 : i32
      %and3A_850 = vector.broadcast %and3A_849 : i32 to vector<16xi32>
      %and3A_851 = arith.andi %and3A_842, %and3A_850 : vector<16xi32>
      %shift_left3A_852 = arith.constant 7 : i32
      %shift_left3A_853 = vector.broadcast %shift_left3A_852 : i32 to vector<16xi32>
      %shift_left3A_854 = arith.shli %and3A_851, %shift_left3A_853 : vector<16xi32>
      %add3A_855 = arith.addi %shift_left3A_848, %shift_left3A_854 : vector<16xi32>
      %add3A_856 = arith.addi %add3A_855, %iota3A : vector<16xi32>
      %add3A_857 = arith.addi %mul3A_3, %and3A_842 : vector<16xi32>
      %parallel_loop3A_858 = arith.constant 0 : i32
      %parallel_loop3A_859 = arith.constant 64 : i32
      %parallel_loop3A_860 = arith.constant 1 : i32
      scf.for %parallel_loop3A_872 = %parallel_loop3A_858 to %parallel_loop3A_859 step %parallel_loop3A_860  : i32 {
        %parallel_loop3A_873 = arith.constant 2 : i32
        %parallel_loop3A_874 = arith.shrsi %parallel_loop3A_872, %parallel_loop3A_873 : i32
        %parallel_loop3A_875 = arith.constant 3 : i32
        %parallel_loop3A_876 = arith.andi %parallel_loop3A_872, %parallel_loop3A_875 : i32
        %parallel_loop3A_877 = arith.constant 3 : i32
        %parallel_loop3A_878 = arith.shrsi %parallel_loop3A_874, %parallel_loop3A_877 : i32
        %parallel_loop3A_879 = arith.constant 7 : i32
        %parallel_loop3A_880 = arith.andi %parallel_loop3A_874, %parallel_loop3A_879 : i32
        %parallel_loop3A_881 = arith.constant 2048 : i32
        %parallel_loop3A_882 = arith.muli %parallel_loop3A_876, %parallel_loop3A_881 : i32
        %parallel_loop3A_883 = arith.constant 16 : i32
        %parallel_loop3A_884 = arith.muli %parallel_loop3A_880, %parallel_loop3A_883 : i32
        %parallel_loop3A_885 = arith.addi %parallel_loop3A_882, %parallel_loop3A_884 : i32
        %parallel_loop3A_886 = arith.constant 1024 : i32
        %parallel_loop3A_887 = arith.muli %parallel_loop3A_874, %parallel_loop3A_886 : i32
        %parallel_loop3A_888 = arith.constant 16 : i32
        %parallel_loop3A_889 = arith.muli %parallel_loop3A_888, %parallel_loop3A_876 : i32
        %parallel_loop3A_890 = arith.addi %parallel_loop3A_887, %parallel_loop3A_889 : i32
        %parallel_loop3A_891 = vector.broadcast %parallel_loop3A_878 : i32 to vector<16xi32>
        %parallel_loop3A_892 = arith.addi %broadcast_in_dim3A_521, %parallel_loop3A_891 : vector<16xi32>
        %parallel_loop3A_893 = vector.broadcast %parallel_loop3A_885 : i32 to vector<16xi32>
        %parallel_loop3A_894 = arith.addi %add3A_541, %parallel_loop3A_893 : vector<16xi32>
        %parallel_loop3A_895 = tpu.vector_load_idx %arg6[%parallel_loop3A_892, %broadcast_in_dim3A_521, %parallel_loop3A_894] : memref<2x64x128xf32, #tpu.memory_space<vmem>>[vector<16xi32>, vector<16xi32>, vector<16xi32>], vector<16xf32>,
        %parallel_loop3A_896 = vector.broadcast %parallel_loop3A_890 : i32 to vector<16xi32>
        %parallel_loop3A_897 = arith.addi %add3A_542, %parallel_loop3A_896 : vector<16xi32>
        tpu.vector_store_idx %arg8[%parallel_loop3A_897], %parallel_loop3A_895 : memref<16384xf32, #tpu.memory_space<vmem>>[vector<16xi32>], vector<16xf32>,
        %parallel_loop3A_898 = vector.broadcast %parallel_loop3A_878 : i32 to vector<16xi32>
        %parallel_loop3A_899 = arith.addi %broadcast_in_dim3A_521, %parallel_loop3A_898 : vector<16xi32>
        %parallel_loop3A_900 = vector.broadcast %parallel_loop3A_885 : i32 to vector<16xi32>
        %parallel_loop3A_901 = arith.addi %add3A_562, %parallel_loop3A_900 : vector<16xi32>
        %parallel_loop3A_902 = tpu.vector_load_idx %arg6[%parallel_loop3A_899, %broadcast_in_dim3A_521, %parallel_loop3A_901] : memref<2x64x128xf32, #tpu.memory_space<vmem>>[vector<16xi32>, vector<16xi32>, vector<16xi32>], vector<16xf32>,
        %parallel_loop3A_903 = vector.broadcast %parallel_loop3A_890 : i32 to vector<16xi32>
        %parallel_loop3A_904 = arith.addi %add3A_563, %parallel_loop3A_903 : vector<16xi32>
        tpu.vector_store_idx %arg8[%parallel_loop3A_904], %parallel_loop3A_902 : memref<16384xf32, #tpu.memory_space<vmem>>[vector<16xi32>], vector<16xf32>,
        %parallel_loop3A_905 = vector.broadcast %parallel_loop3A_878 : i32 to vector<16xi32>
        %parallel_loop3A_906 = arith.addi %broadcast_in_dim3A_521, %parallel_loop3A_905 : vector<16xi32>
        %parallel_loop3A_907 = vector.broadcast %parallel_loop3A_885 : i32 to vector<16xi32>
        %parallel_loop3A_908 = arith.addi %add3A_583, %parallel_loop3A_907 : vector<16xi32>
        %parallel_loop3A_909 = tpu.vector_load_idx %arg6[%parallel_loop3A_906, %broadcast_in_dim3A_521, %parallel_loop3A_908] : memref<2x64x128xf32, #tpu.memory_space<vmem>>[vector<16xi32>, vector<16xi32>, vector<16xi32>], vector<16xf32>,
        %parallel_loop3A_910 = vector.broadcast %parallel_loop3A_890 : i32 to vector<16xi32>
        %parallel_loop3A_911 = arith.addi %add3A_584, %parallel_loop3A_910 : vector<16xi32>
        tpu.vector_store_idx %arg8[%parallel_loop3A_911], %parallel_loop3A_909 : memref<16384xf32, #tpu.memory_space<vmem>>[vector<16xi32>], vector<16xf32>,
        %parallel_loop3A_912 = vector.broadcast %parallel_loop3A_878 : i32 to vector<16xi32>
        %parallel_loop3A_913 = arith.addi %broadcast_in_dim3A_521, %parallel_loop3A_912 : vector<16xi32>
        %parallel_loop3A_914 = vector.broadcast %parallel_loop3A_885 : i32 to vector<16xi32>
        %parallel_loop3A_915 = arith.addi %add3A_604, %parallel_loop3A_914 : vector<16xi32>
        %parallel_loop3A_916 = tpu.vector_load_idx %arg6[%parallel_loop3A_913, %broadcast_in_dim3A_521, %parallel_loop3A_915] : memref<2x64x128xf32, #tpu.memory_space<vmem>>[vector<16xi32>, vector<16xi32>, vector<16xi32>], vector<16xf32>,
        %parallel_loop3A_917 = vector.broadcast %parallel_loop3A_890 : i32 to vector<16xi32>
        %parallel_loop3A_918 = arith.addi %add3A_605, %parallel_loop3A_917 : vector<16xi32>
        tpu.vector_store_idx %arg8[%parallel_loop3A_918], %parallel_loop3A_916 : memref<16384xf32, #tpu.memory_space<vmem>>[vector<16xi32>], vector<16xf32>,
        %parallel_loop3A_919 = vector.broadcast %parallel_loop3A_878 : i32 to vector<16xi32>
        %parallel_loop3A_920 = arith.addi %broadcast_in_dim3A_521, %parallel_loop3A_919 : vector<16xi32>
        %parallel_loop3A_921 = vector.broadcast %parallel_loop3A_885 : i32 to vector<16xi32>
        %parallel_loop3A_922 = arith.addi %add3A_625, %parallel_loop3A_921 : vector<16xi32>
        %parallel_loop3A_923 = tpu.vector_load_idx %arg6[%parallel_loop3A_920, %broadcast_in_dim3A_521, %parallel_loop3A_922] : memref<2x64x128xf32, #tpu.memory_space<vmem>>[vector<16xi32>, vector<16xi32>, vector<16xi32>], vector<16xf32>,
        %parallel_loop3A_924 = vector.broadcast %parallel_loop3A_890 : i32 to vector<16xi32>
        %parallel_loop3A_925 = arith.addi %add3A_626, %parallel_loop3A_924 : vector<16xi32>
        tpu.vector_store_idx %arg8[%parallel_loop3A_925], %parallel_loop3A_923 : memref<16384xf32, #tpu.memory_space<vmem>>[vector<16xi32>], vector<16xf32>,
        %parallel_loop3A_926 = vector.broadcast %parallel_loop3A_878 : i32 to vector<16xi32>
        %parallel_loop3A_927 = arith.addi %broadcast_in_dim3A_521, %parallel_loop3A_926 : vector<16xi32>
        %parallel_loop3A_928 = vector.broadcast %parallel_loop3A_885 : i32 to vector<16xi32>
        %parallel_loop3A_929 = arith.addi %add3A_646, %parallel_loop3A_928 : vector<16xi32>
        %parallel_loop3A_930 = tpu.vector_load_idx %arg6[%parallel_loop3A_927, %broadcast_in_dim3A_521, %parallel_loop3A_929] : memref<2x64x128xf32, #tpu.memory_space<vmem>>[vector<16xi32>, vector<16xi32>, vector<16xi32>], vector<16xf32>,
        %parallel_loop3A_931 = vector.broadcast %parallel_loop3A_890 : i32 to vector<16xi32>
        %parallel_loop3A_932 = arith.addi %add3A_647, %parallel_loop3A_931 : vector<16xi32>
        tpu.vector_store_idx %arg8[%parallel_loop3A_932], %parallel_loop3A_930 : memref<16384xf32, #tpu.memory_space<vmem>>[vector<16xi32>], vector<16xf32>,
        %parallel_loop3A_933 = vector.broadcast %parallel_loop3A_878 : i32 to vector<16xi32>
        %parallel_loop3A_934 = arith.addi %broadcast_in_dim3A_521, %parallel_loop3A_933 : vector<16xi32>
        %parallel_loop3A_935 = vector.broadcast %parallel_loop3A_885 : i32 to vector<16xi32>
        %parallel_loop3A_936 = arith.addi %add3A_667, %parallel_loop3A_935 : vector<16xi32>
        %parallel_loop3A_937 = tpu.vector_load_idx %arg6[%parallel_loop3A_934, %broadcast_in_dim3A_521, %parallel_loop3A_936] : memref<2x64x128xf32, #tpu.memory_space<vmem>>[vector<16xi32>, vector<16xi32>, vector<16xi32>], vector<16xf32>,
        %parallel_loop3A_938 = vector.broadcast %parallel_loop3A_890 : i32 to vector<16xi32>
        %parallel_loop3A_939 = arith.addi %add3A_668, %parallel_loop3A_938 : vector<16xi32>
        tpu.vector_store_idx %arg8[%parallel_loop3A_939], %parallel_loop3A_937 : memref<16384xf32, #tpu.memory_space<vmem>>[vector<16xi32>], vector<16xf32>,
        %parallel_loop3A_940 = vector.broadcast %parallel_loop3A_878 : i32 to vector<16xi32>
        %parallel_loop3A_941 = arith.addi %broadcast_in_dim3A_521, %parallel_loop3A_940 : vector<16xi32>
        %parallel_loop3A_942 = vector.broadcast %parallel_loop3A_885 : i32 to vector<16xi32>
        %parallel_loop3A_943 = arith.addi %add3A_688, %parallel_loop3A_942 : vector<16xi32>
        %parallel_loop3A_944 = tpu.vector_load_idx %arg6[%parallel_loop3A_941, %broadcast_in_dim3A_521, %parallel_loop3A_943] : memref<2x64x128xf32, #tpu.memory_space<vmem>>[vector<16xi32>, vector<16xi32>, vector<16xi32>], vector<16xf32>,
        %parallel_loop3A_945 = vector.broadcast %parallel_loop3A_890 : i32 to vector<16xi32>
        %parallel_loop3A_946 = arith.addi %add3A_689, %parallel_loop3A_945 : vector<16xi32>
        tpu.vector_store_idx %arg8[%parallel_loop3A_946], %parallel_loop3A_944 : memref<16384xf32, #tpu.memory_space<vmem>>[vector<16xi32>], vector<16xf32>,
        %parallel_loop3A_947 = vector.broadcast %parallel_loop3A_878 : i32 to vector<16xi32>
        %parallel_loop3A_948 = arith.addi %broadcast_in_dim3A_521, %parallel_loop3A_947 : vector<16xi32>
        %parallel_loop3A_949 = vector.broadcast %parallel_loop3A_885 : i32 to vector<16xi32>
        %parallel_loop3A_950 = arith.addi %add3A_709, %parallel_loop3A_949 : vector<16xi32>
        %parallel_loop3A_951 = tpu.vector_load_idx %arg6[%parallel_loop3A_948, %broadcast_in_dim3A_521, %parallel_loop3A_950] : memref<2x64x128xf32, #tpu.memory_space<vmem>>[vector<16xi32>, vector<16xi32>, vector<16xi32>], vector<16xf32>,
        %parallel_loop3A_952 = vector.broadcast %parallel_loop3A_890 : i32 to vector<16xi32>
        %parallel_loop3A_953 = arith.addi %add3A_710, %parallel_loop3A_952 : vector<16xi32>
        tpu.vector_store_idx %arg8[%parallel_loop3A_953], %parallel_loop3A_951 : memref<16384xf32, #tpu.memory_space<vmem>>[vector<16xi32>], vector<16xf32>,
        %parallel_loop3A_954 = vector.broadcast %parallel_loop3A_878 : i32 to vector<16xi32>
        %parallel_loop3A_955 = arith.addi %broadcast_in_dim3A_521, %parallel_loop3A_954 : vector<16xi32>
        %parallel_loop3A_956 = vector.broadcast %parallel_loop3A_885 : i32 to vector<16xi32>
        %parallel_loop3A_957 = arith.addi %add3A_730, %parallel_loop3A_956 : vector<16xi32>
        %parallel_loop3A_958 = tpu.vector_load_idx %arg6[%parallel_loop3A_955, %broadcast_in_dim3A_521, %parallel_loop3A_957] : memref<2x64x128xf32, #tpu.memory_space<vmem>>[vector<16xi32>, vector<16xi32>, vector<16xi32>], vector<16xf32>,
        %parallel_loop3A_959 = vector.broadcast %parallel_loop3A_890 : i32 to vector<16xi32>
        %parallel_loop3A_960 = arith.addi %add3A_731, %parallel_loop3A_959 : vector<16xi32>
        tpu.vector_store_idx %arg8[%parallel_loop3A_960], %parallel_loop3A_958 : memref<16384xf32, #tpu.memory_space<vmem>>[vector<16xi32>], vector<16xf32>,
        %parallel_loop3A_961 = vector.broadcast %parallel_loop3A_878 : i32 to vector<16xi32>
        %parallel_loop3A_962 = arith.addi %broadcast_in_dim3A_521, %parallel_loop3A_961 : vector<16xi32>
        %parallel_loop3A_963 = vector.broadcast %parallel_loop3A_885 : i32 to vector<16xi32>
        %parallel_loop3A_964 = arith.addi %add3A_751, %parallel_loop3A_963 : vector<16xi32>
        %parallel_loop3A_965 = tpu.vector_load_idx %arg6[%parallel_loop3A_962, %broadcast_in_dim3A_521, %parallel_loop3A_964] : memref<2x64x128xf32, #tpu.memory_space<vmem>>[vector<16xi32>, vector<16xi32>, vector<16xi32>], vector<16xf32>,
        %parallel_loop3A_966 = vector.broadcast %parallel_loop3A_890 : i32 to vector<16xi32>
        %parallel_loop3A_967 = arith.addi %add3A_752, %parallel_loop3A_966 : vector<16xi32>
        tpu.vector_store_idx %arg8[%parallel_loop3A_967], %parallel_loop3A_965 : memref<16384xf32, #tpu.memory_space<vmem>>[vector<16xi32>], vector<16xf32>,
        %parallel_loop3A_968 = vector.broadcast %parallel_loop3A_878 : i32 to vector<16xi32>
        %parallel_loop3A_969 = arith.addi %broadcast_in_dim3A_521, %parallel_loop3A_968 : vector<16xi32>
        %parallel_loop3A_970 = vector.broadcast %parallel_loop3A_885 : i32 to vector<16xi32>
        %parallel_loop3A_971 = arith.addi %add3A_772, %parallel_loop3A_970 : vector<16xi32>
        %parallel_loop3A_972 = tpu.vector_load_idx %arg6[%parallel_loop3A_969, %broadcast_in_dim3A_521, %parallel_loop3A_971] : memref<2x64x128xf32, #tpu.memory_space<vmem>>[vector<16xi32>, vector<16xi32>, vector<16xi32>], vector<16xf32>,
        %parallel_loop3A_973 = vector.broadcast %parallel_loop3A_890 : i32 to vector<16xi32>
        %parallel_loop3A_974 = arith.addi %add3A_773, %parallel_loop3A_973 : vector<16xi32>
        tpu.vector_store_idx %arg8[%parallel_loop3A_974], %parallel_loop3A_972 : memref<16384xf32, #tpu.memory_space<vmem>>[vector<16xi32>], vector<16xf32>,
        %parallel_loop3A_975 = vector.broadcast %parallel_loop3A_878 : i32 to vector<16xi32>
        %parallel_loop3A_976 = arith.addi %broadcast_in_dim3A_521, %parallel_loop3A_975 : vector<16xi32>
        %parallel_loop3A_977 = vector.broadcast %parallel_loop3A_885 : i32 to vector<16xi32>
        %parallel_loop3A_978 = arith.addi %add3A_793, %parallel_loop3A_977 : vector<16xi32>
        %parallel_loop3A_979 = tpu.vector_load_idx %arg6[%parallel_loop3A_976, %broadcast_in_dim3A_521, %parallel_loop3A_978] : memref<2x64x128xf32, #tpu.memory_space<vmem>>[vector<16xi32>, vector<16xi32>, vector<16xi32>], vector<16xf32>,
        %parallel_loop3A_980 = vector.broadcast %parallel_loop3A_890 : i32 to vector<16xi32>
        %parallel_loop3A_981 = arith.addi %add3A_794, %parallel_loop3A_980 : vector<16xi32>
        tpu.vector_store_idx %arg8[%parallel_loop3A_981], %parallel_loop3A_979 : memref<16384xf32, #tpu.memory_space<vmem>>[vector<16xi32>], vector<16xf32>,
        %parallel_loop3A_982 = vector.broadcast %parallel_loop3A_878 : i32 to vector<16xi32>
        %parallel_loop3A_983 = arith.addi %broadcast_in_dim3A_521, %parallel_loop3A_982 : vector<16xi32>
        %parallel_loop3A_984 = vector.broadcast %parallel_loop3A_885 : i32 to vector<16xi32>
        %parallel_loop3A_985 = arith.addi %add3A_814, %parallel_loop3A_984 : vector<16xi32>
        %parallel_loop3A_986 = tpu.vector_load_idx %arg6[%parallel_loop3A_983, %broadcast_in_dim3A_521, %parallel_loop3A_985] : memref<2x64x128xf32, #tpu.memory_space<vmem>>[vector<16xi32>, vector<16xi32>, vector<16xi32>], vector<16xf32>,
        %parallel_loop3A_987 = vector.broadcast %parallel_loop3A_890 : i32 to vector<16xi32>
        %parallel_loop3A_988 = arith.addi %add3A_815, %parallel_loop3A_987 : vector<16xi32>
        tpu.vector_store_idx %arg8[%parallel_loop3A_988], %parallel_loop3A_986 : memref<16384xf32, #tpu.memory_space<vmem>>[vector<16xi32>], vector<16xf32>,
        %parallel_loop3A_989 = vector.broadcast %parallel_loop3A_878 : i32 to vector<16xi32>
        %parallel_loop3A_990 = arith.addi %broadcast_in_dim3A_521, %parallel_loop3A_989 : vector<16xi32>
        %parallel_loop3A_991 = vector.broadcast %parallel_loop3A_885 : i32 to vector<16xi32>
        %parallel_loop3A_992 = arith.addi %add3A_835, %parallel_loop3A_991 : vector<16xi32>
        %parallel_loop3A_993 = tpu.vector_load_idx %arg6[%parallel_loop3A_990, %broadcast_in_dim3A_521, %parallel_loop3A_992] : memref<2x64x128xf32, #tpu.memory_space<vmem>>[vector<16xi32>, vector<16xi32>, vector<16xi32>], vector<16xf32>,
        %parallel_loop3A_994 = vector.broadcast %parallel_loop3A_890 : i32 to vector<16xi32>
        %parallel_loop3A_995 = arith.addi %add3A_836, %parallel_loop3A_994 : vector<16xi32>
        tpu.vector_store_idx %arg8[%parallel_loop3A_995], %parallel_loop3A_993 : memref<16384xf32, #tpu.memory_space<vmem>>[vector<16xi32>], vector<16xf32>,
        %parallel_loop3A_996 = vector.broadcast %parallel_loop3A_878 : i32 to vector<16xi32>
        %parallel_loop3A_997 = arith.addi %broadcast_in_dim3A_521, %parallel_loop3A_996 : vector<16xi32>
        %parallel_loop3A_998 = vector.broadcast %parallel_loop3A_885 : i32 to vector<16xi32>
        %parallel_loop3A_999 = arith.addi %add3A_856, %parallel_loop3A_998 : vector<16xi32>
        %parallel_loop3A_1000 = tpu.vector_load_idx %arg6[%parallel_loop3A_997, %broadcast_in_dim3A_521, %parallel_loop3A_999] : memref<2x64x128xf32, #tpu.memory_space<vmem>>[vector<16xi32>, vector<16xi32>, vector<16xi32>], vector<16xf32>,
        %parallel_loop3A_1001 = vector.broadcast %parallel_loop3A_890 : i32 to vector<16xi32>
        %parallel_loop3A_1002 = arith.addi %add3A_857, %parallel_loop3A_1001 : vector<16xi32>
        tpu.vector_store_idx %arg8[%parallel_loop3A_1002], %parallel_loop3A_1000 : memref<16384xf32, #tpu.memory_space<vmem>>[vector<16xi32>], vector<16xf32>,
      } {sc.loop_unroll_factor = 2 : i64, sc.parallel_access}
      %mul3A_861 = arith.constant 16384 : i32
      %mul3A_862 = arith.muli %add3A_95, %mul3A_861 : i32
      %dma_start3A_863 = tpu.memref_slice %arg4[%mul3A_862] : memref<64000000xf32, #tpu.memory_space<hbm>> -> memref<16384xf32, #tpu.memory_space<hbm>>
      %dma_start3A_864 = tpu.memref_slice %arg4[%mul3A_862] : memref<64000000xf32, #tpu.memory_space<hbm>> -> memref<16384xf32, #tpu.memory_space<hbm>>
      tpu.enqueue_dma source(%arg8 : memref<16384xf32, #tpu.memory_space<vmem>>) target(%dma_start3A_864 : memref<16384xf32, #tpu.memory_space<hbm>>) target_semaphore(%arg12 : memref<!tpu.dma_semaphore, #tpu.memory_space<semaphore_mem>>)
      %add3A_865 = arith.constant 1 : i32
      %add3A_866 = arith.addi %scan3A_88, %add3A_865 : i32
      %lt3A_867 = arith.constant 61 : i32
      %lt3A_868 = arith.cmpi slt, %add3A_866, %lt3A_867 : i32
      %convert_element_type3A_869 = arith.extui %lt3A_868 : i1 to i32
      %cond3A_870 = arith.constant 0 : i32
      %cond3A_871 = arith.cmpi ne, %convert_element_type3A_869, %cond3A_870 : i32
      scf.if %cond3A_871 {
        %add3A_872 = arith.constant 64 : i32
        %add3A_873 = arith.addi %add3A_95, %add3A_872 : i32
        %mul3A_874 = arith.constant 256 : i32
        %mul3A_875 = arith.muli %add3A_873, %mul3A_874 : i32
        %multiple_of3A_876 = tpu.assume_multiple %mul3A_875, 128 : i32
        %add3A_877 = arith.constant 0 : i32
        %add3A_878 = arith.addi %multiple_of3A_876, %add3A_877 : i32
        %add3A_879 = arith.constant 128 : i32
        %add3A_880 = arith.addi %multiple_of3A_876, %add3A_879 : i32
        %dma_start3A_881 = arith.constant 0 : i32
        %dma_start3A_882 = arith.constant 0 : i32
        %dma_start3A_883 = arith.constant 0 : i32
        %dma_start3A_884 = tpu.memref_slice %arg6[%dma_start3A_881, %dma_start3A_882, %dma_start3A_883] : memref<2x64x128xf32, #tpu.memory_space<vmem>> -> memref<1x64x128xf32, #tpu.memory_space<vmem>>
        %dma_start3A_885 = tpu.memref_squeeze %dma_start3A_884 : memref<1x64x128xf32, #tpu.memory_space<vmem>> -> memref<64x128xf32, #tpu.memory_space<vmem>>
        %dma_start3A_886 = arith.constant 0 : i32
        %dma_start3A_887 = tpu.memref_slice %arg2[%dma_start3A_886, %add3A_878] : memref<64x1000000xf32, #tpu.memory_space<hbm>> -> memref<64x128xf32, #tpu.memory_space<hbm>>
        %dma_start3A_888 = arith.constant 0 : i32
        %dma_start3A_889 = arith.constant 0 : i32
        %dma_start3A_890 = tpu.memref_slice %arg6[%dma_start3A_881, %dma_start3A_888, %dma_start3A_889] : memref<2x64x128xf32, #tpu.memory_space<vmem>> -> memref<1x64x128xf32, #tpu.memory_space<vmem>>
        %dma_start3A_891 = tpu.memref_squeeze %dma_start3A_890 : memref<1x64x128xf32, #tpu.memory_space<vmem>> -> memref<64x128xf32, #tpu.memory_space<vmem>>
        %dma_start3A_892 = arith.constant 0 : i32
        %dma_start3A_893 = tpu.memref_slice %arg2[%dma_start3A_892, %add3A_878] : memref<64x1000000xf32, #tpu.memory_space<hbm>> -> memref<64x128xf32, #tpu.memory_space<hbm>>
        tpu.enqueue_dma source(%dma_start3A_893 : memref<64x128xf32, #tpu.memory_space<hbm>>) target(%dma_start3A_891 : memref<64x128xf32, #tpu.memory_space<vmem>>) target_semaphore(%arg10 : memref<!tpu.dma_semaphore, #tpu.memory_space<semaphore_mem>>)
        %dma_start3A_894 = arith.constant 1 : i32
        %dma_start3A_895 = arith.constant 0 : i32
        %dma_start3A_896 = arith.constant 0 : i32
        %dma_start3A_897 = tpu.memref_slice %arg6[%dma_start3A_894, %dma_start3A_895, %dma_start3A_896] : memref<2x64x128xf32, #tpu.memory_space<vmem>> -> memref<1x64x128xf32, #tpu.memory_space<vmem>>
        %dma_start3A_898 = tpu.memref_squeeze %dma_start3A_897 : memref<1x64x128xf32, #tpu.memory_space<vmem>> -> memref<64x128xf32, #tpu.memory_space<vmem>>
        %dma_start3A_899 = arith.constant 0 : i32
        %dma_start3A_900 = tpu.memref_slice %arg2[%dma_start3A_899, %add3A_880] : memref<64x1000000xf32, #tpu.memory_space<hbm>> -> memref<64x128xf32, #tpu.memory_space<hbm>>
        %dma_start3A_901 = arith.constant 0 : i32
        %dma_start3A_902 = arith.constant 0 : i32
        %dma_start3A_903 = tpu.memref_slice %arg6[%dma_start3A_894, %dma_start3A_901, %dma_start3A_902] : memref<2x64x128xf32, #tpu.memory_space<vmem>> -> memref<1x64x128xf32, #tpu.memory_space<vmem>>
        %dma_start3A_904 = tpu.memref_squeeze %dma_start3A_903 : memref<1x64x128xf32, #tpu.memory_space<vmem>> -> memref<64x128xf32, #tpu.memory_space<vmem>>
        %dma_start3A_905 = arith.constant 0 : i32
        %dma_start3A_906 = tpu.memref_slice %arg2[%dma_start3A_905, %add3A_880] : memref<64x1000000xf32, #tpu.memory_space<hbm>> -> memref<64x128xf32, #tpu.memory_space<hbm>>
        tpu.enqueue_dma source(%dma_start3A_906 : memref<64x128xf32, #tpu.memory_space<hbm>>) target(%dma_start3A_904 : memref<64x128xf32, #tpu.memory_space<vmem>>) target_semaphore(%arg10 : memref<!tpu.dma_semaphore, #tpu.memory_space<semaphore_mem>>)
      } else {
      }
    }
    %scan3A_74 = arith.constant 61 : i32
    %add3A_75 = arith.constant 3840 : i32
    %add3A_76 = arith.addi %add3A_75, %add3A : i32
    %mul3A_77 = arith.constant 16384 : i32
    %mul3A_78 = arith.muli %add3A_76, %mul3A_77 : i32
    %dma_wait3A = tpu.memref_slice %arg4[%mul3A_78] : memref<64000000xf32, #tpu.memory_space<hbm>> -> memref<16384xf32, #tpu.memory_space<hbm>>
    %dma_wait3A_79 = tpu.memref_slice %arg4[%mul3A_78] : memref<64000000xf32, #tpu.memory_space<hbm>> -> memref<16384xf32, #tpu.memory_space<hbm>>
    tpu.wait_dma2 semaphore(%arg11 : memref<!tpu.dma_semaphore, #tpu.memory_space<semaphore_mem>>) src(%arg7 : memref<16384xf32, #tpu.memory_space<vmem>>) dst(%dma_wait3A_79 : memref<16384xf32, #tpu.memory_space<hbm>>)
    %add3A_80 = arith.constant 32 : i32
    %add3A_81 = arith.addi %add3A_76, %add3A_80 : i32
    %mul3A_82 = arith.constant 16384 : i32
    %mul3A_83 = arith.muli %add3A_81, %mul3A_82 : i32
    %dma_wait3A_84 = tpu.memref_slice %arg4[%mul3A_83] : memref<64000000xf32, #tpu.memory_space<hbm>> -> memref<16384xf32, #tpu.memory_space<hbm>>
    %dma_wait3A_85 = tpu.memref_slice %arg4[%mul3A_83] : memref<64000000xf32, #tpu.memory_space<hbm>> -> memref<16384xf32, #tpu.memory_space<hbm>>
    tpu.wait_dma2 semaphore(%arg12 : memref<!tpu.dma_semaphore, #tpu.memory_space<semaphore_mem>>) src(%arg8 : memref<16384xf32, #tpu.memory_space<vmem>>) dst(%dma_wait3A_85 : memref<16384xf32, #tpu.memory_space<hbm>>)
    %eq3A = arith.constant 0 : i32
    %eq3A_86 = arith.cmpi eq, %add3A, %eq3A : i32
    %convert_element_type3A = arith.extui %eq3A_86 : i1 to i32
    %cond3A = arith.constant 0 : i32
    %cond3A_87 = arith.cmpi ne, %convert_element_type3A, %cond3A : i32
    scf.if %cond3A_87 {
      "tpu.region"() ({
        %run_scoped3A = tpu.sem_alloc : memref<!tpu.dma_semaphore, #tpu.memory_space<semaphore_mem>>
        %dma_start3A_88 = arith.constant 63963136 : i32
        %dma_start3A_89 = tpu.memref_slice %arg4[%dma_start3A_88] : memref<64000000xf32, #tpu.memory_space<hbm>> -> memref<36864xf32, #tpu.memory_space<hbm>>
        tpu.enqueue_dma source(%arg3 : memref<36864xf32, #tpu.memory_space<hbm>>) target(%dma_start3A_89 : memref<36864xf32, #tpu.memory_space<hbm>>) target_semaphore(%run_scoped3A : memref<!tpu.dma_semaphore, #tpu.memory_space<semaphore_mem>>)
        %dma_wait3A_90 = arith.constant 63963136 : i32
        %dma_wait3A_91 = tpu.memref_slice %arg4[%dma_wait3A_90] : memref<64000000xf32, #tpu.memory_space<hbm>> -> memref<36864xf32, #tpu.memory_space<hbm>>
        tpu.wait_dma2 semaphore(%run_scoped3A : memref<!tpu.dma_semaphore, #tpu.memory_space<semaphore_mem>>) src(%arg3 : memref<36864xf32, #tpu.memory_space<hbm>>) dst(%dma_wait3A_91 : memref<36864xf32, #tpu.memory_space<hbm>>)
        tpu.yield
      }) : () -> ()
    } else {
    }
    return
  }
}

</mosaic_0001>

<sc_bundles>
// kernel: kernel.4.cloned.1.call-start
scs
__scs_entry_jumppad:
0x0: {  	(pc) =	sbr.rel $0x88, $3  }
0x1: {  	(tag) =	ssettag $0x0;
	lr =	simm.s32 $0x1  }
0x2: {  	[smem:$0x3F9D] =	sst lr;
	_ =	strace $0xD0000000  }
0x3: {  	_ = 	snop  }
0x4: {  	_ = 	snop  }
0x5: {  	_ = 	snop  }
0x6: {  	_ = 	snop  }
0x7: {  	_ = 	snop  }
__scs_overlays_trampoline_lowered:
0x8: {  	[smem:$0x3FAC] =	sst s0  }
0x9: {  	[smem:$0x3FAD] =	sst s1  }
0xa: {  	[smem:$0x3FAE] =	sst s2  }
0xb: {  	[smem:$0x3FAF] =	sst s3  }
0xc: {  	[smem:$0x3FB0] =	sst s4  }
0xd: {  	[smem:$0x3FB1] =	sst s5  }
0xe: {  	[smem:$0x3FB2] =	sst s6  }
0xf: {  	[smem:$0x3FB3] =	sst s7  }
0x10: {  	[smem:$0x3FB4] =	sst s8  }
0x11: {  	[smem:$0x3FB5] =	sst s9;
	s0 =	simm.s32 @!p0 $0x0  }
0x12: {  	s1 =	sld [smem:$0x3F9B];
	s0 =	simm.s32 @p0 $0x1  }
0x13: {  	[smem:$0x3FB6] =	sst s0;
	s0 =	simm.s32 @!p1 $0x0  }
0x14: {  	s2 =	sld [smem:$0x3F9A];
	s0 =	simm.s32 @p1 $0x1  }
0x15: {  	[smem:$0x3FB7] =	sst s0;
	s0 =	simm.s32 @!p2 $0x0  }
0x16: {  	s3 =	sld [smem:$0x3FDB];
	s0 =	simm.s32 @p2 $0x1  }
0x17: {  	s4 =	simm.s32 $0x1BF5;
	[smem:$0x3FB9] =	sst s0  }
0x18: {  	s0 =	sld [smem:$0x3F9C];
	_ =	swait.ge [sflag:s4], $0x0  }
0x19: {  	s7 =	sld [smem:$0x3F9D]  }
0x1a: {  	s8 =	sadd.s32 $0xFFFFE003, lr  }
0x1b: {  	s9 =	sadd.s32 $0xFFFFFEF7, lr;
	s5 =	simm.s32 $0xFFFFFFFF;
	p2 =	slt.u32 s8, $0xFFFFF086  }
0x1c: {  	p1 =	slt.u32 s9, $0xF7A;
	s5 =	simm.s32 @!p2 $0x0  }
0x1d: {  	s5 =	simm.s32 @p1 $0x1;
	p0 =	seq.s32 s7, s2  }
0x1e: {  	s7 =	smul.u32 @!p0 $0xF7A, s2;
	p2 =	seq.s32 @!p0 s5, $0x0  }
0x1f: {  	s9 =	smul.u32 $0xF7A, s1;
	s8 =	simm.s32 @!p0 $0x1BF5;
	p2 =	por !p2, p0  }
0x20: {  	[sflag:s8] =	ssyncset.s32 @!p0 $0xFFFFF086;
	s6 =	sadd.s32 @!p0 s3, s7;
	s7 =	simm.s32 @!p0 $0x108  }
0x21: {  	s3 =	sadd.s32 s3, s9;
	s6 =	sadd.s32 @!p0 $0x88, s6;
	s7 =	simm.s32 @p2 $0x1082  }
0x22: {  	[simem:s7], [sflag:s8] =	dma.local @!p0 [hbm:s6], $0xF7A  }
0x23: {  	s9 =	sor.u32 $0xD0000000, s2;
	s6 =	simm.s32 $0x108;
	_ =	swait.ge @!p0 [sflag:s8], $0x0  }
0x24: {  	s3 =	sadd.s32 $0x88, s3;
	s6 =	simm.s32 @!p1 $0x1082;
	[sflag:s4] =	ssyncset.s32 $0xFFFFF086  }
0x25: {  	[simem:s6], [sflag:s4] =	dma.local [hbm:s3], $0xF7A  }
0x26: {  	[smem:$0x3F9D] =	sst s1;
	(tag) =	ssettag s2;
	_ =	strace s9  }
0x27: {  	s1 =	sld [smem:$0x3FAD]  }
0x28: {  	s2 =	sld [smem:$0x3FAE]  }
0x29: {  	s4 =	sld [smem:$0x3FB0]  }
0x2a: {  	p0 =	seq.s32 s5, $0x0;
	s5 =	sld [smem:$0x3FB1]  }
0x2b: {  	s6 =	sld [smem:$0x3FB2]  }
0x2c: {  	s7 =	sld [smem:$0x3FB3]  }
0x2d: {  	s3 =	simm.s32 $0x108;
	s8 =	sld [smem:$0x3FB4]  }
0x2e: {  	s3 =	simm.s32 @!p0 $0x1082;
	s9 =	sld [smem:$0x3FB5]  }
0x2f: {  	lr =	sadd.s32 s0, s3;
	s0 =	sld [smem:$0x3FAC]  }
0x30: {  	s3 =	sld [smem:$0x3FAF]  }
0x31: {  	[smem:$0x3FB8] =	sst s10  }
0x32: {  	s10 =	sld [smem:$0x3FB6];
	_ =	sdelay $0x3  }
0x33: {  	p0 =	seq.s32 s10, $0x1;
	s10 =	sld [smem:$0x3FB8];
	_ =	sdelay $0x3  }
0x34: {  	[smem:$0x3FB8] =	sst s10  }
0x35: {  	s10 =	sld [smem:$0x3FB7];
	_ =	sdelay $0x3  }
0x36: {  	p1 =	seq.s32 s10, $0x1;
	s10 =	sld [smem:$0x3FB8];
	_ =	sdelay $0x3  }
0x37: {  	[smem:$0x3FB8] =	sst s10  }
0x38: {  	s10 =	sld [smem:$0x3FB9]  }
0x39: {  	_ = 	snop;
	(pc) =	sbr.ind lr, $3  }
0x3a: {  	_ = 	snop  }
0x3b: {  	_ = 	snop  }
0x3c: {  	p2 =	seq.s32 s10, $0x1;
	s10 =	sld [smem:$0x3FB8]  }
0x3d: {  	_ =	shalt  }
0x3e: {  	_ =	shalt  }
0x3f: {  	_ =	shalt  }
0x40: {  	_ =	shalt  }
0x41: {  	_ =	shalt  }
0x42: {  	_ =	shalt  }
0x43: {  	_ =	shalt  }
0x44: {  	_ =	shalt  }
0x45: {  	_ =	shalt  }
0x46: {  	_ =	shalt  }
0x47: {  	_ =	shalt  }
0x48: {  	_ =	shalt  }
0x49: {  	_ =	shalt  }
0x4a: {  	_ =	shalt  }
0x4b: {  	_ =	shalt  }
0x4c: {  	_ =	shalt  }
0x4d: {  	_ =	shalt  }
0x4e: {  	_ =	shalt  }
0x4f: {  	_ =	shalt  }
0x50: {  	_ =	shalt  }
0x51: {  	_ =	shalt  }
0x52: {  	_ =	shalt  }
0x53: {  	_ =	shalt  }
0x54: {  	_ =	shalt  }
0x55: {  	_ =	shalt  }
0x56: {  	_ =	shalt  }
0x57: {  	_ =	shalt  }
0x58: {  	_ =	shalt  }
0x59: {  	_ =	shalt  }
0x5a: {  	_ =	shalt  }
0x5b: {  	_ =	shalt  }
0x5c: {  	_ =	shalt  }
0x5d: {  	_ =	shalt  }
0x5e: {  	_ =	shalt  }
0x5f: {  	_ =	shalt  }
0x60: {  	_ =	shalt  }
0x61: {  	_ =	shalt  }
0x62: {  	_ =	shalt  }
0x63: {  	_ =	shalt  }
0x64: {  	_ =	shalt  }
0x65: {  	_ =	shalt  }
0x66: {  	_ =	shalt  }
0x67: {  	_ =	shalt  }
0x68: {  	_ =	shalt  }
0x69: {  	_ =	shalt  }
0x6a: {  	_ =	shalt  }
0x6b: {  	_ =	shalt  }
0x6c: {  	_ =	shalt  }
0x6d: {  	_ =	shalt  }
0x6e: {  	_ =	shalt  }
0x6f: {  	_ =	shalt  }
0x70: {  	_ =	shalt  }
0x71: {  	_ =	shalt  }
0x72: {  	_ =	shalt  }
0x73: {  	_ =	shalt  }
0x74: {  	_ =	shalt  }
0x75: {  	_ =	shalt  }
0x76: {  	_ =	shalt  }
0x77: {  	_ =	shalt  }
0x78: {  	_ =	shalt  }
0x79: {  	_ =	shalt  }
0x7a: {  	_ =	shalt  }
0x7b: {  	_ =	shalt  }
0x7c: {  	_ =	shalt  }
0x7d: {  	_ =	shalt  }
0x7e: {  	_ =	shalt  }
0x7f: {  	_ =	shalt  }
0x80: {  	_ =	shalt  }
0x81: {  	_ =	shalt  }
0x82: {  	_ =	shalt  }
0x83: {  	_ =	shalt  }
0x84: {  	_ =	shalt  }
0x85: {  	_ =	shalt  }
0x86: {  	_ =	shalt  }
0x87: {  	_ =	shalt  }
.Lfunc_end0:
.L_simem_size_0:
called_computation_lowered:
.L_overlay_start_0:
0x88: {  	s2 =	sld [smem:$0x3FD9]  }
0x89: {  	s3 =	sld [smem:$0x3FFE];
	_ =	sdelay $0x1  }
0x8a: {  	s1 =	srdreg.scid  }
0x8b: {  	s0 =	sand.u32 $0x1, s1  }
0x8c: {  	s17 =	sshll.u32 s0, $0xA;
	s2 =	sadd.s32 s3, s2  }
0x8d: {  	s2 =	sadd.s32 s2, s17  }
0x8e: {  	[smem:$0x3FC4] =	sst s2  }
0x8f: {  	_ = 	snop  }
0x90: {  	s2 =	sld [smem:$0x3FC6];
	(tm) =	ssettm $0x1  }
0x91: {  	s18 =	sld [smem:$0x3FFB];
	_ =	sdelay $0x3  }
0x92: {  	_ =	strace s18  }
0x93: {  	s3 =	sld [smem:$0x3FFC];
	_ =	sdelay $0x3  }
0x94: {  	_ =	strace s3  }
0x95: {  	s3 =	sld [smem:$0x3FFD];
	_ =	sdelay $0x3  }
0x96: {  	_ =	strace s3  }
0x97: {  	_ =	strace $0x8FFFFFFF  }
0x98: {  	s19 =	sld [smem:$0x3FDB];
	_ =	sdelay $0x1  }
0x99: {  	s4 =	simm.s32 $_scs_section_size  }
0x9a: {  	s5 =	simm.s32 $_size__tile_overlayer_lowered;
	s6 =	simm.s32 $_tile_overlayer_lowered  }
0x9b: {  	s22 =	simm.s32 $0x1BFF;
	s21 =	sshll.u32 s6, $0x1;
	s3 =	sadd.s32 s4, s19  }
0x9c: {  	s7 =	simm.s32 $0x0;
	s20 =	sshll.u32 s5, $0x1;
	s5 =	sadd.s32 s21, s3  }
0x9d: {  	[timem:s7], [sflag:s22] =	dma.local [hbm:s5], s20  }
0x9e: {  	_ =	swait.ge [sflag:s22], s20  }
0x9f: {  	s4 =	ssub.s32 $0x0, s20;
	[sflag:s22] =	ssyncset.done $0x0  }
0xa0: {  	[sflag:s22] =	ssyncadd.s32 s4;
	_ =	sdelay $0x1  }
0xa1: {  	s23 =	simm.s32 $0x1B8B  }
0xa2: {  	_ =	swait.ge [sflag:s23], $0x1  }
0xa3: {  	[sflag:s23] =	ssyncset.done $0x0  }
0xa4: {  	s25 =	simm.s32 $0x1B8E;
	s24 =	sld [smem:$0x3FFE];
	[sflag:s23] =	ssyncadd.s32 $0xFFFFFFFF  }
0xa5: {  	s26 =	simm.s32 $execute0_lowered;
	[smem:$0x3FD2] =	sst s25  }
0xa6: {  	s5 =	sshll.u32 s26, $0x1;
	_ =	strace $0x80000046;
	[dreg:$0x1] =	wrdreg $0xFFFFFFFF  }
0xa7: {  	s28 =	simm.s32 $_size_execute0_lowered;
	s3 =	sadd.s32 s3, s5;
	[dreg:$0x0] =	wrdreg $0x0  }
0xa8: {  	s5 =	sshll.u32 s28, $0x1;
	[dreg:$0x2] =	wrdreg s3  }
0xa9: {  	[dreg:$0x3] =	wrdreg s5  }
0xaa: {  	[dreg:$0x4] =	wrdreg $0xC0  }
0xab: {  	_ =	task [dreg:s7], $0x5FFFF  }
0xac: {  	[dreg:$0x1] =	wrdreg $0xFFFFFFFF  }
0xad: {  	[dreg:$0x0] =	wrdreg $0x60  }
0xae: {  	[dreg:$0x2] =	wrdreg s2  }
0xaf: {  	[dreg:$0x3] =	wrdreg s24  }
0xb0: {  	[dreg:$0x4] =	wrdreg $0x9  }
0xb1: {  	_ =	task.clear_ibuf [dreg:s7], $0x5FFFF;
	_ =	strace $0x90000046  }
0xb2: {  	s29 =	simm.s32 $0x9;
	_ =	strace $0x80000048  }
0xb3: {  	_ =	swait.ge [sflag:s29], $0x1  }
0xb4: {  	[sflag:s29] =	ssyncadd.s32 $0xFFFFFFFF  }
0xb5: {  	_ =	strace $0x90000048  }
0xb6: {  	_ =	sfence  }
0xb7: {  	s30 =	sld [smem:$0x0];
	_ =	sdelay $0x2  }
0xb8: {  	s31 =	sshll.u32 s1, $0xD;
	s1 =	sshrl.u32 s1, $0x2  }
0xb9: {  	s3 =	sand.u32 $0x4000, s31;
	s1 =	sadd.s32 s1, s30  }
0xba: {  	s0 =	sor.u32 s3, s0;
	s1 =	sshll.u32 s1, $0x11  }
0xbb: {  	s0 =	sor.u32 s1, s0  }
0xbc: {  	s0 =	sadd.s32 $0x8F2B, s0  }
0xbd: {  	[sflag:s0] =	ssyncadd.remote.s32 $0x1  }
0xbe: {  	_ =	sfence.sel $0xFFFF  }
0xbf: {  	[dreg:$0x0] =	wrdreg $0xFFFFFFFF;
	(pc) =	sbr.abs _section_cstart, $3  }
0xc0: {  	[dreg:$0x1] =	wrdreg $0xFFFFFFFF  }
0xc1: {  	_ =	task.clear_ibuf [dreg:s7], $0x2FFFF;
	_ =	strace $0x9FFFFFFF  }
0xc2: {  	(tm) =	ssettm $0x7FFFFFFF  }
0xc3: {  	_ =	shalt  }
tec
execute0_lowered:
.L_overlay_start_1:
0x0: {  	(tag) =	ssettag $0x1  }
0x1: {  	v0 =	vimm.s32 $0xF  }
0x2: {  	vm14 =	vcmask $0x300;
	vm13 =	vcmask $0x704;
	vm12 =	vcmask $0xB08  }
0x3: {  	vm11 =	vcmask $0xF0C;
	vm10 =	vcmask $0x1310;
	v1 =	vlaneseq.u32  }
0x4: {  	vm9 =	vcmask $0x1714;
	vm8 =	vcmask $0x1B18;
	vm7 =	vcmask $0x1F1C  }
0x5: {  	v2 =	vimm.s32 $0xC4834201;
	vm6 =	vcmask $0x2320;
	vm3 =	vcmask $0x2724  }
0x6: {  	vm15 =	vcmask $0xF00;
	vm0 =	vcmask $0x2B28;
	v59 =	vimm.s32 $0x8F  }
0x7: {  	vm1 =	vcmask $0x2F2C;
	vm2 =	vcmask $0x3330;
	vm4 =	vcmask $0x3734  }
0x8: {  	vm5 =	vcmask $0x3B38;
	v3 =	vimm.s32 $0xC5844302;
	v62 =	vimm.s32 $0x10F  }
0x9: {  	v36 =	vimm.s32 $0x18F;
	v41 =	vimm.s32 $0x20F;
	v44 =	vimm.s32 $0x28F  }
0xa: {  	v50 =	vimm.s32 $0x30F;
	v55 =	vimm.s32 $0x38F;
	v4 =	vimm.s32 $0xC281400F  }
0xb: {  	v0 =	vsel vm14, $0x80, v0;
	v13 =	vmul.u32 $0x81, v1;
	v2 =	vunpack.c.0.s8.s32 v2  }
0xc: {  	v15 =	vmul.u32 $0x41, v1;
	v3 =	vunpack.c.0.s8.s32 v3;
	v0 =	vsel vm13, $0x101, v0  }
0xd: {  	v4 =	vunpack.c.0.s8.s32 v4;
	v0 =	vsel vm12, $0x182, v0;
	v58 =	vand.u32 $0xFF, v2  }
0xe: {  	v2 =	vsel vm14, $0x100, v59;
	v61 =	vand.u32 $0xFF, v3;
	v3 =	vimm.s32 $0xC6854403  }
0xf: {  	v0 =	vsel vm11, $0x203, v0;
	v1 =	vnsel vm15, $0x3C0, v58;
	v2 =	vsel vm13, $0x181, v2  }
0x10: {  	v3 =	vunpack.c.0.s8.s32 v3;
	v58 =	vimm.s32 $0x40F;
	v0 =	vsel vm10, $0x284, v0  }
0x11: {  	v1 =	vsel vm10, $0x105, v1;
	v2 =	vsel vm12, $0x202, v2;
	v0 =	vsel vm9, $0x305, v0  }
0x12: {  	v1 =	vsel vm9, $0x146, v1;
	v2 =	vsel vm11, $0x283, v2;
	v33 =	vand.u32 $0xFF, v3  }
0x13: {  	v3 =	vimm.s32 $0xC7864504;
	v0 =	vsel vm8, $0x386, v0;
	v1 =	vsel vm8, $0x187, v1  }
0x14: {  	v2 =	vsel vm10, $0x304, v2;
	v3 =	vunpack.c.0.s8.s32 v3;
	v0 =	vsel vm7, $0x407, v0  }
0x15: {  	v1 =	vsel vm7, $0x1C8, v1;
	v2 =	vsel vm9, $0x385, v2;
	v0 =	vsel vm6, $0x488, v0  }
0x16: {  	v1 =	vsel vm6, $0x209, v1;
	v2 =	vsel vm8, $0x406, v2;
	v40 =	vand.u32 $0xFF, v3  }
0x17: {  	v3 =	vimm.s32 $0xC8874605;
	v0 =	vsel vm3, $0x509, v0;
	v1 =	vsel vm3, $0x24A, v1  }
0x18: {  	v2 =	vsel vm7, $0x487, v2;
	v3 =	vunpack.c.0.s8.s32 v3;
	v0 =	vsel vm0, $0x58A, v0  }
0x19: {  	v1 =	vsel vm0, $0x28B, v1;
	v2 =	vsel vm6, $0x508, v2;
	v0 =	vsel vm1, $0x60B, v0  }
0x1a: {  	v1 =	vsel vm1, $0x2CC, v1;
	v2 =	vsel vm3, $0x589, v2;
	v43 =	vand.u32 $0xFF, v3  }
0x1b: {  	v3 =	vimm.s32 $0xC9884706;
	v0 =	vsel vm2, $0x68C, v0;
	v1 =	vsel vm2, $0x30D, v1  }
0x1c: {  	v60 =	vsel vm0, $0x60A, v2;
	v2 =	vsel vm14, $0x180, v62;
	v3 =	vunpack.c.0.s8.s32 v3  }
0x1d: {  	v0 =	vsel vm4, $0x70D, v0;
	v1 =	vsel vm4, $0x34E, v1;
	v2 =	vsel vm13, $0x201, v2  }
0x1e: {  	v18 =	vsel vm5, $0x78E, v0;
	v20 =	vsel vm5, $0x38F, v1;
	v0 =	vsel vm1, $0x68B, v60  }
0x1f: {  	v1 =	vnsel vm15, $0x3C1, v61;
	v2 =	vsel vm12, $0x282, v2;
	v47 =	vand.u32 $0xFF, v3  }
0x20: {  	v3 =	vimm.s32 $0xCA894807;
	v0 =	vsel vm2, $0x70C, v0;
	v1 =	vsel vm10, $0x106, v1  }
0x21: {  	v2 =	vsel vm11, $0x303, v2;
	v3 =	vunpack.c.0.s8.s32 v3;
	v0 =	vsel vm4, $0x78D, v0  }
0x22: {  	v1 =	vsel vm9, $0x147, v1;
	v32 =	vsel vm10, $0x384, v2;
	v2 =	vnsel vm15, $0x3C2, v33  }
0x23: {  	v1 =	vsel vm8, $0x188, v1;
	v10 =	vsel vm5, $0xE, v0;
	v2 =	vsel vm10, $0x107, v2  }
0x24: {  	v54 =	vand.u32 $0xFF, v3;
	v3 =	vimm.s32 $0xCB8A4908;
	v63 =	vsel vm7, $0x1C9, v1  }
0x25: {  	v1 =	vsel vm9, $0x405, v32;
	v2 =	vsel vm9, $0x148, v2;
	v3 =	vunpack.c.0.s8.s32 v3  }
0x26: {  	v32 =	vimm.s32 $0x48F;
	v0 =	vsel vm6, $0x20A, v63;
	v1 =	vsel vm8, $0x486, v1  }
0x27: {  	v2 =	vsel vm8, $0x189, v2;
	v0 =	vsel vm3, $0x24B, v0;
	v1 =	vsel vm7, $0x507, v1  }
0x28: {  	v2 =	vsel vm7, $0x1CA, v2;
	v57 =	vand.u32 $0xFF, v3;
	v3 =	vimm.s32 $0xCC8B4A09  }
0x29: {  	v0 =	vsel vm0, $0x28C, v0;
	v1 =	vsel vm6, $0x588, v1;
	v35 =	vsel vm6, $0x20B, v2  }
0x2a: {  	v2 =	vsel vm14, $0x200, v36;
	v3 =	vunpack.c.0.s8.s32 v3;
	v0 =	vsel vm1, $0x2CD, v0  }
0x2b: {  	v1 =	vsel vm3, $0x609, v1;
	v2 =	vsel vm13, $0x281, v2;
	v0 =	vsel vm2, $0x30E, v0  }
0x2c: {  	v1 =	vsel vm0, $0x68A, v1;
	v2 =	vsel vm12, $0x302, v2;
	v61 =	vand.u32 $0xFF, v3  }
0x2d: {  	v3 =	vimm.s32 $0xCF8E4D0C;
	v0 =	vsel vm4, $0x34F, v0;
	v34 =	vsel vm1, $0x70B, v1  }
0x2e: {  	v1 =	vsel vm3, $0x24C, v35;
	v38 =	vsel vm11, $0x383, v2;
	v2 =	vsel vm14, $0x280, v41  }
0x2f: {  	v41 =	vimm.s32 $0xCE8D4C0B;
	v3 =	vunpack.c.0.s8.s32 v3;
	v22 =	vsel vm5, $0x380, v0  }
0x30: {  	v0 =	vsel vm2, $0x78C, v34;
	v1 =	vsel vm0, $0x28D, v1;
	v39 =	vsel vm10, $0x404, v38  }
0x31: {  	v2 =	vsel vm13, $0x301, v2;
	v0 =	vsel vm4, $0xD, v0;
	v1 =	vsel vm1, $0x2CE, v1  }
0x32: {  	v2 =	vsel vm12, $0x382, v2;
	v1 =	vsel vm2, $0x30F, v1;
	v31 =	vsel vm5, $0x8E, v0  }
0x33: {  	v0 =	vsel vm9, $0x485, v39;
	v2 =	vsel vm11, $0x403, v2;
	v39 =	vimm.s32 $0x50F  }
0x34: {  	v37 =	vsel vm4, $0x340, v1;
	v1 =	vnsel vm15, $0x3C3, v40;
	v0 =	vsel vm8, $0x506, v0  }
0x35: {  	v2 =	vsel vm10, $0x484, v2;
	v23 =	vsel vm5, $0x381, v37;
	v1 =	vsel vm10, $0x108, v1  }
0x36: {  	v0 =	vsel vm7, $0x587, v0;
	v2 =	vsel vm9, $0x505, v2;
	v37 =	vimm.s32 $0xCD8C4B0A  }
0x37: {  	v1 =	vsel vm9, $0x149, v1;
	v0 =	vsel vm6, $0x608, v0;
	v2 =	vsel vm8, $0x586, v2  }
0x38: {  	v1 =	vsel vm8, $0x18A, v1;
	v0 =	vsel vm3, $0x689, v0;
	v2 =	vsel vm7, $0x607, v2  }
0x39: {  	v1 =	vsel vm7, $0x1CB, v1;
	v0 =	vsel vm0, $0x70A, v0;
	v2 =	vsel vm6, $0x688, v2  }
0x3a: {  	v1 =	vsel vm6, $0x20C, v1;
	v0 =	vsel vm1, $0x78B, v0;
	v2 =	vsel vm3, $0x709, v2  }
0x3b: {  	v1 =	vsel vm3, $0x24D, v1;
	v42 =	vsel vm0, $0x78A, v2;
	v2 =	vsel vm14, $0x300, v44  }
0x3c: {  	v0 =	vsel vm2, $0xC, v0;
	v1 =	vsel vm0, $0x28E, v1;
	v2 =	vsel vm13, $0x381, v2  }
0x3d: {  	v0 =	vsel vm4, $0x8D, v0;
	v1 =	vsel vm1, $0x2CF, v1;
	v2 =	vsel vm12, $0x402, v2  }
0x3e: {  	v24 =	vsel vm5, $0x10E, v0;
	v1 =	vsel vm2, $0x300, v1;
	v2 =	vsel vm11, $0x483, v2  }
0x3f: {  	v0 =	vsel vm1, $0xB, v42;
	v1 =	vsel vm4, $0x341, v1;
	v46 =	vsel vm10, $0x504, v2  }
0x40: {  	v2 =	vnsel vm15, $0x3C5, v47;
	v5 =	vsel vm5, $0x382, v1;
	v1 =	vnsel vm15, $0x3C4, v43  }
0x41: {  	v0 =	vsel vm2, $0x8C, v0;
	v2 =	vsel vm10, $0x10A, v2;
	v1 =	vsel vm10, $0x109, v1  }
0x42: {  	v0 =	vsel vm4, $0x10D, v0;
	v2 =	vsel vm9, $0x14B, v2;
	v1 =	vsel vm9, $0x14A, v1  }
0x43: {  	v6 =	vsel vm5, $0x18E, v0;
	v2 =	vsel vm8, $0x18C, v2;
	v1 =	vsel vm8, $0x18B, v1  }
0x44: {  	v43 =	vimm.s32 $0x58F;
	v2 =	vsel vm7, $0x1CD, v2;
	v45 =	vsel vm7, $0x1CC, v1  }
0x45: {  	v1 =	vsel vm9, $0x585, v46;
	v49 =	vsel vm6, $0x20E, v2;
	v2 =	vsel vm14, $0x380, v50  }
0x46: {  	v46 =	vand.u32 $0xFF, v3;
	v3 =	vimm.s32 $0x68F;
	v0 =	vsel vm6, $0x20D, v45  }
0x47: {  	v1 =	vsel vm8, $0x606, v1;
	v2 =	vsel vm13, $0x401, v2;
	v0 =	vsel vm3, $0x24E, v0  }
0x48: {  	v1 =	vsel vm7, $0x687, v1;
	v2 =	vsel vm12, $0x482, v2;
	v0 =	vsel vm0, $0x28F, v0  }
0x49: {  	v1 =	vsel vm6, $0x708, v1;
	v52 =	vsel vm11, $0x503, v2;
	v2 =	vsel vm14, $0x400, v55  }
0x4a: {  	v0 =	vsel vm1, $0x2C0, v0;
	v1 =	vsel vm3, $0x789, v1;
	v53 =	vsel vm10, $0x584, v52  }
0x4b: {  	v2 =	vsel vm13, $0x481, v2;
	v52 =	vimm.s32 $0xC08F4E0D;
	v0 =	vsel vm2, $0x301, v0  }
0x4c: {  	v1 =	vsel vm0, $0xA, v1;
	v2 =	vsel vm12, $0x502, v2;
	v0 =	vsel vm4, $0x342, v0  }
0x4d: {  	v48 =	vsel vm1, $0x8B, v1;
	v1 =	vsel vm3, $0x24F, v49;
	v2 =	vsel vm11, $0x583, v2  }
0x4e: {  	v49 =	vimm.s32 $0x60F;
	v33 =	vsel vm5, $0x383, v0;
	v1 =	vsel vm0, $0x280, v1  }
0x4f: {  	v0 =	vsel vm2, $0x10C, v48;
	v2 =	vsel vm10, $0x604, v2;
	v1 =	vsel vm1, $0x2C1, v1  }
0x50: {  	v0 =	vsel vm4, $0x18D, v0;
	v2 =	vsel vm9, $0x685, v2;
	v1 =	vsel vm2, $0x302, v1  }
0x51: {  	v34 =	vsel vm5, $0x20E, v0;
	v0 =	vsel vm9, $0x605, v53;
	v2 =	vsel vm8, $0x706, v2  }
0x52: {  	v51 =	vsel vm4, $0x343, v1;
	v1 =	vnsel vm15, $0x3C6, v54;
	v0 =	vsel vm8, $0x686, v0  }
0x53: {  	v2 =	vsel vm7, $0x787, v2;
	v27 =	vsel vm5, $0x384, v51;
	v1 =	vsel vm10, $0x10B, v1  }
0x54: {  	v0 =	vsel vm7, $0x707, v0;
	v2 =	vsel vm6, $0x8, v2;
	v51 =	vsel vm14, $0x680, v49  }
0x55: {  	v1 =	vsel vm9, $0x14C, v1;
	v0 =	vsel vm6, $0x788, v0;
	v2 =	vsel vm3, $0x89, v2  }
0x56: {  	v1 =	vsel vm8, $0x18D, v1;
	v0 =	vsel vm3, $0x9, v0;
	v56 =	vsel vm0, $0x10A, v2  }
0x57: {  	v2 =	vsel vm14, $0x480, v58;
	v58 =	vimm.s32 $0x70F;
	v1 =	vsel vm7, $0x1CE, v1  }
0x58: {  	v0 =	vsel vm0, $0x8A, v0;
	v2 =	vsel vm13, $0x501, v2;
	v1 =	vsel vm6, $0x20F, v1  }
0x59: {  	v0 =	vsel vm1, $0x10B, v0;
	v2 =	vsel vm12, $0x582, v2;
	v1 =	vsel vm3, $0x240, v1  }
0x5a: {  	v0 =	vsel vm2, $0x18C, v0;
	v2 =	vsel vm11, $0x603, v2;
	v1 =	vsel vm0, $0x281, v1  }
0x5b: {  	v0 =	vsel vm4, $0x20D, v0;
	v60 =	vsel vm10, $0x684, v2;
	v2 =	vnsel vm15, $0x3C8, v61  }
0x5c: {  	v1 =	vsel vm1, $0x2C2, v1;
	v28 =	vsel vm5, $0x28E, v0;
	v0 =	vsel vm1, $0x18B, v56  }
0x5d: {  	v2 =	vsel vm10, $0x10D, v2;
	v56 =	vsel vm14, $0x700, v3;
	v3 =	vimm.s32 $0xC1804F0E  }
0x5e: {  	v1 =	vsel vm2, $0x303, v1;
	v0 =	vsel vm2, $0x20C, v0;
	v2 =	vsel vm9, $0x14E, v2  }
0x5f: {  	v1 =	vsel vm4, $0x344, v1;
	v0 =	vsel vm4, $0x28D, v0;
	v2 =	vsel vm8, $0x18F, v2  }
0x60: {  	v16 =	vsel vm5, $0x385, v1;
	v1 =	vnsel vm15, $0x3C7, v57;
	v2 =	vsel vm7, $0x1C0, v2  }
0x61: {  	v1 =	vsel vm10, $0x10C, v1;
	v63 =	vsel vm6, $0x201, v2;
	v2 =	vsel vm14, $0x500, v32  }
0x62: {  	v1 =	vsel vm9, $0x14D, v1;
	v36 =	vsel vm13, $0x581, v2;
	v2 =	vunpack.c.0.s8.s32 v37  }
0x63: {  	v3 =	vunpack.c.0.s8.s32 v3;
	v11 =	vsel vm5, $0x30E, v0;
	v1 =	vsel vm8, $0x18E, v1  }
0x64: {  	v59 =	vsel vm7, $0x1CF, v1;
	v1 =	vsel vm9, $0x705, v60;
	v2 =	vand.u32 $0xFF, v2  }
0x65: {  	v0 =	vsel vm6, $0x200, v59;
	v1 =	vsel vm8, $0x786, v1;
	v2 =	vnsel vm15, $0x3C9, v2  }
0x66: {  	v0 =	vsel vm3, $0x241, v0;
	v1 =	vsel vm7, $0x7, v1;
	v2 =	vsel vm10, $0x10E, v2  }
0x67: {  	v0 =	vsel vm0, $0x282, v0;
	v1 =	vsel vm6, $0x88, v1;
	v2 =	vsel vm9, $0x14F, v2  }
0x68: {  	v0 =	vsel vm1, $0x2C3, v0;
	v1 =	vsel vm3, $0x109, v1;
	v2 =	vsel vm8, $0x180, v2  }
0x69: {  	v0 =	vsel vm2, $0x304, v0;
	v1 =	vsel vm0, $0x18A, v1;
	v2 =	vsel vm7, $0x1C1, v2  }
0x6a: {  	v0 =	vsel vm4, $0x345, v0;
	v62 =	vsel vm1, $0x20B, v1;
	v1 =	vsel vm3, $0x242, v63  }
0x6b: {  	v2 =	vsel vm6, $0x202, v2;
	v63 =	vand.u32 $0xFF, v4;
	v30 =	vsel vm5, $0x386, v0  }
0x6c: {  	v0 =	vsel vm2, $0x28C, v62;
	v1 =	vsel vm0, $0x283, v1;
	v2 =	vsel vm3, $0x243, v2  }
0x6d: {  	v0 =	vsel vm4, $0x30D, v0;
	v35 =	vsel vm1, $0x2C4, v1;
	v1 =	vsel vm12, $0x602, v36  }
0x6e: {  	v2 =	vsel vm0, $0x284, v2;
	v61 =	vsel vm5, $0x38E, v0;
	v0 =	vsel vm2, $0x305, v35  }
0x6f: {  	v1 =	vsel vm11, $0x683, v1;
	v40 =	vsel vm1, $0x2C5, v2;
	v2 =	vunpack.c.0.s8.s32 v41  }
0x70: {  	v0 =	vsel vm4, $0x346, v0;
	v38 =	vsel vm10, $0x704, v1;
	v1 =	vsel vm14, $0x580, v39  }
0x71: {  	v62 =	vand.u32 $0xFF, v3;
	v54 =	vsel vm5, $0x387, v0;
	v1 =	vsel vm13, $0x601, v1  }
0x72: {  	v0 =	vsel vm9, $0x785, v38;
	v2 =	vand.u32 $0xFF, v2;
	v1 =	vsel vm12, $0x682, v1  }
0x73: {  	v0 =	vsel vm8, $0x6, v0;
	v2 =	vnsel vm15, $0x3CA, v2;
	v1 =	vsel vm11, $0x703, v1  }
0x74: {  	v0 =	vsel vm7, $0x87, v0;
	v2 =	vsel vm10, $0x10F, v2;
	v1 =	vsel vm10, $0x784, v1  }
0x75: {  	v0 =	vsel vm6, $0x108, v0;
	v44 =	vsel vm9, $0x140, v2;
	v1 =	vsel vm9, $0x5, v1  }
0x76: {  	v2 =	vnsel vm15, $0x3CB, v46;
	v0 =	vsel vm3, $0x189, v0;
	v1 =	vsel vm8, $0x86, v1  }
0x77: {  	v2 =	vsel vm10, $0x100, v2;
	v0 =	vsel vm0, $0x20A, v0;
	v1 =	vsel vm7, $0x107, v1  }
0x78: {  	v2 =	vsel vm9, $0x141, v2;
	v0 =	vsel vm1, $0x28B, v0;
	v1 =	vsel vm6, $0x188, v1  }
0x79: {  	v2 =	vsel vm8, $0x182, v2;
	v0 =	vsel vm2, $0x30C, v0;
	v1 =	vsel vm3, $0x209, v1  }
0x7a: {  	v2 =	vsel vm7, $0x1C3, v2;
	v0 =	vsel vm4, $0x38D, v0;
	v1 =	vsel vm0, $0x28A, v1  }
0x7b: {  	v2 =	vsel vm6, $0x204, v2;
	v19 =	vsel vm5, $0x40E, v0;
	v1 =	vsel vm1, $0x30B, v1  }
0x7c: {  	v0 =	vsel vm2, $0x306, v40;
	v42 =	vsel vm2, $0x38C, v1;
	v1 =	vsel vm14, $0x600, v43  }
0x7d: {  	v2 =	vsel vm3, $0x245, v2;
	v0 =	vsel vm4, $0x347, v0;
	v1 =	vsel vm13, $0x681, v1  }
0x7e: {  	v48 =	vsel vm0, $0x286, v2;
	v2 =	vunpack.c.0.s8.s32 v52;
	v1 =	vsel vm12, $0x702, v1  }
0x7f: {  	v29 =	vsel vm5, $0x388, v0;
	v0 =	vsel vm4, $0x40D, v42;
	v1 =	vsel vm11, $0x783, v1  }
0x80: {  	v45 =	vsel vm5, $0x48E, v0;
	v0 =	vsel vm8, $0x181, v44;
	v1 =	vsel vm10, $0x4, v1  }
0x81: {  	v2 =	vand.u32 $0xFF, v2;
	v0 =	vsel vm7, $0x1C2, v0;
	v1 =	vsel vm9, $0x85, v1  }
0x82: {  	v2 =	vnsel vm15, $0x3CC, v2;
	v0 =	vsel vm6, $0x203, v0;
	v1 =	vsel vm8, $0x106, v1  }
0x83: {  	v2 =	vsel vm10, $0x101, v2;
	v0 =	vsel vm3, $0x244, v0;
	v1 =	vsel vm7, $0x187, v1  }
0x84: {  	s0 =	rddreg [dreg:$0x0];
	s2 =	simm.s32 $0x0;
	v2 =	vsel vm9, $0x142, v2;
	v0 =	vsel vm0, $0x285, v0;
	v1 =	vsel vm6, $0x208, v1  }
0x85: {  	[smem:$0x7FF] =	sst s2;
	v2 =	vsel vm8, $0x183, v2;
	v0 =	vsel vm1, $0x2C6, v0;
	v1 =	vsel vm3, $0x289, v1  }
0x86: {  	s1 =	rddreg [dreg:$0x1];
	_ =	strace $0x80000047;
	[tilespmem:$0x1FF50] =	vst v13;
	v2 =	vsel vm7, $0x1C4, v2;
	v0 =	vsel vm2, $0x307, v0;
	v1 =	vsel vm0, $0x30A, v1  }
0x87: {  	[tilespmem:$0x1FFB0] =	vst v15;
	v2 =	vsel vm6, $0x205, v2;
	v0 =	vsel vm4, $0x348, v0;
	v1 =	vsel vm1, $0x38B, v1  }
0x88: {  	[tilespmem:$0x1FF80] =	vst v18;
	v53 =	vsel vm5, $0x389, v0;
	v47 =	vsel vm2, $0x40C, v1;
	v1 =	vsel vm1, $0x2C7, v48  }
0x89: {  	[tilespmem:$0x1FFF0] =	vst v20;
	v0 =	vsel vm4, $0x48D, v47;
	v50 =	vsel vm2, $0x308, v1;
	v1 =	vsel vm13, $0x701, v51  }
0x8a: {  	[tilespmem:$0x1FFE0] =	vst v10;
	v2 =	vsel vm3, $0x246, v2;
	v46 =	vsel vm5, $0x50E, v0;
	v1 =	vsel vm12, $0x782, v1  }
0x8b: {  	[tilespmem:$0x1FFD0] =	vst v22;
	v0 =	vsel vm4, $0x349, v50;
	v55 =	vsel vm11, $0x3, v1;
	v1 =	vsel vm13, $0x781, v56  }
0x8c: {  	[tilespmem:$0x1FFC0] =	vst v31;
	v17 =	vsel vm5, $0x38A, v0;
	v0 =	vsel vm10, $0x84, v55;
	v1 =	vsel vm12, $0x2, v1  }
0x8d: {  	[tilespmem:$0x1FF90] =	vst v23;
	v2 =	vsel vm0, $0x287, v2;
	v0 =	vsel vm9, $0x105, v0;
	v1 =	vsel vm11, $0x83, v1  }
0x8e: {  	[tilespmem:$0x1FF60] =	vst v24;
	v2 =	vsel vm1, $0x2C8, v2;
	v0 =	vsel vm8, $0x186, v0;
	v1 =	vsel vm10, $0x104, v1  }
0x8f: {  	[tilespmem:$0x1FF30] =	vst v6;
	v57 =	vsel vm2, $0x309, v2;
	v0 =	vsel vm7, $0x207, v0;
	v1 =	vsel vm9, $0x185, v1  }
0x90: {  	[tilespmem:$0x1FF40] =	vst v5;
	v2 =	vsel vm14, $0x780, v58;
	v0 =	vsel vm6, $0x288, v0;
	v1 =	vsel vm8, $0x206, v1  }
0x91: {  	[tilespmem:$0x1FF70] =	vst v33;
	v59 =	vsel vm13, $0x1, v2;
	v0 =	vsel vm3, $0x309, v0;
	v1 =	vsel vm7, $0x287, v1  }
0x92: {  	[tilespmem:$0x1FFA0] =	vst v34;
	v2 =	vnsel vm15, $0x3CE, v63;
	v0 =	vsel vm0, $0x38A, v0;
	v1 =	vsel vm6, $0x308, v1  }
0x93: {  	[tilespmem:$0x1FF00] =	vst v27;
	v2 =	vsel vm10, $0x103, v2;
	v0 =	vsel vm1, $0x40B, v0;
	v1 =	vsel vm3, $0x389, v1  }
0x94: {  	[tilespmem:$0x1FED0] =	vst v28;
	v2 =	vsel vm9, $0x144, v2;
	v0 =	vsel vm2, $0x48C, v0;
	v1 =	vsel vm0, $0x40A, v1  }
0x95: {  	[tilespmem:$0x1FEE0] =	vst v11;
	v2 =	vsel vm8, $0x185, v2;
	v0 =	vsel vm4, $0x50D, v0;
	v1 =	vsel vm1, $0x48B, v1  }
0x96: {  	[tilespmem:$0x1FF10] =	vst v16;
	v43 =	vsel vm5, $0x58E, v0;
	v0 =	vsel vm4, $0x34A, v57;
	v1 =	vsel vm2, $0x50C, v1  }
0x97: {  	[tilespmem:$0x1FF20] =	vst v30;
	v2 =	vsel vm7, $0x1C6, v2;
	v1 =	vsel vm4, $0x58D, v1;
	v52 =	vsel vm5, $0x38B, v0  }
0x98: {  	[tilespmem:$0x1FEF0] =	vst v61;
	v0 =	vsel vm12, $0x82, v59;
	v60 =	vsel vm5, $0x60E, v1;
	v1 =	vnsel vm15, $0x3CD, v62  }
0x99: {  	[tilespmem:$0x1FEA0] =	vst v54;
	v2 =	vsel vm6, $0x207, v2;
	v0 =	vsel vm11, $0x103, v0;
	v1 =	vsel vm10, $0x102, v1  }
0x9a: {  	s3 =	srdreg.scid;
	s5 =	stileid.u32;
	s20 =	simm.s32 $0x4000;
	[tilespmem:$0x1FE90] =	vst v19;
	v2 =	vsel vm3, $0x248, v2;
	v0 =	vsel vm10, $0x184, v0;
	v1 =	vsel vm9, $0x143, v1  }
0x9b: {  	s22 =	simm.s32 $0x1;
	s23 =	simm.s32 $0x8000;
	s24 =	simm.s32 $0x2;
	[tilespmem:$0x1FE40] =	vst v29;
	v2 =	vsel vm0, $0x289, v2;
	v0 =	vsel vm9, $0x205, v0;
	v1 =	vsel vm8, $0x184, v1  }
0x9c: {  	s25 =	simm.s32 $0xC000;
	s4 =	sand.u32 $0x1, s3;
	s28 =	sadd.s32 $0xC00, s1;
	[tilespmem:$0x1FE50] =	vst v45;
	v2 =	vsel vm1, $0x2CA, v2;
	v0 =	vsel vm8, $0x286, v0;
	v1 =	vsel vm7, $0x1C5, v1  }
0x9d: {  	s26 =	sshll.u32 s5, $0x1;
	s5 =	sadd.s32 $0x1E00, s1;
	s9 =	sadd.s32 $0x4000, s0;
	[tilespmem:$0x1FE30] =	vst v53;
	v2 =	vsel vm2, $0x30B, v2;
	v0 =	vsel vm7, $0x307, v0;
	v1 =	vsel vm6, $0x206, v1  }
0x9e: {  	s10 =	sadd.s32 $0x4080, s0;
	s11 =	sadd.s32 $0x11E00, s1;
	s3 =	sor.u32 s4, s26;
	[tilespmem:$0x1FE80] =	vst v46;
	v2 =	vsel vm4, $0x34C, v2;
	v0 =	vsel vm6, $0x388, v0;
	v1 =	vsel vm3, $0x247, v1  }
0x9f: {  	s1 =	sadd.s32 $0x7A1E00, s1;
	[dreg:$0x3] =	wrdreg s28;
	s6 =	sshll.u32 s3, $0x8;
	[tilespmem:$0x1FE10] =	vst v17;
	v50 =	vsel vm5, $0x38D, v2;
	v0 =	vsel vm3, $0x409, v0;
	v1 =	vsel vm0, $0x288, v1  }
0xa0: {  	s13 =	sadd.s32 $0x6000, s0;
	[dreg:$0x8] =	wrdreg s1;
	s6 =	sadd.s32 s0, s6;
	[tilespmem:$0x1FEB0] =	vst v50;
	v0 =	vsel vm0, $0x48A, v0;
	v1 =	vsel vm1, $0x2C9, v1  }
0xa1: {  	s4 =	ssub.s32 $0x2, s4;
	s29 =	sadd.s32 $0x2000, s6;
	[dreg:$0x4] =	wrdreg s6;
	[tilespmem:$0x1FE20] =	vst v43;
	v0 =	vsel vm1, $0x50B, v0;
	v1 =	vsel vm2, $0x30A, v1  }
0xa2: {  	s7 =	sshrl.u32 s4, $0x1;
	s30 =	sadd.s32 $0x2080, s6;
	[dreg:$0x5] =	wrdreg s29;
	[tilespmem:$0x1FEC0] =	vst v52;
	v0 =	vsel vm2, $0x58C, v0;
	v1 =	vsel vm4, $0x34B, v1  }
0xa3: {  	s4 =	ssub.s32 s4, s7;
	s6 =	sadd.s32 $0x80, s6;
	[dreg:$0x6] =	wrdreg s30;
	[tilespmem:$0x1FE00] =	vst v60;
	v0 =	vsel vm4, $0x60D, v0;
	v51 =	vsel vm5, $0x38C, v1  }
0xa4: {  	s15 =	sadd.s32 $0x6080, s0;
	s31 =	smax.u32 s4, $0x1;
	[dreg:$0x7] =	wrdreg s6;
	v49 =	vsel vm5, $0x68E, v0;
	[tilespmem:$0x1FE60] =	vst v51  }
0xa5: {  	p0 =	sne.s32 s3, $0x0;
	s4 =	simm.s32 $0x0;
	[dreg:$0x9] =	wrdreg s31;
	[tilespmem:$0x1FE70] =	vst v49  }
.LBB2_1:
0xa6: {  	[dreg:$0xa] =	wrdreg s4  }
0xa7: {  	s0 =	rddreg [dreg:$0x4];
	s1 =	simm.s32 $0x7A1400;
	s21 =	simm.s32 $0x400  }
0xa8: {  	[tilespmem:s2], [sflag:$0x1] =	stream.strided.gather [hbm4b:s0+s21], $0x2000, s1, s21, $0x38;
	[tilespmem:$0x10000] =	vst v63  }
0xa9: {  	s26 =	rddreg [dreg:$0x7];
	s6 =	simm.s32 $0x2000  }
0xaa: {  	[tilespmem:s6], [sflag:$0x1] =	stream.strided.gather [hbm4b:s26+s21], $0x2000, s1, s21, $0x38;
	[tilespmem:$0x10000] =	vst v63  }
0xab: {  	s28 =	rddreg [dreg:$0x5]  }
0xac: {  	[tilespmem:s20], [sflag:$0x2] =	stream.strided.gather [hbm4b:s28+s21], $0x2000, s1, s21, $0x38;
	[tilespmem:$0x10000] =	vst v63  }
0xad: {  	s29 =	rddreg [dreg:$0x6];
	s31 =	simm.s32 $0x6000;
	s30 =	simm.s32 $0x0  }
0xae: {  	[tilespmem:s31], [sflag:$0x2] =	stream.strided.gather [hbm4b:s29+s21], $0x2000, s1, s21, $0x38;
	[tilespmem:$0x10000] =	vst v63  }
.LBB2_2:
0xaf: {  	s0 =	simm.s32 $0x0  }
0xb0: {  	s0 =	sand.u32 $0x2, s0  }
0xb1: {  	s1 =	simm.s32 $0x0;
	s4 =	sor.u32 $0x1, s0  }
0xb2: {  	s1 =	sand.u32 $0x70, s1;
	s6 =	sshll.u32 s4, $0xB  }
0xb3: {  	_ =	swait.ge [sflag:s22], $0x2000;
	s21 =	sor.u32 s1, s6  }
0xb4: {  	s7 =	simm.s32 $0x0;
	[sflag:s22] =	ssyncset.done $0x0;
	v0 =	vor.u32 s21, v13  }
0xb5: {  	[sflag:s22] =	ssyncadd.s32 $0xFFFFE000;
	s6 =	sand.u32 $0xFFFFE000, s7;
	v1 =	vand.u32 $0x7FFFFF80, v0  }
0xb6: {  	_ =	swait.ge [sflag:s22], $0x2000;
	v0 =	vand.u32 $0x7F, v0;
	v1 =	vadd.s32 s6, v1  }
0xb7: {  	p1 =	seq.s32 s30, $0x0;
	s12 =	sshll.u32 s0, $0xB;
	[sflag:s22] =	ssyncset.done $0x0;
	v0 =	vor.u32 v0, v1  }
0xb8: {  	s8 =	simm.s32 @!p1 $0x3;
	s1 =	sor.u32 s12, s1;
	[sflag:s22] =	ssyncadd.s32 $0xFFFFE000  }
0xb9: {  	s1 =	sor.u32 s6, s1;
	_ =	swait.ge @!p1 [sflag:s8], $0x4000  }
0xba: {  	s4 =	sshll.u32 s4, $0x4;
	s7 =	sand.u32 $0xFFFFFC00, s7;
	v2 =	vor.u32 s1, v13;
	[sflag:s8] =	ssyncset.done @!p1 $0x0;
	v1 =	vor.u32 s21, v18  }
0xbb: {  	s16 =	sor.u32 s7, s4;
	[sflag:s8] =	ssyncadd.s32 @!p1 $0xFFFFC000;
	v3 =	vand.u32 $0x7FFFFF80, v1  }
0xbc: {  	v4 =	vor.u32 s16, v15;
	v1 =	vand.u32 $0x7F, v1;
	v3 =	vadd.s32 s6, v3;
	v0 =	vld.idx.msk [tilespmem:v0+s2+$0x0], $0xffff  }
0xbd: {  	s0 =	sshll.u32 s0, $0x4;
	v1 =	vor.u32 v1, v3  }
0xbe: {  	s18 =	sor.u32 s0, s7  }
0xbf: {  	v14 =	vmov v6;
	v6 =	vor.u32 s18, v15;
	v2 =	vld.idx.msk [tilespmem:v2+s2+$0x0], $0xffff  }
0xc0: {  	v12 =	vmov v5;
	v5 =	vor.u32 s1, v18;
	v3 =	vor.u32 s21, v10  }
0xc1: {  	[tilespmem:v4+s23+$0x0] =	vst.idx.msk $0xffff, v0;
	v0 =	vand.u32 $0x7FFFFF80, v3  }
0xc2: {  	v4 =	vor.u32 s16, v20;
	v3 =	vand.u32 $0x7F, v3;
	v1 =	vld.idx.msk [tilespmem:v1+s2+$0x0], $0xffff;
	v0 =	vadd.s32 s6, v0  }
0xc3: {  	v0 =	vor.u32 v3, v0  }
0xc4: {  	[tilespmem:v6+s23+$0x0] =	vst.idx.msk $0xffff, v2  }
0xc5: {  	v6 =	vor.u32 s18, v20;
	v5 =	vld.idx.msk [tilespmem:v5+s2+$0x0], $0xffff  }
0xc6: {  	v2 =	vor.u32 s21, v31;
	v3 =	vor.u32 s1, v10  }
0xc7: {  	[tilespmem:v4+s23+$0x0] =	vst.idx.msk $0xffff, v1;
	v1 =	vand.u32 $0x7FFFFF80, v2  }
0xc8: {  	v4 =	vor.u32 s16, v22;
	v2 =	vand.u32 $0x7F, v2;
	v0 =	vld.idx.msk [tilespmem:v0+s2+$0x0], $0xffff;
	v1 =	vadd.s32 s6, v1  }
0xc9: {  	v1 =	vor.u32 v2, v1  }
0xca: {  	[tilespmem:v6+s23+$0x0] =	vst.idx.msk $0xffff, v5  }
0xcb: {  	v7 =	vor.u32 s18, v22;
	v3 =	vld.idx.msk [tilespmem:v3+s2+$0x0], $0xffff  }
0xcc: {  	v2 =	vor.u32 s21, v24  }
0xcd: {  	v8 =	vor.u32 s16, v23;
	[tilespmem:v4+s23+$0x0] =	vst.idx.msk $0xffff, v0;
	v0 =	vand.u32 $0x7FFFFF80, v2  }
0xce: {  	v5 =	vor.u32 s1, v31;
	v9 =	vld.idx.msk [tilespmem:v1+s2+$0x0], $0xffff;
	v1 =	vand.u32 $0x7F, v2;
	v0 =	vadd.s32 s6, v0  }
0xcf: {  	v0 =	vor.u32 v1, v0  }
0xd0: {  	[tilespmem:v7+s23+$0x0] =	vst.idx.msk $0xffff, v3;
	v3 =	vor.u32 s21, v14  }
0xd1: {  	v7 =	vand.u32 $0x7FFFFF80, v3  }
0xd2: {  	v3 =	vand.u32 $0x7F, v3;
	v7 =	vadd.s32 s6, v7  }
0xd3: {  	v5 =	vld.idx.msk [tilespmem:v5+s2+$0x0], $0xffff;
	v3 =	vor.u32 v3, v7;
	v7 =	vor.u32 s1, v45;
	[tilespmem:v8+s23+$0x0] =	vst.idx.msk $0xffff, v9  }
0xd4: {  	v0 =	vld.idx.msk [tilespmem:v0+s2+$0x0], $0xffff;
	[tilespmem:$0x1FD10] =	vst v7;
	v7 =	vor.u32 s18, v53  }
0xd5: {  	v6 =	vor.u32 s18, v23;
	[tilespmem:$0x1FD20] =	vst v7;
	v7 =	vor.u32 s1, v46  }
0xd6: {  	[tilespmem:$0x1FD30] =	vst v7;
	v7 =	vor.u32 s18, v17  }
0xd7: {  	[tilespmem:$0x1FD60] =	vst v7;
	v7 =	vor.u32 s1, v43  }
0xd8: {  	s19 =	simm.s32 $0x2;
	v8 =	vor.u32 s16, v12;
	[tilespmem:$0x1FD70] =	vst v7;
	v7 =	vor.u32 s18, v52  }
0xd9: {  	s7 =	sand.u32 $0x2, s19;
	v32 =	vor.u32 s1, v24;
	[tilespmem:$0x1FDA0] =	vst v7  }
0xda: {  	s26 =	simm.s32 $0x8;
	v35 =	vor.u32 s18, v12;
	v36 =	vor.u32 s1, v14;
	s28 =	sor.u32 $0x1, s7;
	[tilespmem:v6+s23+$0x0] =	vst.idx.msk $0xffff, v5;
	v5 =	vor.u32 s1, v60  }
0xdb: {  	s29 =	sand.u32 $0x70, s26;
	v37 =	vor.u32 s18, v33;
	v38 =	vor.u32 s1, v34;
	s17 =	sshll.u32 s28, $0xB;
	v1 =	vmovc v34;
	[tilespmem:$0x1FDB0] =	vst v5;
	v5 =	vor.u32 s18, v51  }
0xdc: {  	v39 =	vor.u32 s18, v27;
	v47 =	vor.u32 s18, v54;
	s0 =	sor.u32 s29, s17;
	[tilespmem:$0x1FDE0] =	vst v5;
	v5 =	vor.u32 s21, v1  }
0xdd: {  	v25 =	vmovc v33;
	v55 =	vor.u32 s18, v29;
	v9 =	vor.u32 s0, v13;
	[tilespmem:v8+s23+$0x0] =	vst.idx.msk $0xffff, v0;
	v0 =	vand.u32 $0x7FFFFF80, v5  }
0xde: {  	s14 =	simm.s32 $0x200;
	v7 =	vor.u32 s16, v25;
	v6 =	vld.idx.msk [tilespmem:v32+s2+$0x0], $0xffff;
	v5 =	vand.u32 $0x7F, v5;
	v0 =	vadd.s32 s6, v0  }
0xdf: {  	s19 =	sand.u32 $0xFFFFE000, s14;
	s26 =	sshll.u32 s7, $0xB;
	v8 =	vand.u32 $0x7FFFFF80, v9;
	v3 =	vld.idx.msk [tilespmem:v3+s2+$0x0], $0xffff;
	v0 =	vor.u32 v5, v0;
	v5 =	vor.u32 s1, v49  }
0xe0: {  	s12 =	sor.u32 s26, s29;
	v9 =	vand.u32 $0x7F, v9;
	v8 =	vadd.s32 s19, v8;
	[tilespmem:$0x1FDF0] =	vst v5;
	v5 =	vor.u32 s18, v50  }
0xe1: {  	v4 =	vor.u32 s18, v16;
	v34 =	vor.u32 s18, v30;
	s18 =	sor.u32 s19, s12;
	[tilespmem:$0x1FC90] =	vst v5;
	v5 =	vor.u32 v9, v8  }
0xe2: {  	v62 =	vor.u32 s0, v18;
	v8 =	vor.u32 s18, v13  }
0xe3: {  	v21 =	vmov v10;
	v42 =	vor.u32 s21, v28;
	v63 =	vand.u32 $0x7FFFFF80, v62;
	[tilespmem:v35+s23+$0x0] =	vst.idx.msk $0xffff, v6  }
0xe4: {  	s26 =	sand.u32 $0xFFFFFC00, s14;
	s8 =	sshll.u32 s28, $0x4;
	v10 =	vmovc v27;
	v32 =	vmov v43;
	v43 =	vand.u32 $0x7F, v62;
	v36 =	vld.idx.msk [tilespmem:v36+s2+$0x0], $0xffff;
	[tilespmem:v7+s23+$0x0] =	vst.idx.msk $0xffff, v3;
	v3 =	vand.u32 $0x7FFFFF80, v42  }
0xe5: {  	s7 =	sshll.u32 s7, $0x4;
	s31 =	sor.u32 s26, s8;
	v35 =	vor.u32 s16, v10;
	v7 =	vand.u32 $0x7F, v42;
	v0 =	vld.idx.msk [tilespmem:v0+s2+$0x0], $0xffff;
	v3 =	vadd.s32 s6, v3  }
0xe6: {  	s4 =	sor.u32 s7, s26;
	v6 =	vor.u32 s31, v15;
	v42 =	vadd.s32 s19, v63;
	v3 =	vor.u32 v7, v3;
	v5 =	vld.idx.msk [tilespmem:v5+s2+$0x0], $0xffff  }
0xe7: {  	v42 =	vor.u32 v43, v42;
	v7 =	vor.u32 s4, v15;
	v8 =	vld.idx.msk [tilespmem:v8+s2+$0x0], $0xffff  }
0xe8: {  	v9 =	vor.u32 s18, v18  }
0xe9: {  	[tilespmem:v37+s23+$0x0] =	vst.idx.msk $0xffff, v36  }
0xea: {  	v57 =	vor.u32 s21, v11;
	v40 =	vor.u32 s1, v28;
	v38 =	vld.idx.msk [tilespmem:v38+s2+$0x0], $0xffff;
	[tilespmem:v35+s23+$0x0] =	vst.idx.msk $0xffff, v0  }
0xeb: {  	v56 =	vor.u32 s16, v16;
	v44 =	vor.u32 s4, v20;
	v3 =	vld.idx.msk [tilespmem:v3+s2+$0x0], $0xffff;
	[tilespmem:v6+s23+$0x0] =	vst.idx.msk $0xffff, v5  }
0xec: {  	v27 =	vmovc v30;
	v30 =	vmov v45;
	v45 =	vor.u32 s31, v20;
	v62 =	vand.u32 $0x7FFFFF80, v57;
	[tilespmem:v7+s23+$0x0] =	vst.idx.msk $0xffff, v8;
	v5 =	vld.idx.msk [tilespmem:v42+s2+$0x0], $0xffff  }
0xed: {  	v48 =	vor.u32 s0, v21;
	v57 =	vand.u32 $0x7F, v57;
	v63 =	vadd.s32 s6, v62;
	v9 =	vld.idx.msk [tilespmem:v9+s2+$0x0], $0xffff  }
0xee: {  	v0 =	vand.u32 $0x7FFFFF80, v48;
	v6 =	vor.u32 v57, v63  }
0xef: {  	v62 =	vor.u32 s0, v31;
	v36 =	vand.u32 $0x7F, v48;
	v0 =	vadd.s32 s19, v0;
	[tilespmem:v39+s23+$0x0] =	vst.idx.msk $0xffff, v38  }
0xf0: {  	v0 =	vor.u32 v36, v0;
	v63 =	vand.u32 $0x7FFFFF80, v62;
	[tilespmem:v56+s23+$0x0] =	vst.idx.msk $0xffff, v3  }
0xf1: {  	v57 =	vand.u32 $0x7F, v62;
	v3 =	vadd.s32 s19, v63;
	[tilespmem:v45+s23+$0x0] =	vst.idx.msk $0xffff, v5  }
0xf2: {  	v40 =	vld.idx.msk [tilespmem:v40+s2+$0x0], $0xffff;
	v39 =	vor.u32 v57, v3;
	v3 =	vor.u32 s4, v10;
	[tilespmem:v44+s23+$0x0] =	vst.idx.msk $0xffff, v9  }
0xf3: {  	v41 =	vor.u32 s18, v21;
	v6 =	vld.idx.msk [tilespmem:v6+s2+$0x0], $0xffff;
	[tilespmem:$0x1FD40] =	vst v3;
	v3 =	vor.u32 s18, v28  }
0xf4: {  	v37 =	vor.u32 s16, v27;
	[tilespmem:$0x1FD50] =	vst v3  }
0xf5: {  	v2 =	vor.u32 s1, v11;
	v48 =	vor.u32 s21, v61;
	v9 =	vld.idx.msk [tilespmem:v0+s2+$0x0], $0xffff;
	v0 =	vor.u32 s4, v16  }
0xf6: {  	v58 =	vand.u32 $0x7FFFFF80, v48;
	[tilespmem:$0x1FD80] =	vst v0;
	v0 =	vor.u32 s18, v11  }
0xf7: {  	v36 =	vor.u32 s31, v22;
	v42 =	vand.u32 $0x7F, v48;
	v48 =	vadd.s32 s6, v58;
	[tilespmem:$0x1FD90] =	vst v0  }
0xf8: {  	v43 =	vor.u32 s4, v22;
	v38 =	vor.u32 v42, v48;
	v41 =	vld.idx.msk [tilespmem:v41+s2+$0x0], $0xffff;
	[tilespmem:v4+s23+$0x0] =	vst.idx.msk $0xffff, v40  }
0xf9: {  	v0 =	vor.u32 s4, v27;
	[tilespmem:v37+s23+$0x0] =	vst.idx.msk $0xffff, v6  }
0xfa: {  	v2 =	vld.idx.msk [tilespmem:v2+s2+$0x0], $0xffff;
	[tilespmem:$0x1FDC0] =	vst v0;
	v0 =	vor.u32 s18, v61  }
0xfb: {  	v35 =	vor.u32 s18, v31;
	[tilespmem:$0x1FDD0] =	vst v0  }
0xfc: {  	v33 =	vor.u32 s1, v61;
	v59 =	vor.u32 s1, v19;
	v58 =	vor.u32 s31, v23;
	[tilespmem:v36+s23+$0x0] =	vst.idx.msk $0xffff, v9  }
0xfd: {  	v42 =	vor.u32 s21, v19;
	v0 =	vor.u32 s18, v30;
	v9 =	vld.idx.msk [tilespmem:v38+s2+$0x0], $0xffff;
	[tilespmem:v43+s23+$0x0] =	vst.idx.msk $0xffff, v41  }
0xfe: {  	v57 =	vor.u32 s16, v54;
	v4 =	vand.u32 $0x7FFFFF80, v42;
	v39 =	vld.idx.msk [tilespmem:v39+s2+$0x0], $0xffff;
	[tilespmem:$0x1FCA0] =	vst v0;
	v0 =	vor.u32 s4, v53  }
0xff: {  	v42 =	vand.u32 $0x7F, v42;
	v4 =	vadd.s32 s6, v4;
	[tilespmem:$0x1FCB0] =	vst v0;
	v0 =	vor.u32 s18, v46  }
0x100: {  	v44 =	vor.u32 s0, v24;
	v37 =	vor.u32 v42, v4;
	v35 =	vld.idx.msk [tilespmem:v35+s2+$0x0], $0xffff;
	[tilespmem:$0x1FCC0] =	vst v0;
	v0 =	vor.u32 s4, v17  }
0x101: {  	v7 =	vor.u32 s4, v23;
	v8 =	vor.u32 s18, v24;
	v40 =	vand.u32 $0x7FFFFF80, v44;
	[tilespmem:$0x1FCD0] =	vst v0  }
0x102: {  	v56 =	vmovc v49;
	v49 =	vor.u32 s18, v1;
	v44 =	vand.u32 $0x7F, v44;
	v40 =	vadd.s32 s19, v40;
	[tilespmem:v34+s23+$0x0] =	vst.idx.msk $0xffff, v2  }
0x103: {  	v3 =	vor.u32 s18, v32;
	v4 =	vor.u32 s16, v29;
	v36 =	vor.u32 v44, v40;
	[tilespmem:v57+s23+$0x0] =	vst.idx.msk $0xffff, v9  }
0x104: {  	v38 =	vmov v1;
	v2 =	vor.u32 s21, v30;
	v34 =	vor.u32 s0, v14;
	[tilespmem:v58+s23+$0x0] =	vst.idx.msk $0xffff, v39;
	v1 =	vld.idx.msk [tilespmem:v33+s2+$0x0], $0xffff  }
0x105: {  	v33 =	vand.u32 $0x7FFFFF80, v2;
	v0 =	vand.u32 $0x7FFFFF80, v34;
	v57 =	vld.idx.msk [tilespmem:v37+s2+$0x0], $0xffff;
	[tilespmem:$0x1FCE0] =	vst v3;
	v3 =	vor.u32 s4, v52  }
0x106: {  	v9 =	vadd.s32 s6, v33;
	v33 =	vand.u32 $0x7F, v34;
	v0 =	vadd.s32 s19, v0;
	[tilespmem:$0x1FCF0] =	vst v3  }
0x107: {  	v2 =	vand.u32 $0x7F, v2;
	[tilespmem:v7+s23+$0x0] =	vst.idx.msk $0xffff, v35;
	v3 =	vor.u32 v33, v0;
	v0 =	vor.u32 s18, v60  }
0x108: {  	s14 =	simm.s32 $0x4;
	v5 =	vor.u32 s31, v12;
	v2 =	vor.u32 v2, v9;
	v7 =	vld.idx.msk [tilespmem:v36+s2+$0x0], $0xffff;
	[tilespmem:$0x1FD00] =	vst v0  }
0x109: {  	s12 =	sand.u32 $0x2, s14;
	v62 =	vor.u32 s4, v12;
	v8 =	vld.idx.msk [tilespmem:v8+s2+$0x0], $0xffff;
	[tilespmem:v47+s23+$0x0] =	vst.idx.msk $0xffff, v1  }
0x10a: {  	s28 =	simm.s32 $0x10;
	s29 =	sor.u32 $0x1, s12;
	v48 =	vor.u32 s4, v25;
	v63 =	vor.u32 s18, v14;
	v59 =	vld.idx.msk [tilespmem:v59+s2+$0x0], $0xffff  }
0x10b: {  	s7 =	sand.u32 $0x70, s28;
	s17 =	sshll.u32 s29, $0xB;
	v45 =	vor.u32 s4, v54;
	v42 =	vmovc v27;
	v27 =	vmovc v46;
	v40 =	vmov v14;
	v43 =	vor.u32 s4, v29  }
0x10c: {  	s1 =	sor.u32 s7, s17;
	v39 =	vor.u32 s4, v51;
	v14 =	vmovc v54;
	v54 =	vor.u32 s21, v27;
	v34 =	vmovc v25;
	v25 =	vor.u32 s4, v50;
	[tilespmem:v4+s23+$0x0] =	vst.idx.msk $0xffff, v57  }
0x10d: {  	s28 =	simm.s32 $0x400;
	v58 =	vand.u32 $0x7F, v54;
	v9 =	vor.u32 s16, v53;
	v0 =	vor.u32 s1, v13;
	[tilespmem:v5+s23+$0x0] =	vst.idx.msk $0xffff, v7;
	v2 =	vld.idx.msk [tilespmem:v2+s2+$0x0], $0xffff  }
0x10e: {  	s4 =	sand.u32 $0xFFFFE000, s28;
	v46 =	vor.u32 s31, v34;
	v1 =	vand.u32 $0x7FFFFF80, v54;
	v5 =	vand.u32 $0x7FFFFF80, v0;
	v3 =	vld.idx.msk [tilespmem:v3+s2+$0x0], $0xffff;
	[tilespmem:v62+s23+$0x0] =	vst.idx.msk $0xffff, v8  }
0x10f: {  	v1 =	vadd.s32 s6, v1;
	v0 =	vand.u32 $0x7F, v0;
	v5 =	vadd.s32 s4, v5;
	v7 =	vld.idx.msk [tilespmem:v63+s2+$0x0], $0xffff;
	[tilespmem:v55+s23+$0x0] =	vst.idx.msk $0xffff, v59  }
0x110: {  	v6 =	vor.u32 v58, v1;
	v1 =	vor.u32 v0, v5;
	v0 =	vld [tilespmem:$0x1FD10];
	_ =	sdelay $0x1  }
0x111: {  	[tilespmem:v9+s23+$0x0] =	vst.idx.msk $0xffff, v2  }
0x112: {  	[tilespmem:v46+s23+$0x0] =	vst.idx.msk $0xffff, v3  }
0x113: {  	[tilespmem:v48+s23+$0x0] =	vst.idx.msk $0xffff, v7  }
0x114: {  	v5 =	vld [tilespmem:$0x1FD20];
	_ =	sdelay $0x1  }
0x115: {  	v33 =	vmov v24;
	v24 =	vmov v53;
	v53 =	vor.u32 s0, v38  }
0x116: {  	v44 =	vor.u32 s18, v19;
	v4 =	vand.u32 $0x7FFFFF80, v53;
	v35 =	vld.idx.msk [tilespmem:v0+s2+$0x0], $0xffff  }
0x117: {  	v37 =	vor.u32 s18, v56;
	s18 =	sshll.u32 s12, $0xB;
	v47 =	vand.u32 $0x7F, v53;
	v4 =	vadd.s32 s19, v4  }
0x118: {  	s7 =	sor.u32 s18, s7;
	v4 =	vor.u32 v47, v4  }
0x119: {  	s8 =	sor.u32 s4, s7  }
0x11a: {  	s26 =	sshll.u32 s29, $0x4;
	s28 =	sand.u32 $0xFFFFFC00, s28;
	v8 =	vor.u32 s8, v13  }
0x11b: {  	v36 =	vor.u32 s0, v28;
	s7 =	sor.u32 s28, s26;
	v53 =	vor.u32 s1, v18;
	v3 =	vld.idx.msk [tilespmem:v6+s2+$0x0], $0xffff;
	[tilespmem:v5+s23+$0x0] =	vst.idx.msk $0xffff, v35  }
0x11c: {  	v58 =	vor.u32 s7, v15;
	v55 =	vor.u32 s16, v17;
	v59 =	vor.u32 s31, v10;
	v5 =	vld [tilespmem:$0x1FD30]  }
0x11d: {  	s12 =	sshll.u32 s12, $0x4;
	v2 =	vand.u32 $0x7FFFFF80, v36;
	v9 =	vand.u32 $0x7F, v36;
	v6 =	vand.u32 $0x7FFFFF80, v53;
	v4 =	vld.idx.msk [tilespmem:v4+s2+$0x0], $0xffff  }
0x11e: {  	s12 =	sor.u32 s12, s28;
	v2 =	vadd.s32 s19, v2;
	v6 =	vadd.s32 s4, v6;
	v1 =	vld.idx.msk [tilespmem:v1+s2+$0x0], $0xffff;
	v7 =	vand.u32 $0x7F, v53  }
0x11f: {  	v2 =	vor.u32 v9, v2;
	v9 =	vor.u32 s12, v15;
	v6 =	vor.u32 v7, v6;
	v7 =	vld.idx.msk [tilespmem:v8+s2+$0x0], $0xffff;
	_ =	sdelay $0x1  }
0x120: {  	[tilespmem:v55+s23+$0x0] =	vst.idx.msk $0xffff, v3  }
0x121: {  	[tilespmem:v59+s23+$0x0] =	vst.idx.msk $0xffff, v4  }
0x122: {  	[tilespmem:v58+s23+$0x0] =	vst.idx.msk $0xffff, v1  }
0x123: {  	v48 =	vor.u32 s16, v52;
	[tilespmem:v9+s23+$0x0] =	vst.idx.msk $0xffff, v7;
	v52 =	vld.idx.msk [tilespmem:v5+s2+$0x0], $0xffff  }
0x124: {  	v5 =	vld [tilespmem:$0x1FD40];
	_ =	sdelay $0x2  }
0x125: {  	v49 =	vld.idx.msk [tilespmem:v49+s2+$0x0], $0xffff;
	_ =	sdelay $0x4  }
0x126: {  	v57 =	vor.u32 s21, v32;
	[tilespmem:v5+s23+$0x0] =	vst.idx.msk $0xffff, v49  }
0x127: {  	v0 =	vand.u32 $0x7FFFFF80, v57;
	v8 =	vld [tilespmem:$0x1FD60]  }
0x128: {  	v57 =	vand.u32 $0x7F, v57;
	v0 =	vadd.s32 s6, v0  }
0x129: {  	v0 =	vor.u32 v57, v0;
	_ =	sdelay $0x4  }
0x12a: {  	v47 =	vor.u32 s8, v18;
	v0 =	vld.idx.msk [tilespmem:v0+s2+$0x0], $0xffff  }
0x12b: {  	v5 =	vld [tilespmem:$0x1FD50];
	[tilespmem:v8+s23+$0x0] =	vst.idx.msk $0xffff, v52  }
0x12c: {  	v8 =	vld [tilespmem:$0x1FD70]  }
0x12d: {  	v32 =	vmov v20;
	v57 =	vor.u32 s31, v16;
	v1 =	vld.idx.msk [tilespmem:v2+s2+$0x0], $0xffff  }
0x12e: {  	v54 =	vor.u32 s7, v32;
	v6 =	vld.idx.msk [tilespmem:v6+s2+$0x0], $0xffff  }
0x12f: {  	v46 =	vor.u32 s12, v32;
	v9 =	vld.idx.msk [tilespmem:v47+s2+$0x0], $0xffff;
	_ =	sdelay $0x1  }
0x130: {  	v35 =	vor.u32 s21, v60;
	[tilespmem:v48+s23+$0x0] =	vst.idx.msk $0xffff, v0  }
0x131: {  	v60 =	vand.u32 $0x7FFFFF80, v35;
	[tilespmem:v57+s23+$0x0] =	vst.idx.msk $0xffff, v1  }
0x132: {  	v53 =	vand.u32 $0x7F, v35;
	v55 =	vadd.s32 s6, v60;
	[tilespmem:v54+s23+$0x0] =	vst.idx.msk $0xffff, v6  }
0x133: {  	v20 =	vmov v21;
	v2 =	vor.u32 v53, v55;
	[tilespmem:v46+s23+$0x0] =	vst.idx.msk $0xffff, v9;
	v53 =	vld.idx.msk [tilespmem:v8+s2+$0x0], $0xffff  }
0x134: {  	v3 =	vor.u32 s1, v20;
	v8 =	vld [tilespmem:$0x1FD80]  }
0x135: {  	v35 =	vand.u32 $0x7FFFFF80, v3  }
0x136: {  	v3 =	vand.u32 $0x7F, v3;
	v7 =	vadd.s32 s4, v35  }
0x137: {  	v3 =	vor.u32 v3, v7;
	v7 =	vld.idx.msk [tilespmem:v5+s2+$0x0], $0xffff;
	_ =	sdelay $0x2  }
0x138: {  	v0 =	vor.u32 s1, v31  }
0x139: {  	v6 =	vand.u32 $0x7FFFFF80, v0  }
0x13a: {  	v0 =	vand.u32 $0x7F, v0;
	v6 =	vadd.s32 s4, v6;
	[tilespmem:v8+s23+$0x0] =	vst.idx.msk $0xffff, v7  }
0x13b: {  	v0 =	vor.u32 v0, v6;
	v6 =	vld [tilespmem:$0x1FD90];
	_ =	sdelay $0x7  }
0x13c: {  	v5 =	vor.u32 s16, v51;
	v51 =	vld.idx.msk [tilespmem:v6+s2+$0x0], $0xffff  }
0x13d: {  	v6 =	vld [tilespmem:$0x1FDA0];
	_ =	sdelay $0x1  }
0x13e: {  	v36 =	vor.u32 s0, v11  }
0x13f: {  	v4 =	vand.u32 $0x7FFFFF80, v36  }
0x140: {  	v63 =	vand.u32 $0x7F, v36;
	v4 =	vadd.s32 s19, v4  }
0x141: {  	v4 =	vor.u32 v63, v4;
	_ =	sdelay $0x1  }
0x142: {  	v26 =	vor.u32 s8, v21  }
0x143: {  	v36 =	vor.u32 s21, v56;
	v1 =	vld.idx.msk [tilespmem:v2+s2+$0x0], $0xffff;
	[tilespmem:v6+s23+$0x0] =	vst.idx.msk $0xffff, v53  }
0x144: {  	v63 =	vand.u32 $0x7FFFFF80, v36;
	v6 =	vld [tilespmem:$0x1FDB0]  }
0x145: {  	v58 =	vor.u32 s31, v42;
	v49 =	vand.u32 $0x7F, v36;
	v48 =	vadd.s32 s6, v63;
	v4 =	vld.idx.msk [tilespmem:v4+s2+$0x0], $0xffff  }
0x146: {  	v59 =	vor.u32 s7, v22;
	v48 =	vor.u32 v49, v48;
	v3 =	vld.idx.msk [tilespmem:v3+s2+$0x0], $0xffff  }
0x147: {  	v21 =	vor.u32 s12, v22;
	v36 =	vld.idx.msk [tilespmem:v26+s2+$0x0], $0xffff;
	_ =	sdelay $0x1  }
0x148: {  	[tilespmem:v5+s23+$0x0] =	vst.idx.msk $0xffff, v1  }
0x149: {  	v62 =	vor.u32 s0, v61;
	v1 =	vor.u32 s0, v19;
	[tilespmem:v58+s23+$0x0] =	vst.idx.msk $0xffff, v4  }
0x14a: {  	v52 =	vand.u32 $0x7F, v62;
	[tilespmem:v59+s23+$0x0] =	vst.idx.msk $0xffff, v3;
	v57 =	vld.idx.msk [tilespmem:v48+s2+$0x0], $0xffff;
	v58 =	vand.u32 $0x7FFFFF80, v1  }
0x14b: {  	v2 =	vand.u32 $0x7FFFFF80, v62;
	[tilespmem:v21+s23+$0x0] =	vst.idx.msk $0xffff, v36;
	v1 =	vand.u32 $0x7F, v1;
	v48 =	vadd.s32 s19, v58;
	v62 =	vld.idx.msk [tilespmem:v6+s2+$0x0], $0xffff  }
0x14c: {  	v6 =	vor.u32 v1, v48;
	v1 =	vld [tilespmem:$0x1FDC0]  }
0x14d: {  	v2 =	vadd.s32 s19, v2  }
0x14e: {  	v2 =	vor.u32 v52, v2;
	_ =	sdelay $0x3  }
0x14f: {  	v4 =	vor.u32 s1, v33  }
0x150: {  	v5 =	vld.idx.msk [tilespmem:v2+s2+$0x0], $0xffff;
	v2 =	vand.u32 $0x7FFFFF80, v4  }
0x151: {  	v7 =	vld.idx.msk [tilespmem:v0+s2+$0x0], $0xffff;
	v0 =	vand.u32 $0x7F, v4;
	v2 =	vadd.s32 s4, v2;
	[tilespmem:v1+s23+$0x0] =	vst.idx.msk $0xffff, v51  }
0x152: {  	v9 =	vor.u32 v0, v2;
	v0 =	vld [tilespmem:$0x1FDD0];
	_ =	sdelay $0x7  }
0x153: {  	v1 =	vld.idx.msk [tilespmem:v0+s2+$0x0], $0xffff  }
0x154: {  	v0 =	vld [tilespmem:$0x1FDE0];
	_ =	sdelay $0x6  }
0x155: {  	v41 =	vmov v12;
	v50 =	vor.u32 s16, v50;
	v47 =	vor.u32 s8, v31  }
0x156: {  	v12 =	vmovc v17;
	v17 =	vmovc v61;
	v61 =	vor.u32 s8, v40;
	v56 =	vor.u32 s12, v34;
	v60 =	vor.u32 s8, v33;
	[tilespmem:v0+s23+$0x0] =	vst.idx.msk $0xffff, v62  }
0x157: {  	v35 =	vor.u32 s12, v23;
	v53 =	vor.u32 s12, v10;
	v10 =	vor.u32 s31, v14;
	v0 =	vld [tilespmem:$0x1FDF0]  }
0x158: {  	v55 =	vor.u32 s12, v24;
	v63 =	vor.u32 s12, v41;
	v8 =	vor.u32 s7, v23  }
0x159: {  	v54 =	vor.u32 s8, v38;
	v46 =	vor.u32 s8, v11;
	v49 =	vor.u32 s12, v16  }
0x15a: {  	v52 =	vor.u32 s8, v28;
	v3 =	vor.u32 s0, v30;
	v36 =	vld.idx.msk [tilespmem:v47+s2+$0x0], $0xffff;
	v47 =	vor.u32 s8, v17  }
0x15b: {  	v4 =	vor.u32 s12, v14;
	v2 =	vor.u32 s8, v19;
	v48 =	vor.u32 s12, v42;
	[tilespmem:v50+s23+$0x0] =	vst.idx.msk $0xffff, v57  }
0x15c: {  	v51 =	vor.u32 s8, v27;
	v62 =	vor.u32 s12, v29;
	v50 =	vor.u32 s12, v12;
	[tilespmem:v10+s23+$0x0] =	vst.idx.msk $0xffff, v5  }
0x15d: {  	v5 =	vor.u32 s31, v29;
	[tilespmem:v8+s23+$0x0] =	vst.idx.msk $0xffff, v7;
	v7 =	vor.u32 s7, v41;
	v6 =	vld.idx.msk [tilespmem:v6+s2+$0x0], $0xffff  }
0x15e: {  	s29 =	sshll.u32 s30, $0x6;
	v57 =	vor.u32 s1, v40;
	v8 =	vand.u32 $0x7FFFFF80, v3;
	v3 =	vand.u32 $0x7F, v3;
	v9 =	vld.idx.msk [tilespmem:v9+s2+$0x0], $0xffff  }
0x15f: {  	s16 =	sor.u32 s3, s29;
	[tilespmem:v35+s23+$0x0] =	vst.idx.msk $0xffff, v36;
	v58 =	vand.u32 $0x7FFFFF80, v57;
	v8 =	vadd.s32 s19, v8;
	v59 =	vld.idx.msk [tilespmem:v0+s2+$0x0], $0xffff;
	v0 =	vor.u32 s8, v30  }
.LBB2_3:
0x160: {  	v12 =	vld [tilespmem:$0x1FC90]  }
0x161: {  	v60 =	vld.idx.msk [tilespmem:v60+s2+$0x0], $0xffff  }
0x162: {  	v14 =	vld [tilespmem:$0x1FE20]  }
0x163: {  	v16 =	vld [tilespmem:$0x1FE70]  }
0x164: {  	v30 =	vld [tilespmem:$0x1FE30]  }
0x165: {  	v27 =	vld [tilespmem:$0x1FE80];
	[tilespmem:v45+s23+$0x0] =	vst.idx.msk $0xffff, v1  }
0x166: {  	v11 =	vld.idx.msk [tilespmem:v44+s2+$0x0], $0xffff  }
0x167: {  	s14 =	sadd.s32 $0x2, s14;
	v8 =	vor.u32 v3, v8;
	[tilespmem:v5+s23+$0x0] =	vst.idx.msk $0xffff, v6  }
0x168: {  	v57 =	vand.u32 $0x7F, v57;
	v58 =	vadd.s32 s4, v58;
	v24 =	vmovc v23;
	v23 =	vmovc v31;
	v31 =	vmov v22;
	v22 =	vld [tilespmem:$0x1FEC0];
	s6 =	sand.u32 $0x2, s14;
	[tilespmem:v12+s23+$0x0] =	vst.idx.msk $0xffff, v59  }
0x169: {  	v19 =	vld [tilespmem:$0x1FE00];
	v10 =	vor.u32 v57, v58;
	s26 =	sshll.u32 s14, $0x2;
	s28 =	sor.u32 $0x1, s6;
	[tilespmem:v63+s23+$0x0] =	vst.idx.msk $0xffff, v60  }
0x16a: {  	s17 =	sand.u32 $0x70, s26;
	s18 =	sshll.u32 s28, $0xB;
	v44 =	vmov v2;
	v2 =	vor.u32 s7, v34;
	v3 =	vor.u32 s8, v14;
	[tilespmem:v7+s23+$0x0] =	vst.idx.msk $0xffff, v9;
	v61 =	vld.idx.msk [tilespmem:v61+s2+$0x0], $0xffff  }
0x16b: {  	s21 =	sshll.u32 s6, $0xB;
	v45 =	vmovc v4;
	s26 =	sor.u32 s17, s18;
	v58 =	vor.u32 s8, v16;
	v4 =	vor.u32 s31, v30;
	v5 =	vor.u32 s0, v27;
	[tilespmem:v43+s23+$0x0] =	vst.idx.msk $0xffff, v11;
	v11 =	vld [tilespmem:$0x1FCA0]  }
0x16c: {  	s29 =	sor.u32 s21, s17;
	s17 =	sshll.u32 s14, $0x8;
	v6 =	vor.u32 s26, v13;
	v7 =	vld.idx.msk [tilespmem:v8+s2+$0x0], $0xffff;
	v8 =	vand.u32 $0x7FFFFF80, v5;
	v5 =	vand.u32 $0x7F, v5  }
0x16d: {  	v29 =	vld [tilespmem:$0x1FE60];
	s18 =	sand.u32 $0xFFFFE000, s17;
	v42 =	vand.u32 $0x7FFFFF80, v6;
	v6 =	vand.u32 $0x7F, v6;
	v8 =	vadd.s32 s19, v8;
	v12 =	vmovc v25  }
0x16e: {  	v9 =	vld.idx.msk [tilespmem:v10+s2+$0x0], $0xffff;
	v5 =	vor.u32 v5, v8;
	v8 =	vadd.s32 s18, v42;
	[tilespmem:$0x1FC90] =	vst v12;
	v12 =	vor.u32 s1, v38  }
0x16f: {  	v59 =	vor.u32 s8, v19;
	s8 =	sor.u32 s18, s29;
	v25 =	vld [tilespmem:$0x1FCB0];
	v6 =	vor.u32 v6, v8;
	v10 =	vand.u32 $0x7FFFFF80, v12  }
0x170: {  	v21 =	vmovc v20;
	v8 =	vor.u32 s8, v20;
	v20 =	vmovc v32;
	v32 =	vld [tilespmem:$0x1FE10];
	v17 =	vand.u32 $0x7F, v12;
	v10 =	vadd.s32 s4, v10  }
0x171: {  	v42 =	vmov v39;
	v39 =	vmov v38;
	v38 =	vld [tilespmem:$0x1FF00];
	v10 =	vor.u32 v17, v10  }
0x172: {  	v26 =	vld [tilespmem:$0x1FEB0]  }
0x173: {  	[tilespmem:v4+s23+$0x0] =	vst.idx.msk $0xffff, v7;
	v11 =	vld.idx.msk [tilespmem:v11+s2+$0x0], $0xffff  }
0x174: {  	[tilespmem:v2+s23+$0x0] =	vst.idx.msk $0xffff, v9  }
0x175: {  	v2 =	vld.idx.msk [tilespmem:v5+s2+$0x0], $0xffff;
	v60 =	vor.u32 s31, v32  }
0x176: {  	v12 =	vmovc v0;
	v0 =	vor.u32 s8, v13;
	v17 =	vmov v13;
	v13 =	vor.u32 s7, v38;
	v9 =	vld.idx.msk [tilespmem:v10+s2+$0x0], $0xffff  }
0x177: {  	s28 =	sshll.u32 s28, $0x4;
	v1 =	vor.u32 s12, v22;
	v57 =	vor.u32 s12, v29;
	s17 =	sand.u32 $0xFFFFFC00, s17;
	[tilespmem:v56+s23+$0x0] =	vst.idx.msk $0xffff, v61  }
0x178: {  	v40 =	vor.u32 s12, v26;
	v35 =	vor.u32 s0, v14;
	v36 =	vor.u32 s0, v19;
	s29 =	sor.u32 s17, s28;
	[tilespmem:v25+s23+$0x0] =	vst.idx.msk $0xffff, v11;
	v25 =	vld [tilespmem:$0x1FCC0]  }
0x179: {  	v41 =	vmovc v37;
	v37 =	vld [tilespmem:$0x1FED0];
	v63 =	vor.u32 s29, v15;
	v4 =	vor.u32 s26, v18;
	v5 =	vand.u32 $0x7FFFFF80, v35  }
0x17a: {  	v7 =	vand.u32 $0x7F, v35;
	v35 =	vand.u32 $0x7FFFFF80, v4;
	v5 =	vadd.s32 s19, v5;
	v6 =	vld.idx.msk [tilespmem:v6+s2+$0x0], $0xffff;
	[tilespmem:v60+s23+$0x0] =	vst.idx.msk $0xffff, v2  }
0x17b: {  	v28 =	vmovc v34;
	s6 =	sshll.u32 s6, $0x4;
	v34 =	vld [tilespmem:$0x1FF10];
	v4 =	vand.u32 $0x7F, v4;
	v5 =	vor.u32 v7, v5;
	[tilespmem:v13+s23+$0x0] =	vst.idx.msk $0xffff, v9;
	v9 =	vand.u32 $0x7FFFFF80, v36  }
0x17c: {  	s12 =	sor.u32 s6, s17;
	v7 =	vadd.s32 s18, v35;
	v13 =	vand.u32 $0x7F, v36;
	v11 =	vmovc v55;
	v9 =	vadd.s32 s19, v9;
	v0 =	vld.idx.msk [tilespmem:v0+s2+$0x0], $0xffff  }
0x17d: {  	v4 =	vor.u32 v4, v7;
	[tilespmem:$0x1FCB0] =	vst v11;
	v11 =	vor.u32 s12, v15;
	v9 =	vor.u32 v13, v9;
	v13 =	vld [tilespmem:$0x1FCD0]  }
0x17e: {  	v14 =	vor.u32 s1, v37;
	[tilespmem:$0x1FCA0] =	vst v12;
	v12 =	vor.u32 s8, v18;
	v56 =	vor.u32 s31, v22;
	v22 =	vmovc v51;
	v7 =	vld.idx.msk [tilespmem:v54+s2+$0x0], $0xffff  }
0x17f: {  	v10 =	vand.u32 $0x7FFFFF80, v14;
	[tilespmem:$0x1FCC0] =	vst v22;
	v22 =	vld [tilespmem:$0x1FEE0]  }
0x180: {  	v14 =	vand.u32 $0x7F, v14;
	v10 =	vadd.s32 s4, v10;
	v54 =	vld.idx.msk [tilespmem:v25+s2+$0x0], $0xffff  }
0x181: {  	v10 =	vor.u32 v14, v10;
	v2 =	vor.u32 s26, v21;
	v5 =	vld.idx.msk [tilespmem:v5+s2+$0x0], $0xffff;
	[tilespmem:v63+s23+$0x0] =	vst.idx.msk $0xffff, v6  }
0x182: {  	[tilespmem:v11+s23+$0x0] =	vst.idx.msk $0xffff, v0;
	v0 =	vld.idx.msk [tilespmem:v4+s2+$0x0], $0xffff;
	v4 =	vand.u32 $0x7FFFFF80, v2  }
0x183: {  	v2 =	vand.u32 $0x7F, v2;
	v11 =	vld.idx.msk [tilespmem:v12+s2+$0x0], $0xffff;
	v4 =	vadd.s32 s18, v4;
	[tilespmem:v53+s23+$0x0] =	vst.idx.msk $0xffff, v7  }
0x184: {  	v2 =	vor.u32 v2, v4;
	v4 =	vld.idx.msk [tilespmem:v52+s2+$0x0], $0xffff  }
0x185: {  	[tilespmem:v13+s23+$0x0] =	vst.idx.msk $0xffff, v54;
	v13 =	vld [tilespmem:$0x1FCE0]  }
0x186: {  	v43 =	vmov v62;
	v62 =	vor.u32 s7, v34;
	v6 =	vld.idx.msk [tilespmem:v10+s2+$0x0], $0xffff;
	_ =	sdelay $0x1  }
0x187: {  	v14 =	vor.u32 s12, v20;
	_ =	sdelay $0x1  }
0x188: {  	v51 =	vor.u32 s29, v20;
	[tilespmem:v56+s23+$0x0] =	vst.idx.msk $0xffff, v5  }
0x189: {  	v19 =	vmovc v18;
	v18 =	vmovc v15;
	v60 =	vor.u32 s8, v33;
	v63 =	vor.u32 s0, v16;
	s0 =	smov.u32 s1;
	v15 =	vor.u32 s1, v22;
	s1 =	smov.u32 s26;
	[tilespmem:v62+s23+$0x0] =	vst.idx.msk $0xffff, v6  }
0x18a: {  	v10 =	vand.u32 $0x7FFFFF80, v15;
	v5 =	vor.u32 s1, v23;
	v6 =	vld.idx.msk [tilespmem:v9+s2+$0x0], $0xffff;
	v9 =	vand.u32 $0x7FFFFF80, v63  }
0x18b: {  	v10 =	vadd.s32 s4, v10;
	v9 =	vadd.s32 s19, v9;
	s19 =	smov.u32 s4;
	s4 =	smov.u32 s18;
	v13 =	vld.idx.msk [tilespmem:v13+s2+$0x0], $0xffff;
	[tilespmem:v14+s23+$0x0] =	vst.idx.msk $0xffff, v11;
	v11 =	vand.u32 $0x7FFFFF80, v5  }
0x18c: {  	v15 =	vand.u32 $0x7F, v15;
	v25 =	vmovc v33;
	v33 =	vld [tilespmem:$0x1FEF0];
	v5 =	vand.u32 $0x7F, v5;
	v11 =	vadd.s32 s4, v11  }
0x18d: {  	v7 =	vor.u32 v15, v10;
	v5 =	vor.u32 v5, v11;
	v11 =	vld [tilespmem:$0x1FCF0];
	_ =	sdelay $0x1  }
0x18e: {  	v16 =	vmov v3  }
0x18f: {  	[tilespmem:$0x1FCE0] =	vst v16;
	v16 =	vld [tilespmem:$0x1FF20]  }
0x190: {  	v35 =	vld [tilespmem:$0x1FF30];
	v36 =	vor.u32 s0, v33;
	[tilespmem:v51+s23+$0x0] =	vst.idx.msk $0xffff, v0  }
0x191: {  	v0 =	vld.idx.msk [tilespmem:v7+s2+$0x0], $0xffff;
	v7 =	vand.u32 $0x7FFFFF80, v36  }
0x192: {  	v56 =	vand.u32 $0x7F, v36;
	v7 =	vadd.s32 s19, v7;
	v8 =	vld.idx.msk [tilespmem:v8+s2+$0x0], $0xffff;
	[tilespmem:v49+s23+$0x0] =	vst.idx.msk $0xffff, v4  }
0x193: {  	v15 =	vor.u32 s31, v29;
	v4 =	vor.u32 v56, v7;
	v7 =	vld.idx.msk [tilespmem:v46+s2+$0x0], $0xffff  }
0x194: {  	v3 =	vmov v50;
	v52 =	vand.u32 $0x7F, v63;
	v50 =	vor.u32 s7, v16;
	[tilespmem:v11+s23+$0x0] =	vst.idx.msk $0xffff, v13;
	v11 =	vld [tilespmem:$0x1FD00]  }
0x195: {  	[tilespmem:$0x1FCD0] =	vst v3;
	v3 =	vor.u32 s29, v31;
	v9 =	vor.u32 v52, v9;
	v2 =	vld.idx.msk [tilespmem:v2+s2+$0x0], $0xffff;
	_ =	sdelay $0x1  }
0x196: {  	v62 =	vld [tilespmem:$0x1FE90]  }
0x197: {  	v55 =	vor.u32 s12, v31;
	v36 =	vld [tilespmem:$0x1FF40];
	[tilespmem:v15+s23+$0x0] =	vst.idx.msk $0xffff, v6  }
0x198: {  	[tilespmem:v50+s23+$0x0] =	vst.idx.msk $0xffff, v0;
	v13 =	vmov v1;
	v1 =	vmov v59;
	v59 =	vld [tilespmem:$0x1FEA0]  }
0x199: {  	v61 =	vor.u32 s8, v35;
	v10 =	vor.u32 s8, v23;
	v12 =	vor.u32 s12, v24;
	v9 =	vld.idx.msk [tilespmem:v9+s2+$0x0], $0xffff;
	[tilespmem:v3+s23+$0x0] =	vst.idx.msk $0xffff, v2  }
0x19a: {  	v53 =	vor.u32 s12, v38;
	v29 =	vmovc v39;
	v54 =	vor.u32 s8, v39;
	v39 =	vmovc v57;
	v57 =	vor.u32 s1, v35;
	v14 =	vld.idx.msk [tilespmem:v4+s2+$0x0], $0xffff  }
0x19b: {  	v52 =	vor.u32 s8, v37;
	v37 =	vmovc v58;
	v51 =	vor.u32 s8, v27;
	v58 =	vand.u32 $0x7FFFFF80, v57;
	[tilespmem:$0x1FCF0] =	vst v13;
	v11 =	vld.idx.msk [tilespmem:v11+s2+$0x0], $0xffff  }
0x19c: {  	v63 =	vor.u32 s12, v36;
	v56 =	vor.u32 s12, v28;
	v13 =	vor.u32 s31, v26;
	[tilespmem:v55+s23+$0x0] =	vst.idx.msk $0xffff, v8;
	v8 =	vld.idx.msk [tilespmem:v5+s2+$0x0], $0xffff  }
0x19d: {  	v49 =	vor.u32 s12, v34;
	v0 =	vor.u32 s0, v62;
	v6 =	vor.u32 s7, v59;
	v5 =	vld [tilespmem:$0x1FE40]  }
0x19e: {  	v2 =	vand.u32 $0x7FFFFF80, v0;
	v0 =	vand.u32 $0x7F, v0;
	[tilespmem:$0x1FD00] =	vst v1;
	s31 =	smov.u32 s7;
	v1 =	vor.u32 s1, v25;
	s7 =	smov.u32 s29;
	v10 =	vld.idx.msk [tilespmem:v10+s2+$0x0], $0xffff  }
0x19f: {  	v2 =	vadd.s32 s19, v2;
	v4 =	vand.u32 $0x7FFFFF80, v1;
	v3 =	vor.u32 s7, v24;
	[tilespmem:v48+s23+$0x0] =	vst.idx.msk $0xffff, v7;
	v7 =	vld [tilespmem:$0x1FE50]  }
0x1a0: {  	v38 =	vmovc v29;
	v34 =	vmovc v28;
	v15 =	vor.u32 v0, v2;
	v1 =	vand.u32 $0x7F, v1;
	v4 =	vadd.s32 s4, v4  }
0x1a1: {  	p2 =	slt.u32 s14, $0x3E;
	v46 =	vor.u32 s8, v22;
	v22 =	vmovc v31;
	[tilespmem:v13+s23+$0x0] =	vst.idx.msk $0xffff, v9;
	v48 =	vor.u32 s12, v16;
	v16 =	vor.u32 v1, v4  }
.Ltmp0:
0x1a2: {  	v50 =	vor.u32 s12, v32;
	v32 =	vmovc v20;
	v20 =	vmovc v21;
	v2 =	vor.u32 s8, v62;
	v55 =	vor.u32 s12, v30;
	[tilespmem:v6+s23+$0x0] =	vst.idx.msk $0xffff, v14;
	(pc) =	sbr.rel @p2 .LBB2_3-.Ltmp0, $4  }
0x1a3: {  	v31 =	vmovc v23;
	v4 =	vor.u32 s12, v59;
	v1 =	vld.idx.msk [tilespmem:v47+s2+$0x0], $0xffff;
	v47 =	vor.u32 s8, v33;
	[tilespmem:v42+s23+$0x0] =	vst.idx.msk $0xffff, v11;
	v62 =	vor.u32 s12, v5  }
0x1a4: {  	v23 =	vmovc v24;
	v13 =	vmov v17;
	v5 =	vor.u32 s31, v5;
	[tilespmem:v3+s23+$0x0] =	vst.idx.msk $0xffff, v8;
	v59 =	vld.idx.msk [tilespmem:v41+s2+$0x0], $0xffff;
	v11 =	vor.u32 s0, v7  }
0x1a5: {  	v33 =	vmovc v25;
	v25 =	vmovc v40;
	v0 =	vor.u32 s8, v7;
	v7 =	vor.u32 s7, v36;
	v6 =	vld.idx.msk [tilespmem:v15+s2+$0x0], $0xffff;
	v8 =	vand.u32 $0x7FFFFF80, v11  }
0x1a6: {  	v15 =	vmovc v18;
	v18 =	vmov v19;
	[tilespmem:v12+s23+$0x0] =	vst.idx.msk $0xffff, v10;
	v9 =	vld.idx.msk [tilespmem:v16+s2+$0x0], $0xffff;
	v3 =	vand.u32 $0x7F, v11;
	v8 =	vadd.s32 s19, v8  }
0x1a7: {  	v10 =	vand.u32 $0x7F, v57;
	v11 =	vadd.s32 s4, v58  }
0x1a8: {  	v10 =	vor.u32 v10, v11;
	_ =	sdelay $0x3  }
0x1a9: {  	v12 =	vld.idx.msk [tilespmem:v60+s2+$0x0], $0xffff;
	[tilespmem:v7+s23+$0x0] =	vst.idx.msk $0xffff, v9  }
0x1aa: {  	v9 =	vor.u32 s7, v34;
	v10 =	vld.idx.msk [tilespmem:v10+s2+$0x0], $0xffff;
	_ =	sdelay $0x2  }
0x1ab: {  	v11 =	vor.u32 s1, v38  }
0x1ac: {  	v7 =	vand.u32 $0x7FFFFF80, v11;
	[tilespmem:v63+s23+$0x0] =	vst.idx.msk $0xffff, v12  }
0x1ad: {  	v11 =	vand.u32 $0x7F, v11;
	v7 =	vadd.s32 s4, v7;
	v16 =	vld [tilespmem:$0x1FED0];
	[tilespmem:v9+s23+$0x0] =	vst.idx.msk $0xffff, v10  }
0x1ae: {  	v7 =	vor.u32 v11, v7;
	v58 =	vld [tilespmem:$0x1FF00];
	_ =	sdelay $0x3  }
0x1af: {  	v12 =	vld.idx.msk [tilespmem:v61+s2+$0x0], $0xffff  }
0x1b0: {  	v7 =	vld.idx.msk [tilespmem:v7+s2+$0x0], $0xffff;
	v10 =	vor.u32 s7, v58;
	_ =	sdelay $0x2  }
0x1b1: {  	v11 =	vor.u32 s1, v16  }
0x1b2: {  	v9 =	vand.u32 $0x7FFFFF80, v11;
	[tilespmem:v56+s23+$0x0] =	vst.idx.msk $0xffff, v12  }
0x1b3: {  	v11 =	vand.u32 $0x7F, v11;
	v9 =	vadd.s32 s4, v9;
	v60 =	vld [tilespmem:$0x1FEE0];
	[tilespmem:v10+s23+$0x0] =	vst.idx.msk $0xffff, v7  }
0x1b4: {  	v9 =	vor.u32 v11, v9;
	v56 =	vld [tilespmem:$0x1FF10];
	_ =	sdelay $0x3  }
0x1b5: {  	v11 =	vld.idx.msk [tilespmem:v54+s2+$0x0], $0xffff  }
0x1b6: {  	v9 =	vld.idx.msk [tilespmem:v9+s2+$0x0], $0xffff;
	v10 =	vor.u32 s7, v56;
	_ =	sdelay $0x2  }
0x1b7: {  	v36 =	vor.u32 s1, v60  }
0x1b8: {  	v7 =	vand.u32 $0x7FFFFF80, v36;
	[tilespmem:v53+s23+$0x0] =	vst.idx.msk $0xffff, v11  }
0x1b9: {  	v12 =	vand.u32 $0x7F, v36;
	v7 =	vadd.s32 s4, v7;
	v41 =	vld [tilespmem:$0x1FEF0];
	[tilespmem:v10+s23+$0x0] =	vst.idx.msk $0xffff, v9  }
0x1ba: {  	v7 =	vor.u32 v12, v7;
	v28 =	vld [tilespmem:$0x1FF20];
	_ =	sdelay $0x2  }
0x1bb: {  	v11 =	vld.idx.msk [tilespmem:v52+s2+$0x0], $0xffff;
	_ =	sdelay $0x1  }
0x1bc: {  	v7 =	vld.idx.msk [tilespmem:v7+s2+$0x0], $0xffff;
	v10 =	vor.u32 s7, v28;
	_ =	sdelay $0x2  }
0x1bd: {  	v40 =	vor.u32 s1, v41;
	[tilespmem:v49+s23+$0x0] =	vst.idx.msk $0xffff, v11  }
0x1be: {  	v9 =	vand.u32 $0x7FFFFF80, v40;
	v11 =	vld.idx.msk [tilespmem:v46+s2+$0x0], $0xffff  }
0x1bf: {  	v12 =	vand.u32 $0x7F, v40;
	v9 =	vadd.s32 s4, v9;
	v52 =	vld [tilespmem:$0x1FE90];
	[tilespmem:v10+s23+$0x0] =	vst.idx.msk $0xffff, v7  }
0x1c0: {  	v9 =	vor.u32 v12, v9;
	v57 =	vld [tilespmem:$0x1FEA0];
	_ =	sdelay $0x4  }
0x1c1: {  	v9 =	vld.idx.msk [tilespmem:v9+s2+$0x0], $0xffff;
	[tilespmem:v48+s23+$0x0] =	vst.idx.msk $0xffff, v11;
	v10 =	vor.u32 s7, v57  }
0x1c2: {  	v11 =	vld.idx.msk [tilespmem:v47+s2+$0x0], $0xffff;
	_ =	sdelay $0x2  }
0x1c3: {  	v42 =	vor.u32 s1, v52;
	[tilespmem:v45+s23+$0x0] =	vst.idx.msk $0xffff, v1  }
0x1c4: {  	v7 =	vand.u32 $0x7FFFFF80, v42;
	v45 =	vld [tilespmem:$0x1FE50];
	[tilespmem:v10+s23+$0x0] =	vst.idx.msk $0xffff, v9  }
0x1c5: {  	v12 =	vand.u32 $0x7F, v42;
	v7 =	vadd.s32 s4, v7;
	v42 =	vld [tilespmem:$0x1FE40];
	[tilespmem:v4+s23+$0x0] =	vst.idx.msk $0xffff, v11  }
0x1c6: {  	v7 =	vor.u32 v12, v7;
	v35 =	vld [tilespmem:$0x1FE80]  }
0x1c7: {  	v3 =	vor.u32 v3, v8;
	v8 =	vld.idx.msk [tilespmem:v44+s2+$0x0], $0xffff  }
0x1c8: {  	v53 =	vld [tilespmem:$0x1FE30]  }
0x1c9: {  	v1 =	vor.u32 s1, v45  }
0x1ca: {  	v9 =	vand.u32 $0x7FFFFF80, v1;
	v1 =	vand.u32 $0x7F, v1;
	v2 =	vld.idx.msk [tilespmem:v2+s2+$0x0], $0xffff  }
0x1cb: {  	v7 =	vld.idx.msk [tilespmem:v7+s2+$0x0], $0xffff;
	v9 =	vadd.s32 s4, v9;
	v10 =	vor.u32 s7, v42;
	v4 =	vor.u32 s0, v35  }
0x1cc: {  	v1 =	vor.u32 v1, v9;
	[tilespmem:v5+s23+$0x0] =	vst.idx.msk $0xffff, v6;
	v5 =	vand.u32 $0x7FFFFF80, v4  }
0x1cd: {  	[tilespmem:v43+s23+$0x0] =	vst.idx.msk $0xffff, v8;
	v3 =	vld.idx.msk [tilespmem:v3+s2+$0x0], $0xffff;
	v9 =	vor.u32 s31, v53;
	v4 =	vand.u32 $0x7F, v4;
	v5 =	vadd.s32 s19, v5  }
0x1ce: {  	v4 =	vor.u32 v4, v5;
	v5 =	vld [tilespmem:$0x1FCA0]  }
0x1cf: {  	[tilespmem:v62+s23+$0x0] =	vst.idx.msk $0xffff, v2  }
0x1d0: {  	[tilespmem:v10+s23+$0x0] =	vst.idx.msk $0xffff, v7  }
0x1d1: {  	v63 =	vld [tilespmem:$0x1FE20]  }
0x1d2: {  	v54 =	vld [tilespmem:$0x1FE10];
	[tilespmem:v9+s23+$0x0] =	vst.idx.msk $0xffff, v3  }
0x1d3: {  	v9 =	vld [tilespmem:$0x1FCB0];
	_ =	sdelay $0x2  }
0x1d4: {  	v6 =	vor.u32 s1, v35;
	v5 =	vld.idx.msk [tilespmem:v5+s2+$0x0], $0xffff  }
0x1d5: {  	v8 =	vor.u32 s7, v53;
	v7 =	vand.u32 $0x7FFFFF80, v6;
	v1 =	vld.idx.msk [tilespmem:v1+s2+$0x0], $0xffff  }
0x1d6: {  	v6 =	vand.u32 $0x7F, v6;
	v0 =	vld.idx.msk [tilespmem:v0+s2+$0x0], $0xffff;
	v7 =	vadd.s32 s4, v7  }
0x1d7: {  	v2 =	vor.u32 v6, v7;
	v6 =	vor.u32 s0, v63  }
0x1d8: {  	v3 =	vand.u32 $0x7FFFFF80, v6  }
0x1d9: {  	v6 =	vand.u32 $0x7F, v6;
	v3 =	vadd.s32 s19, v3;
	[tilespmem:v9+s23+$0x0] =	vst.idx.msk $0xffff, v5  }
0x1da: {  	v3 =	vor.u32 v6, v3;
	v6 =	vld [tilespmem:$0x1FCC0];
	[tilespmem:v8+s23+$0x0] =	vst.idx.msk $0xffff, v1  }
0x1db: {  	v4 =	vld.idx.msk [tilespmem:v4+s2+$0x0], $0xffff;
	[tilespmem:v55+s23+$0x0] =	vst.idx.msk $0xffff, v0  }
0x1dc: {  	v7 =	vor.u32 s31, v54;
	v46 =	vld [tilespmem:$0x1FE00];
	_ =	sdelay $0x4  }
0x1dd: {  	v27 =	vld [tilespmem:$0x1FEC0];
	[tilespmem:v7+s23+$0x0] =	vst.idx.msk $0xffff, v4;
	v9 =	vor.u32 s0, v46  }
0x1de: {  	v4 =	vand.u32 $0x7FFFFF80, v9;
	v7 =	vand.u32 $0x7F, v9;
	v9 =	vld [tilespmem:$0x1FCD0];
	_ =	sdelay $0x2  }
0x1df: {  	v5 =	vor.u32 s1, v63;
	v6 =	vld.idx.msk [tilespmem:v6+s2+$0x0], $0xffff  }
0x1e0: {  	v1 =	vand.u32 $0x7FFFFF80, v5  }
0x1e1: {  	v8 =	vor.u32 s7, v54;
	v5 =	vand.u32 $0x7F, v5;
	v2 =	vld.idx.msk [tilespmem:v2+s2+$0x0], $0xffff;
	v1 =	vadd.s32 s4, v1  }
0x1e2: {  	v0 =	vor.u32 v5, v1;
	v1 =	vld.idx.msk [tilespmem:v51+s2+$0x0], $0xffff;
	_ =	sdelay $0x1  }
0x1e3: {  	v3 =	vld.idx.msk [tilespmem:v3+s2+$0x0], $0xffff;
	v10 =	vor.u32 s31, v27;
	v4 =	vadd.s32 s19, v4;
	[tilespmem:v9+s23+$0x0] =	vst.idx.msk $0xffff, v6  }
0x1e4: {  	v4 =	vor.u32 v7, v4;
	v7 =	vld [tilespmem:$0x1FCE0]  }
0x1e5: {  	[tilespmem:v8+s23+$0x0] =	vst.idx.msk $0xffff, v2  }
0x1e6: {  	[tilespmem:v50+s23+$0x0] =	vst.idx.msk $0xffff, v1  }
0x1e7: {  	v47 =	vld [tilespmem:$0x1FE70]  }
0x1e8: {  	v29 =	vld [tilespmem:$0x1FE60];
	[tilespmem:v10+s23+$0x0] =	vst.idx.msk $0xffff, v3  }
0x1e9: {  	v10 =	vld [tilespmem:$0x1FCF0];
	_ =	sdelay $0x2  }
0x1ea: {  	v5 =	vor.u32 s8, v63;
	v7 =	vld.idx.msk [tilespmem:v7+s2+$0x0], $0xffff;
	_ =	sdelay $0x1  }
0x1eb: {  	v6 =	vor.u32 s1, v46  }
0x1ec: {  	v2 =	vand.u32 $0x7FFFFF80, v6;
	v9 =	vor.u32 s0, v47  }
0x1ed: {  	v8 =	vor.u32 s7, v27;
	v6 =	vand.u32 $0x7F, v6;
	v0 =	vld.idx.msk [tilespmem:v0+s2+$0x0], $0xffff;
	v3 =	vand.u32 $0x7FFFFF80, v9  }
0x1ee: {  	v2 =	vadd.s32 s4, v2;
	v5 =	vld.idx.msk [tilespmem:v5+s2+$0x0], $0xffff;
	v9 =	vand.u32 $0x7F, v9;
	v3 =	vadd.s32 s19, v3;
	[tilespmem:v10+s23+$0x0] =	vst.idx.msk $0xffff, v7  }
0x1ef: {  	v1 =	vor.u32 s12, v27;
	v2 =	vor.u32 v6, v2;
	v3 =	vor.u32 v9, v3;
	v9 =	vld [tilespmem:$0x1FD00]  }
0x1f0: {  	v6 =	vor.u32 s8, v46;
	v4 =	vld.idx.msk [tilespmem:v4+s2+$0x0], $0xffff;
	v11 =	vor.u32 s31, v29;
	_ =	sdelay $0x2  }
0x1f1: {  	v7 =	vor.u32 s1, v47;
	[tilespmem:v8+s23+$0x0] =	vst.idx.msk $0xffff, v0  }
0x1f2: {  	v0 =	vand.u32 $0x7FFFFF80, v7;
	[tilespmem:v1+s23+$0x0] =	vst.idx.msk $0xffff, v5;
	v2 =	vld.idx.msk [tilespmem:v2+s2+$0x0], $0xffff  }
0x1f3: {  	v8 =	vor.u32 s7, v29;
	v7 =	vand.u32 $0x7F, v7;
	[tilespmem:v11+s23+$0x0] =	vst.idx.msk $0xffff, v4;
	v0 =	vadd.s32 s4, v0;
	v5 =	vld.idx.msk [tilespmem:v6+s2+$0x0], $0xffff  }
0x1f4: {  	v1 =	vor.u32 s12, v29;
	v51 =	vld [tilespmem:$0x1FEB0];
	v0 =	vor.u32 v7, v0  }
0x1f5: {  	v6 =	vor.u32 s8, v47;
	v9 =	vld.idx.msk [tilespmem:v9+s2+$0x0], $0xffff;
	_ =	sdelay $0x2  }
0x1f6: {  	v3 =	vld.idx.msk [tilespmem:v3+s2+$0x0], $0xffff;
	[tilespmem:v8+s23+$0x0] =	vst.idx.msk $0xffff, v2  }
0x1f7: {  	[tilespmem:v1+s23+$0x0] =	vst.idx.msk $0xffff, v5;
	v0 =	vld.idx.msk [tilespmem:v0+s2+$0x0], $0xffff  }
0x1f8: {  	v4 =	vor.u32 s31, v51;
	v5 =	vld.idx.msk [tilespmem:v6+s2+$0x0], $0xffff;
	[tilespmem:v39+s23+$0x0] =	vst.idx.msk $0xffff, v9  }
0x1f9: {  	v2 =	vor.u32 s7, v51;
	v6 =	vld [tilespmem:$0x1FC90]  }
0x1fa: {  	v1 =	vor.u32 s12, v51  }
0x1fb: {  	v7 =	vld.idx.msk [tilespmem:v37+s2+$0x0], $0xffff;
	_ =	sdelay $0x1  }
0x1fc: {  	[tilespmem:v4+s23+$0x0] =	vst.idx.msk $0xffff, v3  }
0x1fd: {  	[tilespmem:v2+s23+$0x0] =	vst.idx.msk $0xffff, v0  }
0x1fe: {  	[tilespmem:v1+s23+$0x0] =	vst.idx.msk $0xffff, v5  }
0x1ff: {  	p2 =	seq.s32 s30, $0x3C;
	s0 =	sshll.u32 s16, $0xB;
	[tilespmem:v25+s23+$0x0] =	vst.idx.msk $0xffff, v7  }
0x200: {  	s6 =	simm.s32 @!p2 $0x7A1400;
	s17 =	sadd.s32 s5, s0;
	s31 =	sshll.u32 @!p2 s16, $0x8;
	[tilespmem:v6+s23+$0x0] =	vst.idx.msk $0xffff, v59  }
0x201: {  	[hbm4b:s17+s2] =	stream.linear.scatter [tilespmem:s23], [sflag:$0x3], $0x4000, $0x38;
	[tilespmem:$0x10000] =	vst v63  }
0x202: {  	s4 =	simm.s32 @!p2 $0x400;
	s7 =	simm.s32 @!p2 $0x0;
	s1 =	sadd.s32 @!p2 s31, s9  }
0x203: {  	[tilespmem:s7], [sflag:$0x1] =	stream.strided.gather @!p2 [hbm4b:s1+s4], $0x2000, s6, s4, $0x38;
	[tilespmem:$0x10000] =	vst v63  }
0x204: {  	s18 =	simm.s32 $0x0;
	s1 =	sadd.s32 @!p2 s31, s10;
	s7 =	simm.s32 @!p2 $0x2000  }
0x205: {  	[tilespmem:s7], [sflag:$0x1] =	stream.strided.gather @!p2 [hbm4b:s1+s4], $0x2000, s6, s4, $0x38;
	[tilespmem:$0x10000] =	vst v63  }
0x206: {  	s1 =	sand.u32 $0x2, s18  }
0x207: {  	s19 =	simm.s32 $0x0;
	s21 =	sor.u32 $0x1, s1  }
0x208: {  	s4 =	sand.u32 $0x70, s19;
	s28 =	sshll.u32 s21, $0xB  }
0x209: {  	_ =	swait.ge [sflag:s24], $0x2000;
	s28 =	sor.u32 s4, s28  }
0x20a: {  	s29 =	simm.s32 $0x0;
	[sflag:s24] =	ssyncset.done $0x0;
	v0 =	vor.u32 s28, v13  }
0x20b: {  	s26 =	sand.u32 $0xFFFFE000, s29;
	[sflag:s24] =	ssyncadd.s32 $0xFFFFE000;
	v1 =	vand.u32 $0x7FFFFF80, v0  }
0x20c: {  	_ =	swait.ge [sflag:s24], $0x2000;
	v0 =	vand.u32 $0x7F, v0;
	v1 =	vadd.s32 s26, v1  }
0x20d: {  	[sflag:s24] =	ssyncset.done $0x0;
	v0 =	vor.u32 v0, v1  }
0x20e: {  	s8 =	simm.s32 @!p1 $0x4;
	s14 =	sshll.u32 s1, $0xB;
	[sflag:s24] =	ssyncadd.s32 $0xFFFFE000  }
0x20f: {  	s7 =	sand.u32 $0xFFFFFC00, s29;
	s4 =	sor.u32 s14, s4;
	_ =	swait.ge @!p1 [sflag:s8], $0x4000  }
0x210: {  	s6 =	sshll.u32 s21, $0x4;
	s4 =	sor.u32 s26, s4;
	v1 =	vor.u32 s28, v18;
	[sflag:s8] =	ssyncset.done @!p1 $0x0  }
0x211: {  	s6 =	sor.u32 s7, s6;
	v2 =	vor.u32 s4, v13;
	v3 =	vand.u32 $0x7FFFFF80, v1;
	[sflag:s8] =	ssyncadd.s32 @!p1 $0xFFFFC000  }
0x212: {  	v4 =	vor.u32 s6, v15;
	v1 =	vand.u32 $0x7F, v1;
	v3 =	vadd.s32 s26, v3;
	v0 =	vld.idx.msk [tilespmem:v0+s20+$0x0], $0xffff  }
0x213: {  	v1 =	vor.u32 v1, v3  }
0x214: {  	s1 =	sshll.u32 s1, $0x4  }
0x215: {  	s7 =	sor.u32 s1, s7  }
0x216: {  	v6 =	vor.u32 s7, v15;
	v3 =	vor.u32 s28, v20;
	v2 =	vld.idx.msk [tilespmem:v2+s20+$0x0], $0xffff  }
0x217: {  	v5 =	vor.u32 s4, v18;
	[tilespmem:v4+s25+$0x0] =	vst.idx.msk $0xffff, v0;
	v0 =	vand.u32 $0x7FFFFF80, v3  }
0x218: {  	v4 =	vor.u32 s6, v32;
	v3 =	vand.u32 $0x7F, v3;
	v1 =	vld.idx.msk [tilespmem:v1+s20+$0x0], $0xffff;
	v0 =	vadd.s32 s26, v0  }
0x219: {  	v0 =	vor.u32 v3, v0;
	_ =	sdelay $0x1  }
0x21a: {  	[tilespmem:v6+s25+$0x0] =	vst.idx.msk $0xffff, v2  }
0x21b: {  	v2 =	vor.u32 s28, v31;
	v6 =	vor.u32 s7, v32;
	v5 =	vld.idx.msk [tilespmem:v5+s20+$0x0], $0xffff  }
0x21c: {  	v3 =	vor.u32 s4, v20;
	[tilespmem:v4+s25+$0x0] =	vst.idx.msk $0xffff, v1;
	v1 =	vand.u32 $0x7FFFFF80, v2  }
0x21d: {  	v4 =	vor.u32 s6, v22;
	v2 =	vand.u32 $0x7F, v2;
	v0 =	vld.idx.msk [tilespmem:v0+s20+$0x0], $0xffff;
	v1 =	vadd.s32 s26, v1  }
0x21e: {  	v1 =	vor.u32 v2, v1;
	_ =	sdelay $0x1  }
0x21f: {  	[tilespmem:v6+s25+$0x0] =	vst.idx.msk $0xffff, v5  }
0x220: {  	v7 =	vor.u32 s7, v22;
	v3 =	vld.idx.msk [tilespmem:v3+s20+$0x0], $0xffff;
	v2 =	vor.u32 s28, v33  }
0x221: {  	v5 =	vor.u32 s4, v31;
	[tilespmem:v4+s25+$0x0] =	vst.idx.msk $0xffff, v0;
	v0 =	vand.u32 $0x7FFFFF80, v2  }
0x222: {  	v8 =	vor.u32 s6, v23;
	v9 =	vld.idx.msk [tilespmem:v1+s20+$0x0], $0xffff;
	v1 =	vand.u32 $0x7F, v2;
	v0 =	vadd.s32 s26, v0  }
0x223: {  	v19 =	vld [tilespmem:$0x1FF30];
	v0 =	vor.u32 v1, v0;
	_ =	sdelay $0x1  }
0x224: {  	v24 =	vld [tilespmem:$0x1FF40];
	[tilespmem:v7+s25+$0x0] =	vst.idx.msk $0xffff, v3;
	v1 =	vor.u32 s7, v57  }
0x225: {  	v5 =	vld.idx.msk [tilespmem:v5+s20+$0x0], $0xffff;
	[tilespmem:$0x1FB90] =	vst v1  }
0x226: {  	v1 =	vor.u32 s7, v42;
	[tilespmem:v8+s25+$0x0] =	vst.idx.msk $0xffff, v9  }
0x227: {  	v3 =	vor.u32 s28, v19;
	v0 =	vld.idx.msk [tilespmem:v0+s20+$0x0], $0xffff;
	[tilespmem:$0x1FBA0] =	vst v1;
	v1 =	vor.u32 s4, v45  }
0x228: {  	v6 =	vor.u32 s7, v23;
	v7 =	vand.u32 $0x7FFFFF80, v3;
	[tilespmem:$0x1FBB0] =	vst v1;
	v1 =	vor.u32 s7, v53  }
0x229: {  	v3 =	vand.u32 $0x7F, v3;
	v7 =	vadd.s32 s26, v7;
	[tilespmem:$0x1FBC0] =	vst v1;
	v1 =	vor.u32 s4, v35  }
0x22a: {  	v3 =	vor.u32 v3, v7;
	v7 =	vor.u32 s7, v54;
	[tilespmem:$0x1FBD0] =	vst v1  }
0x22b: {  	s16 =	simm.s32 $0x2;
	[tilespmem:$0x1FBF0] =	vst v7;
	v7 =	vor.u32 s4, v63  }
0x22c: {  	v10 =	vor.u32 s4, v33;
	s8 =	sand.u32 $0x2, s16;
	v8 =	vor.u32 s6, v24;
	[tilespmem:$0x1FC00] =	vst v7;
	v7 =	vor.u32 s7, v27  }
0x22d: {  	s17 =	simm.s32 $0x8;
	s12 =	sor.u32 $0x1, s8;
	[tilespmem:$0x1FC30] =	vst v7  }
0x22e: {  	s14 =	sand.u32 $0x70, s17;
	s18 =	sshll.u32 s12, $0xB;
	[tilespmem:v6+s25+$0x0] =	vst.idx.msk $0xffff, v5;
	v5 =	vor.u32 s4, v46  }
0x22f: {  	v48 =	vmovc v13;
	v44 =	vor.u32 s7, v34;
	s21 =	sor.u32 s14, s18;
	v11 =	vor.u32 s7, v24;
	[tilespmem:$0x1FC40] =	vst v5;
	v5 =	vor.u32 s7, v29  }
0x230: {  	v21 =	vmovc v34;
	v43 =	vor.u32 s4, v19;
	v9 =	vor.u32 s21, v48;
	[tilespmem:$0x1FC70] =	vst v5;
	v5 =	vor.u32 s28, v38  }
0x231: {  	s19 =	simm.s32 $0x200;
	v7 =	vor.u32 s6, v21;
	v6 =	vld.idx.msk [tilespmem:v10+s20+$0x0], $0xffff;
	[tilespmem:v8+s25+$0x0] =	vst.idx.msk $0xffff, v0;
	v0 =	vand.u32 $0x7FFFFF80, v5;
	v5 =	vand.u32 $0x7F, v5  }
0x232: {  	s1 =	sand.u32 $0xFFFFE000, s19;
	s17 =	sshll.u32 s8, $0xB;
	v8 =	vand.u32 $0x7FFFFF80, v9;
	v9 =	vand.u32 $0x7F, v9;
	v3 =	vld.idx.msk [tilespmem:v3+s20+$0x0], $0xffff;
	v0 =	vadd.s32 s26, v0  }
0x233: {  	s14 =	sor.u32 s17, s14;
	v8 =	vadd.s32 s1, v8;
	v0 =	vor.u32 v5, v0;
	v5 =	vor.u32 s4, v47  }
0x234: {  	v49 =	vmovc v15;
	v15 =	vor.u32 s7, v58;
	v34 =	vor.u32 s7, v28;
	s29 =	sor.u32 s1, s14;
	[tilespmem:$0x1FC80] =	vst v5;
	v5 =	vor.u32 v9, v8  }
0x235: {  	v50 =	vmovc v16;
	v14 =	vor.u32 s4, v38;
	v36 =	vor.u32 s21, v18;
	v8 =	vor.u32 s29, v48  }
0x236: {  	v26 =	vmovc v33;
	v61 =	vand.u32 $0x7FFFFF80, v36;
	v36 =	vand.u32 $0x7F, v36;
	v33 =	vmovc v45;
	v45 =	vor.u32 s28, v50;
	[tilespmem:v11+s25+$0x0] =	vst.idx.msk $0xffff, v6  }
0x237: {  	v17 =	vmovc v32;
	s12 =	sshll.u32 s12, $0x4;
	s17 =	sand.u32 $0xFFFFFC00, s19;
	v32 =	vor.u32 s7, v51;
	v4 =	vor.u32 s7, v56;
	v12 =	vld.idx.msk [tilespmem:v43+s20+$0x0], $0xffff;
	[tilespmem:v7+s25+$0x0] =	vst.idx.msk $0xffff, v3;
	v3 =	vand.u32 $0x7FFFFF80, v45  }
0x238: {  	s8 =	sshll.u32 s8, $0x4;
	s19 =	sor.u32 s17, s12;
	v11 =	vor.u32 s6, v58;
	v7 =	vand.u32 $0x7F, v45;
	v0 =	vld.idx.msk [tilespmem:v0+s20+$0x0], $0xffff;
	v3 =	vadd.s32 s26, v3  }
0x239: {  	v1 =	vmovc v35;
	v35 =	vadd.s32 s1, v61;
	s7 =	sor.u32 s8, s17;
	v6 =	vor.u32 s19, v49;
	v5 =	vld.idx.msk [tilespmem:v5+s20+$0x0], $0xffff;
	v3 =	vor.u32 v7, v3  }
0x23a: {  	v35 =	vor.u32 v36, v35;
	v7 =	vor.u32 s7, v49;
	v8 =	vld.idx.msk [tilespmem:v8+s20+$0x0], $0xffff  }
0x23b: {  	v9 =	vor.u32 s29, v18  }
0x23c: {  	[tilespmem:v44+s25+$0x0] =	vst.idx.msk $0xffff, v12  }
0x23d: {  	v40 =	vor.u32 s28, v60;
	v14 =	vld.idx.msk [tilespmem:v14+s20+$0x0], $0xffff;
	[tilespmem:v11+s25+$0x0] =	vst.idx.msk $0xffff, v0  }
0x23e: {  	v39 =	vor.u32 s6, v56;
	v16 =	vor.u32 s4, v16;
	v30 =	vand.u32 $0x7FFFFF80, v40;
	[tilespmem:v6+s25+$0x0] =	vst.idx.msk $0xffff, v5;
	v3 =	vld.idx.msk [tilespmem:v3+s20+$0x0], $0xffff  }
0x23f: {  	v25 =	vmovc v38;
	v40 =	vand.u32 $0x7F, v40;
	v62 =	vor.u32 s21, v20;
	v38 =	vor.u32 s19, v17;
	[tilespmem:v7+s25+$0x0] =	vst.idx.msk $0xffff, v8;
	v5 =	vld.idx.msk [tilespmem:v35+s20+$0x0], $0xffff  }
0x240: {  	v37 =	vor.u32 s7, v17;
	v0 =	vand.u32 $0x7FFFFF80, v62;
	v11 =	vadd.s32 s26, v30;
	v9 =	vld.idx.msk [tilespmem:v9+s20+$0x0], $0xffff  }
0x241: {  	v12 =	vand.u32 $0x7F, v62;
	v0 =	vadd.s32 s1, v0;
	v6 =	vor.u32 v40, v11  }
0x242: {  	v0 =	vor.u32 v12, v0;
	[tilespmem:v15+s25+$0x0] =	vst.idx.msk $0xffff, v14  }
0x243: {  	[tilespmem:v39+s25+$0x0] =	vst.idx.msk $0xffff, v3  }
0x244: {  	v55 =	vor.u32 s4, v41;
	v13 =	vor.u32 s6, v28;
	[tilespmem:v38+s25+$0x0] =	vst.idx.msk $0xffff, v5  }
0x245: {  	v10 =	vor.u32 s29, v20;
	v44 =	vor.u32 s28, v41;
	v16 =	vld.idx.msk [tilespmem:v16+s20+$0x0], $0xffff;
	[tilespmem:v37+s25+$0x0] =	vst.idx.msk $0xffff, v9;
	v9 =	vor.u32 s29, v50  }
0x246: {  	v2 =	vor.u32 s4, v60;
	v45 =	vor.u32 s21, v31;
	v30 =	vmovc v28;
	v28 =	vmovc v41;
	v41 =	vand.u32 $0x7FFFFF80, v44;
	v6 =	vld.idx.msk [tilespmem:v6+s20+$0x0], $0xffff;
	[tilespmem:$0x1FBE0] =	vst v9  }
0x247: {  	v61 =	vand.u32 $0x7FFFFF80, v45;
	v62 =	vadd.s32 s26, v41;
	v9 =	vld.idx.msk [tilespmem:v0+s20+$0x0], $0xffff;
	v0 =	vor.u32 s7, v56  }
0x248: {  	v40 =	vand.u32 $0x7F, v45;
	v35 =	vand.u32 $0x7F, v44;
	[tilespmem:$0x1FC10] =	vst v0;
	v0 =	vor.u32 s29, v60  }
0x249: {  	v12 =	vor.u32 s19, v22;
	v14 =	vor.u32 v35, v62;
	v3 =	vadd.s32 s1, v61;
	[tilespmem:$0x1FC20] =	vst v0  }
0x24a: {  	v36 =	vor.u32 s7, v22;
	v35 =	vor.u32 v40, v3;
	v10 =	vld.idx.msk [tilespmem:v10+s20+$0x0], $0xffff;
	[tilespmem:v4+s25+$0x0] =	vst.idx.msk $0xffff, v16  }
0x24b: {  	v11 =	vor.u32 s29, v31;
	v0 =	vor.u32 s7, v30;
	[tilespmem:v13+s25+$0x0] =	vst.idx.msk $0xffff, v6  }
0x24c: {  	v6 =	vor.u32 s29, v28;
	v2 =	vld.idx.msk [tilespmem:v2+s20+$0x0], $0xffff;
	[tilespmem:$0x1FC50] =	vst v0  }
0x24d: {  	v38 =	vor.u32 s28, v52;
	[tilespmem:$0x1FC60] =	vst v6  }
0x24e: {  	v44 =	vor.u32 s21, v26;
	v37 =	vor.u32 s6, v57;
	v4 =	vand.u32 $0x7FFFFF80, v38;
	[tilespmem:v12+s25+$0x0] =	vst.idx.msk $0xffff, v9;
	v6 =	vld.idx.msk [tilespmem:v14+s20+$0x0], $0xffff  }
0x24f: {  	v40 =	vor.u32 s19, v23;
	v38 =	vand.u32 $0x7F, v38;
	v4 =	vadd.s32 s26, v4;
	[tilespmem:v36+s25+$0x0] =	vst.idx.msk $0xffff, v10;
	v10 =	vld.idx.msk [tilespmem:v35+s20+$0x0], $0xffff  }
0x250: {  	v7 =	vor.u32 s7, v23;
	v45 =	vand.u32 $0x7FFFFF80, v44;
	v4 =	vor.u32 v38, v4;
	v11 =	vld.idx.msk [tilespmem:v11+s20+$0x0], $0xffff  }
0x251: {  	v39 =	vand.u32 $0x7F, v44;
	v16 =	vadd.s32 s1, v45  }
0x252: {  	v59 =	vor.u32 s4, v52;
	v9 =	vor.u32 v39, v16;
	[tilespmem:v34+s25+$0x0] =	vst.idx.msk $0xffff, v2  }
0x253: {  	v43 =	vor.u32 s7, v42;
	v8 =	vor.u32 s29, v26;
	v41 =	vor.u32 s7, v53;
	[tilespmem:v37+s25+$0x0] =	vst.idx.msk $0xffff, v6  }
0x254: {  	v44 =	vor.u32 s29, v52;
	v2 =	vor.u32 s28, v33;
	v16 =	vld.idx.msk [tilespmem:v55+s20+$0x0], $0xffff;
	[tilespmem:v40+s25+$0x0] =	vst.idx.msk $0xffff, v10  }
0x255: {  	v45 =	vor.u32 s7, v57;
	v39 =	vor.u32 s29, v1;
	v35 =	vmovc v42;
	v55 =	vand.u32 $0x7FFFFF80, v2;
	v4 =	vld.idx.msk [tilespmem:v4+s20+$0x0], $0xffff;
	[tilespmem:v7+s25+$0x0] =	vst.idx.msk $0xffff, v11  }
0x256: {  	v57 =	vmovc v52;
	v52 =	vmovc v1;
	v12 =	vor.u32 s6, v35;
	v2 =	vand.u32 $0x7F, v2;
	v6 =	vadd.s32 s26, v55;
	v1 =	vld [tilespmem:$0x1FB90]  }
0x257: {  	s16 =	simm.s32 $0x4;
	v15 =	vor.u32 s7, v24;
	v13 =	vor.u32 s19, v24;
	v2 =	vor.u32 v2, v6;
	v6 =	vld.idx.msk [tilespmem:v9+s20+$0x0], $0xffff  }
0x258: {  	s14 =	sand.u32 $0x2, s16;
	v62 =	vor.u32 s29, v19;
	v3 =	vor.u32 s29, v25;
	v14 =	vor.u32 s21, v19;
	v8 =	vld.idx.msk [tilespmem:v8+s20+$0x0], $0xffff  }
0x259: {  	s18 =	simm.s32 $0x10;
	s17 =	sor.u32 $0x1, s14;
	v42 =	vor.u32 s29, v33;
	v36 =	vand.u32 $0x7FFFFF80, v14;
	v34 =	vor.u32 s29, v47  }
0x25a: {  	s8 =	sand.u32 $0x70, s18;
	v55 =	vadd.s32 s1, v36;
	v36 =	vor.u32 s29, v46;
	v40 =	vor.u32 s29, v63;
	s29 =	sshll.u32 s17, $0xB  }
0x25b: {  	v61 =	vor.u32 s7, v58;
	v5 =	vor.u32 s7, v21;
	v38 =	vor.u32 s7, v54;
	s4 =	sor.u32 s8, s29;
	[tilespmem:v12+s25+$0x0] =	vst.idx.msk $0xffff, v4  }
0x25c: {  	s18 =	simm.s32 $0x400;
	v35 =	vor.u32 s7, v29;
	v9 =	vor.u32 s6, v53;
	v53 =	vor.u32 s4, v48;
	[tilespmem:v13+s25+$0x0] =	vst.idx.msk $0xffff, v6  }
0x25d: {  	v0 =	vmovc v28;
	v28 =	vmovc v33;
	v33 =	vor.u32 s7, v51;
	v37 =	vor.u32 s7, v27;
	s7 =	sand.u32 $0xFFFFE000, s18;
	v6 =	vand.u32 $0x7FFFFF80, v53;
	[tilespmem:v15+s25+$0x0] =	vst.idx.msk $0xffff, v8  }
0x25e: {  	v8 =	vand.u32 $0x7F, v53;
	v6 =	vadd.s32 s7, v6;
	[tilespmem:v1+s25+$0x0] =	vst.idx.msk $0xffff, v16  }
0x25f: {  	v6 =	vor.u32 v8, v6;
	v8 =	vld [tilespmem:$0x1FBA0]  }
0x260: {  	v14 =	vand.u32 $0x7F, v14  }
0x261: {  	v7 =	vor.u32 v14, v55  }
0x262: {  	v11 =	vor.u32 s28, v52;
	v52 =	vld.idx.msk [tilespmem:v59+s20+$0x0], $0xffff;
	_ =	sdelay $0x1  }
0x263: {  	v10 =	vor.u32 s21, v25  }
0x264: {  	v4 =	vand.u32 $0x7FFFFF80, v10;
	v2 =	vld.idx.msk [tilespmem:v2+s20+$0x0], $0xffff  }
0x265: {  	v10 =	vand.u32 $0x7F, v10;
	v4 =	vadd.s32 s1, v4;
	v7 =	vld.idx.msk [tilespmem:v7+s20+$0x0], $0xffff;
	v1 =	vor.u32 s19, v21  }
0x266: {  	s12 =	sshll.u32 s14, $0xB;
	v4 =	vor.u32 v10, v4;
	v10 =	vld.idx.msk [tilespmem:v62+s20+$0x0], $0xffff;
	[tilespmem:v8+s25+$0x0] =	vst.idx.msk $0xffff, v52  }
0x267: {  	s8 =	sor.u32 s12, s8;
	v15 =	vor.u32 s28, v63;
	v63 =	vld [tilespmem:$0x1FBB0]  }
0x268: {  	s12 =	sor.u32 s7, s8  }
0x269: {  	v55 =	vand.u32 $0x7FFFFF80, v11;
	v12 =	vor.u32 s12, v48;
	v48 =	vor.u32 s21, v50;
	[tilespmem:v9+s25+$0x0] =	vst.idx.msk $0xffff, v2  }
0x26a: {  	v11 =	vand.u32 $0x7F, v11;
	v59 =	vadd.s32 s26, v55;
	v2 =	vand.u32 $0x7FFFFF80, v48;
	[tilespmem:v1+s25+$0x0] =	vst.idx.msk $0xffff, v7  }
0x26b: {  	v11 =	vor.u32 v11, v59;
	v9 =	vand.u32 $0x7F, v48;
	[tilespmem:v5+s25+$0x0] =	vst.idx.msk $0xffff, v10;
	v2 =	vadd.s32 s1, v2  }
0x26c: {  	v2 =	vor.u32 v9, v2;
	v9 =	vld [tilespmem:$0x1FBC0];
	_ =	sdelay $0x2  }
0x26d: {  	v16 =	vld.idx.msk [tilespmem:v63+s20+$0x0], $0xffff  }
0x26e: {  	s18 =	sand.u32 $0xFFFFFC00, s18;
	s29 =	sshll.u32 s17, $0x4;
	v14 =	vor.u32 s6, v54;
	v1 =	vld.idx.msk [tilespmem:v11+s20+$0x0], $0xffff  }
0x26f: {  	s8 =	sor.u32 s18, s29;
	v55 =	vor.u32 s19, v58;
	v52 =	vor.u32 s4, v18;
	v4 =	vld.idx.msk [tilespmem:v4+s20+$0x0], $0xffff  }
0x270: {  	s14 =	sshll.u32 s14, $0x4;
	v54 =	vor.u32 s8, v49;
	v6 =	vld.idx.msk [tilespmem:v6+s20+$0x0], $0xffff;
	v7 =	vand.u32 $0x7FFFFF80, v52  }
0x271: {  	s14 =	sor.u32 s14, s18;
	v5 =	vand.u32 $0x7F, v52;
	v7 =	vadd.s32 s7, v7;
	v3 =	vld.idx.msk [tilespmem:v3+s20+$0x0], $0xffff  }
0x272: {  	v5 =	vor.u32 v5, v7;
	v7 =	vld.idx.msk [tilespmem:v12+s20+$0x0], $0xffff;
	[tilespmem:v9+s25+$0x0] =	vst.idx.msk $0xffff, v16;
	v9 =	vor.u32 s14, v49  }
0x273: {  	v48 =	vld [tilespmem:$0x1FBD0];
	[tilespmem:v14+s25+$0x0] =	vst.idx.msk $0xffff, v1  }
0x274: {  	[tilespmem:v55+s25+$0x0] =	vst.idx.msk $0xffff, v4  }
0x275: {  	v63 =	vand.u32 $0x7FFFFF80, v15;
	[tilespmem:v54+s25+$0x0] =	vst.idx.msk $0xffff, v6  }
0x276: {  	v15 =	vand.u32 $0x7F, v15;
	v53 =	vadd.s32 s26, v63;
	v1 =	vor.u32 s4, v20;
	[tilespmem:v61+s25+$0x0] =	vst.idx.msk $0xffff, v3  }
0x277: {  	v8 =	vor.u32 s12, v20;
	v11 =	vor.u32 v15, v53;
	v20 =	vand.u32 $0x7FFFFF80, v1;
	[tilespmem:v9+s25+$0x0] =	vst.idx.msk $0xffff, v7  }
0x278: {  	v7 =	vadd.s32 s7, v20;
	v20 =	vld [tilespmem:$0x1FBF0];
	_ =	sdelay $0x1  }
0x279: {  	v13 =	vor.u32 s12, v18  }
0x27a: {  	v59 =	vor.u32 s19, v56;
	v49 =	vld.idx.msk [tilespmem:v48+s20+$0x0], $0xffff  }
0x27b: {  	v15 =	vor.u32 s6, v27;
	v16 =	vor.u32 s28, v46;
	v46 =	vmovc v56;
	v56 =	vor.u32 s21, v60;
	v4 =	vld.idx.msk [tilespmem:v11+s20+$0x0], $0xffff  }
0x27c: {  	v11 =	vand.u32 $0x7FFFFF80, v56;
	v2 =	vld.idx.msk [tilespmem:v2+s20+$0x0], $0xffff  }
0x27d: {  	v53 =	vor.u32 s8, v17;
	v18 =	vand.u32 $0x7F, v56;
	v5 =	vld.idx.msk [tilespmem:v5+s20+$0x0], $0xffff;
	v11 =	vadd.s32 s1, v11  }
0x27e: {  	v10 =	vor.u32 s14, v17;
	v1 =	vand.u32 $0x7F, v1;
	v9 =	vor.u32 v18, v11;
	v11 =	vld.idx.msk [tilespmem:v13+s20+$0x0], $0xffff  }
0x27f: {  	v1 =	vor.u32 v1, v7;
	v7 =	vld [tilespmem:$0x1FBE0];
	[tilespmem:v20+s25+$0x0] =	vst.idx.msk $0xffff, v49  }
0x280: {  	v17 =	vld [tilespmem:$0x1FC00];
	[tilespmem:v15+s25+$0x0] =	vst.idx.msk $0xffff, v4  }
0x281: {  	[tilespmem:v59+s25+$0x0] =	vst.idx.msk $0xffff, v2  }
0x282: {  	[tilespmem:v53+s25+$0x0] =	vst.idx.msk $0xffff, v5  }
0x283: {  	[tilespmem:v10+s25+$0x0] =	vst.idx.msk $0xffff, v11  }
0x284: {  	v54 =	vor.u32 s21, v0;
	v18 =	vmov v0;
	v0 =	vld [tilespmem:$0x1FC10];
	_ =	sdelay $0x2  }
0x285: {  	v7 =	vld.idx.msk [tilespmem:v7+s20+$0x0], $0xffff;
	_ =	sdelay $0x2  }
0x286: {  	v63 =	vand.u32 $0x7FFFFF80, v16;
	v4 =	vor.u32 s4, v31  }
0x287: {  	v16 =	vand.u32 $0x7F, v16;
	v14 =	vadd.s32 s26, v63;
	v5 =	vld.idx.msk [tilespmem:v9+s20+$0x0], $0xffff;
	v9 =	vand.u32 $0x7FFFFF80, v4  }
0x288: {  	v6 =	vor.u32 v16, v14;
	v4 =	vand.u32 $0x7F, v4;
	v9 =	vadd.s32 s7, v9;
	[tilespmem:v0+s25+$0x0] =	vst.idx.msk $0xffff, v7  }
0x289: {  	v4 =	vor.u32 v4, v9;
	v9 =	vld [tilespmem:$0x1FC30];
	_ =	sdelay $0x2  }
0x28a: {  	v56 =	vld.idx.msk [tilespmem:v17+s20+$0x0], $0xffff  }
0x28b: {  	v14 =	vor.u32 s6, v29;
	v2 =	vld.idx.msk [tilespmem:v6+s20+$0x0], $0xffff  }
0x28c: {  	v29 =	vor.u32 s19, v30  }
0x28d: {  	v55 =	vor.u32 s8, v22;
	v1 =	vld.idx.msk [tilespmem:v1+s20+$0x0], $0xffff  }
0x28e: {  	v47 =	vor.u32 s28, v47;
	v12 =	vor.u32 s14, v22;
	v8 =	vld.idx.msk [tilespmem:v8+s20+$0x0], $0xffff  }
0x28f: {  	v16 =	vand.u32 $0x7F, v47;
	v6 =	vand.u32 $0x7FFFFF80, v54;
	v7 =	vld [tilespmem:$0x1FC20];
	[tilespmem:v9+s25+$0x0] =	vst.idx.msk $0xffff, v56  }
0x290: {  	v20 =	vand.u32 $0x7FFFFF80, v47;
	v49 =	vand.u32 $0x7F, v54;
	v6 =	vadd.s32 s1, v6;
	v9 =	vld [tilespmem:$0x1FC40];
	[tilespmem:v14+s25+$0x0] =	vst.idx.msk $0xffff, v2  }
0x291: {  	v27 =	vmovc v60;
	v15 =	vadd.s32 s26, v20;
	v6 =	vor.u32 v49, v6;
	v2 =	vor.u32 s21, v57;
	v22 =	vld [tilespmem:$0x1FEA0];
	[tilespmem:v29+s25+$0x0] =	vst.idx.msk $0xffff, v5  }
0x292: {  	v49 =	vor.u32 s14, v46;
	v46 =	vor.u32 s12, v27;
	v27 =	vand.u32 $0x7FFFFF80, v2;
	[tilespmem:v55+s25+$0x0] =	vst.idx.msk $0xffff, v1  }
0x293: {  	v15 =	vor.u32 v16, v15;
	v2 =	vand.u32 $0x7F, v2;
	[tilespmem:v12+s25+$0x0] =	vst.idx.msk $0xffff, v8;
	v16 =	vadd.s32 s1, v27  }
0x294: {  	v29 =	vor.u32 v2, v16;
	v2 =	vld [tilespmem:$0x1FC50];
	_ =	sdelay $0x2  }
0x295: {  	v7 =	vld.idx.msk [tilespmem:v7+s20+$0x0], $0xffff;
	_ =	sdelay $0x4  }
0x296: {  	[tilespmem:v2+s25+$0x0] =	vst.idx.msk $0xffff, v7  }
0x297: {  	v2 =	vld [tilespmem:$0x1FC70];
	_ =	sdelay $0x2  }
0x298: {  	v9 =	vld.idx.msk [tilespmem:v9+s20+$0x0], $0xffff;
	_ =	sdelay $0x1  }
0x299: {  	v60 =	vor.u32 s12, v26;
	v26 =	vor.u32 s4, v26  }
0x29a: {  	v1 =	vand.u32 $0x7FFFFF80, v26  }
0x29b: {  	v8 =	vld.idx.msk [tilespmem:v4+s20+$0x0], $0xffff;
	v4 =	vand.u32 $0x7F, v26;
	v1 =	vadd.s32 s7, v1  }
0x29c: {  	v7 =	vor.u32 v4, v1;
	v1 =	vld [tilespmem:$0x1FC60];
	[tilespmem:v2+s25+$0x0] =	vst.idx.msk $0xffff, v9  }
0x29d: {  	v9 =	vld [tilespmem:$0x1FC80];
	_ =	sdelay $0x6  }
0x29e: {  	v3 =	vor.u32 s12, v31;
	v5 =	vld.idx.msk [tilespmem:v15+s20+$0x0], $0xffff  }
0x29f: {  	v59 =	vld.idx.msk [tilespmem:v9+s20+$0x0], $0xffff  }
0x2a0: {  	v11 =	vor.u32 s6, v51;
	v9 =	vld [tilespmem:$0x1FE30];
	_ =	sdelay $0x1  }
0x2a1: {  	v6 =	vld.idx.msk [tilespmem:v6+s20+$0x0], $0xffff  }
0x2a2: {  	v52 =	vor.u32 s12, v50;
	v3 =	vld.idx.msk [tilespmem:v3+s20+$0x0], $0xffff;
	v10 =	vor.u32 s19, v22  }
0x2a3: {  	v61 =	vor.u32 s12, v19;
	v54 =	vor.u32 s12, v25;
	v25 =	vor.u32 s8, v23;
	v31 =	vld [tilespmem:$0x1FE40]  }
0x2a4: {  	v63 =	vor.u32 s12, v28;
	v13 =	vor.u32 s14, v23;
	v55 =	vor.u32 s14, v9;
	v9 =	vld [tilespmem:$0x1FE80];
	[tilespmem:v11+s25+$0x0] =	vst.idx.msk $0xffff, v5  }
0x2a5: {  	v48 =	vor.u32 s14, v30;
	v47 =	vor.u32 s12, v18;
	v53 =	vor.u32 s14, v58;
	v5 =	vld [tilespmem:$0x1FE10]  }
0x2a6: {  	v0 =	vor.u32 s14, v24;
	v2 =	vor.u32 s12, v57;
	v57 =	vor.u32 s4, v19  }
0x2a7: {  	v56 =	vor.u32 s14, v21;
	v4 =	vor.u32 s14, v22;
	v1 =	vld.idx.msk [tilespmem:v1+s20+$0x0], $0xffff;
	v58 =	vand.u32 $0x7FFFFF80, v57;
	[tilespmem:v10+s25+$0x0] =	vst.idx.msk $0xffff, v6  }
0x2a8: {  	v62 =	vor.u32 s14, v31;
	v10 =	vor.u32 s21, v28;
	[tilespmem:v25+s25+$0x0] =	vst.idx.msk $0xffff, v8;
	v8 =	vor.u32 s8, v24  }
0x2a9: {  	[tilespmem:v13+s25+$0x0] =	vst.idx.msk $0xffff, v3;
	v6 =	vld.idx.msk [tilespmem:v29+s20+$0x0], $0xffff;
	v11 =	vand.u32 $0x7FFFFF80, v10;
	v3 =	vand.u32 $0x7F, v10;
	v51 =	vor.u32 s12, v9  }
0x2aa: {  	s30 =	sadd.s32 $0x1, s30;
	v9 =	vld.idx.msk [tilespmem:v7+s20+$0x0], $0xffff;
	v7 =	vadd.s32 s1, v11;
	v50 =	vor.u32 s14, v5;
	v5 =	vor.u32 s19, v31  }
.LBB2_5:
0x2ab: {  	v10 =	vld.idx.msk [tilespmem:v60+s20+$0x0], $0xffff  }
0x2ac: {  	v15 =	vld [tilespmem:$0x1FE20]  }
0x2ad: {  	v17 =	vld [tilespmem:$0x1FEC0]  }
0x2ae: {  	v29 =	vld [tilespmem:$0x1FE00]  }
0x2af: {  	v28 =	vld [tilespmem:$0x1FE60]  }
0x2b0: {  	v27 =	vld [tilespmem:$0x1FE70]  }
0x2b1: {  	v25 =	vld [tilespmem:$0x1FEB0]  }
0x2b2: {  	v31 =	vld [tilespmem:$0x1FE30]  }
0x2b3: {  	v18 =	vld [tilespmem:$0x1FF70]  }
0x2b4: {  	v21 =	vld [tilespmem:$0x1FFA0]  }
0x2b5: {  	v26 =	vld [tilespmem:$0x1FE80]  }
0x2b6: {  	v14 =	vld [tilespmem:$0x1FF50]  }
0x2b7: {  	s16 =	sadd.s32 $0x2, s16;
	v11 =	vand.u32 $0x7F, v57;
	v12 =	vadd.s32 s7, v58;
	v7 =	vor.u32 v3, v7;
	v19 =	vld [tilespmem:$0x1FF80]  }
0x2b8: {  	v22 =	vld [tilespmem:$0x1FFE0];
	s6 =	sand.u32 $0x2, s16;
	v11 =	vor.u32 v11, v12  }
0x2b9: {  	[tilespmem:v45+s25+$0x0] =	vst.idx.msk $0xffff, v1;
	v30 =	vld [tilespmem:$0x1FE10];
	s18 =	sshll.u32 s16, $0x2;
	s29 =	sor.u32 $0x1, s6  }
0x2ba: {  	v60 =	vld.idx.msk [tilespmem:v44+s20+$0x0], $0xffff;
	s26 =	sand.u32 $0x70, s18;
	s28 =	sshll.u32 s29, $0xB;
	[tilespmem:v5+s25+$0x0] =	vst.idx.msk $0xffff, v6  }
0x2bb: {  	v45 =	vmovc v4;
	v20 =	vld [tilespmem:$0x1FFB0];
	v44 =	vmovc v2;
	s28 =	sor.u32 s26, s28;
	v4 =	vor.u32 s19, v31;
	v2 =	vor.u32 s8, v18;
	v5 =	vor.u32 s21, v26;
	[tilespmem:v8+s25+$0x0] =	vst.idx.msk $0xffff, v9  }
0x2bc: {  	[tilespmem:v32+s25+$0x0] =	vst.idx.msk $0xffff, v59;
	v13 =	vor.u32 s4, v21;
	v6 =	vor.u32 s28, v14;
	v7 =	vld.idx.msk [tilespmem:v7+s20+$0x0], $0xffff;
	v8 =	vand.u32 $0x7FFFFF80, v5  }
0x2bd: {  	[tilespmem:v0+s25+$0x0] =	vst.idx.msk $0xffff, v10;
	v5 =	vand.u32 $0x7F, v5;
	v0 =	vld.idx.msk [tilespmem:v11+s20+$0x0], $0xffff;
	v9 =	vand.u32 $0x7FFFFF80, v13;
	v8 =	vadd.s32 s1, v8  }
0x2be: {  	v23 =	vld [tilespmem:$0x1FF00];
	s17 =	sshll.u32 s6, $0xB;
	s18 =	sshll.u32 s16, $0x8;
	v10 =	vand.u32 $0x7F, v13;
	v9 =	vadd.s32 s7, v9;
	v5 =	vor.u32 v5, v8  }
0x2bf: {  	s17 =	sor.u32 s17, s26;
	s26 =	sand.u32 $0xFFFFE000, s18;
	v11 =	vand.u32 $0x7FFFFF80, v6;
	v13 =	vld.idx.msk [tilespmem:v61+s20+$0x0], $0xffff;
	[tilespmem:v43+s25+$0x0] =	vst.idx.msk $0xffff, v60;
	v9 =	vor.u32 v10, v9  }
0x2c0: {  	v3 =	vor.u32 s12, v15;
	v6 =	vand.u32 $0x7F, v6;
	v8 =	vadd.s32 s26, v11;
	v10 =	vld.idx.msk [tilespmem:v42+s20+$0x0], $0xffff  }
0x2c1: {  	v59 =	vor.u32 s12, v29;
	v58 =	vor.u32 s12, v27;
	s12 =	sor.u32 s26, s17;
	v43 =	vmovc v62;
	v62 =	vld [tilespmem:$0x1FFF0];
	v6 =	vor.u32 v6, v8;
	[tilespmem:v4+s25+$0x0] =	vst.idx.msk $0xffff, v7  }
0x2c2: {  	v1 =	vor.u32 s14, v17;
	v42 =	vmov v63;
	v11 =	vor.u32 s12, v14;
	v63 =	vld [tilespmem:$0x1FED0];
	[tilespmem:v2+s25+$0x0] =	vst.idx.msk $0xffff, v0  }
0x2c3: {  	v32 =	vmovc v33;
	v57 =	vor.u32 s14, v28;
	v33 =	vor.u32 s14, v25;
	v15 =	vor.u32 s21, v15;
	v0 =	vld.idx.msk [tilespmem:v5+s20+$0x0], $0xffff  }
0x2c4: {  	v60 =	vor.u32 s8, v23;
	v14 =	vor.u32 s19, v30;
	[tilespmem:v56+s25+$0x0] =	vst.idx.msk $0xffff, v13;
	v7 =	vld.idx.msk [tilespmem:v9+s20+$0x0], $0xffff  }
0x2c5: {  	v4 =	vor.u32 s28, v19;
	v2 =	vand.u32 $0x7FFFFF80, v15;
	[tilespmem:v41+s25+$0x0] =	vst.idx.msk $0xffff, v10;
	v41 =	vmovc v55;
	v55 =	vor.u32 s19, v17;
	v17 =	vld [tilespmem:$0x1FEE0]  }
0x2c6: {  	s6 =	sshll.u32 s6, $0x4;
	s17 =	sand.u32 $0xFFFFFC00, s18;
	v61 =	vand.u32 $0x7FFFFF80, v4;
	v5 =	vand.u32 $0x7F, v15;
	v2 =	vadd.s32 s1, v2;
	v6 =	vld.idx.msk [tilespmem:v6+s20+$0x0], $0xffff  }
0x2c7: {  	s14 =	sor.u32 s6, s17;
	v4 =	vand.u32 $0x7F, v4;
	v10 =	vadd.s32 s26, v61;
	v2 =	vor.u32 v5, v2;
	v5 =	vld.idx.msk [tilespmem:v11+s20+$0x0], $0xffff  }
0x2c8: {  	s29 =	sshll.u32 s29, $0x4;
	v24 =	vor.u32 s4, v63;
	v11 =	vor.u32 s14, v20;
	v4 =	vor.u32 v4, v10;
	v10 =	vld.idx.msk [tilespmem:v54+s20+$0x0], $0xffff  }
0x2c9: {  	v12 =	vor.u32 s12, v19;
	s29 =	sor.u32 s17, s29;
	v9 =	vand.u32 $0x7FFFFF80, v24;
	v56 =	vand.u32 $0x7F, v24;
	v24 =	vld [tilespmem:$0x1FFD0]  }
0x2ca: {  	v16 =	vor.u32 s29, v20;
	v54 =	vld.idx.msk [tilespmem:v39+s20+$0x0], $0xffff  }
0x2cb: {  	v20 =	vor.u32 s21, v29;
	v29 =	vld [tilespmem:$0x1FF10];
	v9 =	vadd.s32 s7, v9;
	[tilespmem:v14+s25+$0x0] =	vst.idx.msk $0xffff, v0  }
0x2cc: {  	v13 =	vor.u32 s14, v62;
	v39 =	vmovc v51;
	v51 =	vor.u32 s29, v62;
	v62 =	vld [tilespmem:$0x1FF20];
	v9 =	vor.u32 v56, v9;
	[tilespmem:v60+s25+$0x0] =	vst.idx.msk $0xffff, v7  }
0x2cd: {  	[tilespmem:v11+s25+$0x0] =	vst.idx.msk $0xffff, v5;
	v2 =	vld.idx.msk [tilespmem:v2+s20+$0x0], $0xffff  }
0x2ce: {  	v11 =	vld.idx.msk [tilespmem:v12+s20+$0x0], $0xffff  }
0x2cf: {  	[tilespmem:v16+s25+$0x0] =	vst.idx.msk $0xffff, v6;
	v16 =	vor.u32 s19, v28;
	v28 =	vld [tilespmem:$0x1FEF0]  }
0x2d0: {  	[tilespmem:v53+s25+$0x0] =	vst.idx.msk $0xffff, v10;
	v53 =	vor.u32 s14, v23;
	v23 =	vld [tilespmem:$0x1FE90]  }
0x2d1: {  	v8 =	vor.u32 s12, v22;
	v19 =	vor.u32 s4, v17;
	v0 =	vor.u32 s28, v22;
	v6 =	vld.idx.msk [tilespmem:v9+s20+$0x0], $0xffff  }
0x2d2: {  	v7 =	vand.u32 $0x7FFFFF80, v20;
	v22 =	vand.u32 $0x7F, v19;
	v5 =	vand.u32 $0x7FFFFF80, v0;
	v4 =	vld.idx.msk [tilespmem:v4+s20+$0x0], $0xffff  }
0x2d3: {  	v0 =	vand.u32 $0x7F, v0;
	v5 =	vadd.s32 s26, v5;
	v9 =	vand.u32 $0x7FFFFF80, v19;
	v19 =	vld [tilespmem:$0x1FFC0]  }
0x2d4: {  	v20 =	vand.u32 $0x7F, v20;
	v7 =	vadd.s32 s1, v7;
	v0 =	vor.u32 v0, v5;
	v5 =	vld.idx.msk [tilespmem:v52+s20+$0x0], $0xffff  }
0x2d5: {  	v7 =	vor.u32 v20, v7;
	v20 =	vld [tilespmem:$0x1FF60]  }
0x2d6: {  	v61 =	vor.u32 s8, v29;
	[tilespmem:v38+s25+$0x0] =	vst.idx.msk $0xffff, v54;
	v54 =	vor.u32 s12, v21;
	v21 =	vld [tilespmem:$0x1FEA0]  }
0x2d7: {  	v9 =	vadd.s32 s7, v9;
	v14 =	vld.idx.msk [tilespmem:v40+s20+$0x0], $0xffff  }
0x2d8: {  	v15 =	vor.u32 s14, v24;
	v40 =	vmovc v3;
	v3 =	vor.u32 s29, v24;
	v24 =	vld [tilespmem:$0x1FF30];
	v9 =	vor.u32 v22, v9  }
0x2d9: {  	v22 =	vld [tilespmem:$0x1FF90];
	[tilespmem:v13+s25+$0x0] =	vst.idx.msk $0xffff, v11  }
0x2da: {  	v56 =	vor.u32 s21, v27;
	s21 =	smov.u32 s4;
	s4 =	smov.u32 s28;
	[tilespmem:v55+s25+$0x0] =	vst.idx.msk $0xffff, v2;
	v8 =	vld.idx.msk [tilespmem:v8+s20+$0x0], $0xffff  }
0x2db: {  	v38 =	vmovc v50;
	v50 =	vor.u32 s8, v62;
	v10 =	vor.u32 s12, v19;
	v2 =	vor.u32 s4, v19;
	[tilespmem:v61+s25+$0x0] =	vst.idx.msk $0xffff, v6;
	v19 =	vld [tilespmem:$0x1FF40]  }
0x2dc: {  	v52 =	vand.u32 $0x7F, v56;
	v27 =	vor.u32 s21, v28;
	v6 =	vld.idx.msk [tilespmem:v7+s20+$0x0], $0xffff;
	v7 =	vand.u32 $0x7FFFFF80, v56;
	[tilespmem:v51+s25+$0x0] =	vst.idx.msk $0xffff, v4  }
0x2dd: {  	v55 =	vand.u32 $0x7F, v27;
	v4 =	vld.idx.msk [tilespmem:v9+s20+$0x0], $0xffff;
	v9 =	vand.u32 $0x7FFFFF80, v27;
	v7 =	vadd.s32 s1, v7;
	s1 =	smov.u32 s7  }
0x2de: {  	[tilespmem:v49+s25+$0x0] =	vst.idx.msk $0xffff, v5;
	s7 =	smov.u32 s26;
	v11 =	vld.idx.msk [tilespmem:v0+s20+$0x0], $0xffff;
	v0 =	vand.u32 $0x7FFFFF80, v2;
	v9 =	vadd.s32 s1, v9;
	v7 =	vor.u32 v52, v7  }
0x2df: {  	v2 =	vand.u32 $0x7F, v2;
	v56 =	vadd.s32 s7, v0;
	v5 =	vor.u32 v55, v9;
	v9 =	vld.idx.msk [tilespmem:v46+s20+$0x0], $0xffff;
	[tilespmem:v37+s25+$0x0] =	vst.idx.msk $0xffff, v14  }
0x2e0: {  	v2 =	vor.u32 v2, v56;
	v13 =	vld.idx.msk [tilespmem:v36+s20+$0x0], $0xffff;
	[tilespmem:v15+s25+$0x0] =	vst.idx.msk $0xffff, v8  }
0x2e1: {  	v25 =	vor.u32 s19, v25;
	v49 =	vor.u32 s14, v29;
	v29 =	vld [tilespmem:$0x1FE50];
	[tilespmem:v16+s25+$0x0] =	vst.idx.msk $0xffff, v6  }
0x2e2: {  	v60 =	vor.u32 s12, v20;
	v61 =	vor.u32 s12, v24;
	v12 =	vor.u32 s14, v22;
	v10 =	vld.idx.msk [tilespmem:v10+s20+$0x0], $0xffff;
	[tilespmem:v50+s25+$0x0] =	vst.idx.msk $0xffff, v4  }
0x2e3: {  	v51 =	vor.u32 s12, v26;
	v52 =	vor.u32 s12, v63;
	v37 =	vmovc v1;
	v1 =	vor.u32 s21, v23;
	v7 =	vld.idx.msk [tilespmem:v7+s20+$0x0], $0xffff;
	[tilespmem:v3+s25+$0x0] =	vst.idx.msk $0xffff, v11  }
0x2e4: {  	v56 =	vor.u32 s14, v18;
	v6 =	vor.u32 s8, v21;
	v11 =	vand.u32 $0x7FFFFF80, v1;
	v5 =	vld.idx.msk [tilespmem:v5+s20+$0x0], $0xffff  }
0x2e5: {  	s19 =	smov.u32 s8;
	s8 =	smov.u32 s29;
	v4 =	vor.u32 s4, v20;
	v1 =	vand.u32 $0x7F, v1;
	v8 =	vld.idx.msk [tilespmem:v2+s20+$0x0], $0xffff;
	v11 =	vadd.s32 s1, v11;
	[tilespmem:v48+s25+$0x0] =	vst.idx.msk $0xffff, v9  }
0x2e6: {  	v3 =	vor.u32 s8, v22;
	v2 =	vand.u32 $0x7FFFFF80, v4;
	v9 =	vor.u32 v1, v11;
	v1 =	vld.idx.msk [tilespmem:v47+s20+$0x0], $0xffff  }
0x2e7: {  	v4 =	vand.u32 $0x7F, v4;
	v2 =	vadd.s32 s7, v2;
	v47 =	vor.u32 s12, v28;
	v28 =	vld [tilespmem:$0x1FE40]  }
0x2e8: {  	p1 =	slt.u32 s16, $0x3E;
	v46 =	vor.u32 s12, v17;
	v55 =	vor.u32 s14, v31;
	[tilespmem:v35+s25+$0x0] =	vst.idx.msk $0xffff, v13;
	v11 =	vor.u32 v4, v2  }
.Ltmp1:
0x2e9: {  	v0 =	vor.u32 s14, v19;
	v63 =	vor.u32 s12, v29;
	v50 =	vor.u32 s14, v30;
	[tilespmem:v25+s25+$0x0] =	vst.idx.msk $0xffff, v7;
	(pc) =	sbr.rel @p1 .LBB2_5-.Ltmp1, $4  }
0x2ea: {  	v36 =	vmovc v59;
	v48 =	vor.u32 s14, v62;
	v35 =	vmovc v57;
	v57 =	vor.u32 s4, v24;
	v4 =	vor.u32 s14, v21;
	[tilespmem:v6+s25+$0x0] =	vst.idx.msk $0xffff, v5  }
0x2eb: {  	v2 =	vor.u32 s12, v23;
	v59 =	vld.idx.msk [tilespmem:v34+s20+$0x0], $0xffff;
	v34 =	vmovc v58;
	v58 =	vand.u32 $0x7FFFFF80, v57;
	v7 =	vor.u32 s21, v29;
	[tilespmem:v3+s25+$0x0] =	vst.idx.msk $0xffff, v8  }
0x2ec: {  	v31 =	vand.u32 $0x7FFFFF80, v7;
	v62 =	vor.u32 s14, v28;
	v5 =	vor.u32 s19, v28;
	v6 =	vld.idx.msk [tilespmem:v9+s20+$0x0], $0xffff  }
0x2ed: {  	[tilespmem:v12+s25+$0x0] =	vst.idx.msk $0xffff, v10;
	v8 =	vor.u32 s8, v19;
	v3 =	vand.u32 $0x7F, v7;
	v7 =	vadd.s32 s1, v31;
	v9 =	vld.idx.msk [tilespmem:v11+s20+$0x0], $0xffff  }
0x2ee: {  	_ =	sdelay $0x3  }
0x2ef: {  	v12 =	vld.idx.msk [tilespmem:v60+s20+$0x0], $0xffff;
	_ =	sdelay $0x2  }
0x2f0: {  	v10 =	vand.u32 $0x7F, v57;
	v11 =	vadd.s32 s7, v58  }
0x2f1: {  	v19 =	vld [tilespmem:$0x1FFA0];
	v10 =	vor.u32 v10, v11;
	[tilespmem:v8+s25+$0x0] =	vst.idx.msk $0xffff, v9  }
0x2f2: {  	[tilespmem:v0+s25+$0x0] =	vst.idx.msk $0xffff, v12  }
0x2f3: {  	v21 =	vld [tilespmem:$0x1FF70];
	_ =	sdelay $0x2  }
0x2f4: {  	v11 =	vor.u32 s4, v19;
	v9 =	vld.idx.msk [tilespmem:v10+s20+$0x0], $0xffff  }
0x2f5: {  	v8 =	vand.u32 $0x7FFFFF80, v11;
	v10 =	vand.u32 $0x7F, v11;
	v11 =	vld.idx.msk [tilespmem:v61+s20+$0x0], $0xffff  }
0x2f6: {  	v60 =	vor.u32 s8, v21;
	_ =	sdelay $0x1  }
0x2f7: {  	v28 =	vld [tilespmem:$0x1FED0];
	_ =	sdelay $0x1  }
0x2f8: {  	[tilespmem:v56+s25+$0x0] =	vst.idx.msk $0xffff, v11  }
0x2f9: {  	v8 =	vadd.s32 s7, v8;
	[tilespmem:v60+s25+$0x0] =	vst.idx.msk $0xffff, v9  }
0x2fa: {  	v8 =	vor.u32 v10, v8;
	v27 =	vld [tilespmem:$0x1FF00]  }
0x2fb: {  	v10 =	vor.u32 s4, v28  }
0x2fc: {  	v61 =	vand.u32 $0x7FFFFF80, v10  }
0x2fd: {  	v10 =	vand.u32 $0x7F, v10;
	v0 =	vadd.s32 s7, v61  }
0x2fe: {  	v0 =	vor.u32 v10, v0;
	v10 =	vld.idx.msk [tilespmem:v54+s20+$0x0], $0xffff  }
0x2ff: {  	v8 =	vld.idx.msk [tilespmem:v8+s20+$0x0], $0xffff;
	v9 =	vor.u32 s8, v27;
	_ =	sdelay $0x1  }
0x300: {  	v25 =	vld [tilespmem:$0x1FEE0];
	_ =	sdelay $0x1  }
0x301: {  	[tilespmem:v53+s25+$0x0] =	vst.idx.msk $0xffff, v10  }
0x302: {  	[tilespmem:v9+s25+$0x0] =	vst.idx.msk $0xffff, v8  }
0x303: {  	v16 =	vld [tilespmem:$0x1FF10]  }
0x304: {  	v11 =	vor.u32 s4, v25  }
0x305: {  	v8 =	vand.u32 $0x7FFFFF80, v11  }
0x306: {  	v10 =	vand.u32 $0x7F, v11;
	v8 =	vadd.s32 s7, v8  }
0x307: {  	v8 =	vor.u32 v10, v8;
	v10 =	vld.idx.msk [tilespmem:v52+s20+$0x0], $0xffff  }
0x308: {  	v0 =	vld.idx.msk [tilespmem:v0+s20+$0x0], $0xffff;
	v9 =	vor.u32 s8, v16;
	_ =	sdelay $0x1  }
0x309: {  	v61 =	vld [tilespmem:$0x1FEF0];
	_ =	sdelay $0x1  }
0x30a: {  	[tilespmem:v49+s25+$0x0] =	vst.idx.msk $0xffff, v10  }
0x30b: {  	[tilespmem:v9+s25+$0x0] =	vst.idx.msk $0xffff, v0  }
0x30c: {  	v30 =	vld [tilespmem:$0x1FF20]  }
0x30d: {  	v11 =	vor.u32 s4, v61  }
0x30e: {  	v57 =	vand.u32 $0x7FFFFF80, v11  }
0x30f: {  	v10 =	vand.u32 $0x7F, v11;
	v0 =	vadd.s32 s7, v57  }
0x310: {  	v0 =	vor.u32 v10, v0;
	v10 =	vld.idx.msk [tilespmem:v46+s20+$0x0], $0xffff  }
0x311: {  	v8 =	vld.idx.msk [tilespmem:v8+s20+$0x0], $0xffff;
	v9 =	vor.u32 s8, v30;
	_ =	sdelay $0x1  }
0x312: {  	v12 =	vld [tilespmem:$0x1FE90];
	_ =	sdelay $0x1  }
0x313: {  	[tilespmem:v48+s25+$0x0] =	vst.idx.msk $0xffff, v10  }
0x314: {  	[tilespmem:v9+s25+$0x0] =	vst.idx.msk $0xffff, v8  }
0x315: {  	v54 =	vld [tilespmem:$0x1FEA0]  }
0x316: {  	v11 =	vor.u32 s4, v12  }
0x317: {  	v8 =	vand.u32 $0x7FFFFF80, v11  }
0x318: {  	v10 =	vand.u32 $0x7F, v11;
	v8 =	vadd.s32 s7, v8  }
0x319: {  	v8 =	vor.u32 v10, v8;
	v10 =	vld.idx.msk [tilespmem:v47+s20+$0x0], $0xffff  }
0x31a: {  	v0 =	vld.idx.msk [tilespmem:v0+s20+$0x0], $0xffff;
	v9 =	vor.u32 s8, v54;
	_ =	sdelay $0x2  }
0x31b: {  	[tilespmem:v45+s25+$0x0] =	vst.idx.msk $0xffff, v1  }
0x31c: {  	v45 =	vld [tilespmem:$0x1FE50];
	[tilespmem:v4+s25+$0x0] =	vst.idx.msk $0xffff, v10  }
0x31d: {  	[tilespmem:v9+s25+$0x0] =	vst.idx.msk $0xffff, v0  }
0x31e: {  	v29 =	vld [tilespmem:$0x1FE40]  }
0x31f: {  	v46 =	vld [tilespmem:$0x1FE80];
	[tilespmem:v5+s25+$0x0] =	vst.idx.msk $0xffff, v6  }
0x320: {  	v60 =	vor.u32 v3, v7;
	v53 =	vld [tilespmem:$0x1FE30];
	_ =	sdelay $0x1  }
0x321: {  	v3 =	vld.idx.msk [tilespmem:v44+s20+$0x0], $0xffff  }
0x322: {  	v2 =	vld.idx.msk [tilespmem:v2+s20+$0x0], $0xffff  }
0x323: {  	v8 =	vld.idx.msk [tilespmem:v8+s20+$0x0], $0xffff;
	v4 =	vor.u32 s8, v29  }
0x324: {  	v58 =	vor.u32 s4, v45;
	v0 =	vld.idx.msk [tilespmem:v60+s20+$0x0], $0xffff;
	v5 =	vor.u32 s19, v53  }
0x325: {  	v7 =	vand.u32 $0x7FFFFF80, v58  }
0x326: {  	v1 =	vand.u32 $0x7F, v58;
	v7 =	vadd.s32 s7, v7;
	[tilespmem:v43+s25+$0x0] =	vst.idx.msk $0xffff, v3  }
0x327: {  	v1 =	vor.u32 v1, v7;
	[tilespmem:v62+s25+$0x0] =	vst.idx.msk $0xffff, v2;
	v7 =	vor.u32 s21, v46  }
0x328: {  	v6 =	vand.u32 $0x7FFFFF80, v7;
	[tilespmem:v4+s25+$0x0] =	vst.idx.msk $0xffff, v8  }
0x329: {  	v3 =	vand.u32 $0x7F, v7;
	v6 =	vadd.s32 s1, v6;
	v43 =	vld [tilespmem:$0x1FE20];
	[tilespmem:v5+s25+$0x0] =	vst.idx.msk $0xffff, v0  }
0x32a: {  	v3 =	vor.u32 v3, v6;
	v17 =	vld [tilespmem:$0x1FE10]  }
0x32b: {  	v7 =	vor.u32 s4, v46  }
0x32c: {  	v6 =	vand.u32 $0x7FFFFF80, v7;
	v4 =	vld.idx.msk [tilespmem:v42+s20+$0x0], $0xffff  }
0x32d: {  	v62 =	vor.u32 s8, v53;
	v7 =	vand.u32 $0x7F, v7;
	v6 =	vadd.s32 s7, v6;
	v1 =	vld.idx.msk [tilespmem:v1+s20+$0x0], $0xffff  }
0x32e: {  	v6 =	vor.u32 v7, v6;
	v7 =	vld.idx.msk [tilespmem:v63+s20+$0x0], $0xffff  }
0x32f: {  	v3 =	vld.idx.msk [tilespmem:v3+s20+$0x0], $0xffff;
	v47 =	vor.u32 s19, v17;
	_ =	sdelay $0x1  }
0x330: {  	[tilespmem:v41+s25+$0x0] =	vst.idx.msk $0xffff, v4;
	v8 =	vor.u32 s21, v43  }
0x331: {  	[tilespmem:v62+s25+$0x0] =	vst.idx.msk $0xffff, v1;
	v49 =	vld.idx.msk [tilespmem:v39+s20+$0x0], $0xffff;
	v5 =	vand.u32 $0x7FFFFF80, v8  }
0x332: {  	[tilespmem:v55+s25+$0x0] =	vst.idx.msk $0xffff, v7;
	v4 =	vand.u32 $0x7F, v8;
	v8 =	vor.u32 s4, v43;
	v6 =	vld.idx.msk [tilespmem:v6+s20+$0x0], $0xffff;
	v5 =	vadd.s32 s1, v5  }
0x333: {  	v60 =	vld [tilespmem:$0x1FE00];
	v48 =	vor.u32 v4, v5;
	v4 =	vand.u32 $0x7FFFFF80, v8;
	[tilespmem:v47+s25+$0x0] =	vst.idx.msk $0xffff, v3  }
0x334: {  	v7 =	vand.u32 $0x7F, v8;
	v5 =	vor.u32 s8, v17;
	v4 =	vadd.s32 s7, v4;
	v52 =	vld [tilespmem:$0x1FEC0]  }
0x335: {  	v4 =	vor.u32 v7, v4;
	v7 =	vld.idx.msk [tilespmem:v51+s20+$0x0], $0xffff;
	_ =	sdelay $0x2  }
0x336: {  	[tilespmem:v38+s25+$0x0] =	vst.idx.msk $0xffff, v49  }
0x337: {  	v1 =	vld.idx.msk [tilespmem:v48+s20+$0x0], $0xffff;
	[tilespmem:v5+s25+$0x0] =	vst.idx.msk $0xffff, v6;
	v55 =	vor.u32 s19, v52  }
0x338: {  	v9 =	vor.u32 s21, v60;
	[tilespmem:v50+s25+$0x0] =	vst.idx.msk $0xffff, v7  }
0x339: {  	v3 =	vand.u32 $0x7FFFFF80, v9;
	v49 =	vld [tilespmem:$0x1FE70]  }
0x33a: {  	v56 =	vand.u32 $0x7F, v9;
	v3 =	vadd.s32 s1, v3  }
0x33b: {  	v8 =	vor.u32 s12, v43;
	v2 =	vor.u32 v56, v3;
	v3 =	vld.idx.msk [tilespmem:v40+s20+$0x0], $0xffff  }
0x33c: {  	[tilespmem:v55+s25+$0x0] =	vst.idx.msk $0xffff, v1  }
0x33d: {  	v51 =	vld [tilespmem:$0x1FE60]  }
0x33e: {  	v9 =	vor.u32 s4, v60;
	v10 =	vor.u32 s21, v49  }
0x33f: {  	v5 =	vand.u32 $0x7FFFFF80, v9;
	v4 =	vld.idx.msk [tilespmem:v4+s20+$0x0], $0xffff;
	v6 =	vor.u32 s8, v52;
	v58 =	vand.u32 $0x7FFFFF80, v10  }
0x340: {  	v8 =	vld.idx.msk [tilespmem:v8+s20+$0x0], $0xffff;
	v7 =	vor.u32 s14, v52;
	[tilespmem:v37+s25+$0x0] =	vst.idx.msk $0xffff, v3;
	v3 =	vand.u32 $0x7F, v10;
	v1 =	vadd.s32 s1, v58  }
0x341: {  	v9 =	vand.u32 $0x7F, v9;
	v5 =	vadd.s32 s7, v5;
	v1 =	vor.u32 v3, v1;
	v3 =	vld.idx.msk [tilespmem:v36+s20+$0x0], $0xffff  }
0x342: {  	v5 =	vor.u32 v9, v5;
	v2 =	vld.idx.msk [tilespmem:v2+s20+$0x0], $0xffff;
	v57 =	vor.u32 s19, v51;
	_ =	sdelay $0x1  }
0x343: {  	v9 =	vor.u32 s12, v60;
	[tilespmem:v6+s25+$0x0] =	vst.idx.msk $0xffff, v4  }
0x344: {  	[tilespmem:v7+s25+$0x0] =	vst.idx.msk $0xffff, v8  }
0x345: {  	v10 =	vor.u32 s4, v49;
	[tilespmem:v35+s25+$0x0] =	vst.idx.msk $0xffff, v3  }
0x346: {  	v4 =	vand.u32 $0x7FFFFF80, v10;
	v5 =	vld.idx.msk [tilespmem:v5+s20+$0x0], $0xffff;
	[tilespmem:v57+s25+$0x0] =	vst.idx.msk $0xffff, v2  }
0x347: {  	v7 =	vand.u32 $0x7F, v10;
	v4 =	vadd.s32 s7, v4;
	v6 =	vor.u32 s8, v51;
	v50 =	vld [tilespmem:$0x1FEB0]  }
0x348: {  	v4 =	vor.u32 v7, v4;
	v7 =	vld.idx.msk [tilespmem:v9+s20+$0x0], $0xffff;
	v8 =	vor.u32 s14, v51  }
0x349: {  	v9 =	vor.u32 s12, v49;
	_ =	sdelay $0x1  }
0x34a: {  	v63 =	vld.idx.msk [tilespmem:v34+s20+$0x0], $0xffff  }
0x34b: {  	v0 =	vld.idx.msk [tilespmem:v1+s20+$0x0], $0xffff;
	[tilespmem:v6+s25+$0x0] =	vst.idx.msk $0xffff, v5;
	v62 =	vor.u32 s19, v50  }
0x34c: {  	[tilespmem:v8+s25+$0x0] =	vst.idx.msk $0xffff, v7;
	v3 =	vld.idx.msk [tilespmem:v4+s20+$0x0], $0xffff;
	v4 =	vor.u32 s8, v50  }
0x34d: {  	v6 =	vld.idx.msk [tilespmem:v9+s20+$0x0], $0xffff;
	v5 =	vor.u32 s14, v50  }
0x34e: {  	[tilespmem:v32+s25+$0x0] =	vst.idx.msk $0xffff, v59  }
0x34f: {  	[tilespmem:v33+s25+$0x0] =	vst.idx.msk $0xffff, v63  }
0x350: {  	[tilespmem:v62+s25+$0x0] =	vst.idx.msk $0xffff, v0  }
0x351: {  	[tilespmem:v4+s25+$0x0] =	vst.idx.msk $0xffff, v3  }
0x352: {  	[tilespmem:v5+s25+$0x0] =	vst.idx.msk $0xffff, v6  }
0x353: {  	v13 =	vld [tilespmem:$0x1FF50]  }
0x354: {  	v15 =	vld [tilespmem:$0x1FFB0]  }
0x355: {  	v18 =	vld [tilespmem:$0x1FF80]  }
0x356: {  	p1 =	sne.s32 @!p2 s30, $0x3D;
	v20 =	vld [tilespmem:$0x1FFF0]  }
0x357: {  	s0 =	sadd.s32 s0, s11;
	p1 =	por p2, !p1;
	v10 =	vld [tilespmem:$0x1FFE0]  }
0x358: {  	[hbm4b:s0+s2] =	stream.linear.scatter [tilespmem:s25], [sflag:$0x4], $0x4000, $0x38;
	v22 =	vld [tilespmem:$0x1FFD0]  }
.Ltmp2:
0x359: {  	s6 =	simm.s32 @!p2 $0x4000;
	v31 =	vld [tilespmem:$0x1FFC0];
	(pc) =	sbr.rel @!p1 .LBB2_2-.Ltmp2, $4  }
0x35a: {  	s1 =	simm.s32 @!p2 $0x400;
	s4 =	simm.s32 @!p2 $0x7A1400;
	s0 =	sadd.s32 @!p2 s31, s13;
	v23 =	vld [tilespmem:$0x1FF90]  }
0x35b: {  	v24 =	vld [tilespmem:$0x1FF60];
	[tilespmem:s6], [sflag:$0x2] =	stream.strided.gather @!p2 [hbm4b:s0+s1], $0x2000, s4, s1, $0x38  }
0x35c: {  	v5 =	vld [tilespmem:$0x1FF40];
	s0 =	sadd.s32 @!p2 s31, s15;
	s6 =	simm.s32 @!p2 $0x6000  }
0x35d: {  	v11 =	vmovc v25;
	v34 =	vmov v19;
	v19 =	vmov v12;
	v33 =	vmov v21;
	v6 =	vld [tilespmem:$0x1FF30];
	[tilespmem:s6], [sflag:$0x2] =	stream.strided.gather @!p2 [hbm4b:s0+s1], $0x2000, s4, s1, $0x38  }
0x35e: {  	s0 =	simm.s32 $0x3  }
0x35f: {  	_ =	swait.ge [sflag:s0], $0x4000  }
0x360: {  	[sflag:s0] =	ssyncset.done $0x0  }
0x361: {  	s1 =	simm.s32 $0x4;
	[sflag:s0] =	ssyncadd.s32 $0xFFFFC000  }
0x362: {  	s0 =	stileid.u32;
	_ =	swait.ge [sflag:s1], $0x4000  }
0x363: {  	s0 =	sshll.u32 @!p0 s0, $0x6;
	[sflag:s1] =	ssyncset.done $0x0;
	s4 =	rddreg [dreg:$0x8]  }
0x364: {  	s0 =	sor.u32 @!p0 $0x1C05, s0;
	[sflag:s1] =	ssyncadd.s32 $0xFFFFC000;
	s1 =	rddreg [dreg:$0x3]  }
0x365: {  	[hbm:s4], [sflag:s0] =	dma.local @!p0 [hbm:s1], $0x1200  }
0x366: {  	s0 =	simm.s32 @!p0 $0x5  }
0x367: {  	_ =	swait.ge @!p0 [sflag:s0], $0x1200  }
0x368: {  	s30 =	rddreg [dreg:$0xa]  }
0x369: {  	s31 =	rddreg [dreg:$0x9];
	s4 =	sadd.s32 $0x1, s30  }
0x36a: {  	p1 =	sne.s32 s4, s31  }
.Ltmp3:
0x36b: {  	_ = 	snop;
	(pc) =	sbr.rel @p1 .LBB2_1-.Ltmp3, $3  }
0x36c: {  	_ =	sdelay $0x1  }
0x36d: {  	[sflag:s0] =	ssyncset.done @!p0 $0x0  }
0x36e: {  	[sflag:s0] =	ssyncadd.s32 @!p0 $0xFFFFEE00  }
0x36f: {  	_ =	sfence.sel $0x180000  }
0x370: {  	[bflag:$0x0] =	sbarrier.arrive $0xFFFF  }
0x371: {  	_ =	strace $0x90000047  }
0x372: {  	s0 =	stileid.u32;
	[bflag:$0x2] =	sbarrier.arrive $0xFFFF  }
0x373: {  	p0 =	sne.s32 s0, $0x0;
	s0 =	rddreg [dreg:$0x2]  }
0x374: {  	s0 =	sadd.s32 @!p0 $0x100000, s0  }
0x375: {  	[sflag:s0] =	ssyncadd.tile.s32 @!p0 $0x1;
	_ =	shalt  }
.Lfunc_end2:
_tile_overlayer_lowered:
.L_overlay_start_2:
0x376: {  	(tag) =	ssettag $0x2  }
0x377: {  	s0 =	rddreg [dreg:$0x0];
	s2 =	stileid.u32  }
0x378: {  	s1 =	rddreg [dreg:$0x1];
	p0 =	sne.s32 s2, $0x0  }
0x379: {  	s3 =	rddreg [dreg:$0x2];
	[bflag:$0x3] =	sbarrier.arrive $0xFFFF;
	s2 =	simm.s32 @!p0 $0x1C05  }
0x37a: {  	[timem:s3], [sflag:s2] =	dma.local @!p0 [hbm:s0], s1  }
0x37b: {  	s0 =	simm.s32 @!p0 $0x5  }
0x37c: {  	_ =	swait.ge @!p0 [sflag:s0], s1  }
0x37d: {  	s1 =	ssub.s32 @!p0 $0x0, s1;
	[sflag:s0] =	ssyncset.done @!p0 $0x0  }
0x37e: {  	[sflag:s0] =	ssyncadd.s32 @!p0 s1  }
0x37f: {  	[bflag:$0x3] =	sbarrier.arrive $0xFFFF  }
0x380: {  	_ =	shalt  }

// kernel: kernel.7.cloned.1.call-start
scs
__scs_entry_jumppad:
0x0: {  	(pc) =	sbr.rel $0x88, $3  }
0x1: {  	(tag) =	ssettag $0x0;
	lr =	simm.s32 $0x1  }
0x2: {  	[smem:$0x3F9D] =	sst lr;
	_ =	strace $0xD0000000  }
0x3: {  	_ = 	snop  }
0x4: {  	_ = 	snop  }
0x5: {  	_ = 	snop  }
0x6: {  	_ = 	snop  }
0x7: {  	_ = 	snop  }
__scs_overlays_trampoline_lowered:
0x8: {  	[smem:$0x3FAC] =	sst s0  }
0x9: {  	[smem:$0x3FAD] =	sst s1  }
0xa: {  	[smem:$0x3FAE] =	sst s2  }
0xb: {  	[smem:$0x3FAF] =	sst s3  }
0xc: {  	[smem:$0x3FB0] =	sst s4  }
0xd: {  	[smem:$0x3FB1] =	sst s5  }
0xe: {  	[smem:$0x3FB2] =	sst s6  }
0xf: {  	[smem:$0x3FB3] =	sst s7  }
0x10: {  	[smem:$0x3FB4] =	sst s8  }
0x11: {  	[smem:$0x3FB5] =	sst s9;
	s0 =	simm.s32 @!p0 $0x0  }
0x12: {  	s1 =	sld [smem:$0x3F9B];
	s0 =	simm.s32 @p0 $0x1  }
0x13: {  	[smem:$0x3FB6] =	sst s0;
	s0 =	simm.s32 @!p1 $0x0  }
0x14: {  	s2 =	sld [smem:$0x3F9A];
	s0 =	simm.s32 @p1 $0x1  }
0x15: {  	[smem:$0x3FB7] =	sst s0;
	s0 =	simm.s32 @!p2 $0x0  }
0x16: {  	s3 =	sld [smem:$0x3FDB];
	s0 =	simm.s32 @p2 $0x1  }
0x17: {  	s4 =	simm.s32 $0x1BF5;
	[smem:$0x3FB9] =	sst s0  }
0x18: {  	s0 =	sld [smem:$0x3F9C];
	_ =	swait.ge [sflag:s4], $0x0  }
0x19: {  	s7 =	sld [smem:$0x3F9D]  }
0x1a: {  	s8 =	sadd.s32 $0xFFFFE003, lr  }
0x1b: {  	s9 =	sadd.s32 $0xFFFFFEF7, lr;
	s5 =	simm.s32 $0xFFFFFFFF;
	p2 =	slt.u32 s8, $0xFFFFF086  }
0x1c: {  	p1 =	slt.u32 s9, $0xF7A;
	s5 =	simm.s32 @!p2 $0x0  }
0x1d: {  	s5 =	simm.s32 @p1 $0x1;
	p0 =	seq.s32 s7, s2  }
0x1e: {  	s7 =	smul.u32 @!p0 $0xF7A, s2;
	p2 =	seq.s32 @!p0 s5, $0x0  }
0x1f: {  	s9 =	smul.u32 $0xF7A, s1;
	s8 =	simm.s32 @!p0 $0x1BF5;
	p2 =	por !p2, p0  }
0x20: {  	[sflag:s8] =	ssyncset.s32 @!p0 $0xFFFFF086;
	s6 =	sadd.s32 @!p0 s3, s7;
	s7 =	simm.s32 @!p0 $0x108  }
0x21: {  	s3 =	sadd.s32 s3, s9;
	s6 =	sadd.s32 @!p0 $0x88, s6;
	s7 =	simm.s32 @p2 $0x1082  }
0x22: {  	[simem:s7], [sflag:s8] =	dma.local @!p0 [hbm:s6], $0xF7A  }
0x23: {  	s9 =	sor.u32 $0xD0000000, s2;
	s6 =	simm.s32 $0x108;
	_ =	swait.ge @!p0 [sflag:s8], $0x0  }
0x24: {  	s3 =	sadd.s32 $0x88, s3;
	s6 =	simm.s32 @!p1 $0x1082;
	[sflag:s4] =	ssyncset.s32 $0xFFFFF086  }
0x25: {  	[simem:s6], [sflag:s4] =	dma.local [hbm:s3], $0xF7A  }
0x26: {  	[smem:$0x3F9D] =	sst s1;
	(tag) =	ssettag s2;
	_ =	strace s9  }
0x27: {  	s1 =	sld [smem:$0x3FAD]  }
0x28: {  	s2 =	sld [smem:$0x3FAE]  }
0x29: {  	s4 =	sld [smem:$0x3FB0]  }
0x2a: {  	p0 =	seq.s32 s5, $0x0;
	s5 =	sld [smem:$0x3FB1]  }
0x2b: {  	s6 =	sld [smem:$0x3FB2]  }
0x2c: {  	s7 =	sld [smem:$0x3FB3]  }
0x2d: {  	s3 =	simm.s32 $0x108;
	s8 =	sld [smem:$0x3FB4]  }
0x2e: {  	s3 =	simm.s32 @!p0 $0x1082;
	s9 =	sld [smem:$0x3FB5]  }
0x2f: {  	lr =	sadd.s32 s0, s3;
	s0 =	sld [smem:$0x3FAC]  }
0x30: {  	s3 =	sld [smem:$0x3FAF]  }
0x31: {  	[smem:$0x3FB8] =	sst s10  }
0x32: {  	s10 =	sld [smem:$0x3FB6];
	_ =	sdelay $0x3  }
0x33: {  	p0 =	seq.s32 s10, $0x1;
	s10 =	sld [smem:$0x3FB8];
	_ =	sdelay $0x3  }
0x34: {  	[smem:$0x3FB8] =	sst s10  }
0x35: {  	s10 =	sld [smem:$0x3FB7];
	_ =	sdelay $0x3  }
0x36: {  	p1 =	seq.s32 s10, $0x1;
	s10 =	sld [smem:$0x3FB8];
	_ =	sdelay $0x3  }
0x37: {  	[smem:$0x3FB8] =	sst s10  }
0x38: {  	s10 =	sld [smem:$0x3FB9]  }
0x39: {  	_ = 	snop;
	(pc) =	sbr.ind lr, $3  }
0x3a: {  	_ = 	snop  }
0x3b: {  	_ = 	snop  }
0x3c: {  	p2 =	seq.s32 s10, $0x1;
	s10 =	sld [smem:$0x3FB8]  }
0x3d: {  	_ =	shalt  }
0x3e: {  	_ =	shalt  }
0x3f: {  	_ =	shalt  }
0x40: {  	_ =	shalt  }
0x41: {  	_ =	shalt  }
0x42: {  	_ =	shalt  }
0x43: {  	_ =	shalt  }
0x44: {  	_ =	shalt  }
0x45: {  	_ =	shalt  }
0x46: {  	_ =	shalt  }
0x47: {  	_ =	shalt  }
0x48: {  	_ =	shalt  }
0x49: {  	_ =	shalt  }
0x4a: {  	_ =	shalt  }
0x4b: {  	_ =	shalt  }
0x4c: {  	_ =	shalt  }
0x4d: {  	_ =	shalt  }
0x4e: {  	_ =	shalt  }
0x4f: {  	_ =	shalt  }
0x50: {  	_ =	shalt  }
0x51: {  	_ =	shalt  }
0x52: {  	_ =	shalt  }
0x53: {  	_ =	shalt  }
0x54: {  	_ =	shalt  }
0x55: {  	_ =	shalt  }
0x56: {  	_ =	shalt  }
0x57: {  	_ =	shalt  }
0x58: {  	_ =	shalt  }
0x59: {  	_ =	shalt  }
0x5a: {  	_ =	shalt  }
0x5b: {  	_ =	shalt  }
0x5c: {  	_ =	shalt  }
0x5d: {  	_ =	shalt  }
0x5e: {  	_ =	shalt  }
0x5f: {  	_ =	shalt  }
0x60: {  	_ =	shalt  }
0x61: {  	_ =	shalt  }
0x62: {  	_ =	shalt  }
0x63: {  	_ =	shalt  }
0x64: {  	_ =	shalt  }
0x65: {  	_ =	shalt  }
0x66: {  	_ =	shalt  }
0x67: {  	_ =	shalt  }
0x68: {  	_ =	shalt  }
0x69: {  	_ =	shalt  }
0x6a: {  	_ =	shalt  }
0x6b: {  	_ =	shalt  }
0x6c: {  	_ =	shalt  }
0x6d: {  	_ =	shalt  }
0x6e: {  	_ =	shalt  }
0x6f: {  	_ =	shalt  }
0x70: {  	_ =	shalt  }
0x71: {  	_ =	shalt  }
0x72: {  	_ =	shalt  }
0x73: {  	_ =	shalt  }
0x74: {  	_ =	shalt  }
0x75: {  	_ =	shalt  }
0x76: {  	_ =	shalt  }
0x77: {  	_ =	shalt  }
0x78: {  	_ =	shalt  }
0x79: {  	_ =	shalt  }
0x7a: {  	_ =	shalt  }
0x7b: {  	_ =	shalt  }
0x7c: {  	_ =	shalt  }
0x7d: {  	_ =	shalt  }
0x7e: {  	_ =	shalt  }
0x7f: {  	_ =	shalt  }
0x80: {  	_ =	shalt  }
0x81: {  	_ =	shalt  }
0x82: {  	_ =	shalt  }
0x83: {  	_ =	shalt  }
0x84: {  	_ =	shalt  }
0x85: {  	_ =	shalt  }
0x86: {  	_ =	shalt  }
0x87: {  	_ =	shalt  }
.Lfunc_end0:
.L_simem_size_0:
called_computation.1_lowered:
.L_overlay_start_0:
0x88: {  	s2 =	sld [smem:$0x3FD9]  }
0x89: {  	s3 =	sld [smem:$0x3FFE];
	_ =	sdelay $0x1  }
0x8a: {  	s1 =	srdreg.scid  }
0x8b: {  	s0 =	sand.u32 $0x1, s1  }
0x8c: {  	s17 =	sshll.u32 s0, $0xA;
	s2 =	sadd.s32 s3, s2  }
0x8d: {  	s2 =	sadd.s32 s2, s17  }
0x8e: {  	[smem:$0x3FC4] =	sst s2  }
0x8f: {  	_ = 	snop  }
0x90: {  	s2 =	sld [smem:$0x3FC7]  }
0x91: {  	s18 =	sld [smem:$0x3FD0];
	(tm) =	ssettm $0x1  }
0x92: {  	s4 =	sld [smem:$0x3FFB];
	_ =	sdelay $0x3  }
0x93: {  	_ =	strace s4  }
0x94: {  	s4 =	sld [smem:$0x3FFC];
	_ =	sdelay $0x3  }
0x95: {  	_ =	strace s4  }
0x96: {  	s4 =	sld [smem:$0x3FFD];
	_ =	sdelay $0x3  }
0x97: {  	_ =	strace s4  }
0x98: {  	_ =	strace $0x8FFFFFFF  }
0x99: {  	s19 =	sld [smem:$0x3FDB];
	_ =	sdelay $0x1  }
0x9a: {  	s5 =	simm.s32 $_scs_section_size  }
0x9b: {  	s6 =	simm.s32 $_size__tile_overlayer_lowered;
	s7 =	simm.s32 $_tile_overlayer_lowered  }
0x9c: {  	s22 =	simm.s32 $0x1BFF;
	s21 =	sshll.u32 s7, $0x1;
	s4 =	sadd.s32 s5, s19  }
0x9d: {  	s8 =	simm.s32 $0x0;
	s20 =	sshll.u32 s6, $0x1;
	s6 =	sadd.s32 s21, s4  }
0x9e: {  	[timem:s8], [sflag:s22] =	dma.local [hbm:s6], s20  }
0x9f: {  	_ =	swait.ge [sflag:s22], s20  }
0xa0: {  	s5 =	ssub.s32 $0x0, s20;
	[sflag:s22] =	ssyncset.done $0x0  }
0xa1: {  	[sflag:s22] =	ssyncadd.s32 s5;
	_ =	sdelay $0x1  }
0xa2: {  	s23 =	simm.s32 $0x1B8B  }
0xa3: {  	_ =	swait.ge [sflag:s23], $0x1  }
0xa4: {  	[sflag:s23] =	ssyncset.done $0x0  }
0xa5: {  	s25 =	simm.s32 $0x1B8E;
	s24 =	sld [smem:$0x3FFE];
	[sflag:s23] =	ssyncadd.s32 $0xFFFFFFFF  }
0xa6: {  	s26 =	simm.s32 $execute0_lowered;
	[smem:$0x3FD2] =	sst s25  }
0xa7: {  	s6 =	sshll.u32 s26, $0x1;
	_ =	strace $0x80000049;
	[dreg:$0x1] =	wrdreg $0xFFFFFFFF  }
0xa8: {  	s28 =	simm.s32 $_size_execute0_lowered;
	s4 =	sadd.s32 s4, s6;
	[dreg:$0x0] =	wrdreg $0x0  }
0xa9: {  	s6 =	sshll.u32 s28, $0x1;
	[dreg:$0x2] =	wrdreg s4  }
0xaa: {  	[dreg:$0x3] =	wrdreg s6  }
0xab: {  	[dreg:$0x4] =	wrdreg $0xC0  }
0xac: {  	_ =	task [dreg:s8], $0x5FFFF  }
0xad: {  	[dreg:$0x1] =	wrdreg $0xFFFFFFFF  }
0xae: {  	[dreg:$0x0] =	wrdreg $0x60  }
0xaf: {  	[dreg:$0x2] =	wrdreg s24  }
0xb0: {  	[dreg:$0x3] =	wrdreg s2  }
0xb1: {  	[dreg:$0x4] =	wrdreg s18  }
0xb2: {  	[dreg:$0x5] =	wrdreg $0x9  }
0xb3: {  	_ =	task.clear_ibuf [dreg:s8], $0x6FFFF;
	_ =	strace $0x90000049  }
0xb4: {  	s29 =	simm.s32 $0x9;
	_ =	strace $0x8000004B  }
0xb5: {  	_ =	swait.ge [sflag:s29], $0x1  }
0xb6: {  	[sflag:s29] =	ssyncadd.s32 $0xFFFFFFFF  }
0xb7: {  	_ =	strace $0x9000004B  }
0xb8: {  	_ =	sfence  }
0xb9: {  	s30 =	sld [smem:$0x0];
	_ =	sdelay $0x2  }
0xba: {  	s31 =	sshll.u32 s1, $0xD;
	s1 =	sshrl.u32 s1, $0x2  }
0xbb: {  	s3 =	sand.u32 $0x4000, s31;
	s1 =	sadd.s32 s1, s30  }
0xbc: {  	s0 =	sor.u32 s3, s0;
	s1 =	sshll.u32 s1, $0x11  }
0xbd: {  	s0 =	sor.u32 s1, s0  }
0xbe: {  	s0 =	sadd.s32 $0x8F2B, s0  }
0xbf: {  	[sflag:s0] =	ssyncadd.remote.s32 $0x1  }
0xc0: {  	_ =	sfence.sel $0xFFFF  }
0xc1: {  	[dreg:$0x0] =	wrdreg $0xFFFFFFFF;
	(pc) =	sbr.abs _section_cstart, $3  }
0xc2: {  	[dreg:$0x1] =	wrdreg $0xFFFFFFFF  }
0xc3: {  	_ =	task.clear_ibuf [dreg:s8], $0x2FFFF;
	_ =	strace $0x9FFFFFFF  }
0xc4: {  	(tm) =	ssettm $0x7FFFFFFF  }
0xc5: {  	_ =	shalt  }
tec
execute0_lowered:
.L_overlay_start_1:
0x0: {  	(tag) =	ssettag $0x1  }
0x1: {  	s0 =	rddreg [dreg:$0x0]  }
0x2: {  	s1 =	rddreg [dreg:$0x1]  }
0x3: {  	s3 =	rddreg [dreg:$0x2];
	s4 =	simm.s32 $0x0;
	s2 =	srdreg.scid  }
0x4: {  	s5 =	stileid.u32;
	s15 =	simm.s32 $0x7;
	s18 =	simm.s32 $0x140  }
0x5: {  	s21 =	simm.s32 $0x10;
	s23 =	simm.s32 $0x3C0;
	s28 =	simm.s32 $0x14920  }
0x6: {  	s29 =	simm.s32 $0x1;
	s30 =	simm.s32 $0x2;
	s31 =	simm.s32 $0x3  }
0x7: {  	s19 =	simm.s32 $0x5;
	s20 =	simm.s32 $0x6;
	[smem:$0x7FF] =	sst s4  }
0x8: {  	s2 =	sand.u32 $0x1, s2;
	s5 =	sshll.u32 s5, $0x1;
	s6 =	sadd.s32 $0x7A5800, s0  }
0x9: {  	s7 =	sadd.s32 $0x1E00, s0;
	_ =	strace $0x8000004A;
	s8 =	sor.u32 s2, s5  }
0xa: {  	s5 =	sadd.s32 $0x7A3000, s0;
	s2 =	ssub.s32 $0x2, s2;
	s9 =	smul.u32 $0x140, s8  }
0xb: {  	s24 =	sshrl.u32 s2, $0x1;
	s26 =	sshll.u32 s8, $0x4;
	s11 =	sshll.u32 s8, $0x3  }
0xc: {  	s0 =	ssub.s32 s2, s24;
	s2 =	sadd.s32 s1, s26;
	s12 =	sor.u32 $0x1, s11  }
0xd: {  	s13 =	sor.u32 $0x2, s11;
	s25 =	sadd.s32 s5, s9;
	[dreg:$0x6] =	wrdreg s2  }
0xe: {  	s24 =	simm.s32 $0x510;
	s9 =	sadd.s32 s6, s9;
	[dreg:$0x4] =	wrdreg s25  }
0xf: {  	s0 =	smax.u32 s0, $0x1;
	s2 =	simm.s32 $0x4;
	[dreg:$0x5] =	wrdreg s9  }
0x10: {  	v0 =	vlaneseq.u32;
	v1 =	vimm.f32 $1.000000000e+00;
	[dreg:$0x7] =	wrdreg s0;
	s0 =	simm.s32 $0x14D20;
	s9 =	simm.s32 $0x0  }
.LBB2_1:
0x11: {  	[dreg:$0x8] =	wrdreg s9  }
0x12: {  	s8 =	rddreg [dreg:$0x4]  }
0x13: {  	[tilespmem:s4], [sflag:$0x7] =	stream.linear.gather [hbm4b:s8+s4], $0x140, $0x38;
	[tilespmem:$0x14D30] =	vst v63  }
0x14: {  	_ =	swait.ge [sflag:s15], $0x140  }
0x15: {  	[sflag:s15] =	ssyncset.done $0x0  }
0x16: {  	s16 =	simm.s32 $0x280;
	s14 =	rddreg [dreg:$0x5];
	[sflag:s15] =	ssyncadd.s32 $0xFFFFFEC0  }
0x17: {  	[tilespmem:s16], [sflag:$0x7] =	stream.linear.gather [hbm4b:s14+s4], $0x140, $0x38;
	[tilespmem:$0x14D30] =	vst v63  }
0x18: {  	_ =	swait.ge [sflag:s15], $0x140  }
0x19: {  	[sflag:s15] =	ssyncset.done $0x0  }
0x1a: {  	s10 =	simm.s32 $0x500;
	s17 =	rddreg [dreg:$0x6];
	[sflag:s15] =	ssyncadd.s32 $0xFFFFFEC0  }
0x1b: {  	[tilespmem:s10], [sflag:$0x7] =	stream.linear.gather [hbm4b:s17+s4], $0x10, $0x38;
	[tilespmem:$0x14D30] =	vst v63  }
0x1c: {  	_ =	swait.ge [sflag:s15], $0x10  }
0x1d: {  	[sflag:s15] =	ssyncset.done $0x0  }
0x1e: {  	s22 =	simm.s32 $0x520;
	[sflag:s15] =	ssyncadd.s32 $0xFFFFFFF0  }
0x1f: {  	[tilespmem:s22], [sflag:$0x1] =	stream.indirect.gather [hbm4b:s7+s18], $0x40, s4, s18, $0xb8;
	[tilespmem:$0x14D30] =	vst v63  }
0x20: {  	s25 =	simm.s32 $0xA520  }
0x21: {  	[tilespmem:s25], [sflag:$0x2] =	stream.indirect.gather [hbm4b:s7+s18], $0x40, s16, s18, $0xb8;
	[tilespmem:$0x14D30] =	vst v63  }
0x22: {  	s26 =	simm.s32 $0x14520;
	s16 =	simm.s32 $0x0  }
0x23: {  	[tilespmem:s26], [sflag:$0x3] =	stream.indirect.gather [hbm4b:s7+s21], $0x40, s10, s21, $0xb8;
	[tilespmem:$0x14D30] =	vst v63  }
.LBB2_2:
0x24: {  	s8 =	sshll.u32 s16, $0x1  }
0x25: {  	s10 =	sor.u32 s12, s8  }
0x26: {  	s14 =	smul.u32 $0x28, s10;
	_ =	sdelay $0x1  }
0x27: {  	s9 =	simm.s32 $0x0;
	s17 =	sadd.s32 s5, s14  }
0x28: {  	[tilespmem:s18], [sflag:$0x7] =	stream.linear.gather [hbm4b:s17+s9], $0x140, $0x38;
	[tilespmem:$0x14D30] =	vst v63  }
0x29: {  	_ =	swait.ge [sflag:s15], $0x140  }
0x2a: {  	[sflag:s15] =	ssyncset.done $0x0  }
0x2b: {  	s14 =	sadd.s32 s6, s14;
	[sflag:s15] =	ssyncadd.s32 $0xFFFFFEC0  }
0x2c: {  	[tilespmem:s23], [sflag:$0x7] =	stream.linear.gather [hbm4b:s14+s9], $0x140, $0x38;
	[tilespmem:$0x14D30] =	vst v63  }
0x2d: {  	s10 =	sshll.u32 s10, $0x1;
	_ =	swait.ge [sflag:s15], $0x140  }
0x2e: {  	s17 =	sand.u32 $0x1FFFFFFE, s10;
	[sflag:s15] =	ssyncset.done $0x0  }
0x2f: {  	s10 =	sadd.s32 s1, s17;
	[sflag:s15] =	ssyncadd.s32 $0xFFFFFEC0  }
0x30: {  	[tilespmem:s24], [sflag:$0x7] =	stream.linear.gather [hbm4b:s10+s9], $0x10, $0x38;
	[tilespmem:$0x14D30] =	vst v63  }
0x31: {  	_ =	swait.ge [sflag:s15], $0x10  }
0x32: {  	[sflag:s15] =	ssyncset.done $0x0  }
0x33: {  	s25 =	simm.s32 $0x5520;
	[sflag:s15] =	ssyncadd.s32 $0xFFFFFFF0  }
0x34: {  	[tilespmem:s25], [sflag:$0x4] =	stream.indirect.gather [hbm4b:s7+s18], $0x40, s18, s18, $0xb8;
	[tilespmem:$0x14D30] =	vst v63  }
0x35: {  	s26 =	simm.s32 $0xF520  }
0x36: {  	[tilespmem:s26], [sflag:$0x5] =	stream.indirect.gather [hbm4b:s7+s18], $0x40, s23, s18, $0xb8;
	[tilespmem:$0x14D30] =	vst v63  }
0x37: {  	_ = 	snop  }
0x38: {  	[tilespmem:s28], [sflag:$0x6] =	stream.indirect.gather [hbm4b:s7+s21], $0x40, s24, s21, $0xb8;
	[tilespmem:$0x14D30] =	vst v63  }
0x39: {  	_ =	swait.ge [sflag:s29], $0x5000  }
0x3a: {  	[sflag:s29] =	ssyncset.done $0x0  }
0x3b: {  	[sflag:s29] =	ssyncadd.s32 $0xFFFFB000  }
0x3c: {  	_ =	swait.ge [sflag:s30], $0x5000  }
0x3d: {  	[sflag:s30] =	ssyncset.done $0x0  }
0x3e: {  	[sflag:s30] =	ssyncadd.s32 $0xFFFFB000  }
0x3f: {  	_ =	swait.ge [sflag:s31], $0x400  }
0x40: {  	[sflag:s31] =	ssyncset.done $0x0  }
0x41: {  	[sflag:s31] =	ssyncadd.s32 $0xFFFFFC00  }
0x42: {  	v2 =	vld [tilespmem:$0xF0];
	_ =	sdelay $0x4  }
0x43: {  	[tilespmem:$0x1FF60] =	vst v2;
	v2 =	vld [tilespmem:$0x370];
	_ =	sdelay $0x4  }
0x44: {  	[tilespmem:$0x1FF70] =	vst v2;
	v2 =	vld [tilespmem:$0x100];
	_ =	sdelay $0x3  }
0x45: {  	v42 =	vld [tilespmem:$0x0]  }
0x46: {  	[tilespmem:$0x1FF80] =	vst v2;
	v2 =	vld [tilespmem:$0x380]  }
0x47: {  	v40 =	vld [tilespmem:$0x280]  }
0x48: {  	v41 =	vld [tilespmem:$0x10]  }
0x49: {  	v39 =	vld [tilespmem:$0x290]  }
0x4a: {  	v38 =	vld [tilespmem:$0x20]  }
0x4b: {  	[tilespmem:$0x1FF90] =	vst v2;
	v2 =	vld [tilespmem:$0x110]  }
0x4c: {  	v37 =	vld [tilespmem:$0x2A0]  }
0x4d: {  	v36 =	vld [tilespmem:$0x30]  }
0x4e: {  	v35 =	vld [tilespmem:$0x2B0]  }
0x4f: {  	v34 =	vld [tilespmem:$0x40]  }
0x50: {  	[tilespmem:$0x1FFA0] =	vst v2;
	v2 =	vld [tilespmem:$0x390]  }
0x51: {  	v33 =	vld [tilespmem:$0x2C0]  }
0x52: {  	v32 =	vld [tilespmem:$0x50]  }
0x53: {  	v31 =	vld [tilespmem:$0x2D0]  }
0x54: {  	v30 =	vld [tilespmem:$0x60]  }
0x55: {  	[tilespmem:$0x1FFB0] =	vst v2;
	v2 =	vld [tilespmem:$0x120]  }
0x56: {  	v29 =	vld [tilespmem:$0x2E0]  }
0x57: {  	v28 =	vld [tilespmem:$0x70]  }
0x58: {  	v27 =	vld [tilespmem:$0x2F0]  }
0x59: {  	v26 =	vld [tilespmem:$0x80]  }
0x5a: {  	[tilespmem:$0x1FFC0] =	vst v2;
	v2 =	vld [tilespmem:$0x3A0]  }
0x5b: {  	v25 =	vld [tilespmem:$0x300]  }
0x5c: {  	v24 =	vld [tilespmem:$0x90]  }
0x5d: {  	v23 =	vld [tilespmem:$0x310]  }
0x5e: {  	v22 =	vld [tilespmem:$0xA0]  }
0x5f: {  	[tilespmem:$0x1FFD0] =	vst v2;
	v2 =	vld [tilespmem:$0x130]  }
0x60: {  	v21 =	vld [tilespmem:$0x320]  }
0x61: {  	v20 =	vld [tilespmem:$0xB0]  }
0x62: {  	v19 =	vld [tilespmem:$0x330]  }
0x63: {  	v18 =	vld [tilespmem:$0xC0]  }
0x64: {  	[tilespmem:$0x1FFE0] =	vst v2;
	v2 =	vld [tilespmem:$0x3B0]  }
0x65: {  	v17 =	vld [tilespmem:$0x340]  }
0x66: {  	v16 =	vld [tilespmem:$0xD0]  }
0x67: {  	v15 =	vld [tilespmem:$0x350]  }
0x68: {  	v14 =	vld [tilespmem:$0xE0]  }
0x69: {  	v43 =	vimm.f32 $0.0e+00;
	s14 =	simm.s32 $0xAD20;
	s26 =	simm.s32 $0xD20;
	v13 =	vld [tilespmem:$0x360];
	[tilespmem:$0x1FFF0] =	vst v2;
	v2 =	vimm.f32 $0.0e+00  }
.LBB2_3:
0x6a: {  	v49 =	vld [tilespmem:s14+$0x400]  }
0x6b: {  	v55 =	vld [tilespmem:s14+$0x410]  }
0x6c: {  	v45 =	vld [tilespmem:s14+$0x420]  }
0x6d: {  	v44 =	vld [tilespmem:s14+$0x430]  }
0x6e: {  	v50 =	vld [tilespmem:s14+$0x0]  }
0x6f: {  	v51 =	vld [tilespmem:s14+$0x10]  }
0x70: {  	v47 =	vld [tilespmem:s14+$0x20]  }
0x71: {  	v46 =	vld [tilespmem:s14+$0x30]  }
0x72: {  	v52 =	vld [tilespmem:s14+$0xFFFFFC00]  }
0x73: {  	v53 =	vld [tilespmem:s14+$0xFFFFFC10]  }
0x74: {  	v57 =	vld [tilespmem:s14+$0xFFFFFC20]  }
0x75: {  	v48 =	vld [tilespmem:s14+$0xFFFFFC30]  }
0x76: {  	v54 =	vld [tilespmem:s14+$0xFFFFF800]  }
0x77: {  	v56 =	vld [tilespmem:s14+$0xFFFFF810]  }
0x78: {  	v58 =	vld [tilespmem:s14+$0xFFFFF820]  }
0x79: {  	v59 =	vld [tilespmem:s14+$0xFFFFF830]  }
0x7a: {  	v60 =	vld [tilespmem:s26+$0xFFFFF800]  }
0x7b: {  	v61 =	vld [tilespmem:s26+$0xFFFFF810]  }
0x7c: {  	v62 =	vld [tilespmem:s26+$0xFFFFFC00]  }
0x7d: {  	v63 =	vld [tilespmem:s26+$0xFFFFFC10]  }
0x7e: {  	v3 =	vld [tilespmem:s26+$0x0]  }
0x7f: {  	v4 =	vld [tilespmem:s26+$0x10];
	v60 =	vadd.f32 v60, v43;
	v54 =	vadd.f32 v54, v43  }
0x80: {  	v5 =	vld [tilespmem:s26+$0x400];
	v61 =	vadd.f32 v61, v43;
	v56 =	vadd.f32 v56, v43  }
0x81: {  	v11 =	vld [tilespmem:s26+$0x410];
	v60 =	vadd.f32 v62, v60;
	v52 =	vadd.f32 v52, v54  }
0x82: {  	v6 =	vld [tilespmem:s26+$0xFFFFF820];
	v7 =	vadd.f32 v63, v61;
	v53 =	vadd.f32 v53, v56  }
0x83: {  	v8 =	vld [tilespmem:s26+$0xFFFFF830];
	v3 =	vadd.f32 v3, v60;
	v50 =	vadd.f32 v50, v52  }
0x84: {  	v9 =	vld [tilespmem:s26+$0xFFFFFC20];
	v4 =	vadd.f32 v4, v7;
	v10 =	vadd.f32 v51, v53  }
0x85: {  	v53 =	vld [tilespmem:s26+$0xFFFFFC30];
	v52 =	vadd.f32 v5, v3;
	v50 =	vadd.f32 v49, v50  }
0x86: {  	v54 =	vld [tilespmem:s26+$0x20];
	v51 =	vadd.f32 v11, v4;
	v49 =	vadd.f32 v55, v10  }
0x87: {  	v3 =	vadd.f32 v6, v43;
	v11 =	vadd.f32 v58, v43;
	v55 =	vld [tilespmem:s26+$0x30]  }
0x88: {  	v59 =	vadd.f32 v59, v43;
	v56 =	vld [tilespmem:s26+$0x420];
	v58 =	vadd.f32 v8, v43  }
0x89: {  	s22 =	simm.s32 $0x0;
	s25 =	sadd.s32 $0x1000, s14;
	s10 =	smov.u32 s26;
	v60 =	vadd.f32 v9, v3;
	v61 =	vadd.f32 v57, v11;
	v57 =	vld [tilespmem:s26+$0x430]  }
.LBB2_4:
0x8a: {  	v3 =	vld [tilespmem:s25+$0x400];
	v4 =	vadd.f32 v53, v58;
	v5 =	vadd.f32 v48, v59  }
0x8b: {  	v6 =	vld [tilespmem:s25+$0x410];
	v48 =	vadd.f32 v54, v60;
	v47 =	vadd.f32 v47, v61  }
0x8c: {  	v53 =	vld [tilespmem:s25+$0x420];
	v4 =	vadd.f32 v55, v4;
	v5 =	vadd.f32 v46, v5  }
0x8d: {  	v54 =	vld [tilespmem:s25+$0x430];
	v55 =	vadd.f32 v56, v48;
	v56 =	vadd.f32 v45, v47  }
0x8e: {  	v58 =	vld [tilespmem:s25+$0x0];
	v4 =	vadd.f32 v57, v4;
	v5 =	vadd.f32 v44, v5  }
0x8f: {  	v57 =	vld [tilespmem:s25+$0x10]  }
0x90: {  	v47 =	vld [tilespmem:s25+$0x20]  }
0x91: {  	v46 =	vld [tilespmem:s25+$0x30];
	v45 =	vmov v53  }
0x92: {  	v53 =	vld [tilespmem:s25+$0xFFFFFC00];
	v44 =	vmov v54  }
0x93: {  	v54 =	vld [tilespmem:s25+$0xFFFFFC10]  }
0x94: {  	v61 =	vld [tilespmem:s25+$0xFFFFFC20]  }
0x95: {  	v48 =	vld [tilespmem:s25+$0xFFFFFC30]  }
0x96: {  	v59 =	vld [tilespmem:s25+$0xFFFFF800]  }
0x97: {  	v60 =	vld [tilespmem:s25+$0xFFFFF810]  }
0x98: {  	v62 =	vld [tilespmem:s25+$0xFFFFF820]  }
0x99: {  	s10 =	sadd.s32 $0x1000, s10;
	v63 =	vld [tilespmem:s25+$0xFFFFF830]  }
0x9a: {  	v7 =	vld [tilespmem:s10+$0xFFFFF800]  }
0x9b: {  	v8 =	vld [tilespmem:s10+$0xFFFFF810]  }
0x9c: {  	v9 =	vld [tilespmem:s10+$0xFFFFFC00]  }
0x9d: {  	v10 =	vld [tilespmem:s10+$0xFFFFFC10]  }
0x9e: {  	v11 =	vld [tilespmem:s10+$0x0]  }
0x9f: {  	v50 =	vadd.f32 v59, v50;
	v7 =	vadd.f32 v7, v52;
	v52 =	vld [tilespmem:s10+$0x10]  }
0xa0: {  	v49 =	vadd.f32 v60, v49;
	v8 =	vadd.f32 v8, v51;
	v51 =	vld [tilespmem:s10+$0x400]  }
0xa1: {  	v7 =	vadd.f32 v9, v7;
	v9 =	vadd.f32 v53, v50;
	v59 =	vld [tilespmem:s10+$0x410]  }
0xa2: {  	v60 =	vld [tilespmem:s10+$0xFFFFF820];
	v8 =	vadd.f32 v10, v8;
	v10 =	vadd.f32 v54, v49  }
0xa3: {  	s22 =	sadd.s32 $0x4, s22;
	v12 =	vld [tilespmem:s10+$0xFFFFF830];
	v7 =	vadd.f32 v11, v7;
	v9 =	vadd.f32 v58, v9  }
0xa4: {  	p0 =	slt.u32 s22, $0x10;
	v11 =	vld [tilespmem:s10+$0xFFFFFC20];
	v8 =	vadd.f32 v52, v8;
	v10 =	vadd.f32 v57, v10  }
.Ltmp0:
0xa5: {  	v53 =	vld [tilespmem:s10+$0xFFFFFC30];
	v52 =	vadd.f32 v51, v7;
	v50 =	vadd.f32 v3, v9;
	(pc) =	sbr.rel @p0 .LBB2_4-.Ltmp0, $4  }
0xa6: {  	v54 =	vld [tilespmem:s10+$0x20];
	v51 =	vadd.f32 v59, v8;
	v49 =	vadd.f32 v6, v10  }
0xa7: {  	v6 =	vadd.f32 v62, v56;
	v3 =	vadd.f32 v60, v55;
	v55 =	vld [tilespmem:s10+$0x30]  }
0xa8: {  	v59 =	vadd.f32 v63, v5;
	v58 =	vadd.f32 v12, v4;
	v56 =	vld [tilespmem:s10+$0x420]  }
0xa9: {  	s25 =	sadd.s32 $0x1000, s25;
	v61 =	vadd.f32 v61, v6;
	v60 =	vadd.f32 v11, v3;
	v57 =	vld [tilespmem:s10+$0x430]  }
0xaa: {  	s10 =	sshll.u32 s9, $0x6  }
0xab: {  	s10 =	sand.u32 $0x3FFFFFC0, s10  }
0xac: {  	v3 =	vld [tilespmem:s10+$0x14520];
	_ =	sdelay $0x1  }
0xad: {  	v4 =	vld [tilespmem:s10+$0x14530];
	_ =	sdelay $0x1  }
0xae: {  	v5 =	vadd.f32 v53, v58;
	v6 =	vadd.f32 v48, v59;
	v7 =	vld [tilespmem:s10+$0x14540]  }
0xaf: {  	v8 =	vadd.f32 v54, v60;
	v9 =	vadd.f32 v47, v61;
	v3 =	vmul.f32 v3, v52  }
0xb0: {  	v5 =	vadd.f32 v55, v5;
	v6 =	vadd.f32 v46, v6;
	v10 =	vld [tilespmem:s10+$0x14550]  }
0xb1: {  	v8 =	vadd.f32 v56, v8;
	v4 =	vmul.f32 v4, v51;
	v3 =	vmul.f32 v3, v50  }
0xb2: {  	v9 =	vadd.f32 v45, v9;
	v5 =	vadd.f32 v57, v5  }
0xb3: {  	v7 =	vmul.f32 v7, v8;
	v4 =	vmul.f32 v4, v49;
	v3 =	vadd.f32 $0.0e+00, v3  }
0xb4: {  	v6 =	vadd.f32 v44, v6  }
0xb5: {  	v5 =	vmul.f32 v10, v5;
	v61 =	vmul.f32 v7, v9;
	v3 =	vadd.f32 v4, v3;
	_ =	sdelay $0x1  }
0xb6: {  	v62 =	vmul.f32 v5, v6;
	v3 =	vadd.f32 v61, v3;
	_ =	sdelay $0x1  }
0xb7: {  	v3 =	vadd.f32 v62, v3;
	_ =	sdelay $0x1  }
0xb8: {  	(xrf2) =	vadd.scan.msk.f32 $0xffff, v3;
	_ =	sdelay $0x6  }
0xb9: {  	v3 =	vmov s9;
	s9 =	sadd.s32 $0x1, s9  }
0xba: {  	p0 =	sne.s32 s9, $0x10  }
.Ltmp1:
0xbb: {  	_ = 	snop;
	(pc) =	sbr.rel @p0 .LBB2_3-.Ltmp1, $4  }
0xbc: {  	v63, _, _ =	vpop (xrf2)  }
0xbd: {  	v4 =	vbroadcast v63, $0xF  }
0xbe: {  	vm0 =	veq.s32 v3, v0  }
0xbf: {  	s26 =	sadd.s32 $0x40, s26;
	s14 =	sadd.s32 $0x40, s14;
	v2 =	vsel vm0, v4, v2  }
0xc0: {  	vm0 =	veq.s32 v42, $0x0;
	vm14 =	veq.s32 v40, $0x0;
	vm1 =	veq.s32 v41, $0x0  }
0xc1: {  	vm15 =	veq.s32 v39, $0x0;
	vm4 =	veq.s32 v38, $0x0;
	v3 =	vsel vm0, $0x0, v1  }
0xc2: {  	v4 =	vsel vm14, $0x0, v1;
	v5 =	vsel vm1, $0x0, v1;
	v54 =	vsel vm15, $0x0, v1  }
0xc3: {  	vm5 =	veq.s32 v37, $0x0;
	v3 =	vadd.f32 v5, v3;
	v4 =	vadd.f32 v54, v4  }
0xc4: {  	vm6 =	veq.s32 v36, $0x0;
	v55 =	vsel vm4, $0x0, v1;
	v56 =	vsel vm5, $0x0, v1  }
0xc5: {  	vm7 =	veq.s32 v35, $0x0;
	v3 =	vadd.f32 v55, v3;
	v4 =	vadd.f32 v56, v4  }
0xc6: {  	vm8 =	veq.s32 v34, $0x0;
	v57 =	vsel vm6, $0x0, v1;
	v58 =	vsel vm7, $0x0, v1  }
0xc7: {  	vm9 =	veq.s32 v33, $0x0;
	v3 =	vadd.f32 v57, v3;
	v4 =	vadd.f32 v58, v4  }
0xc8: {  	vm10 =	veq.s32 v32, $0x0;
	v59 =	vsel vm8, $0x0, v1;
	v60 =	vsel vm9, $0x0, v1  }
0xc9: {  	vm11 =	veq.s32 v31, $0x0;
	v3 =	vadd.f32 v59, v3;
	v4 =	vadd.f32 v60, v4  }
0xca: {  	vm12 =	veq.s32 v30, $0x0;
	v61 =	vsel vm10, $0x0, v1;
	v62 =	vsel vm11, $0x0, v1  }
0xcb: {  	vm13 =	veq.s32 v29, $0x0;
	v3 =	vadd.f32 v61, v3;
	v4 =	vadd.f32 v62, v4  }
0xcc: {  	v63 =	vsel vm12, $0x0, v1;
	v8 =	vsel vm13, $0x0, v1;
	vm14 =	veq.s32 v28, $0x0  }
0xcd: {  	vm15 =	veq.s32 v27, $0x0;
	v3 =	vadd.f32 v63, v3;
	v4 =	vadd.f32 v8, v4  }
0xce: {  	vm4 =	veq.s32 v26, $0x0;
	v9 =	vsel vm14, $0x0, v1;
	v10 =	vsel vm15, $0x0, v1  }
0xcf: {  	vm5 =	veq.s32 v25, $0x0;
	v3 =	vadd.f32 v9, v3;
	v4 =	vadd.f32 v10, v4  }
0xd0: {  	vm6 =	veq.s32 v24, $0x0;
	v11 =	vsel vm4, $0x0, v1;
	v32 =	vsel vm5, $0x0, v1  }
0xd1: {  	vm7 =	veq.s32 v23, $0x0;
	v3 =	vadd.f32 v11, v3;
	v4 =	vadd.f32 v32, v4  }
0xd2: {  	vm8 =	veq.s32 v22, $0x0;
	v33 =	vsel vm6, $0x0, v1;
	v34 =	vsel vm7, $0x0, v1  }
0xd3: {  	vm9 =	veq.s32 v21, $0x0;
	v3 =	vadd.f32 v33, v3;
	v4 =	vadd.f32 v34, v4  }
0xd4: {  	vm10 =	veq.s32 v20, $0x0;
	v35 =	vsel vm8, $0x0, v1;
	v36 =	vsel vm9, $0x0, v1  }
0xd5: {  	vm11 =	veq.s32 v19, $0x0;
	v3 =	vadd.f32 v35, v3;
	v4 =	vadd.f32 v36, v4  }
0xd6: {  	vm12 =	veq.s32 v18, $0x0;
	v37 =	vsel vm10, $0x0, v1;
	v38 =	vsel vm11, $0x0, v1  }
0xd7: {  	v6 =	vld [tilespmem:$0x1FF60];
	vm13 =	veq.s32 v17, $0x0;
	v3 =	vadd.f32 v37, v3;
	v4 =	vadd.f32 v38, v4  }
0xd8: {  	v46 =	vld [tilespmem:$0x1FF70];
	v39 =	vsel vm12, $0x0, v1;
	v40 =	vsel vm13, $0x0, v1;
	vm14 =	veq.s32 v16, $0x0  }
0xd9: {  	v48 =	vld [tilespmem:$0x1FF80];
	vm15 =	veq.s32 v15, $0x0;
	v3 =	vadd.f32 v39, v3;
	v4 =	vadd.f32 v40, v4  }
0xda: {  	v50 =	vld [tilespmem:$0x1FF90];
	vm4 =	veq.s32 v14, $0x0;
	v41 =	vsel vm14, $0x0, v1;
	v42 =	vsel vm15, $0x0, v1  }
0xdb: {  	v52 =	vld [tilespmem:$0x1FFA0];
	vm5 =	veq.s32 v13, $0x0;
	v3 =	vadd.f32 v41, v3;
	v4 =	vadd.f32 v42, v4  }
0xdc: {  	v54 =	vld [tilespmem:$0x1FFB0];
	v43 =	vsel vm4, $0x0, v1;
	v44 =	vsel vm5, $0x0, v1;
	vm6 =	veq.s32 v6, $0x0  }
0xdd: {  	v56 =	vld [tilespmem:$0x1FFC0];
	vm7 =	veq.s32 v46, $0x0;
	v3 =	vadd.f32 v43, v3;
	v4 =	vadd.f32 v44, v4  }
0xde: {  	vm8 =	veq.s32 v48, $0x0;
	v45 =	vsel vm6, $0x0, v1;
	v47 =	vsel vm7, $0x0, v1;
	v58 =	vld [tilespmem:$0x1FFD0]  }
0xdf: {  	vm9 =	veq.s32 v50, $0x0;
	v60 =	vld [tilespmem:$0x1FFE0];
	v3 =	vadd.f32 v45, v3;
	v4 =	vadd.f32 v47, v4  }
0xe0: {  	vm10 =	veq.s32 v52, $0x0;
	v49 =	vsel vm8, $0x0, v1;
	v51 =	vsel vm9, $0x0, v1;
	v61 =	vld [tilespmem:$0x1FFF0]  }
0xe1: {  	vm11 =	veq.s32 v54, $0x0;
	v3 =	vadd.f32 v49, v3;
	v4 =	vadd.f32 v51, v4  }
0xe2: {  	v53 =	vsel vm10, $0x0, v1;
	v55 =	vsel vm11, $0x0, v1;
	vm12 =	veq.s32 v56, $0x0  }
0xe3: {  	vm13 =	veq.s32 v58, $0x0;
	v3 =	vadd.f32 v53, v3;
	v4 =	vadd.f32 v55, v4  }
0xe4: {  	v57 =	vsel vm12, $0x0, v1;
	v59 =	vsel vm13, $0x0, v1;
	vm14 =	veq.s32 v60, $0x0  }
0xe5: {  	vm15 =	veq.s32 v61, $0x0;
	v3 =	vadd.f32 v57, v3;
	v4 =	vadd.f32 v59, v4  }
0xe6: {  	v62 =	vsel vm14, $0x0, v1;
	v63 =	vsel vm15, $0x0, v1  }
0xe7: {  	v3 =	vadd.f32 v62, v3;
	v4 =	vadd.f32 v63, v4;
	_ =	sdelay $0x1  }
0xe8: {  	v3 =	vmul.f32 v4, v3;
	_ =	sdelay $0x1  }
0xe9: {  	v2 =	vmul.f32 v2, v3;
	_ =	sdelay $0x1  }
0xea: {  	v2 =	vsub.f32 $0.0e+00, v2;
	_ =	sdelay $0x1  }
0xeb: {  	v2 =	vmul.f32 $1.442695020e+00, v2;
	_ =	sdelay $0x1  }
0xec: {  	(erf) = vpow2.f32 v2;
	_ =	sdelay $0x8  }
0xed: {  	v2 =	vpop (erf)  }
0xee: {  	v2 =	vadd.f32 $1.000000000e+00, v2;
	_ =	sdelay $0x1  }
0xef: {  	(erf) = vrcp.f32 v2;
	_ =	sdelay $0x7  }
0xf0: {  	s9 =	sadd.s32 s11, s8  }
0xf1: {  	p0 =	seq.s32 s16, $0x3;
	s9 =	sshll.u32 s9, $0x1;
	v2 =	vpop (erf)  }
0xf2: {  	s8 =	sadd.s32 @!p0 s8, s13;
	s9 =	sadd.s32 s3, s9;
	[tilespmem:$0x14D20] =	vst v2  }
0xf3: {  	[hbm4b:s9+s4] =	stream.linear.scatter [tilespmem:s0], [sflag:$0x7], $0x10, $0x38;
	[tilespmem:$0x14D30] =	vst v63  }
0xf4: {  	s9 =	smul.u32 @!p0 $0x28, s8;
	_ =	swait.ge [sflag:s15], $0x10  }
0xf5: {  	[sflag:s15] =	ssyncset.done $0x0  }
0xf6: {  	s14 =	simm.s32 @!p0 $0x0;
	s10 =	sadd.s32 @!p0 s5, s9;
	[sflag:s15] =	ssyncadd.s32 $0xFFFFFFF0  }
0xf7: {  	[tilespmem:s14], [sflag:$0x7] =	stream.linear.gather @!p0 [hbm4b:s10+s14], $0x140, $0x38;
	[tilespmem:$0x14D30] =	vst v63  }
0xf8: {  	s10 =	simm.s32 @!p0 $0x7  }
0xf9: {  	_ =	swait.ge @!p0 [sflag:s10], $0x140  }
0xfa: {  	[sflag:s10] =	ssyncset.done @!p0 $0x0  }
0xfb: {  	s22 =	simm.s32 @!p0 $0x280;
	s9 =	sadd.s32 @!p0 s6, s9;
	[sflag:s10] =	ssyncadd.s32 @!p0 $0xFFFFFEC0  }
0xfc: {  	[tilespmem:s22], [sflag:$0x7] =	stream.linear.gather @!p0 [hbm4b:s9+s14], $0x140, $0x38;
	[tilespmem:$0x14D30] =	vst v63  }
0xfd: {  	s8 =	sshll.u32 @!p0 s8, $0x1;
	_ =	swait.ge @!p0 [sflag:s10], $0x140  }
0xfe: {  	s8 =	sand.u32 @!p0 $0x1FFFFFFC, s8;
	[sflag:s10] =	ssyncset.done @!p0 $0x0  }
0xff: {  	s8 =	sadd.s32 @!p0 s1, s8;
	s9 =	simm.s32 @!p0 $0x500;
	[sflag:s10] =	ssyncadd.s32 @!p0 $0xFFFFFEC0  }
0x100: {  	[tilespmem:s9], [sflag:$0x7] =	stream.linear.gather @!p0 [hbm4b:s8+s14], $0x10, $0x38;
	[tilespmem:$0x14D30] =	vst v63  }
0x101: {  	_ =	swait.ge @!p0 [sflag:s10], $0x10  }
0x102: {  	[sflag:s10] =	ssyncset.done @!p0 $0x0  }
0x103: {  	s8 =	simm.s32 @!p0 $0x140;
	[sflag:s10] =	ssyncadd.s32 @!p0 $0xFFFFFFF0;
	s10 =	simm.s32 @!p0 $0x520  }
0x104: {  	[tilespmem:s10], [sflag:$0x1] =	stream.indirect.gather @!p0 [hbm4b:s7+s8], $0x40, s14, s8, $0xb8;
	[tilespmem:$0x14D30] =	vst v63  }
0x105: {  	s10 =	simm.s32 @!p0 $0xA520  }
0x106: {  	[tilespmem:s10], [sflag:$0x2] =	stream.indirect.gather @!p0 [hbm4b:s7+s8], $0x40, s22, s8, $0xb8;
	[tilespmem:$0x14D30] =	vst v63  }
0x107: {  	s8 =	simm.s32 @!p0 $0x10;
	s10 =	simm.s32 @!p0 $0x14520  }
0x108: {  	[tilespmem:s10], [sflag:$0x3] =	stream.indirect.gather @!p0 [hbm4b:s7+s8], $0x40, s9, s8, $0xb8;
	[tilespmem:$0x14D30] =	vst v63  }
0x109: {  	_ =	swait.ge [sflag:s2], $0x5000  }
0x10a: {  	[sflag:s2] =	ssyncset.done $0x0  }
0x10b: {  	[sflag:s2] =	ssyncadd.s32 $0xFFFFB000  }
0x10c: {  	_ =	swait.ge [sflag:s19], $0x5000  }
0x10d: {  	[sflag:s19] =	ssyncset.done $0x0  }
0x10e: {  	[sflag:s19] =	ssyncadd.s32 $0xFFFFB000  }
0x10f: {  	_ =	swait.ge [sflag:s20], $0x400  }
0x110: {  	[sflag:s20] =	ssyncset.done $0x0  }
0x111: {  	[sflag:s20] =	ssyncadd.s32 $0xFFFFFC00  }
0x112: {  	v2 =	vld [tilespmem:$0x230];
	_ =	sdelay $0x4  }
0x113: {  	[tilespmem:$0x1FEC0] =	vst v2;
	v2 =	vld [tilespmem:$0x4B0];
	_ =	sdelay $0x4  }
0x114: {  	[tilespmem:$0x1FED0] =	vst v2;
	v2 =	vld [tilespmem:$0x240];
	_ =	sdelay $0x3  }
0x115: {  	v42 =	vld [tilespmem:$0x140]  }
0x116: {  	[tilespmem:$0x1FEE0] =	vst v2;
	v2 =	vld [tilespmem:$0x4C0]  }
0x117: {  	v40 =	vld [tilespmem:$0x3C0]  }
0x118: {  	v41 =	vld [tilespmem:$0x150]  }
0x119: {  	v39 =	vld [tilespmem:$0x3D0]  }
0x11a: {  	v38 =	vld [tilespmem:$0x160]  }
0x11b: {  	[tilespmem:$0x1FEF0] =	vst v2;
	v2 =	vld [tilespmem:$0x250]  }
0x11c: {  	v37 =	vld [tilespmem:$0x3E0]  }
0x11d: {  	v36 =	vld [tilespmem:$0x170]  }
0x11e: {  	v35 =	vld [tilespmem:$0x3F0]  }
0x11f: {  	v34 =	vld [tilespmem:$0x180]  }
0x120: {  	[tilespmem:$0x1FF00] =	vst v2;
	v2 =	vld [tilespmem:$0x4D0]  }
0x121: {  	v33 =	vld [tilespmem:$0x400]  }
0x122: {  	v32 =	vld [tilespmem:$0x190]  }
0x123: {  	v31 =	vld [tilespmem:$0x410]  }
0x124: {  	v30 =	vld [tilespmem:$0x1A0]  }
0x125: {  	[tilespmem:$0x1FF10] =	vst v2;
	v2 =	vld [tilespmem:$0x260]  }
0x126: {  	v29 =	vld [tilespmem:$0x420]  }
0x127: {  	v28 =	vld [tilespmem:$0x1B0]  }
0x128: {  	v27 =	vld [tilespmem:$0x430]  }
0x129: {  	v26 =	vld [tilespmem:$0x1C0]  }
0x12a: {  	[tilespmem:$0x1FF20] =	vst v2;
	v2 =	vld [tilespmem:$0x4E0]  }
0x12b: {  	v25 =	vld [tilespmem:$0x440]  }
0x12c: {  	v24 =	vld [tilespmem:$0x1D0]  }
0x12d: {  	v23 =	vld [tilespmem:$0x450]  }
0x12e: {  	v22 =	vld [tilespmem:$0x1E0]  }
0x12f: {  	[tilespmem:$0x1FF30] =	vst v2;
	v2 =	vld [tilespmem:$0x270]  }
0x130: {  	v21 =	vld [tilespmem:$0x460]  }
0x131: {  	v20 =	vld [tilespmem:$0x1F0]  }
0x132: {  	v19 =	vld [tilespmem:$0x470]  }
0x133: {  	v18 =	vld [tilespmem:$0x200]  }
0x134: {  	[tilespmem:$0x1FF40] =	vst v2;
	v2 =	vld [tilespmem:$0x4F0]  }
0x135: {  	v17 =	vld [tilespmem:$0x480]  }
0x136: {  	v16 =	vld [tilespmem:$0x210]  }
0x137: {  	v15 =	vld [tilespmem:$0x490]  }
0x138: {  	v14 =	vld [tilespmem:$0x220]  }
0x139: {  	v43 =	vimm.f32 $0.0e+00;
	s8 =	simm.s32 $0x0;
	s9 =	simm.s32 $0x0;
	v13 =	vld [tilespmem:$0x4A0];
	[tilespmem:$0x1FF50] =	vst v2;
	v2 =	vimm.f32 $0.0e+00  }
.LBB2_7:
0x13a: {  	s10 =	sshra.s32 s8, $0x2  }
0x13b: {  	v48 =	vld [tilespmem:s10+$0x6120]  }
0x13c: {  	v49 =	vld [tilespmem:s10+$0x10120]  }
0x13d: {  	v50 =	vld [tilespmem:s10+$0x6130]  }
0x13e: {  	v56 =	vld [tilespmem:s10+$0x10130]  }
0x13f: {  	v44 =	vld [tilespmem:s10+$0x6140]  }
0x140: {  	v45 =	vld [tilespmem:s10+$0x10140]  }
0x141: {  	v51 =	vld [tilespmem:s10+$0x5D20]  }
0x142: {  	v54 =	vld [tilespmem:s10+$0xFD20]  }
0x143: {  	v57 =	vld [tilespmem:s10+$0x5D30]  }
0x144: {  	v58 =	vld [tilespmem:s10+$0xFD30]  }
0x145: {  	v46 =	vld [tilespmem:s10+$0x5D40]  }
0x146: {  	v55 =	vld [tilespmem:s10+$0x5920]  }
0x147: {  	v59 =	vld [tilespmem:s10+$0xF920]  }
0x148: {  	v53 =	vld [tilespmem:s10+$0x5520]  }
0x149: {  	v60 =	vld [tilespmem:s10+$0xF520]  }
0x14a: {  	v61 =	vld [tilespmem:s10+$0x5530]  }
0x14b: {  	v62 =	vld [tilespmem:s10+$0xF530]  }
0x14c: {  	v63 =	vld [tilespmem:s10+$0x5930]  }
0x14d: {  	v3 =	vld [tilespmem:s10+$0xF930]  }
0x14e: {  	v6 =	vld [tilespmem:s10+$0xF540]  }
0x14f: {  	v7 =	vld [tilespmem:s10+$0x5550]  }
0x150: {  	v11 =	vld [tilespmem:s10+$0xF550];
	v4 =	vadd.f32 v53, v43;
	v60 =	vadd.f32 v60, v43  }
0x151: {  	v47 =	vld [tilespmem:s10+$0xFD40];
	v61 =	vadd.f32 v61, v43;
	v62 =	vadd.f32 v62, v43  }
0x152: {  	v52 =	vld [tilespmem:s10+$0x5940];
	v4 =	vadd.f32 v55, v4;
	v9 =	vadd.f32 v59, v60  }
0x153: {  	v5 =	vld [tilespmem:s10+$0x5540];
	v10 =	vadd.f32 v63, v61;
	v3 =	vadd.f32 v3, v62  }
0x154: {  	v53 =	vld [tilespmem:s10+$0xF940];
	v60 =	vadd.f32 v6, v43;
	v61 =	vadd.f32 v7, v43  }
0x155: {  	v55 =	vld [tilespmem:s10+$0x5950];
	v62 =	vadd.f32 v11, v43;
	v54 =	vadd.f32 v54, v9  }
0x156: {  	v4 =	vadd.f32 v51, v4;
	v59 =	vadd.f32 v57, v10;
	v57 =	vld [tilespmem:s10+$0xF950]  }
0x157: {  	v3 =	vadd.f32 v58, v3;
	v58 =	vld [tilespmem:s10+$0xFD50];
	v49 =	vadd.f32 v49, v54  }
0x158: {  	v54 =	vld [tilespmem:s10+$0x5D50];
	v50 =	vadd.f32 v50, v59;
	v59 =	vadd.f32 v5, v43  }
0x159: {  	s14 =	simm.s32 $0x0;
	s22 =	sadd.s32 $0x4000, s8;
	v51 =	vadd.f32 v48, v4;
	v48 =	vadd.f32 v56, v3;
	v56 =	vld [tilespmem:s10+$0x6150]  }
.LBB2_8:
0x15a: {  	v3 =	vadd.f32 v52, v59;
	v4 =	vadd.f32 v53, v60;
	v5 =	vld [tilespmem:s10+$0x10150];
	s10 =	sshra.s32 s22, $0x2  }
0x15b: {  	v6 =	vld [tilespmem:s10+$0x6120];
	v7 =	vadd.f32 v55, v61;
	v52 =	vadd.f32 v57, v62  }
0x15c: {  	v59 =	vld [tilespmem:s10+$0x10120];
	v3 =	vadd.f32 v46, v3;
	v4 =	vadd.f32 v47, v4  }
0x15d: {  	v60 =	vld [tilespmem:s10+$0x6130];
	v7 =	vadd.f32 v54, v7;
	v46 =	vadd.f32 v58, v52  }
0x15e: {  	v58 =	vld [tilespmem:s10+$0x10130];
	v3 =	vadd.f32 v44, v3;
	v4 =	vadd.f32 v45, v4  }
0x15f: {  	v44 =	vld [tilespmem:s10+$0x6140];
	v7 =	vadd.f32 v56, v7;
	v5 =	vadd.f32 v5, v46  }
0x160: {  	v45 =	vld [tilespmem:s10+$0x10140]  }
0x161: {  	v54 =	vld [tilespmem:s10+$0x5D20]  }
0x162: {  	v55 =	vld [tilespmem:s10+$0xFD20]  }
0x163: {  	v56 =	vld [tilespmem:s10+$0x5D30]  }
0x164: {  	v57 =	vld [tilespmem:s10+$0xFD30]  }
0x165: {  	v46 =	vld [tilespmem:s10+$0x5D40]  }
0x166: {  	v47 =	vld [tilespmem:s10+$0xFD40]  }
0x167: {  	v61 =	vld [tilespmem:s10+$0x5920]  }
0x168: {  	v62 =	vld [tilespmem:s10+$0xF920]  }
0x169: {  	v53 =	vld [tilespmem:s10+$0x5520]  }
0x16a: {  	v63 =	vld [tilespmem:s10+$0xF520]  }
0x16b: {  	v8 =	vld [tilespmem:s10+$0x5530]  }
0x16c: {  	v9 =	vld [tilespmem:s10+$0xF530]  }
0x16d: {  	v10 =	vld [tilespmem:s10+$0x5930]  }
0x16e: {  	v11 =	vld [tilespmem:s10+$0xF930]  }
0x16f: {  	v52 =	vld [tilespmem:s10+$0x5940]  }
0x170: {  	v51 =	vadd.f32 v53, v51;
	v49 =	vadd.f32 v63, v49;
	v53 =	vld [tilespmem:s10+$0xF940]  }
0x171: {  	v8 =	vadd.f32 v8, v50;
	v9 =	vadd.f32 v9, v48;
	v63 =	vld [tilespmem:s10+$0x5540]  }
0x172: {  	v48 =	vadd.f32 v61, v51;
	v49 =	vadd.f32 v62, v49;
	v12 =	vld [tilespmem:s10+$0xF540]  }
0x173: {  	s14 =	sadd.s32 $0x4, s14;
	v8 =	vadd.f32 v10, v8;
	v61 =	vld [tilespmem:s10+$0x5550];
	v9 =	vadd.f32 v11, v9  }
0x174: {  	p0 =	slt.u32 s14, $0x10;
	v11 =	vadd.f32 v54, v48;
	v48 =	vadd.f32 v55, v49;
	v10 =	vld [tilespmem:s10+$0xF550]  }
.Ltmp2:
0x175: {  	v8 =	vadd.f32 v56, v8;
	v55 =	vld [tilespmem:s10+$0x5950];
	v9 =	vadd.f32 v57, v9;
	(pc) =	sbr.rel @p0 .LBB2_8-.Ltmp2, $4  }
0x176: {  	v51 =	vadd.f32 v6, v11;
	v49 =	vadd.f32 v59, v48;
	v57 =	vld [tilespmem:s10+$0xF950]  }
0x177: {  	v50 =	vadd.f32 v60, v8;
	v54 =	vld [tilespmem:s10+$0x5D50];
	v48 =	vadd.f32 v58, v9  }
0x178: {  	v59 =	vadd.f32 v63, v3;
	v60 =	vadd.f32 v12, v4;
	v58 =	vld [tilespmem:s10+$0xFD50]  }
0x179: {  	s22 =	sadd.s32 $0x4000, s22;
	v61 =	vadd.f32 v61, v7;
	v62 =	vadd.f32 v10, v5;
	v56 =	vld [tilespmem:s10+$0x6150]  }
0x17a: {  	s14 =	sshll.u32 s9, $0x6  }
0x17b: {  	s14 =	sand.u32 $0x3FFFFFC0, s14  }
0x17c: {  	v3 =	vld [tilespmem:s14+$0x14920];
	_ =	sdelay $0x1  }
0x17d: {  	v4 =	vld [tilespmem:s14+$0x14930]  }
0x17e: {  	v5 =	vadd.f32 v52, v59;
	v6 =	vadd.f32 v53, v60  }
0x17f: {  	v7 =	vadd.f32 v55, v61;
	v8 =	vadd.f32 v57, v62;
	v9 =	vld [tilespmem:s14+$0x14940]  }
0x180: {  	v10 =	vld [tilespmem:s10+$0x10150];
	v5 =	vadd.f32 v46, v5;
	v6 =	vadd.f32 v47, v6;
	v3 =	vmul.f32 v3, v51  }
0x181: {  	v11 =	vld [tilespmem:s14+$0x14950];
	v7 =	vadd.f32 v54, v7;
	v8 =	vadd.f32 v58, v8  }
0x182: {  	v5 =	vadd.f32 v44, v5;
	v4 =	vmul.f32 v4, v50;
	v3 =	vmul.f32 v3, v49  }
0x183: {  	v6 =	vadd.f32 v45, v6;
	v7 =	vadd.f32 v56, v7  }
0x184: {  	v5 =	vmul.f32 v9, v5;
	v4 =	vmul.f32 v4, v48;
	v3 =	vadd.f32 $0.0e+00, v3  }
0x185: {  	v8 =	vadd.f32 v10, v8  }
0x186: {  	v61 =	vmul.f32 v11, v7;
	v60 =	vmul.f32 v5, v6;
	v3 =	vadd.f32 v4, v3;
	_ =	sdelay $0x1  }
0x187: {  	v62 =	vmul.f32 v61, v8;
	v3 =	vadd.f32 v60, v3;
	_ =	sdelay $0x1  }
0x188: {  	v3 =	vadd.f32 v62, v3;
	_ =	sdelay $0x1  }
0x189: {  	(xrf2) =	vadd.scan.msk.f32 $0xffff, v3;
	_ =	sdelay $0x6  }
0x18a: {  	v3 =	vmov s9;
	s9 =	sadd.s32 $0x1, s9  }
0x18b: {  	p0 =	sne.s32 s9, $0x10  }
.Ltmp3:
0x18c: {  	_ = 	snop;
	(pc) =	sbr.rel @p0 .LBB2_7-.Ltmp3, $4  }
0x18d: {  	v63, _, _ =	vpop (xrf2)  }
0x18e: {  	v4 =	vbroadcast v63, $0xF  }
0x18f: {  	vm0 =	veq.s32 v3, v0  }
0x190: {  	s8 =	sadd.s32 $0x100, s8;
	v2 =	vsel vm0, v4, v2  }
0x191: {  	vm0 =	veq.s32 v42, $0x0;
	vm14 =	veq.s32 v40, $0x0;
	vm1 =	veq.s32 v41, $0x0  }
0x192: {  	vm15 =	veq.s32 v39, $0x0;
	vm4 =	veq.s32 v38, $0x0;
	v3 =	vsel vm0, $0x0, v1  }
0x193: {  	v4 =	vsel vm14, $0x0, v1;
	v5 =	vsel vm1, $0x0, v1;
	v58 =	vsel vm15, $0x0, v1  }
0x194: {  	vm5 =	veq.s32 v37, $0x0;
	v3 =	vadd.f32 v5, v3;
	v4 =	vadd.f32 v58, v4  }
0x195: {  	vm6 =	veq.s32 v36, $0x0;
	v59 =	vsel vm4, $0x0, v1;
	v60 =	vsel vm5, $0x0, v1  }
0x196: {  	vm7 =	veq.s32 v35, $0x0;
	v3 =	vadd.f32 v59, v3;
	v4 =	vadd.f32 v60, v4  }
0x197: {  	vm8 =	veq.s32 v34, $0x0;
	v61 =	vsel vm6, $0x0, v1;
	v62 =	vsel vm7, $0x0, v1  }
0x198: {  	vm9 =	veq.s32 v33, $0x0;
	v3 =	vadd.f32 v61, v3;
	v4 =	vadd.f32 v62, v4  }
0x199: {  	vm10 =	veq.s32 v32, $0x0;
	v63 =	vsel vm8, $0x0, v1;
	v8 =	vsel vm9, $0x0, v1  }
0x19a: {  	vm11 =	veq.s32 v31, $0x0;
	v3 =	vadd.f32 v63, v3;
	v4 =	vadd.f32 v8, v4  }
0x19b: {  	vm12 =	veq.s32 v30, $0x0;
	v9 =	vsel vm10, $0x0, v1;
	v10 =	vsel vm11, $0x0, v1  }
0x19c: {  	vm13 =	veq.s32 v29, $0x0;
	v3 =	vadd.f32 v9, v3;
	v4 =	vadd.f32 v10, v4  }
0x19d: {  	v11 =	vsel vm12, $0x0, v1;
	v12 =	vsel vm13, $0x0, v1;
	vm14 =	veq.s32 v28, $0x0  }
0x19e: {  	vm15 =	veq.s32 v27, $0x0;
	v3 =	vadd.f32 v11, v3;
	v4 =	vadd.f32 v12, v4  }
0x19f: {  	vm4 =	veq.s32 v26, $0x0;
	v29 =	vsel vm14, $0x0, v1;
	v30 =	vsel vm15, $0x0, v1  }
0x1a0: {  	vm5 =	veq.s32 v25, $0x0;
	v3 =	vadd.f32 v29, v3;
	v4 =	vadd.f32 v30, v4  }
0x1a1: {  	vm6 =	veq.s32 v24, $0x0;
	v31 =	vsel vm4, $0x0, v1;
	v32 =	vsel vm5, $0x0, v1  }
0x1a2: {  	vm7 =	veq.s32 v23, $0x0;
	v3 =	vadd.f32 v31, v3;
	v4 =	vadd.f32 v32, v4  }
0x1a3: {  	vm8 =	veq.s32 v22, $0x0;
	v33 =	vsel vm6, $0x0, v1;
	v34 =	vsel vm7, $0x0, v1  }
0x1a4: {  	vm9 =	veq.s32 v21, $0x0;
	v3 =	vadd.f32 v33, v3;
	v4 =	vadd.f32 v34, v4  }
0x1a5: {  	vm10 =	veq.s32 v20, $0x0;
	v35 =	vsel vm8, $0x0, v1;
	v36 =	vsel vm9, $0x0, v1  }
0x1a6: {  	vm11 =	veq.s32 v19, $0x0;
	v3 =	vadd.f32 v35, v3;
	v4 =	vadd.f32 v36, v4  }
0x1a7: {  	vm12 =	veq.s32 v18, $0x0;
	v37 =	vsel vm10, $0x0, v1;
	v38 =	vsel vm11, $0x0, v1  }
0x1a8: {  	v6 =	vld [tilespmem:$0x1FEC0];
	vm13 =	veq.s32 v17, $0x0;
	v3 =	vadd.f32 v37, v3;
	v4 =	vadd.f32 v38, v4  }
0x1a9: {  	v46 =	vld [tilespmem:$0x1FED0];
	v39 =	vsel vm12, $0x0, v1;
	v40 =	vsel vm13, $0x0, v1;
	vm14 =	veq.s32 v16, $0x0  }
0x1aa: {  	v48 =	vld [tilespmem:$0x1FEE0];
	vm15 =	veq.s32 v15, $0x0;
	v3 =	vadd.f32 v39, v3;
	v4 =	vadd.f32 v40, v4  }
0x1ab: {  	v50 =	vld [tilespmem:$0x1FEF0];
	vm4 =	veq.s32 v14, $0x0;
	v41 =	vsel vm14, $0x0, v1;
	v42 =	vsel vm15, $0x0, v1  }
0x1ac: {  	v52 =	vld [tilespmem:$0x1FF00];
	vm5 =	veq.s32 v13, $0x0;
	v3 =	vadd.f32 v41, v3;
	v4 =	vadd.f32 v42, v4  }
0x1ad: {  	v54 =	vld [tilespmem:$0x1FF10];
	v43 =	vsel vm4, $0x0, v1;
	v44 =	vsel vm5, $0x0, v1;
	vm6 =	veq.s32 v6, $0x0  }
0x1ae: {  	v56 =	vld [tilespmem:$0x1FF20];
	vm7 =	veq.s32 v46, $0x0;
	v3 =	vadd.f32 v43, v3;
	v4 =	vadd.f32 v44, v4  }
0x1af: {  	v58 =	vld [tilespmem:$0x1FF30];
	vm8 =	veq.s32 v48, $0x0;
	v45 =	vsel vm6, $0x0, v1;
	v47 =	vsel vm7, $0x0, v1  }
0x1b0: {  	v60 =	vld [tilespmem:$0x1FF40];
	vm9 =	veq.s32 v50, $0x0;
	v3 =	vadd.f32 v45, v3;
	v4 =	vadd.f32 v47, v4  }
0x1b1: {  	vm10 =	veq.s32 v52, $0x0;
	v49 =	vsel vm8, $0x0, v1;
	v51 =	vsel vm9, $0x0, v1;
	v61 =	vld [tilespmem:$0x1FF50]  }
0x1b2: {  	vm11 =	veq.s32 v54, $0x0;
	v3 =	vadd.f32 v49, v3;
	v4 =	vadd.f32 v51, v4  }
0x1b3: {  	vm12 =	veq.s32 v56, $0x0;
	v53 =	vsel vm10, $0x0, v1;
	v55 =	vsel vm11, $0x0, v1  }
0x1b4: {  	vm13 =	veq.s32 v58, $0x0;
	v3 =	vadd.f32 v53, v3;
	v4 =	vadd.f32 v55, v4  }
0x1b5: {  	v57 =	vsel vm12, $0x0, v1;
	v59 =	vsel vm13, $0x0, v1;
	vm14 =	veq.s32 v60, $0x0  }
0x1b6: {  	vm15 =	veq.s32 v61, $0x0;
	v3 =	vadd.f32 v57, v3;
	v4 =	vadd.f32 v59, v4  }
0x1b7: {  	v62 =	vsel vm14, $0x0, v1;
	v63 =	vsel vm15, $0x0, v1  }
0x1b8: {  	v3 =	vadd.f32 v62, v3;
	v4 =	vadd.f32 v63, v4;
	_ =	sdelay $0x1  }
0x1b9: {  	v3 =	vmul.f32 v4, v3;
	_ =	sdelay $0x1  }
0x1ba: {  	v2 =	vmul.f32 v2, v3;
	_ =	sdelay $0x1  }
0x1bb: {  	v2 =	vsub.f32 $0.0e+00, v2;
	_ =	sdelay $0x1  }
0x1bc: {  	v2 =	vmul.f32 $1.442695020e+00, v2;
	_ =	sdelay $0x1  }
0x1bd: {  	(erf) = vpow2.f32 v2;
	_ =	sdelay $0x8  }
0x1be: {  	v2 =	vpop (erf)  }
0x1bf: {  	v2 =	vadd.f32 $1.000000000e+00, v2;
	_ =	sdelay $0x1  }
0x1c0: {  	(erf) = vrcp.f32 v2;
	_ =	sdelay $0x7  }
0x1c1: {  	s16 =	sadd.s32 $0x1, s16  }
0x1c2: {  	p0 =	sne.s32 s16, $0x4;
	v2 =	vpop (erf)  }
.Ltmp4:
0x1c3: {  	s8 =	sadd.s32 s3, s17;
	[tilespmem:$0x14D20] =	vst v2;
	(pc) =	sbr.rel @p0 .LBB2_2-.Ltmp4, $4  }
0x1c4: {  	[hbm4b:s8+s4] =	stream.linear.scatter [tilespmem:s0], [sflag:$0x7], $0x10, $0x38;
	[tilespmem:$0x14D30] =	vst v63  }
0x1c5: {  	_ =	swait.ge [sflag:s15], $0x10  }
0x1c6: {  	[sflag:s15] =	ssyncset.done $0x0  }
0x1c7: {  	[sflag:s15] =	ssyncadd.s32 $0xFFFFFFF0  }
0x1c8: {  	s9 =	rddreg [dreg:$0x8]  }
0x1c9: {  	s8 =	rddreg [dreg:$0x7];
	s9 =	sadd.s32 $0x1, s9  }
0x1ca: {  	p0 =	sne.s32 s9, s8  }
.Ltmp5:
0x1cb: {  	_ = 	snop;
	(pc) =	sbr.rel @p0 .LBB2_1-.Ltmp5, $1  }
0x1cc: {  	_ =	sdelay $0x3  }
0x1cd: {  	_ =	sfence.sel $0x180000  }
0x1ce: {  	[bflag:$0x0] =	sbarrier.arrive $0xFFFF  }
0x1cf: {  	_ =	strace $0x9000004A  }
0x1d0: {  	s0 =	stileid.u32;
	[bflag:$0x2] =	sbarrier.arrive $0xFFFF  }
0x1d1: {  	p0 =	sne.s32 s0, $0x0;
	s0 =	rddreg [dreg:$0x3]  }
0x1d2: {  	s0 =	sadd.s32 @!p0 $0x100000, s0  }
0x1d3: {  	[sflag:s0] =	ssyncadd.tile.s32 @!p0 $0x1;
	_ =	shalt  }
.Lfunc_end2:
_tile_overlayer_lowered:
.L_overlay_start_2:
0x1d4: {  	(tag) =	ssettag $0x2  }
0x1d5: {  	s0 =	rddreg [dreg:$0x0];
	s2 =	stileid.u32  }
0x1d6: {  	s1 =	rddreg [dreg:$0x1];
	p0 =	sne.s32 s2, $0x0  }
0x1d7: {  	s3 =	rddreg [dreg:$0x2];
	[bflag:$0x3] =	sbarrier.arrive $0xFFFF;
	s2 =	simm.s32 @!p0 $0x1C07  }
0x1d8: {  	[timem:s3], [sflag:s2] =	dma.local @!p0 [hbm:s0], s1  }
0x1d9: {  	s0 =	simm.s32 @!p0 $0x7  }
0x1da: {  	_ =	swait.ge @!p0 [sflag:s0], s1  }
0x1db: {  	s1 =	ssub.s32 @!p0 $0x0, s1;
	[sflag:s0] =	ssyncset.done @!p0 $0x0  }
0x1dc: {  	[sflag:s0] =	ssyncadd.s32 @!p0 s1  }
0x1dd: {  	[bflag:$0x3] =	sbarrier.arrive $0xFFFF  }
0x1de: {  	_ =	shalt  }

</sc_bundles>
